<compile_context>
chip_gen: v7x
topology: tpu7x:2x2x1
jax: 0.10.2.dev20260603
libtpu: 0.0.44.dev20260713+nightly
codegen_flags: <defaults>
</compile_context>

<pallas_src>
import functools

import jax
import jax.numpy as jnp
from jax import lax
from jax.experimental import pallas as pl
from jax.experimental.pallas import tpu as pltpu
from jax.experimental.pallas import tpu_sc as plsc

NC = 2
NS = 16
NW = NC * NS
H = 128


def _sc_mesh():
    return plsc.VectorSubcoreMesh(core_axis_name="c", subcore_axis_name="s")


def _sc_gather_sum(table, idx, K, labels=None):
    G = idx.shape[0] // K
    R = labels.shape[0] if labels is not None else table.shape[0]
    S = G // NW
    C = min(S, 8)
    n_chunks = S // C
    RT = R // NS

    lab_args = () if labels is None else (labels,)
    lab_scratch = ([] if labels is None
                   else [pltpu.VMEM((RT,), jnp.int32)])

    @functools.partial(
        pl.kernel,
        mesh=_sc_mesh(),
        out_type=jax.ShapeDtypeStruct((G, H), jnp.float32),
        scratch_types=[
            pltpu.VMEM_SHARED((R, H), jnp.float32),
            pltpu.VMEM((S * K,), jnp.int32),
            pltpu.VMEM((C * K, H), jnp.float32),
            pltpu.VMEM((C * K, H), jnp.float32),
            pltpu.VMEM((C, H), jnp.float32),
            pltpu.VMEM((C, H), jnp.float32),
        ] + lab_scratch + [
            pltpu.SemaphoreType.DMA,
            pltpu.SemaphoreType.DMA,
            pltpu.SemaphoreType.DMA,
            pltpu.SemaphoreType.DMA,
            pltpu.SemaphoreType.DMA,
        ],
    )
    def k(table_hbm, idx_hbm, *rest):
        if labels is None:
            (out_hbm, tbl_s, idx_v, rows_v0, rows_v1,
             out_v0, out_v1, gsem0, gsem1, osem0, osem1, isem) = rest
        else:
            (lab_hbm, out_hbm, tbl_s, idx_v, rows_v0, rows_v1,
             out_v0, out_v1, lab_v, gsem0, gsem1, osem0, osem1, isem) = rest
        cid = lax.axis_index("c")
        sid = lax.axis_index("s")
        wid = sid * NC + cid
        node_base = wid * S
        row_bufs = (rows_v0, rows_v1)
        out_bufs = (out_v0, out_v1)
        gsems = (gsem0, gsem1)
        osems = (osem0, osem1)

        pltpu.async_copy(idx_hbm.at[pl.ds(node_base * K, S * K)], idx_v, isem)
        if labels is None:
            pltpu.sync_copy(table_hbm.at[pl.ds(sid * RT, RT)],
                            tbl_s.at[pl.ds(sid * RT, RT)])
        else:
            pltpu.sync_copy(lab_hbm.at[pl.ds(sid * RT, RT)], lab_v)
            CR = C * K
            nH = RT // CR

            def lab_gather(h):
                pltpu.async_copy(
                    table_hbm.at[lab_v.at[pl.ds(h * CR, CR)]],
                    row_bufs[h % 2], gsems[h % 2])

            lab_gather(0)
            for h in range(nH):
                if h + 1 < nH:
                    lab_gather(h + 1)
                pltpu.make_async_copy(
                    table_hbm.at[lab_v.at[pl.ds(h * CR, CR)]],
                    row_bufs[h % 2], gsems[h % 2]).wait()
                pltpu.sync_copy(row_bufs[h % 2],
                                tbl_s.at[pl.ds(sid * RT + h * CR, CR)])
        plsc.subcore_barrier()
        pltpu.make_async_copy(
            idx_hbm.at[pl.ds(node_base * K, S * K)], idx_v, isem).wait()

        def start(ci, b):
            pltpu.async_copy(tbl_s.at[idx_v.at[pl.ds(ci * C * K, C * K)]],
                             row_bufs[b], gsems[b])

        start(0, 0)

        def pair_body(p, carry):
            for b in range(2):
                ci = p * 2 + b

                @pl.when(ci + 1 < n_chunks)
                def _(ci=ci, b=b):
                    start(ci + 1, (b + 1) % 2)

                rows_v = row_bufs[b]
                out_v = out_bufs[b]
                pltpu.make_async_copy(
                    tbl_s.at[idx_v.at[pl.ds(ci * C * K, C * K)]],
                    rows_v, gsems[b]).wait()

                @pl.when(ci >= 2)
                def _(ci=ci, b=b, out_v=out_v):
                    pltpu.make_async_copy(
                        out_v, out_hbm.at[pl.ds(node_base, C)],
                        osems[b]).wait()

                def node_body(n, c2, rows_v=rows_v, out_v=out_v):
                    r0 = n * K
                    nd = H // 16
                    accs = [rows_v[r0, pl.ds(d * 16, 16)] for d in range(nd)]
                    for kk in range(1, K):
                        for d in range(nd):
                            accs[d] = accs[d] + rows_v[r0 + kk, pl.ds(d * 16, 16)]
                    for d in range(nd):
                        out_v[n, pl.ds(d * 16, 16)] = accs[d]
                    return c2

                lax.fori_loop(0, C, node_body, 0)
                pltpu.async_copy(out_v, out_hbm.at[pl.ds(node_base + ci * C, C)],
                                 osems[b])
            return carry

        lax.fori_loop(0, n_chunks // 2, pair_body, 0)
        for b in range(2):
            pltpu.make_async_copy(out_bufs[b],
                                  out_hbm.at[pl.ds(node_base, C)],
                                  osems[b]).wait()

    return k(table, idx, *lab_args)


def _tc_layer1(el_in, el_out, xs, w_ne, nb, ws, bs):
    G = el_in.shape[0]
    K = el_in.shape[1]
    BM = 512
    grid = (G // BM,)
    nblk = G // BM

    def body(el_i_ref, el_o_ref, xs_i_ref, xs_o_ref, wne_ref,
             nb_ref,
             w_ig_ref, w_og_ref, w_fg_ref, w_c_ref,
             b_ig_ref, b_og_ref, b_fg_ref, b_c_ref,
             xg_ig_ref, xg_og_ref, xg_fg_ref, xg_c_ref,
             cell1_ref, hidden1_ref):
        wne = wne_ref[...]
        lane = lax.broadcasted_iota(jnp.int16, (BM, H), 1)

        def counts_f32(el_ref):
            el = el_ref[...].astype(jnp.int16)
            counts = jnp.zeros((BM, H), jnp.int16)
            for kk in range(K):
                counts = counts + (el[:, kk][:, None] == lane).astype(jnp.int16)
            return counts.astype(jnp.float32)

        in_ne = jnp.tanh(
            jnp.dot(jnp.concatenate([counts_f32(el_i_ref), xs_i_ref[...]], 1),
                    wne, preferred_element_type=jnp.float32) + nb_ref[...])
        out_ne = jnp.tanh(
            jnp.dot(jnp.concatenate([counts_f32(el_o_ref), xs_o_ref[...]], 1),
                    wne, preferred_element_type=jnp.float32) + nb_ref[...])
        necat = jnp.concatenate([in_ne, out_ne], 1)
        xgs = []
        for w_ref, b_ref in (
                (w_ig_ref, b_ig_ref),
                (w_og_ref, b_og_ref),
                (w_fg_ref, b_fg_ref),
                (w_c_ref, b_c_ref)):
            xgs.append(jnp.dot(necat, w_ref[...],
                               preferred_element_type=jnp.float32)
                       + b_ref[...])
        xg_ig_ref[...] = xgs[0]
        xg_og_ref[...] = xgs[1]
        xg_fg_ref[...] = xgs[2]
        xg_c_ref[...] = xgs[3]
        ig = jax.nn.sigmoid(xgs[0])
        og = jax.nn.sigmoid(xgs[1])
        cg = jnp.tanh(xgs[3])
        cell1 = ig * cg
        cell1_ref[...] = cell1
        hidden1_ref[...] = og * jnp.tanh(cell1)

    row_spec = pl.BlockSpec((BM, H), lambda i: (i, 0))
    row_spec_hi = pl.BlockSpec((BM, H), lambda i: (i + nblk, 0))
    lab_spec = pl.BlockSpec((BM, K), lambda i: (i, 0))
    w2_spec = pl.BlockSpec((2 * H, H), lambda i: (0, 0))
    b_spec = pl.BlockSpec((1, H), lambda i: (0, 0))
    out_sds = jax.ShapeDtypeStruct((G, H), jnp.float32)
    return pl.pallas_call(
        body,
        grid=grid,
        in_specs=[lab_spec, lab_spec, row_spec, row_spec_hi,
                  w2_spec, b_spec]
                 + [w2_spec] * 4 + [b_spec] * 4,
        out_specs=[row_spec] * 6,
        out_shape=[out_sds] * 6,
    )(el_in, el_out, xs, xs, w_ne, nb,
      ws[0], ws[1], ws[2], ws[3],
      bs[0], bs[1], bs[2], bs[3])


def _tc_layer2(xg_ig, xg_og, xg_fg, xg_c, hs, cell1, us):
    G = xg_ig.shape[0]
    BM = 512
    grid = (G // BM,)
    nblk = G // BM

    def body(xg_ig_ref, xg_og_ref, xg_fg_ref, xg_c_ref,
             hs_i_ref, hs_o_ref, cell1_ref,
             u_ig_ref, u_og_ref, u_fg_ref, u_c_ref,
             hidden2_ref):
        hcat = jnp.concatenate([hs_i_ref[...], hs_o_ref[...]], 1)
        gates = []
        for xg_ref, u_ref in (
                (xg_ig_ref, u_ig_ref),
                (xg_og_ref, u_og_ref),
                (xg_fg_ref, u_fg_ref),
                (xg_c_ref, u_c_ref)):
            gates.append(xg_ref[...]
                         + jnp.dot(hcat, u_ref[...],
                                   preferred_element_type=jnp.float32))
        ig = jax.nn.sigmoid(gates[0])
        og = jax.nn.sigmoid(gates[1])
        fg = jax.nn.sigmoid(gates[2])
        cg = jnp.tanh(gates[3])
        cell2 = fg * cell1_ref[...] + ig * cg
        hidden2_ref[...] = og * jnp.tanh(cell2)

    row_spec = pl.BlockSpec((BM, H), lambda i: (i, 0))
    row_spec_hi = pl.BlockSpec((BM, H), lambda i: (i + nblk, 0))
    w2_spec = pl.BlockSpec((2 * H, H), lambda i: (0, 0))
    return pl.pallas_call(
        body,
        grid=grid,
        in_specs=[row_spec] * 4 + [row_spec, row_spec_hi, row_spec]
                 + [w2_spec] * 4,
        out_specs=row_spec,
        out_shape=jax.ShapeDtypeStruct((G, H), jnp.float32),
    )(xg_ig, xg_og, xg_fg, xg_c, hs, hs, cell1,
      us[0], us[1], us[2], us[3])


def kernel(node_labels, nodes_mask, in_edge_labels, in_node_indices, in_nodes_mask,
           out_edge_labels, out_node_indices, out_nodes_mask,
           word_emb, edge_emb, neighbor_W, neighbor_b,
           ig_w_in, ig_w_out, ig_u_in, ig_u_out, ig_b,
           og_w_in, og_w_out, og_u_in, og_u_out, og_b,
           fg_w_in, fg_w_out, fg_u_in, fg_u_out, fg_b,
           c_w_in, c_w_out, c_u_in, c_u_out, c_b):
    B, N = node_labels.shape
    K = in_node_indices.shape[2]
    G = B * N

    boff = (jnp.arange(B, dtype=jnp.int32) * N)[:, None, None]
    nidx = jnp.concatenate([
        (in_node_indices.astype(jnp.int32) + boff).reshape(-1),
        (out_node_indices.astype(jnp.int32) + boff).reshape(-1)])
    el_in = in_edge_labels.astype(jnp.int32).reshape(G, K)
    el_out = out_edge_labels.astype(jnp.int32).reshape(G, K)
    widx = node_labels.astype(jnp.int32).reshape(-1)
    edge_pad = jnp.zeros((H, H), jnp.float32).at[:edge_emb.shape[0]].set(edge_emb)

    xs = _sc_gather_sum(word_emb, nidx, K, labels=widx)

    w_ne = jnp.concatenate([edge_pad @ neighbor_W[:H], neighbor_W[H:]], 0)
    nb2 = neighbor_b.reshape(1, H)
    ws = (jnp.concatenate([ig_w_in, ig_w_out], 0),
          jnp.concatenate([og_w_in, og_w_out], 0),
          jnp.concatenate([fg_w_in, fg_w_out], 0),
          jnp.concatenate([c_w_in, c_w_out], 0))
    bs = (ig_b.reshape(1, H), og_b.reshape(1, H),
          fg_b.reshape(1, H), c_b.reshape(1, H))
    xg_ig, xg_og, xg_fg, xg_c, cell1, hidden1 = _tc_layer1(
        el_in, el_out, xs, w_ne, nb2, ws, bs)

    hs = _sc_gather_sum(hidden1, nidx, K)

    us = (jnp.concatenate([ig_u_in, ig_u_out], 0),
          jnp.concatenate([og_u_in, og_u_out], 0),
          jnp.concatenate([fg_u_in, fg_u_out], 0),
          jnp.concatenate([c_u_in, c_u_out], 0))
    hidden2 = _tc_layer2(xg_ig, xg_og, xg_fg, xg_c, hs, cell1, us)
    return hidden2.reshape(B, N, H)

# --- scband reference (transcript-rebuilt; emitter-appended) ---
"""Pipeline reference for scband-graph-rnnencoder-53566832115727 (READ-ONLY COPY).

The authoritative reference and input builder live on the scoring server;
editing this copy changes nothing except your own understanding.
"""

import jax, jax.numpy as jnp
import numpy as np

HIDDEN = 128
NUM_RNN_LAYERS = 2


def collect_neighbor_nodes(node_embedding, indices):
    B, N, d = node_embedding.shape
    idx = indices.reshape(B, -1, 1)
    idx = jnp.broadcast_to(idx, (B, idx.shape[1], d))
    out = jnp.take_along_axis(node_embedding, idx, axis=1)
    return out.reshape(B, N, -1, d)


def setup_inputs(seed: int = 0):
    key = jax.random.key(seed)
    ks = jax.random.split(key, 32)
    B, N, K, D, H = 8, 1024, 16, 128, 128
    VW, VE = 50000, 100
    inp = {}
    inp["node_labels"] = jax.random.randint(ks[0], (B, N), 0, VW)
    inp["nodes_mask"] = jnp.ones((B, N, 1), jnp.float32)
    inp["in_edge_labels"] = jax.random.randint(ks[1], (B, N, K), 0, VE)
    inp["in_node_indices"] = jax.random.randint(ks[2], (B, N, K), 0, N)
    inp["in_nodes_mask"] = jnp.ones((B, N, K, 1), jnp.float32)
    inp["out_edge_labels"] = jax.random.randint(ks[3], (B, N, K), 0, VE)
    inp["out_node_indices"] = jax.random.randint(ks[4], (B, N, K), 0, N)
    inp["out_nodes_mask"] = jnp.ones((B, N, K, 1), jnp.float32)
    inp["word_emb"] = jax.random.normal(ks[5], (VW, D), dtype=jnp.float32) * 0.02
    inp["edge_emb"] = jax.random.normal(ks[6], (VE, D), dtype=jnp.float32) * 0.02
    inp["neighbor_W"] = jax.random.normal(ks[7], (2 * D, H), dtype=jnp.float32) * 0.05
    inp["neighbor_b"] = jnp.zeros((H,), jnp.float32)
    i = 8
    for g in ["ig", "og", "fg", "c"]:
        for p in ["w_in", "w_out", "u_in", "u_out"]:
            inp[g + "_" + p] = jax.random.normal(ks[i], (H, H), dtype=jnp.float32) * 0.05
            i += 1
        inp[g + "_b"] = jnp.zeros((H,), jnp.float32)
    return inp


def _gate(xi, xo, hi, ho, w_in, w_out, u_in, u_out, b, f):
    return f(xi @ w_in + xo @ w_out + hi @ u_in + ho @ u_out + b)


def reference(node_labels, nodes_mask, in_edge_labels, in_node_indices, in_nodes_mask,
              out_edge_labels, out_node_indices, out_nodes_mask,
              word_emb, edge_emb, neighbor_W, neighbor_b,
              ig_w_in, ig_w_out, ig_u_in, ig_u_out, ig_b,
              og_w_in, og_w_out, og_u_in, og_u_out, og_b,
              fg_w_in, fg_w_out, fg_u_in, fg_u_out, fg_b,
              c_w_in, c_w_out, c_u_in, c_u_out, c_b):
    def neigh_emb(node_emb, edge_labels, node_indices, mask_k):
        e = edge_emb[edge_labels]
        x = collect_neighbor_nodes(node_emb, node_indices)
        s = (jnp.concatenate([e, x], axis=3) * mask_k).sum(axis=2)
        return jnp.tanh(s @ neighbor_W + neighbor_b)

    def neigh_hidden(hidden, node_indices, mask_k):
        return (collect_neighbor_nodes(hidden, node_indices) * mask_k).sum(axis=2) * nodes_mask

    node_emb = word_emb[node_labels] * nodes_mask
    in_ne = neigh_emb(node_emb, in_edge_labels, in_node_indices, in_nodes_mask)
    out_ne = neigh_emb(node_emb, out_edge_labels, out_node_indices, out_nodes_mask)
    B, N = node_labels.shape
    hidden = jnp.zeros((B, N, HIDDEN), jnp.float32)
    cell = jnp.zeros((B, N, HIDDEN), jnp.float32)
    for _ in range(NUM_RNN_LAYERS):
        in_ph = neigh_hidden(hidden, in_node_indices, in_nodes_mask)
        out_ph = neigh_hidden(hidden, out_node_indices, out_nodes_mask)
        ig = _gate(in_ne, out_ne, in_ph, out_ph, ig_w_in, ig_w_out, ig_u_in, ig_u_out, ig_b, jax.nn.sigmoid)
        og = _gate(in_ne, out_ne, in_ph, out_ph, og_w_in, og_w_out, og_u_in, og_u_out, og_b, jax.nn.sigmoid)
        fg = _gate(in_ne, out_ne, in_ph, out_ph, fg_w_in, fg_w_out, fg_u_in, fg_u_out, fg_b, jax.nn.sigmoid)
        cg = _gate(in_ne, out_ne, in_ph, out_ph, c_w_in, c_w_out, c_u_in, c_u_out, c_b, jnp.tanh)
        cell = (fg * cell + ig * cg) * nodes_mask
        hidden = og * jnp.tanh(cell)
    return hidden

if __name__ == "__main__":
    import jax
    _d = setup_inputs()
    print(jax.jit(kernel)(*tuple(_d.values())))

</pallas_src>

<mosaic_0001>
#map = affine_map<(d0, d1) -> (0, 0)>
#map1 = affine_map<(d0, d1) -> (0)>
module attributes {stable_mosaic.version = 14 : i64} {
  func.func @k(%arg0: i32, %arg1: i32, %arg2: memref<8192x128xf32, #tpu.memory_space<hbm>>, %arg3: memref<262144xi32, #tpu.memory_space<hbm>>, %arg4: memref<16384x128xf32, #tpu.memory_space<hbm>>, %arg5: memref<8192x128xf32, #tpu.memory_space<vmem_shared>>, %arg6: memref<8192xi32, #tpu.memory_space<vmem>>, %arg7: memref<128x128xf32, #tpu.memory_space<vmem>>, %arg8: memref<128x128xf32, #tpu.memory_space<vmem>>, %arg9: memref<8x128xf32, #tpu.memory_space<vmem>>, %arg10: memref<8x128xf32, #tpu.memory_space<vmem>>, %arg11: memref<!tpu.dma_semaphore, #tpu.memory_space<semaphore_mem>>, %arg12: memref<!tpu.dma_semaphore, #tpu.memory_space<semaphore_mem>>, %arg13: memref<!tpu.dma_semaphore, #tpu.memory_space<semaphore_mem>>, %arg14: memref<!tpu.dma_semaphore, #tpu.memory_space<semaphore_mem>>, %arg15: memref<!tpu.dma_semaphore, #tpu.memory_space<semaphore_mem>>) attributes {dimension_semantics = [#tpu.dimension_semantics<core_parallel>, #tpu.dimension_semantics<subcore_parallel>], iteration_bounds = array<i64: 2, 16>, scalar_prefetch = 0 : i64, scratch_operands = 11 : i64, tpu.core_type = #tpu.core_type<sc_vector_subcore>, window_params = [{transform_indices = #map}, {transform_indices = #map1}, {transform_indices = #map}]} {
    %mul3A = arith.constant 2 : i32
    %mul3A_0 = arith.muli %arg1, %mul3A : i32
    %add3A = arith.addi %mul3A_0, %arg0 : i32
    %mul3A_1 = arith.constant 512 : i32
    %mul3A_2 = arith.muli %add3A, %mul3A_1 : i32
    %mul3A_3 = arith.constant 16 : i32
    %mul3A_4 = arith.muli %mul3A_2, %mul3A_3 : i32
    %dma_start3A = tpu.memref_slice %arg3[%mul3A_4] : memref<262144xi32, #tpu.memory_space<hbm>> -> memref<8192xi32, #tpu.memory_space<hbm>>
    %dma_start3A_5 = tpu.memref_slice %arg3[%mul3A_4] : memref<262144xi32, #tpu.memory_space<hbm>> -> memref<8192xi32, #tpu.memory_space<hbm>>
    tpu.enqueue_dma source(%dma_start3A_5 : memref<8192xi32, #tpu.memory_space<hbm>>) target(%arg6 : memref<8192xi32, #tpu.memory_space<vmem>>) target_semaphore(%arg15 : memref<!tpu.dma_semaphore, #tpu.memory_space<semaphore_mem>>)
    %mul3A_6 = arith.constant 512 : i32
    %mul3A_7 = arith.muli %arg1, %mul3A_6 : i32
    %mul3A_8 = arith.constant 512 : i32
    %mul3A_9 = arith.muli %arg1, %mul3A_8 : i32
    "tpu.region"() ({
      %run_scoped3A = tpu.sem_alloc : memref<!tpu.dma_semaphore, #tpu.memory_space<semaphore_mem>>
      %dma_start3A_31 = arith.constant 0 : i32
      %dma_start3A_32 = tpu.memref_slice %arg5[%mul3A_9, %dma_start3A_31] : memref<8192x128xf32, #tpu.memory_space<vmem_shared>> -> memref<512x128xf32, #tpu.memory_space<vmem_shared>>
      %dma_start3A_33 = arith.constant 0 : i32
      %dma_start3A_34 = tpu.memref_slice %arg2[%mul3A_7, %dma_start3A_33] : memref<8192x128xf32, #tpu.memory_space<hbm>> -> memref<512x128xf32, #tpu.memory_space<hbm>>
      tpu.enqueue_dma source(%dma_start3A_34 : memref<512x128xf32, #tpu.memory_space<hbm>>) target(%dma_start3A_32 : memref<512x128xf32, #tpu.memory_space<vmem_shared>>) target_semaphore(%run_scoped3A : memref<!tpu.dma_semaphore, #tpu.memory_space<semaphore_mem>>)
      %dma_wait3A_35 = arith.constant 0 : i32
      %dma_wait3A_36 = tpu.memref_slice %arg5[%mul3A_9, %dma_wait3A_35] : memref<8192x128xf32, #tpu.memory_space<vmem_shared>> -> memref<512x128xf32, #tpu.memory_space<vmem_shared>>
      %dma_wait3A_37 = arith.constant 0 : i32
      %dma_wait3A_38 = tpu.memref_slice %arg2[%mul3A_7, %dma_wait3A_37] : memref<8192x128xf32, #tpu.memory_space<hbm>> -> memref<512x128xf32, #tpu.memory_space<hbm>>
      tpu.wait_dma2 semaphore(%run_scoped3A : memref<!tpu.dma_semaphore, #tpu.memory_space<semaphore_mem>>) src(%dma_wait3A_38 : memref<512x128xf32, #tpu.memory_space<hbm>>) dst(%dma_wait3A_36 : memref<512x128xf32, #tpu.memory_space<vmem_shared>>)
      tpu.yield
    }) : () -> ()
    %barrier3A = arith.constant 0 : index
    tpu.barrier barrier_id(%barrier3A)
    %mul3A_10 = arith.constant 16 : i32
    %mul3A_11 = arith.muli %mul3A_2, %mul3A_10 : i32
    %dma_wait3A = tpu.memref_slice %arg3[%mul3A_11] : memref<262144xi32, #tpu.memory_space<hbm>> -> memref<8192xi32, #tpu.memory_space<hbm>>
    %dma_wait3A_12 = tpu.memref_slice %arg3[%mul3A_11] : memref<262144xi32, #tpu.memory_space<hbm>> -> memref<8192xi32, #tpu.memory_space<hbm>>
    tpu.wait_dma2 semaphore(%arg15 : memref<!tpu.dma_semaphore, #tpu.memory_space<semaphore_mem>>) src(%dma_wait3A_12 : memref<8192xi32, #tpu.memory_space<hbm>>) dst(%arg6 : memref<8192xi32, #tpu.memory_space<vmem>>)
    %dma_start3A_13 = arith.constant 0 : i32
    %dma_start3A_14 = tpu.memref_slice %arg6[%dma_start3A_13] : memref<8192xi32, #tpu.memory_space<vmem>> -> memref<128xi32, #tpu.memory_space<vmem>>
    %dma_start3A_15 = arith.constant 0 : i32
    %dma_start3A_16 = arith.constant 0 : i32
    %dma_start3A_17 = tpu.memref_slice %arg5[%dma_start3A_15, %dma_start3A_16] : memref<8192x128xf32, #tpu.memory_space<vmem_shared>> -> memref<8192x128xf32, #tpu.memory_space<vmem_shared>>
    tpu.enqueue_indirect_dma source(%dma_start3A_17 : memref<8192x128xf32, #tpu.memory_space<vmem_shared>>) target(%arg7 : memref<128x128xf32, #tpu.memory_space<vmem>>) offsets(%dma_start3A_14 : memref<128xi32, #tpu.memory_space<vmem>>) semaphore(%arg11 : memref<!tpu.dma_semaphore, #tpu.memory_space<semaphore_mem>>)
    %scan3A = arith.constant 0 : i32
    %scan3A_18 = arith.constant 0 : i32
    %scan3A_19 = arith.constant 32 : i32
    %scan3A_20 = arith.addi %scan3A_18, %scan3A_19 : i32
    %scan3A_21 = arith.constant 1 : i32
    scf.for %scan3A_31 = %scan3A_18 to %scan3A_20 step %scan3A_21  : i32 {
      %mul3A_32 = arith.constant 2 : i32
      %mul3A_33 = arith.muli %scan3A_31, %mul3A_32 : i32
      %add3A_34 = arith.constant 0 : i32
      %add3A_35 = arith.addi %mul3A_33, %add3A_34 : i32
      %add3A_36 = arith.constant 1 : i32
      %add3A_37 = arith.addi %add3A_35, %add3A_36 : i32
      %lt3A = arith.constant 64 : i32
      %lt3A_38 = arith.cmpi slt, %add3A_37, %lt3A : i32
      %convert_element_type3A = arith.extui %lt3A_38 : i1 to i32
      %cond3A = arith.constant 0 : i32
      %cond3A_39 = arith.cmpi ne, %convert_element_type3A, %cond3A : i32
      scf.if %cond3A_39 {
        %add3A_102 = arith.constant 1 : i32
        %add3A_103 = arith.addi %add3A_35, %add3A_102 : i32
        %mul3A_104 = arith.constant 8 : i32
        %mul3A_105 = arith.muli %add3A_103, %mul3A_104 : i32
        %mul3A_106 = arith.constant 16 : i32
        %mul3A_107 = arith.muli %mul3A_105, %mul3A_106 : i32
        %dma_start3A_108 = tpu.memref_slice %arg6[%mul3A_107] : memref<8192xi32, #tpu.memory_space<vmem>> -> memref<128xi32, #tpu.memory_space<vmem>>
        %dma_start3A_109 = arith.constant 0 : i32
        %dma_start3A_110 = arith.constant 0 : i32
        %dma_start3A_111 = tpu.memref_slice %arg5[%dma_start3A_109, %dma_start3A_110] : memref<8192x128xf32, #tpu.memory_space<vmem_shared>> -> memref<8192x128xf32, #tpu.memory_space<vmem_shared>>
        tpu.enqueue_indirect_dma source(%dma_start3A_111 : memref<8192x128xf32, #tpu.memory_space<vmem_shared>>) target(%arg8 : memref<128x128xf32, #tpu.memory_space<vmem>>) offsets(%dma_start3A_108 : memref<128xi32, #tpu.memory_space<vmem>>) semaphore(%arg12 : memref<!tpu.dma_semaphore, #tpu.memory_space<semaphore_mem>>)
      } else {
      }
      %mul3A_40 = arith.constant 8 : i32
      %mul3A_41 = arith.muli %add3A_35, %mul3A_40 : i32
      %mul3A_42 = arith.constant 16 : i32
      %mul3A_43 = arith.muli %mul3A_41, %mul3A_42 : i32
      %dma_wait3A_44 = tpu.memref_slice %arg6[%mul3A_43] : memref<8192xi32, #tpu.memory_space<vmem>> -> memref<128xi32, #tpu.memory_space<vmem>>
      %dma_wait3A_45 = arith.constant 0 : i32
      %dma_wait3A_46 = arith.constant 0 : i32
      %dma_wait3A_47 = tpu.memref_slice %arg5[%dma_wait3A_45, %dma_wait3A_46] : memref<8192x128xf32, #tpu.memory_space<vmem_shared>> -> memref<8192x128xf32, #tpu.memory_space<vmem_shared>>
      tpu.wait_indirect_dma semaphore(%arg11 : memref<!tpu.dma_semaphore, #tpu.memory_space<semaphore_mem>>) src(%dma_wait3A_47 : memref<8192x128xf32, #tpu.memory_space<vmem_shared>>) dst(%arg7 : memref<128x128xf32, #tpu.memory_space<vmem>>)
      %ge3A = arith.constant 2 : i32
      %ge3A_48 = arith.cmpi sge, %add3A_35, %ge3A : i32
      %convert_element_type3A_49 = arith.extui %ge3A_48 : i1 to i32
      %cond3A_50 = arith.constant 0 : i32
      %cond3A_51 = arith.cmpi ne, %convert_element_type3A_49, %cond3A_50 : i32
      scf.if %cond3A_51 {
        %dma_wait3A_102 = arith.constant 0 : i32
        %dma_wait3A_103 = tpu.memref_slice %arg4[%mul3A_2, %dma_wait3A_102] : memref<16384x128xf32, #tpu.memory_space<hbm>> -> memref<8x128xf32, #tpu.memory_space<hbm>>
        %dma_wait3A_104 = arith.constant 0 : i32
        %dma_wait3A_105 = tpu.memref_slice %arg4[%mul3A_2, %dma_wait3A_104] : memref<16384x128xf32, #tpu.memory_space<hbm>> -> memref<8x128xf32, #tpu.memory_space<hbm>>
        tpu.wait_dma2 semaphore(%arg13 : memref<!tpu.dma_semaphore, #tpu.memory_space<semaphore_mem>>) src(%arg9 : memref<8x128xf32, #tpu.memory_space<vmem>>) dst(%dma_wait3A_105 : memref<8x128xf32, #tpu.memory_space<hbm>>)
      } else {
      }
      %scan3A_52 = arith.constant 0 : i32
      %scan3A_53 = arith.constant 0 : i32
      %scan3A_54 = arith.constant 8 : i32
      %scan3A_55 = arith.addi %scan3A_53, %scan3A_54 : i32
      %scan3A_56 = arith.constant 1 : i32
      scf.for %scan3A_102 = %scan3A_53 to %scan3A_55 step %scan3A_56  : i32 {
        %mul3A_103 = arith.constant 16 : i32
        %mul3A_104 = arith.muli %scan3A_102, %mul3A_103 : i32
        %get3A = arith.index_cast %mul3A_104 : i32 to index
        %get3A_105 = arith.constant 0 : index
        %get3A_106 = tpu.vector_load %arg7[%get3A, %get3A_105] {strides = array<i32>} : memref<128x128xf32, #tpu.memory_space<vmem>>, vector<1x16xf32>,
        %get3A_107 = vector.shape_cast %get3A_106 : vector<1x16xf32> to vector<16xf32>
        %get3A_108 = arith.index_cast %mul3A_104 : i32 to index
        %get3A_109 = arith.constant 16 : index
        %get3A_110 = tpu.vector_load %arg7[%get3A_108, %get3A_109] {strides = array<i32>} : memref<128x128xf32, #tpu.memory_space<vmem>>, vector<1x16xf32>,
        %get3A_111 = vector.shape_cast %get3A_110 : vector<1x16xf32> to vector<16xf32>
        %get3A_112 = arith.index_cast %mul3A_104 : i32 to index
        %get3A_113 = arith.constant 32 : index
        %get3A_114 = tpu.vector_load %arg7[%get3A_112, %get3A_113] {strides = array<i32>} : memref<128x128xf32, #tpu.memory_space<vmem>>, vector<1x16xf32>,
        %get3A_115 = vector.shape_cast %get3A_114 : vector<1x16xf32> to vector<16xf32>
        %get3A_116 = arith.index_cast %mul3A_104 : i32 to index
        %get3A_117 = arith.constant 48 : index
        %get3A_118 = tpu.vector_load %arg7[%get3A_116, %get3A_117] {strides = array<i32>} : memref<128x128xf32, #tpu.memory_space<vmem>>, vector<1x16xf32>,
        %get3A_119 = vector.shape_cast %get3A_118 : vector<1x16xf32> to vector<16xf32>
        %get3A_120 = arith.index_cast %mul3A_104 : i32 to index
        %get3A_121 = arith.constant 64 : index
        %get3A_122 = tpu.vector_load %arg7[%get3A_120, %get3A_121] {strides = array<i32>} : memref<128x128xf32, #tpu.memory_space<vmem>>, vector<1x16xf32>,
        %get3A_123 = vector.shape_cast %get3A_122 : vector<1x16xf32> to vector<16xf32>
        %get3A_124 = arith.index_cast %mul3A_104 : i32 to index
        %get3A_125 = arith.constant 80 : index
        %get3A_126 = tpu.vector_load %arg7[%get3A_124, %get3A_125] {strides = array<i32>} : memref<128x128xf32, #tpu.memory_space<vmem>>, vector<1x16xf32>,
        %get3A_127 = vector.shape_cast %get3A_126 : vector<1x16xf32> to vector<16xf32>
        %get3A_128 = arith.index_cast %mul3A_104 : i32 to index
        %get3A_129 = arith.constant 96 : index
        %get3A_130 = tpu.vector_load %arg7[%get3A_128, %get3A_129] {strides = array<i32>} : memref<128x128xf32, #tpu.memory_space<vmem>>, vector<1x16xf32>,
        %get3A_131 = vector.shape_cast %get3A_130 : vector<1x16xf32> to vector<16xf32>
        %get3A_132 = arith.index_cast %mul3A_104 : i32 to index
        %get3A_133 = arith.constant 112 : index
        %get3A_134 = tpu.vector_load %arg7[%get3A_132, %get3A_133] {strides = array<i32>} : memref<128x128xf32, #tpu.memory_space<vmem>>, vector<1x16xf32>,
        %get3A_135 = vector.shape_cast %get3A_134 : vector<1x16xf32> to vector<16xf32>
        %add3A_136 = arith.constant 1 : i32
        %add3A_137 = arith.addi %mul3A_104, %add3A_136 : i32
        %get3A_138 = arith.index_cast %add3A_137 : i32 to index
        %get3A_139 = arith.constant 0 : index
        %get3A_140 = tpu.vector_load %arg7[%get3A_138, %get3A_139] {strides = array<i32>} : memref<128x128xf32, #tpu.memory_space<vmem>>, vector<1x16xf32>,
        %get3A_141 = vector.shape_cast %get3A_140 : vector<1x16xf32> to vector<16xf32>
        %add3A_142 = arith.addf %get3A_107, %get3A_141 : vector<16xf32>
        %add3A_143 = arith.constant 1 : i32
        %add3A_144 = arith.addi %mul3A_104, %add3A_143 : i32
        %get3A_145 = arith.index_cast %add3A_144 : i32 to index
        %get3A_146 = arith.constant 16 : index
        %get3A_147 = tpu.vector_load %arg7[%get3A_145, %get3A_146] {strides = array<i32>} : memref<128x128xf32, #tpu.memory_space<vmem>>, vector<1x16xf32>,
        %get3A_148 = vector.shape_cast %get3A_147 : vector<1x16xf32> to vector<16xf32>
        %add3A_149 = arith.addf %get3A_111, %get3A_148 : vector<16xf32>
        %add3A_150 = arith.constant 1 : i32
        %add3A_151 = arith.addi %mul3A_104, %add3A_150 : i32
        %get3A_152 = arith.index_cast %add3A_151 : i32 to index
        %get3A_153 = arith.constant 32 : index
        %get3A_154 = tpu.vector_load %arg7[%get3A_152, %get3A_153] {strides = array<i32>} : memref<128x128xf32, #tpu.memory_space<vmem>>, vector<1x16xf32>,
        %get3A_155 = vector.shape_cast %get3A_154 : vector<1x16xf32> to vector<16xf32>
        %add3A_156 = arith.addf %get3A_115, %get3A_155 : vector<16xf32>
        %add3A_157 = arith.constant 1 : i32
        %add3A_158 = arith.addi %mul3A_104, %add3A_157 : i32
        %get3A_159 = arith.index_cast %add3A_158 : i32 to index
        %get3A_160 = arith.constant 48 : index
        %get3A_161 = tpu.vector_load %arg7[%get3A_159, %get3A_160] {strides = array<i32>} : memref<128x128xf32, #tpu.memory_space<vmem>>, vector<1x16xf32>,
        %get3A_162 = vector.shape_cast %get3A_161 : vector<1x16xf32> to vector<16xf32>
        %add3A_163 = arith.addf %get3A_119, %get3A_162 : vector<16xf32>
        %add3A_164 = arith.constant 1 : i32
        %add3A_165 = arith.addi %mul3A_104, %add3A_164 : i32
        %get3A_166 = arith.index_cast %add3A_165 : i32 to index
        %get3A_167 = arith.constant 64 : index
        %get3A_168 = tpu.vector_load %arg7[%get3A_166, %get3A_167] {strides = array<i32>} : memref<128x128xf32, #tpu.memory_space<vmem>>, vector<1x16xf32>,
        %get3A_169 = vector.shape_cast %get3A_168 : vector<1x16xf32> to vector<16xf32>
        %add3A_170 = arith.addf %get3A_123, %get3A_169 : vector<16xf32>
        %add3A_171 = arith.constant 1 : i32
        %add3A_172 = arith.addi %mul3A_104, %add3A_171 : i32
        %get3A_173 = arith.index_cast %add3A_172 : i32 to index
        %get3A_174 = arith.constant 80 : index
        %get3A_175 = tpu.vector_load %arg7[%get3A_173, %get3A_174] {strides = array<i32>} : memref<128x128xf32, #tpu.memory_space<vmem>>, vector<1x16xf32>,
        %get3A_176 = vector.shape_cast %get3A_175 : vector<1x16xf32> to vector<16xf32>
        %add3A_177 = arith.addf %get3A_127, %get3A_176 : vector<16xf32>
        %add3A_178 = arith.constant 1 : i32
        %add3A_179 = arith.addi %mul3A_104, %add3A_178 : i32
        %get3A_180 = arith.index_cast %add3A_179 : i32 to index
        %get3A_181 = arith.constant 96 : index
        %get3A_182 = tpu.vector_load %arg7[%get3A_180, %get3A_181] {strides = array<i32>} : memref<128x128xf32, #tpu.memory_space<vmem>>, vector<1x16xf32>,
        %get3A_183 = vector.shape_cast %get3A_182 : vector<1x16xf32> to vector<16xf32>
        %add3A_184 = arith.addf %get3A_131, %get3A_183 : vector<16xf32>
        %add3A_185 = arith.constant 1 : i32
        %add3A_186 = arith.addi %mul3A_104, %add3A_185 : i32
        %get3A_187 = arith.index_cast %add3A_186 : i32 to index
        %get3A_188 = arith.constant 112 : index
        %get3A_189 = tpu.vector_load %arg7[%get3A_187, %get3A_188] {strides = array<i32>} : memref<128x128xf32, #tpu.memory_space<vmem>>, vector<1x16xf32>,
        %get3A_190 = vector.shape_cast %get3A_189 : vector<1x16xf32> to vector<16xf32>
        %add3A_191 = arith.addf %get3A_135, %get3A_190 : vector<16xf32>
        %add3A_192 = arith.constant 2 : i32
        %add3A_193 = arith.addi %mul3A_104, %add3A_192 : i32
        %get3A_194 = arith.index_cast %add3A_193 : i32 to index
        %get3A_195 = arith.constant 0 : index
        %get3A_196 = tpu.vector_load %arg7[%get3A_194, %get3A_195] {strides = array<i32>} : memref<128x128xf32, #tpu.memory_space<vmem>>, vector<1x16xf32>,
        %get3A_197 = vector.shape_cast %get3A_196 : vector<1x16xf32> to vector<16xf32>
        %add3A_198 = arith.addf %add3A_142, %get3A_197 : vector<16xf32>
        %add3A_199 = arith.constant 2 : i32
        %add3A_200 = arith.addi %mul3A_104, %add3A_199 : i32
        %get3A_201 = arith.index_cast %add3A_200 : i32 to index
        %get3A_202 = arith.constant 16 : index
        %get3A_203 = tpu.vector_load %arg7[%get3A_201, %get3A_202] {strides = array<i32>} : memref<128x128xf32, #tpu.memory_space<vmem>>, vector<1x16xf32>,
        %get3A_204 = vector.shape_cast %get3A_203 : vector<1x16xf32> to vector<16xf32>
        %add3A_205 = arith.addf %add3A_149, %get3A_204 : vector<16xf32>
        %add3A_206 = arith.constant 2 : i32
        %add3A_207 = arith.addi %mul3A_104, %add3A_206 : i32
        %get3A_208 = arith.index_cast %add3A_207 : i32 to index
        %get3A_209 = arith.constant 32 : index
        %get3A_210 = tpu.vector_load %arg7[%get3A_208, %get3A_209] {strides = array<i32>} : memref<128x128xf32, #tpu.memory_space<vmem>>, vector<1x16xf32>,
        %get3A_211 = vector.shape_cast %get3A_210 : vector<1x16xf32> to vector<16xf32>
        %add3A_212 = arith.addf %add3A_156, %get3A_211 : vector<16xf32>
        %add3A_213 = arith.constant 2 : i32
        %add3A_214 = arith.addi %mul3A_104, %add3A_213 : i32
        %get3A_215 = arith.index_cast %add3A_214 : i32 to index
        %get3A_216 = arith.constant 48 : index
        %get3A_217 = tpu.vector_load %arg7[%get3A_215, %get3A_216] {strides = array<i32>} : memref<128x128xf32, #tpu.memory_space<vmem>>, vector<1x16xf32>,
        %get3A_218 = vector.shape_cast %get3A_217 : vector<1x16xf32> to vector<16xf32>
        %add3A_219 = arith.addf %add3A_163, %get3A_218 : vector<16xf32>
        %add3A_220 = arith.constant 2 : i32
        %add3A_221 = arith.addi %mul3A_104, %add3A_220 : i32
        %get3A_222 = arith.index_cast %add3A_221 : i32 to index
        %get3A_223 = arith.constant 64 : index
        %get3A_224 = tpu.vector_load %arg7[%get3A_222, %get3A_223] {strides = array<i32>} : memref<128x128xf32, #tpu.memory_space<vmem>>, vector<1x16xf32>,
        %get3A_225 = vector.shape_cast %get3A_224 : vector<1x16xf32> to vector<16xf32>
        %add3A_226 = arith.addf %add3A_170, %get3A_225 : vector<16xf32>
        %add3A_227 = arith.constant 2 : i32
        %add3A_228 = arith.addi %mul3A_104, %add3A_227 : i32
        %get3A_229 = arith.index_cast %add3A_228 : i32 to index
        %get3A_230 = arith.constant 80 : index
        %get3A_231 = tpu.vector_load %arg7[%get3A_229, %get3A_230] {strides = array<i32>} : memref<128x128xf32, #tpu.memory_space<vmem>>, vector<1x16xf32>,
        %get3A_232 = vector.shape_cast %get3A_231 : vector<1x16xf32> to vector<16xf32>
        %add3A_233 = arith.addf %add3A_177, %get3A_232 : vector<16xf32>
        %add3A_234 = arith.constant 2 : i32
        %add3A_235 = arith.addi %mul3A_104, %add3A_234 : i32
        %get3A_236 = arith.index_cast %add3A_235 : i32 to index
        %get3A_237 = arith.constant 96 : index
        %get3A_238 = tpu.vector_load %arg7[%get3A_236, %get3A_237] {strides = array<i32>} : memref<128x128xf32, #tpu.memory_space<vmem>>, vector<1x16xf32>,
        %get3A_239 = vector.shape_cast %get3A_238 : vector<1x16xf32> to vector<16xf32>
        %add3A_240 = arith.addf %add3A_184, %get3A_239 : vector<16xf32>
        %add3A_241 = arith.constant 2 : i32
        %add3A_242 = arith.addi %mul3A_104, %add3A_241 : i32
        %get3A_243 = arith.index_cast %add3A_242 : i32 to index
        %get3A_244 = arith.constant 112 : index
        %get3A_245 = tpu.vector_load %arg7[%get3A_243, %get3A_244] {strides = array<i32>} : memref<128x128xf32, #tpu.memory_space<vmem>>, vector<1x16xf32>,
        %get3A_246 = vector.shape_cast %get3A_245 : vector<1x16xf32> to vector<16xf32>
        %add3A_247 = arith.addf %add3A_191, %get3A_246 : vector<16xf32>
        %add3A_248 = arith.constant 3 : i32
        %add3A_249 = arith.addi %mul3A_104, %add3A_248 : i32
        %get3A_250 = arith.index_cast %add3A_249 : i32 to index
        %get3A_251 = arith.constant 0 : index
        %get3A_252 = tpu.vector_load %arg7[%get3A_250, %get3A_251] {strides = array<i32>} : memref<128x128xf32, #tpu.memory_space<vmem>>, vector<1x16xf32>,
        %get3A_253 = vector.shape_cast %get3A_252 : vector<1x16xf32> to vector<16xf32>
        %add3A_254 = arith.addf %add3A_198, %get3A_253 : vector<16xf32>
        %add3A_255 = arith.constant 3 : i32
        %add3A_256 = arith.addi %mul3A_104, %add3A_255 : i32
        %get3A_257 = arith.index_cast %add3A_256 : i32 to index
        %get3A_258 = arith.constant 16 : index
        %get3A_259 = tpu.vector_load %arg7[%get3A_257, %get3A_258] {strides = array<i32>} : memref<128x128xf32, #tpu.memory_space<vmem>>, vector<1x16xf32>,
        %get3A_260 = vector.shape_cast %get3A_259 : vector<1x16xf32> to vector<16xf32>
        %add3A_261 = arith.addf %add3A_205, %get3A_260 : vector<16xf32>
        %add3A_262 = arith.constant 3 : i32
        %add3A_263 = arith.addi %mul3A_104, %add3A_262 : i32
        %get3A_264 = arith.index_cast %add3A_263 : i32 to index
        %get3A_265 = arith.constant 32 : index
        %get3A_266 = tpu.vector_load %arg7[%get3A_264, %get3A_265] {strides = array<i32>} : memref<128x128xf32, #tpu.memory_space<vmem>>, vector<1x16xf32>,
        %get3A_267 = vector.shape_cast %get3A_266 : vector<1x16xf32> to vector<16xf32>
        %add3A_268 = arith.addf %add3A_212, %get3A_267 : vector<16xf32>
        %add3A_269 = arith.constant 3 : i32
        %add3A_270 = arith.addi %mul3A_104, %add3A_269 : i32
        %get3A_271 = arith.index_cast %add3A_270 : i32 to index
        %get3A_272 = arith.constant 48 : index
        %get3A_273 = tpu.vector_load %arg7[%get3A_271, %get3A_272] {strides = array<i32>} : memref<128x128xf32, #tpu.memory_space<vmem>>, vector<1x16xf32>,
        %get3A_274 = vector.shape_cast %get3A_273 : vector<1x16xf32> to vector<16xf32>
        %add3A_275 = arith.addf %add3A_219, %get3A_274 : vector<16xf32>
        %add3A_276 = arith.constant 3 : i32
        %add3A_277 = arith.addi %mul3A_104, %add3A_276 : i32
        %get3A_278 = arith.index_cast %add3A_277 : i32 to index
        %get3A_279 = arith.constant 64 : index
        %get3A_280 = tpu.vector_load %arg7[%get3A_278, %get3A_279] {strides = array<i32>} : memref<128x128xf32, #tpu.memory_space<vmem>>, vector<1x16xf32>,
        %get3A_281 = vector.shape_cast %get3A_280 : vector<1x16xf32> to vector<16xf32>
        %add3A_282 = arith.addf %add3A_226, %get3A_281 : vector<16xf32>
        %add3A_283 = arith.constant 3 : i32
        %add3A_284 = arith.addi %mul3A_104, %add3A_283 : i32
        %get3A_285 = arith.index_cast %add3A_284 : i32 to index
        %get3A_286 = arith.constant 80 : index
        %get3A_287 = tpu.vector_load %arg7[%get3A_285, %get3A_286] {strides = array<i32>} : memref<128x128xf32, #tpu.memory_space<vmem>>, vector<1x16xf32>,
        %get3A_288 = vector.shape_cast %get3A_287 : vector<1x16xf32> to vector<16xf32>
        %add3A_289 = arith.addf %add3A_233, %get3A_288 : vector<16xf32>
        %add3A_290 = arith.constant 3 : i32
        %add3A_291 = arith.addi %mul3A_104, %add3A_290 : i32
        %get3A_292 = arith.index_cast %add3A_291 : i32 to index
        %get3A_293 = arith.constant 96 : index
        %get3A_294 = tpu.vector_load %arg7[%get3A_292, %get3A_293] {strides = array<i32>} : memref<128x128xf32, #tpu.memory_space<vmem>>, vector<1x16xf32>,
        %get3A_295 = vector.shape_cast %get3A_294 : vector<1x16xf32> to vector<16xf32>
        %add3A_296 = arith.addf %add3A_240, %get3A_295 : vector<16xf32>
        %add3A_297 = arith.constant 3 : i32
        %add3A_298 = arith.addi %mul3A_104, %add3A_297 : i32
        %get3A_299 = arith.index_cast %add3A_298 : i32 to index
        %get3A_300 = arith.constant 112 : index
        %get3A_301 = tpu.vector_load %arg7[%get3A_299, %get3A_300] {strides = array<i32>} : memref<128x128xf32, #tpu.memory_space<vmem>>, vector<1x16xf32>,
        %get3A_302 = vector.shape_cast %get3A_301 : vector<1x16xf32> to vector<16xf32>
        %add3A_303 = arith.addf %add3A_247, %get3A_302 : vector<16xf32>
        %add3A_304 = arith.constant 4 : i32
        %add3A_305 = arith.addi %mul3A_104, %add3A_304 : i32
        %get3A_306 = arith.index_cast %add3A_305 : i32 to index
        %get3A_307 = arith.constant 0 : index
        %get3A_308 = tpu.vector_load %arg7[%get3A_306, %get3A_307] {strides = array<i32>} : memref<128x128xf32, #tpu.memory_space<vmem>>, vector<1x16xf32>,
        %get3A_309 = vector.shape_cast %get3A_308 : vector<1x16xf32> to vector<16xf32>
        %add3A_310 = arith.addf %add3A_254, %get3A_309 : vector<16xf32>
        %add3A_311 = arith.constant 4 : i32
        %add3A_312 = arith.addi %mul3A_104, %add3A_311 : i32
        %get3A_313 = arith.index_cast %add3A_312 : i32 to index
        %get3A_314 = arith.constant 16 : index
        %get3A_315 = tpu.vector_load %arg7[%get3A_313, %get3A_314] {strides = array<i32>} : memref<128x128xf32, #tpu.memory_space<vmem>>, vector<1x16xf32>,
        %get3A_316 = vector.shape_cast %get3A_315 : vector<1x16xf32> to vector<16xf32>
        %add3A_317 = arith.addf %add3A_261, %get3A_316 : vector<16xf32>
        %add3A_318 = arith.constant 4 : i32
        %add3A_319 = arith.addi %mul3A_104, %add3A_318 : i32
        %get3A_320 = arith.index_cast %add3A_319 : i32 to index
        %get3A_321 = arith.constant 32 : index
        %get3A_322 = tpu.vector_load %arg7[%get3A_320, %get3A_321] {strides = array<i32>} : memref<128x128xf32, #tpu.memory_space<vmem>>, vector<1x16xf32>,
        %get3A_323 = vector.shape_cast %get3A_322 : vector<1x16xf32> to vector<16xf32>
        %add3A_324 = arith.addf %add3A_268, %get3A_323 : vector<16xf32>
        %add3A_325 = arith.constant 4 : i32
        %add3A_326 = arith.addi %mul3A_104, %add3A_325 : i32
        %get3A_327 = arith.index_cast %add3A_326 : i32 to index
        %get3A_328 = arith.constant 48 : index
        %get3A_329 = tpu.vector_load %arg7[%get3A_327, %get3A_328] {strides = array<i32>} : memref<128x128xf32, #tpu.memory_space<vmem>>, vector<1x16xf32>,
        %get3A_330 = vector.shape_cast %get3A_329 : vector<1x16xf32> to vector<16xf32>
        %add3A_331 = arith.addf %add3A_275, %get3A_330 : vector<16xf32>
        %add3A_332 = arith.constant 4 : i32
        %add3A_333 = arith.addi %mul3A_104, %add3A_332 : i32
        %get3A_334 = arith.index_cast %add3A_333 : i32 to index
        %get3A_335 = arith.constant 64 : index
        %get3A_336 = tpu.vector_load %arg7[%get3A_334, %get3A_335] {strides = array<i32>} : memref<128x128xf32, #tpu.memory_space<vmem>>, vector<1x16xf32>,
        %get3A_337 = vector.shape_cast %get3A_336 : vector<1x16xf32> to vector<16xf32>
        %add3A_338 = arith.addf %add3A_282, %get3A_337 : vector<16xf32>
        %add3A_339 = arith.constant 4 : i32
        %add3A_340 = arith.addi %mul3A_104, %add3A_339 : i32
        %get3A_341 = arith.index_cast %add3A_340 : i32 to index
        %get3A_342 = arith.constant 80 : index
        %get3A_343 = tpu.vector_load %arg7[%get3A_341, %get3A_342] {strides = array<i32>} : memref<128x128xf32, #tpu.memory_space<vmem>>, vector<1x16xf32>,
        %get3A_344 = vector.shape_cast %get3A_343 : vector<1x16xf32> to vector<16xf32>
        %add3A_345 = arith.addf %add3A_289, %get3A_344 : vector<16xf32>
        %add3A_346 = arith.constant 4 : i32
        %add3A_347 = arith.addi %mul3A_104, %add3A_346 : i32
        %get3A_348 = arith.index_cast %add3A_347 : i32 to index
        %get3A_349 = arith.constant 96 : index
        %get3A_350 = tpu.vector_load %arg7[%get3A_348, %get3A_349] {strides = array<i32>} : memref<128x128xf32, #tpu.memory_space<vmem>>, vector<1x16xf32>,
        %get3A_351 = vector.shape_cast %get3A_350 : vector<1x16xf32> to vector<16xf32>
        %add3A_352 = arith.addf %add3A_296, %get3A_351 : vector<16xf32>
        %add3A_353 = arith.constant 4 : i32
        %add3A_354 = arith.addi %mul3A_104, %add3A_353 : i32
        %get3A_355 = arith.index_cast %add3A_354 : i32 to index
        %get3A_356 = arith.constant 112 : index
        %get3A_357 = tpu.vector_load %arg7[%get3A_355, %get3A_356] {strides = array<i32>} : memref<128x128xf32, #tpu.memory_space<vmem>>, vector<1x16xf32>,
        %get3A_358 = vector.shape_cast %get3A_357 : vector<1x16xf32> to vector<16xf32>
        %add3A_359 = arith.addf %add3A_303, %get3A_358 : vector<16xf32>
        %add3A_360 = arith.constant 5 : i32
        %add3A_361 = arith.addi %mul3A_104, %add3A_360 : i32
        %get3A_362 = arith.index_cast %add3A_361 : i32 to index
        %get3A_363 = arith.constant 0 : index
        %get3A_364 = tpu.vector_load %arg7[%get3A_362, %get3A_363] {strides = array<i32>} : memref<128x128xf32, #tpu.memory_space<vmem>>, vector<1x16xf32>,
        %get3A_365 = vector.shape_cast %get3A_364 : vector<1x16xf32> to vector<16xf32>
        %add3A_366 = arith.addf %add3A_310, %get3A_365 : vector<16xf32>
        %add3A_367 = arith.constant 5 : i32
        %add3A_368 = arith.addi %mul3A_104, %add3A_367 : i32
        %get3A_369 = arith.index_cast %add3A_368 : i32 to index
        %get3A_370 = arith.constant 16 : index
        %get3A_371 = tpu.vector_load %arg7[%get3A_369, %get3A_370] {strides = array<i32>} : memref<128x128xf32, #tpu.memory_space<vmem>>, vector<1x16xf32>,
        %get3A_372 = vector.shape_cast %get3A_371 : vector<1x16xf32> to vector<16xf32>
        %add3A_373 = arith.addf %add3A_317, %get3A_372 : vector<16xf32>
        %add3A_374 = arith.constant 5 : i32
        %add3A_375 = arith.addi %mul3A_104, %add3A_374 : i32
        %get3A_376 = arith.index_cast %add3A_375 : i32 to index
        %get3A_377 = arith.constant 32 : index
        %get3A_378 = tpu.vector_load %arg7[%get3A_376, %get3A_377] {strides = array<i32>} : memref<128x128xf32, #tpu.memory_space<vmem>>, vector<1x16xf32>,
        %get3A_379 = vector.shape_cast %get3A_378 : vector<1x16xf32> to vector<16xf32>
        %add3A_380 = arith.addf %add3A_324, %get3A_379 : vector<16xf32>
        %add3A_381 = arith.constant 5 : i32
        %add3A_382 = arith.addi %mul3A_104, %add3A_381 : i32
        %get3A_383 = arith.index_cast %add3A_382 : i32 to index
        %get3A_384 = arith.constant 48 : index
        %get3A_385 = tpu.vector_load %arg7[%get3A_383, %get3A_384] {strides = array<i32>} : memref<128x128xf32, #tpu.memory_space<vmem>>, vector<1x16xf32>,
        %get3A_386 = vector.shape_cast %get3A_385 : vector<1x16xf32> to vector<16xf32>
        %add3A_387 = arith.addf %add3A_331, %get3A_386 : vector<16xf32>
        %add3A_388 = arith.constant 5 : i32
        %add3A_389 = arith.addi %mul3A_104, %add3A_388 : i32
        %get3A_390 = arith.index_cast %add3A_389 : i32 to index
        %get3A_391 = arith.constant 64 : index
        %get3A_392 = tpu.vector_load %arg7[%get3A_390, %get3A_391] {strides = array<i32>} : memref<128x128xf32, #tpu.memory_space<vmem>>, vector<1x16xf32>,
        %get3A_393 = vector.shape_cast %get3A_392 : vector<1x16xf32> to vector<16xf32>
        %add3A_394 = arith.addf %add3A_338, %get3A_393 : vector<16xf32>
        %add3A_395 = arith.constant 5 : i32
        %add3A_396 = arith.addi %mul3A_104, %add3A_395 : i32
        %get3A_397 = arith.index_cast %add3A_396 : i32 to index
        %get3A_398 = arith.constant 80 : index
        %get3A_399 = tpu.vector_load %arg7[%get3A_397, %get3A_398] {strides = array<i32>} : memref<128x128xf32, #tpu.memory_space<vmem>>, vector<1x16xf32>,
        %get3A_400 = vector.shape_cast %get3A_399 : vector<1x16xf32> to vector<16xf32>
        %add3A_401 = arith.addf %add3A_345, %get3A_400 : vector<16xf32>
        %add3A_402 = arith.constant 5 : i32
        %add3A_403 = arith.addi %mul3A_104, %add3A_402 : i32
        %get3A_404 = arith.index_cast %add3A_403 : i32 to index
        %get3A_405 = arith.constant 96 : index
        %get3A_406 = tpu.vector_load %arg7[%get3A_404, %get3A_405] {strides = array<i32>} : memref<128x128xf32, #tpu.memory_space<vmem>>, vector<1x16xf32>,
        %get3A_407 = vector.shape_cast %get3A_406 : vector<1x16xf32> to vector<16xf32>
        %add3A_408 = arith.addf %add3A_352, %get3A_407 : vector<16xf32>
        %add3A_409 = arith.constant 5 : i32
        %add3A_410 = arith.addi %mul3A_104, %add3A_409 : i32
        %get3A_411 = arith.index_cast %add3A_410 : i32 to index
        %get3A_412 = arith.constant 112 : index
        %get3A_413 = tpu.vector_load %arg7[%get3A_411, %get3A_412] {strides = array<i32>} : memref<128x128xf32, #tpu.memory_space<vmem>>, vector<1x16xf32>,
        %get3A_414 = vector.shape_cast %get3A_413 : vector<1x16xf32> to vector<16xf32>
        %add3A_415 = arith.addf %add3A_359, %get3A_414 : vector<16xf32>
        %add3A_416 = arith.constant 6 : i32
        %add3A_417 = arith.addi %mul3A_104, %add3A_416 : i32
        %get3A_418 = arith.index_cast %add3A_417 : i32 to index
        %get3A_419 = arith.constant 0 : index
        %get3A_420 = tpu.vector_load %arg7[%get3A_418, %get3A_419] {strides = array<i32>} : memref<128x128xf32, #tpu.memory_space<vmem>>, vector<1x16xf32>,
        %get3A_421 = vector.shape_cast %get3A_420 : vector<1x16xf32> to vector<16xf32>
        %add3A_422 = arith.addf %add3A_366, %get3A_421 : vector<16xf32>
        %add3A_423 = arith.constant 6 : i32
        %add3A_424 = arith.addi %mul3A_104, %add3A_423 : i32
        %get3A_425 = arith.index_cast %add3A_424 : i32 to index
        %get3A_426 = arith.constant 16 : index
        %get3A_427 = tpu.vector_load %arg7[%get3A_425, %get3A_426] {strides = array<i32>} : memref<128x128xf32, #tpu.memory_space<vmem>>, vector<1x16xf32>,
        %get3A_428 = vector.shape_cast %get3A_427 : vector<1x16xf32> to vector<16xf32>
        %add3A_429 = arith.addf %add3A_373, %get3A_428 : vector<16xf32>
        %add3A_430 = arith.constant 6 : i32
        %add3A_431 = arith.addi %mul3A_104, %add3A_430 : i32
        %get3A_432 = arith.index_cast %add3A_431 : i32 to index
        %get3A_433 = arith.constant 32 : index
        %get3A_434 = tpu.vector_load %arg7[%get3A_432, %get3A_433] {strides = array<i32>} : memref<128x128xf32, #tpu.memory_space<vmem>>, vector<1x16xf32>,
        %get3A_435 = vector.shape_cast %get3A_434 : vector<1x16xf32> to vector<16xf32>
        %add3A_436 = arith.addf %add3A_380, %get3A_435 : vector<16xf32>
        %add3A_437 = arith.constant 6 : i32
        %add3A_438 = arith.addi %mul3A_104, %add3A_437 : i32
        %get3A_439 = arith.index_cast %add3A_438 : i32 to index
        %get3A_440 = arith.constant 48 : index
        %get3A_441 = tpu.vector_load %arg7[%get3A_439, %get3A_440] {strides = array<i32>} : memref<128x128xf32, #tpu.memory_space<vmem>>, vector<1x16xf32>,
        %get3A_442 = vector.shape_cast %get3A_441 : vector<1x16xf32> to vector<16xf32>
        %add3A_443 = arith.addf %add3A_387, %get3A_442 : vector<16xf32>
        %add3A_444 = arith.constant 6 : i32
        %add3A_445 = arith.addi %mul3A_104, %add3A_444 : i32
        %get3A_446 = arith.index_cast %add3A_445 : i32 to index
        %get3A_447 = arith.constant 64 : index
        %get3A_448 = tpu.vector_load %arg7[%get3A_446, %get3A_447] {strides = array<i32>} : memref<128x128xf32, #tpu.memory_space<vmem>>, vector<1x16xf32>,
        %get3A_449 = vector.shape_cast %get3A_448 : vector<1x16xf32> to vector<16xf32>
        %add3A_450 = arith.addf %add3A_394, %get3A_449 : vector<16xf32>
        %add3A_451 = arith.constant 6 : i32
        %add3A_452 = arith.addi %mul3A_104, %add3A_451 : i32
        %get3A_453 = arith.index_cast %add3A_452 : i32 to index
        %get3A_454 = arith.constant 80 : index
        %get3A_455 = tpu.vector_load %arg7[%get3A_453, %get3A_454] {strides = array<i32>} : memref<128x128xf32, #tpu.memory_space<vmem>>, vector<1x16xf32>,
        %get3A_456 = vector.shape_cast %get3A_455 : vector<1x16xf32> to vector<16xf32>
        %add3A_457 = arith.addf %add3A_401, %get3A_456 : vector<16xf32>
        %add3A_458 = arith.constant 6 : i32
        %add3A_459 = arith.addi %mul3A_104, %add3A_458 : i32
        %get3A_460 = arith.index_cast %add3A_459 : i32 to index
        %get3A_461 = arith.constant 96 : index
        %get3A_462 = tpu.vector_load %arg7[%get3A_460, %get3A_461] {strides = array<i32>} : memref<128x128xf32, #tpu.memory_space<vmem>>, vector<1x16xf32>,
        %get3A_463 = vector.shape_cast %get3A_462 : vector<1x16xf32> to vector<16xf32>
        %add3A_464 = arith.addf %add3A_408, %get3A_463 : vector<16xf32>
        %add3A_465 = arith.constant 6 : i32
        %add3A_466 = arith.addi %mul3A_104, %add3A_465 : i32
        %get3A_467 = arith.index_cast %add3A_466 : i32 to index
        %get3A_468 = arith.constant 112 : index
        %get3A_469 = tpu.vector_load %arg7[%get3A_467, %get3A_468] {strides = array<i32>} : memref<128x128xf32, #tpu.memory_space<vmem>>, vector<1x16xf32>,
        %get3A_470 = vector.shape_cast %get3A_469 : vector<1x16xf32> to vector<16xf32>
        %add3A_471 = arith.addf %add3A_415, %get3A_470 : vector<16xf32>
        %add3A_472 = arith.constant 7 : i32
        %add3A_473 = arith.addi %mul3A_104, %add3A_472 : i32
        %get3A_474 = arith.index_cast %add3A_473 : i32 to index
        %get3A_475 = arith.constant 0 : index
        %get3A_476 = tpu.vector_load %arg7[%get3A_474, %get3A_475] {strides = array<i32>} : memref<128x128xf32, #tpu.memory_space<vmem>>, vector<1x16xf32>,
        %get3A_477 = vector.shape_cast %get3A_476 : vector<1x16xf32> to vector<16xf32>
        %add3A_478 = arith.addf %add3A_422, %get3A_477 : vector<16xf32>
        %add3A_479 = arith.constant 7 : i32
        %add3A_480 = arith.addi %mul3A_104, %add3A_479 : i32
        %get3A_481 = arith.index_cast %add3A_480 : i32 to index
        %get3A_482 = arith.constant 16 : index
        %get3A_483 = tpu.vector_load %arg7[%get3A_481, %get3A_482] {strides = array<i32>} : memref<128x128xf32, #tpu.memory_space<vmem>>, vector<1x16xf32>,
        %get3A_484 = vector.shape_cast %get3A_483 : vector<1x16xf32> to vector<16xf32>
        %add3A_485 = arith.addf %add3A_429, %get3A_484 : vector<16xf32>
        %add3A_486 = arith.constant 7 : i32
        %add3A_487 = arith.addi %mul3A_104, %add3A_486 : i32
        %get3A_488 = arith.index_cast %add3A_487 : i32 to index
        %get3A_489 = arith.constant 32 : index
        %get3A_490 = tpu.vector_load %arg7[%get3A_488, %get3A_489] {strides = array<i32>} : memref<128x128xf32, #tpu.memory_space<vmem>>, vector<1x16xf32>,
        %get3A_491 = vector.shape_cast %get3A_490 : vector<1x16xf32> to vector<16xf32>
        %add3A_492 = arith.addf %add3A_436, %get3A_491 : vector<16xf32>
        %add3A_493 = arith.constant 7 : i32
        %add3A_494 = arith.addi %mul3A_104, %add3A_493 : i32
        %get3A_495 = arith.index_cast %add3A_494 : i32 to index
        %get3A_496 = arith.constant 48 : index
        %get3A_497 = tpu.vector_load %arg7[%get3A_495, %get3A_496] {strides = array<i32>} : memref<128x128xf32, #tpu.memory_space<vmem>>, vector<1x16xf32>,
        %get3A_498 = vector.shape_cast %get3A_497 : vector<1x16xf32> to vector<16xf32>
        %add3A_499 = arith.addf %add3A_443, %get3A_498 : vector<16xf32>
        %add3A_500 = arith.constant 7 : i32
        %add3A_501 = arith.addi %mul3A_104, %add3A_500 : i32
        %get3A_502 = arith.index_cast %add3A_501 : i32 to index
        %get3A_503 = arith.constant 64 : index
        %get3A_504 = tpu.vector_load %arg7[%get3A_502, %get3A_503] {strides = array<i32>} : memref<128x128xf32, #tpu.memory_space<vmem>>, vector<1x16xf32>,
        %get3A_505 = vector.shape_cast %get3A_504 : vector<1x16xf32> to vector<16xf32>
        %add3A_506 = arith.addf %add3A_450, %get3A_505 : vector<16xf32>
        %add3A_507 = arith.constant 7 : i32
        %add3A_508 = arith.addi %mul3A_104, %add3A_507 : i32
        %get3A_509 = arith.index_cast %add3A_508 : i32 to index
        %get3A_510 = arith.constant 80 : index
        %get3A_511 = tpu.vector_load %arg7[%get3A_509, %get3A_510] {strides = array<i32>} : memref<128x128xf32, #tpu.memory_space<vmem>>, vector<1x16xf32>,
        %get3A_512 = vector.shape_cast %get3A_511 : vector<1x16xf32> to vector<16xf32>
        %add3A_513 = arith.addf %add3A_457, %get3A_512 : vector<16xf32>
        %add3A_514 = arith.constant 7 : i32
        %add3A_515 = arith.addi %mul3A_104, %add3A_514 : i32
        %get3A_516 = arith.index_cast %add3A_515 : i32 to index
        %get3A_517 = arith.constant 96 : index
        %get3A_518 = tpu.vector_load %arg7[%get3A_516, %get3A_517] {strides = array<i32>} : memref<128x128xf32, #tpu.memory_space<vmem>>, vector<1x16xf32>,
        %get3A_519 = vector.shape_cast %get3A_518 : vector<1x16xf32> to vector<16xf32>
        %add3A_520 = arith.addf %add3A_464, %get3A_519 : vector<16xf32>
        %add3A_521 = arith.constant 7 : i32
        %add3A_522 = arith.addi %mul3A_104, %add3A_521 : i32
        %get3A_523 = arith.index_cast %add3A_522 : i32 to index
        %get3A_524 = arith.constant 112 : index
        %get3A_525 = tpu.vector_load %arg7[%get3A_523, %get3A_524] {strides = array<i32>} : memref<128x128xf32, #tpu.memory_space<vmem>>, vector<1x16xf32>,
        %get3A_526 = vector.shape_cast %get3A_525 : vector<1x16xf32> to vector<16xf32>
        %add3A_527 = arith.addf %add3A_471, %get3A_526 : vector<16xf32>
        %add3A_528 = arith.constant 8 : i32
        %add3A_529 = arith.addi %mul3A_104, %add3A_528 : i32
        %get3A_530 = arith.index_cast %add3A_529 : i32 to index
        %get3A_531 = arith.constant 0 : index
        %get3A_532 = tpu.vector_load %arg7[%get3A_530, %get3A_531] {strides = array<i32>} : memref<128x128xf32, #tpu.memory_space<vmem>>, vector<1x16xf32>,
        %get3A_533 = vector.shape_cast %get3A_532 : vector<1x16xf32> to vector<16xf32>
        %add3A_534 = arith.addf %add3A_478, %get3A_533 : vector<16xf32>
        %add3A_535 = arith.constant 8 : i32
        %add3A_536 = arith.addi %mul3A_104, %add3A_535 : i32
        %get3A_537 = arith.index_cast %add3A_536 : i32 to index
        %get3A_538 = arith.constant 16 : index
        %get3A_539 = tpu.vector_load %arg7[%get3A_537, %get3A_538] {strides = array<i32>} : memref<128x128xf32, #tpu.memory_space<vmem>>, vector<1x16xf32>,
        %get3A_540 = vector.shape_cast %get3A_539 : vector<1x16xf32> to vector<16xf32>
        %add3A_541 = arith.addf %add3A_485, %get3A_540 : vector<16xf32>
        %add3A_542 = arith.constant 8 : i32
        %add3A_543 = arith.addi %mul3A_104, %add3A_542 : i32
        %get3A_544 = arith.index_cast %add3A_543 : i32 to index
        %get3A_545 = arith.constant 32 : index
        %get3A_546 = tpu.vector_load %arg7[%get3A_544, %get3A_545] {strides = array<i32>} : memref<128x128xf32, #tpu.memory_space<vmem>>, vector<1x16xf32>,
        %get3A_547 = vector.shape_cast %get3A_546 : vector<1x16xf32> to vector<16xf32>
        %add3A_548 = arith.addf %add3A_492, %get3A_547 : vector<16xf32>
        %add3A_549 = arith.constant 8 : i32
        %add3A_550 = arith.addi %mul3A_104, %add3A_549 : i32
        %get3A_551 = arith.index_cast %add3A_550 : i32 to index
        %get3A_552 = arith.constant 48 : index
        %get3A_553 = tpu.vector_load %arg7[%get3A_551, %get3A_552] {strides = array<i32>} : memref<128x128xf32, #tpu.memory_space<vmem>>, vector<1x16xf32>,
        %get3A_554 = vector.shape_cast %get3A_553 : vector<1x16xf32> to vector<16xf32>
        %add3A_555 = arith.addf %add3A_499, %get3A_554 : vector<16xf32>
        %add3A_556 = arith.constant 8 : i32
        %add3A_557 = arith.addi %mul3A_104, %add3A_556 : i32
        %get3A_558 = arith.index_cast %add3A_557 : i32 to index
        %get3A_559 = arith.constant 64 : index
        %get3A_560 = tpu.vector_load %arg7[%get3A_558, %get3A_559] {strides = array<i32>} : memref<128x128xf32, #tpu.memory_space<vmem>>, vector<1x16xf32>,
        %get3A_561 = vector.shape_cast %get3A_560 : vector<1x16xf32> to vector<16xf32>
        %add3A_562 = arith.addf %add3A_506, %get3A_561 : vector<16xf32>
        %add3A_563 = arith.constant 8 : i32
        %add3A_564 = arith.addi %mul3A_104, %add3A_563 : i32
        %get3A_565 = arith.index_cast %add3A_564 : i32 to index
        %get3A_566 = arith.constant 80 : index
        %get3A_567 = tpu.vector_load %arg7[%get3A_565, %get3A_566] {strides = array<i32>} : memref<128x128xf32, #tpu.memory_space<vmem>>, vector<1x16xf32>,
        %get3A_568 = vector.shape_cast %get3A_567 : vector<1x16xf32> to vector<16xf32>
        %add3A_569 = arith.addf %add3A_513, %get3A_568 : vector<16xf32>
        %add3A_570 = arith.constant 8 : i32
        %add3A_571 = arith.addi %mul3A_104, %add3A_570 : i32
        %get3A_572 = arith.index_cast %add3A_571 : i32 to index
        %get3A_573 = arith.constant 96 : index
        %get3A_574 = tpu.vector_load %arg7[%get3A_572, %get3A_573] {strides = array<i32>} : memref<128x128xf32, #tpu.memory_space<vmem>>, vector<1x16xf32>,
        %get3A_575 = vector.shape_cast %get3A_574 : vector<1x16xf32> to vector<16xf32>
        %add3A_576 = arith.addf %add3A_520, %get3A_575 : vector<16xf32>
        %add3A_577 = arith.constant 8 : i32
        %add3A_578 = arith.addi %mul3A_104, %add3A_577 : i32
        %get3A_579 = arith.index_cast %add3A_578 : i32 to index
        %get3A_580 = arith.constant 112 : index
        %get3A_581 = tpu.vector_load %arg7[%get3A_579, %get3A_580] {strides = array<i32>} : memref<128x128xf32, #tpu.memory_space<vmem>>, vector<1x16xf32>,
        %get3A_582 = vector.shape_cast %get3A_581 : vector<1x16xf32> to vector<16xf32>
        %add3A_583 = arith.addf %add3A_527, %get3A_582 : vector<16xf32>
        %add3A_584 = arith.constant 9 : i32
        %add3A_585 = arith.addi %mul3A_104, %add3A_584 : i32
        %get3A_586 = arith.index_cast %add3A_585 : i32 to index
        %get3A_587 = arith.constant 0 : index
        %get3A_588 = tpu.vector_load %arg7[%get3A_586, %get3A_587] {strides = array<i32>} : memref<128x128xf32, #tpu.memory_space<vmem>>, vector<1x16xf32>,
        %get3A_589 = vector.shape_cast %get3A_588 : vector<1x16xf32> to vector<16xf32>
        %add3A_590 = arith.addf %add3A_534, %get3A_589 : vector<16xf32>
        %add3A_591 = arith.constant 9 : i32
        %add3A_592 = arith.addi %mul3A_104, %add3A_591 : i32
        %get3A_593 = arith.index_cast %add3A_592 : i32 to index
        %get3A_594 = arith.constant 16 : index
        %get3A_595 = tpu.vector_load %arg7[%get3A_593, %get3A_594] {strides = array<i32>} : memref<128x128xf32, #tpu.memory_space<vmem>>, vector<1x16xf32>,
        %get3A_596 = vector.shape_cast %get3A_595 : vector<1x16xf32> to vector<16xf32>
        %add3A_597 = arith.addf %add3A_541, %get3A_596 : vector<16xf32>
        %add3A_598 = arith.constant 9 : i32
        %add3A_599 = arith.addi %mul3A_104, %add3A_598 : i32
        %get3A_600 = arith.index_cast %add3A_599 : i32 to index
        %get3A_601 = arith.constant 32 : index
        %get3A_602 = tpu.vector_load %arg7[%get3A_600, %get3A_601] {strides = array<i32>} : memref<128x128xf32, #tpu.memory_space<vmem>>, vector<1x16xf32>,
        %get3A_603 = vector.shape_cast %get3A_602 : vector<1x16xf32> to vector<16xf32>
        %add3A_604 = arith.addf %add3A_548, %get3A_603 : vector<16xf32>
        %add3A_605 = arith.constant 9 : i32
        %add3A_606 = arith.addi %mul3A_104, %add3A_605 : i32
        %get3A_607 = arith.index_cast %add3A_606 : i32 to index
        %get3A_608 = arith.constant 48 : index
        %get3A_609 = tpu.vector_load %arg7[%get3A_607, %get3A_608] {strides = array<i32>} : memref<128x128xf32, #tpu.memory_space<vmem>>, vector<1x16xf32>,
        %get3A_610 = vector.shape_cast %get3A_609 : vector<1x16xf32> to vector<16xf32>
        %add3A_611 = arith.addf %add3A_555, %get3A_610 : vector<16xf32>
        %add3A_612 = arith.constant 9 : i32
        %add3A_613 = arith.addi %mul3A_104, %add3A_612 : i32
        %get3A_614 = arith.index_cast %add3A_613 : i32 to index
        %get3A_615 = arith.constant 64 : index
        %get3A_616 = tpu.vector_load %arg7[%get3A_614, %get3A_615] {strides = array<i32>} : memref<128x128xf32, #tpu.memory_space<vmem>>, vector<1x16xf32>,
        %get3A_617 = vector.shape_cast %get3A_616 : vector<1x16xf32> to vector<16xf32>
        %add3A_618 = arith.addf %add3A_562, %get3A_617 : vector<16xf32>
        %add3A_619 = arith.constant 9 : i32
        %add3A_620 = arith.addi %mul3A_104, %add3A_619 : i32
        %get3A_621 = arith.index_cast %add3A_620 : i32 to index
        %get3A_622 = arith.constant 80 : index
        %get3A_623 = tpu.vector_load %arg7[%get3A_621, %get3A_622] {strides = array<i32>} : memref<128x128xf32, #tpu.memory_space<vmem>>, vector<1x16xf32>,
        %get3A_624 = vector.shape_cast %get3A_623 : vector<1x16xf32> to vector<16xf32>
        %add3A_625 = arith.addf %add3A_569, %get3A_624 : vector<16xf32>
        %add3A_626 = arith.constant 9 : i32
        %add3A_627 = arith.addi %mul3A_104, %add3A_626 : i32
        %get3A_628 = arith.index_cast %add3A_627 : i32 to index
        %get3A_629 = arith.constant 96 : index
        %get3A_630 = tpu.vector_load %arg7[%get3A_628, %get3A_629] {strides = array<i32>} : memref<128x128xf32, #tpu.memory_space<vmem>>, vector<1x16xf32>,
        %get3A_631 = vector.shape_cast %get3A_630 : vector<1x16xf32> to vector<16xf32>
        %add3A_632 = arith.addf %add3A_576, %get3A_631 : vector<16xf32>
        %add3A_633 = arith.constant 9 : i32
        %add3A_634 = arith.addi %mul3A_104, %add3A_633 : i32
        %get3A_635 = arith.index_cast %add3A_634 : i32 to index
        %get3A_636 = arith.constant 112 : index
        %get3A_637 = tpu.vector_load %arg7[%get3A_635, %get3A_636] {strides = array<i32>} : memref<128x128xf32, #tpu.memory_space<vmem>>, vector<1x16xf32>,
        %get3A_638 = vector.shape_cast %get3A_637 : vector<1x16xf32> to vector<16xf32>
        %add3A_639 = arith.addf %add3A_583, %get3A_638 : vector<16xf32>
        %add3A_640 = arith.constant 10 : i32
        %add3A_641 = arith.addi %mul3A_104, %add3A_640 : i32
        %get3A_642 = arith.index_cast %add3A_641 : i32 to index
        %get3A_643 = arith.constant 0 : index
        %get3A_644 = tpu.vector_load %arg7[%get3A_642, %get3A_643] {strides = array<i32>} : memref<128x128xf32, #tpu.memory_space<vmem>>, vector<1x16xf32>,
        %get3A_645 = vector.shape_cast %get3A_644 : vector<1x16xf32> to vector<16xf32>
        %add3A_646 = arith.addf %add3A_590, %get3A_645 : vector<16xf32>
        %add3A_647 = arith.constant 10 : i32
        %add3A_648 = arith.addi %mul3A_104, %add3A_647 : i32
        %get3A_649 = arith.index_cast %add3A_648 : i32 to index
        %get3A_650 = arith.constant 16 : index
        %get3A_651 = tpu.vector_load %arg7[%get3A_649, %get3A_650] {strides = array<i32>} : memref<128x128xf32, #tpu.memory_space<vmem>>, vector<1x16xf32>,
        %get3A_652 = vector.shape_cast %get3A_651 : vector<1x16xf32> to vector<16xf32>
        %add3A_653 = arith.addf %add3A_597, %get3A_652 : vector<16xf32>
        %add3A_654 = arith.constant 10 : i32
        %add3A_655 = arith.addi %mul3A_104, %add3A_654 : i32
        %get3A_656 = arith.index_cast %add3A_655 : i32 to index
        %get3A_657 = arith.constant 32 : index
        %get3A_658 = tpu.vector_load %arg7[%get3A_656, %get3A_657] {strides = array<i32>} : memref<128x128xf32, #tpu.memory_space<vmem>>, vector<1x16xf32>,
        %get3A_659 = vector.shape_cast %get3A_658 : vector<1x16xf32> to vector<16xf32>
        %add3A_660 = arith.addf %add3A_604, %get3A_659 : vector<16xf32>
        %add3A_661 = arith.constant 10 : i32
        %add3A_662 = arith.addi %mul3A_104, %add3A_661 : i32
        %get3A_663 = arith.index_cast %add3A_662 : i32 to index
        %get3A_664 = arith.constant 48 : index
        %get3A_665 = tpu.vector_load %arg7[%get3A_663, %get3A_664] {strides = array<i32>} : memref<128x128xf32, #tpu.memory_space<vmem>>, vector<1x16xf32>,
        %get3A_666 = vector.shape_cast %get3A_665 : vector<1x16xf32> to vector<16xf32>
        %add3A_667 = arith.addf %add3A_611, %get3A_666 : vector<16xf32>
        %add3A_668 = arith.constant 10 : i32
        %add3A_669 = arith.addi %mul3A_104, %add3A_668 : i32
        %get3A_670 = arith.index_cast %add3A_669 : i32 to index
        %get3A_671 = arith.constant 64 : index
        %get3A_672 = tpu.vector_load %arg7[%get3A_670, %get3A_671] {strides = array<i32>} : memref<128x128xf32, #tpu.memory_space<vmem>>, vector<1x16xf32>,
        %get3A_673 = vector.shape_cast %get3A_672 : vector<1x16xf32> to vector<16xf32>
        %add3A_674 = arith.addf %add3A_618, %get3A_673 : vector<16xf32>
        %add3A_675 = arith.constant 10 : i32
        %add3A_676 = arith.addi %mul3A_104, %add3A_675 : i32
        %get3A_677 = arith.index_cast %add3A_676 : i32 to index
        %get3A_678 = arith.constant 80 : index
        %get3A_679 = tpu.vector_load %arg7[%get3A_677, %get3A_678] {strides = array<i32>} : memref<128x128xf32, #tpu.memory_space<vmem>>, vector<1x16xf32>,
        %get3A_680 = vector.shape_cast %get3A_679 : vector<1x16xf32> to vector<16xf32>
        %add3A_681 = arith.addf %add3A_625, %get3A_680 : vector<16xf32>
        %add3A_682 = arith.constant 10 : i32
        %add3A_683 = arith.addi %mul3A_104, %add3A_682 : i32
        %get3A_684 = arith.index_cast %add3A_683 : i32 to index
        %get3A_685 = arith.constant 96 : index
        %get3A_686 = tpu.vector_load %arg7[%get3A_684, %get3A_685] {strides = array<i32>} : memref<128x128xf32, #tpu.memory_space<vmem>>, vector<1x16xf32>,
        %get3A_687 = vector.shape_cast %get3A_686 : vector<1x16xf32> to vector<16xf32>
        %add3A_688 = arith.addf %add3A_632, %get3A_687 : vector<16xf32>
        %add3A_689 = arith.constant 10 : i32
        %add3A_690 = arith.addi %mul3A_104, %add3A_689 : i32
        %get3A_691 = arith.index_cast %add3A_690 : i32 to index
        %get3A_692 = arith.constant 112 : index
        %get3A_693 = tpu.vector_load %arg7[%get3A_691, %get3A_692] {strides = array<i32>} : memref<128x128xf32, #tpu.memory_space<vmem>>, vector<1x16xf32>,
        %get3A_694 = vector.shape_cast %get3A_693 : vector<1x16xf32> to vector<16xf32>
        %add3A_695 = arith.addf %add3A_639, %get3A_694 : vector<16xf32>
        %add3A_696 = arith.constant 11 : i32
        %add3A_697 = arith.addi %mul3A_104, %add3A_696 : i32
        %get3A_698 = arith.index_cast %add3A_697 : i32 to index
        %get3A_699 = arith.constant 0 : index
        %get3A_700 = tpu.vector_load %arg7[%get3A_698, %get3A_699] {strides = array<i32>} : memref<128x128xf32, #tpu.memory_space<vmem>>, vector<1x16xf32>,
        %get3A_701 = vector.shape_cast %get3A_700 : vector<1x16xf32> to vector<16xf32>
        %add3A_702 = arith.addf %add3A_646, %get3A_701 : vector<16xf32>
        %add3A_703 = arith.constant 11 : i32
        %add3A_704 = arith.addi %mul3A_104, %add3A_703 : i32
        %get3A_705 = arith.index_cast %add3A_704 : i32 to index
        %get3A_706 = arith.constant 16 : index
        %get3A_707 = tpu.vector_load %arg7[%get3A_705, %get3A_706] {strides = array<i32>} : memref<128x128xf32, #tpu.memory_space<vmem>>, vector<1x16xf32>,
        %get3A_708 = vector.shape_cast %get3A_707 : vector<1x16xf32> to vector<16xf32>
        %add3A_709 = arith.addf %add3A_653, %get3A_708 : vector<16xf32>
        %add3A_710 = arith.constant 11 : i32
        %add3A_711 = arith.addi %mul3A_104, %add3A_710 : i32
        %get3A_712 = arith.index_cast %add3A_711 : i32 to index
        %get3A_713 = arith.constant 32 : index
        %get3A_714 = tpu.vector_load %arg7[%get3A_712, %get3A_713] {strides = array<i32>} : memref<128x128xf32, #tpu.memory_space<vmem>>, vector<1x16xf32>,
        %get3A_715 = vector.shape_cast %get3A_714 : vector<1x16xf32> to vector<16xf32>
        %add3A_716 = arith.addf %add3A_660, %get3A_715 : vector<16xf32>
        %add3A_717 = arith.constant 11 : i32
        %add3A_718 = arith.addi %mul3A_104, %add3A_717 : i32
        %get3A_719 = arith.index_cast %add3A_718 : i32 to index
        %get3A_720 = arith.constant 48 : index
        %get3A_721 = tpu.vector_load %arg7[%get3A_719, %get3A_720] {strides = array<i32>} : memref<128x128xf32, #tpu.memory_space<vmem>>, vector<1x16xf32>,
        %get3A_722 = vector.shape_cast %get3A_721 : vector<1x16xf32> to vector<16xf32>
        %add3A_723 = arith.addf %add3A_667, %get3A_722 : vector<16xf32>
        %add3A_724 = arith.constant 11 : i32
        %add3A_725 = arith.addi %mul3A_104, %add3A_724 : i32
        %get3A_726 = arith.index_cast %add3A_725 : i32 to index
        %get3A_727 = arith.constant 64 : index
        %get3A_728 = tpu.vector_load %arg7[%get3A_726, %get3A_727] {strides = array<i32>} : memref<128x128xf32, #tpu.memory_space<vmem>>, vector<1x16xf32>,
        %get3A_729 = vector.shape_cast %get3A_728 : vector<1x16xf32> to vector<16xf32>
        %add3A_730 = arith.addf %add3A_674, %get3A_729 : vector<16xf32>
        %add3A_731 = arith.constant 11 : i32
        %add3A_732 = arith.addi %mul3A_104, %add3A_731 : i32
        %get3A_733 = arith.index_cast %add3A_732 : i32 to index
        %get3A_734 = arith.constant 80 : index
        %get3A_735 = tpu.vector_load %arg7[%get3A_733, %get3A_734] {strides = array<i32>} : memref<128x128xf32, #tpu.memory_space<vmem>>, vector<1x16xf32>,
        %get3A_736 = vector.shape_cast %get3A_735 : vector<1x16xf32> to vector<16xf32>
        %add3A_737 = arith.addf %add3A_681, %get3A_736 : vector<16xf32>
        %add3A_738 = arith.constant 11 : i32
        %add3A_739 = arith.addi %mul3A_104, %add3A_738 : i32
        %get3A_740 = arith.index_cast %add3A_739 : i32 to index
        %get3A_741 = arith.constant 96 : index
        %get3A_742 = tpu.vector_load %arg7[%get3A_740, %get3A_741] {strides = array<i32>} : memref<128x128xf32, #tpu.memory_space<vmem>>, vector<1x16xf32>,
        %get3A_743 = vector.shape_cast %get3A_742 : vector<1x16xf32> to vector<16xf32>
        %add3A_744 = arith.addf %add3A_688, %get3A_743 : vector<16xf32>
        %add3A_745 = arith.constant 11 : i32
        %add3A_746 = arith.addi %mul3A_104, %add3A_745 : i32
        %get3A_747 = arith.index_cast %add3A_746 : i32 to index
        %get3A_748 = arith.constant 112 : index
        %get3A_749 = tpu.vector_load %arg7[%get3A_747, %get3A_748] {strides = array<i32>} : memref<128x128xf32, #tpu.memory_space<vmem>>, vector<1x16xf32>,
        %get3A_750 = vector.shape_cast %get3A_749 : vector<1x16xf32> to vector<16xf32>
        %add3A_751 = arith.addf %add3A_695, %get3A_750 : vector<16xf32>
        %add3A_752 = arith.constant 12 : i32
        %add3A_753 = arith.addi %mul3A_104, %add3A_752 : i32
        %get3A_754 = arith.index_cast %add3A_753 : i32 to index
        %get3A_755 = arith.constant 0 : index
        %get3A_756 = tpu.vector_load %arg7[%get3A_754, %get3A_755] {strides = array<i32>} : memref<128x128xf32, #tpu.memory_space<vmem>>, vector<1x16xf32>,
        %get3A_757 = vector.shape_cast %get3A_756 : vector<1x16xf32> to vector<16xf32>
        %add3A_758 = arith.addf %add3A_702, %get3A_757 : vector<16xf32>
        %add3A_759 = arith.constant 12 : i32
        %add3A_760 = arith.addi %mul3A_104, %add3A_759 : i32
        %get3A_761 = arith.index_cast %add3A_760 : i32 to index
        %get3A_762 = arith.constant 16 : index
        %get3A_763 = tpu.vector_load %arg7[%get3A_761, %get3A_762] {strides = array<i32>} : memref<128x128xf32, #tpu.memory_space<vmem>>, vector<1x16xf32>,
        %get3A_764 = vector.shape_cast %get3A_763 : vector<1x16xf32> to vector<16xf32>
        %add3A_765 = arith.addf %add3A_709, %get3A_764 : vector<16xf32>
        %add3A_766 = arith.constant 12 : i32
        %add3A_767 = arith.addi %mul3A_104, %add3A_766 : i32
        %get3A_768 = arith.index_cast %add3A_767 : i32 to index
        %get3A_769 = arith.constant 32 : index
        %get3A_770 = tpu.vector_load %arg7[%get3A_768, %get3A_769] {strides = array<i32>} : memref<128x128xf32, #tpu.memory_space<vmem>>, vector<1x16xf32>,
        %get3A_771 = vector.shape_cast %get3A_770 : vector<1x16xf32> to vector<16xf32>
        %add3A_772 = arith.addf %add3A_716, %get3A_771 : vector<16xf32>
        %add3A_773 = arith.constant 12 : i32
        %add3A_774 = arith.addi %mul3A_104, %add3A_773 : i32
        %get3A_775 = arith.index_cast %add3A_774 : i32 to index
        %get3A_776 = arith.constant 48 : index
        %get3A_777 = tpu.vector_load %arg7[%get3A_775, %get3A_776] {strides = array<i32>} : memref<128x128xf32, #tpu.memory_space<vmem>>, vector<1x16xf32>,
        %get3A_778 = vector.shape_cast %get3A_777 : vector<1x16xf32> to vector<16xf32>
        %add3A_779 = arith.addf %add3A_723, %get3A_778 : vector<16xf32>
        %add3A_780 = arith.constant 12 : i32
        %add3A_781 = arith.addi %mul3A_104, %add3A_780 : i32
        %get3A_782 = arith.index_cast %add3A_781 : i32 to index
        %get3A_783 = arith.constant 64 : index
        %get3A_784 = tpu.vector_load %arg7[%get3A_782, %get3A_783] {strides = array<i32>} : memref<128x128xf32, #tpu.memory_space<vmem>>, vector<1x16xf32>,
        %get3A_785 = vector.shape_cast %get3A_784 : vector<1x16xf32> to vector<16xf32>
        %add3A_786 = arith.addf %add3A_730, %get3A_785 : vector<16xf32>
        %add3A_787 = arith.constant 12 : i32
        %add3A_788 = arith.addi %mul3A_104, %add3A_787 : i32
        %get3A_789 = arith.index_cast %add3A_788 : i32 to index
        %get3A_790 = arith.constant 80 : index
        %get3A_791 = tpu.vector_load %arg7[%get3A_789, %get3A_790] {strides = array<i32>} : memref<128x128xf32, #tpu.memory_space<vmem>>, vector<1x16xf32>,
        %get3A_792 = vector.shape_cast %get3A_791 : vector<1x16xf32> to vector<16xf32>
        %add3A_793 = arith.addf %add3A_737, %get3A_792 : vector<16xf32>
        %add3A_794 = arith.constant 12 : i32
        %add3A_795 = arith.addi %mul3A_104, %add3A_794 : i32
        %get3A_796 = arith.index_cast %add3A_795 : i32 to index
        %get3A_797 = arith.constant 96 : index
        %get3A_798 = tpu.vector_load %arg7[%get3A_796, %get3A_797] {strides = array<i32>} : memref<128x128xf32, #tpu.memory_space<vmem>>, vector<1x16xf32>,
        %get3A_799 = vector.shape_cast %get3A_798 : vector<1x16xf32> to vector<16xf32>
        %add3A_800 = arith.addf %add3A_744, %get3A_799 : vector<16xf32>
        %add3A_801 = arith.constant 12 : i32
        %add3A_802 = arith.addi %mul3A_104, %add3A_801 : i32
        %get3A_803 = arith.index_cast %add3A_802 : i32 to index
        %get3A_804 = arith.constant 112 : index
        %get3A_805 = tpu.vector_load %arg7[%get3A_803, %get3A_804] {strides = array<i32>} : memref<128x128xf32, #tpu.memory_space<vmem>>, vector<1x16xf32>,
        %get3A_806 = vector.shape_cast %get3A_805 : vector<1x16xf32> to vector<16xf32>
        %add3A_807 = arith.addf %add3A_751, %get3A_806 : vector<16xf32>
        %add3A_808 = arith.constant 13 : i32
        %add3A_809 = arith.addi %mul3A_104, %add3A_808 : i32
        %get3A_810 = arith.index_cast %add3A_809 : i32 to index
        %get3A_811 = arith.constant 0 : index
        %get3A_812 = tpu.vector_load %arg7[%get3A_810, %get3A_811] {strides = array<i32>} : memref<128x128xf32, #tpu.memory_space<vmem>>, vector<1x16xf32>,
        %get3A_813 = vector.shape_cast %get3A_812 : vector<1x16xf32> to vector<16xf32>
        %add3A_814 = arith.addf %add3A_758, %get3A_813 : vector<16xf32>
        %add3A_815 = arith.constant 13 : i32
        %add3A_816 = arith.addi %mul3A_104, %add3A_815 : i32
        %get3A_817 = arith.index_cast %add3A_816 : i32 to index
        %get3A_818 = arith.constant 16 : index
        %get3A_819 = tpu.vector_load %arg7[%get3A_817, %get3A_818] {strides = array<i32>} : memref<128x128xf32, #tpu.memory_space<vmem>>, vector<1x16xf32>,
        %get3A_820 = vector.shape_cast %get3A_819 : vector<1x16xf32> to vector<16xf32>
        %add3A_821 = arith.addf %add3A_765, %get3A_820 : vector<16xf32>
        %add3A_822 = arith.constant 13 : i32
        %add3A_823 = arith.addi %mul3A_104, %add3A_822 : i32
        %get3A_824 = arith.index_cast %add3A_823 : i32 to index
        %get3A_825 = arith.constant 32 : index
        %get3A_826 = tpu.vector_load %arg7[%get3A_824, %get3A_825] {strides = array<i32>} : memref<128x128xf32, #tpu.memory_space<vmem>>, vector<1x16xf32>,
        %get3A_827 = vector.shape_cast %get3A_826 : vector<1x16xf32> to vector<16xf32>
        %add3A_828 = arith.addf %add3A_772, %get3A_827 : vector<16xf32>
        %add3A_829 = arith.constant 13 : i32
        %add3A_830 = arith.addi %mul3A_104, %add3A_829 : i32
        %get3A_831 = arith.index_cast %add3A_830 : i32 to index
        %get3A_832 = arith.constant 48 : index
        %get3A_833 = tpu.vector_load %arg7[%get3A_831, %get3A_832] {strides = array<i32>} : memref<128x128xf32, #tpu.memory_space<vmem>>, vector<1x16xf32>,
        %get3A_834 = vector.shape_cast %get3A_833 : vector<1x16xf32> to vector<16xf32>
        %add3A_835 = arith.addf %add3A_779, %get3A_834 : vector<16xf32>
        %add3A_836 = arith.constant 13 : i32
        %add3A_837 = arith.addi %mul3A_104, %add3A_836 : i32
        %get3A_838 = arith.index_cast %add3A_837 : i32 to index
        %get3A_839 = arith.constant 64 : index
        %get3A_840 = tpu.vector_load %arg7[%get3A_838, %get3A_839] {strides = array<i32>} : memref<128x128xf32, #tpu.memory_space<vmem>>, vector<1x16xf32>,
        %get3A_841 = vector.shape_cast %get3A_840 : vector<1x16xf32> to vector<16xf32>
        %add3A_842 = arith.addf %add3A_786, %get3A_841 : vector<16xf32>
        %add3A_843 = arith.constant 13 : i32
        %add3A_844 = arith.addi %mul3A_104, %add3A_843 : i32
        %get3A_845 = arith.index_cast %add3A_844 : i32 to index
        %get3A_846 = arith.constant 80 : index
        %get3A_847 = tpu.vector_load %arg7[%get3A_845, %get3A_846] {strides = array<i32>} : memref<128x128xf32, #tpu.memory_space<vmem>>, vector<1x16xf32>,
        %get3A_848 = vector.shape_cast %get3A_847 : vector<1x16xf32> to vector<16xf32>
        %add3A_849 = arith.addf %add3A_793, %get3A_848 : vector<16xf32>
        %add3A_850 = arith.constant 13 : i32
        %add3A_851 = arith.addi %mul3A_104, %add3A_850 : i32
        %get3A_852 = arith.index_cast %add3A_851 : i32 to index
        %get3A_853 = arith.constant 96 : index
        %get3A_854 = tpu.vector_load %arg7[%get3A_852, %get3A_853] {strides = array<i32>} : memref<128x128xf32, #tpu.memory_space<vmem>>, vector<1x16xf32>,
        %get3A_855 = vector.shape_cast %get3A_854 : vector<1x16xf32> to vector<16xf32>
        %add3A_856 = arith.addf %add3A_800, %get3A_855 : vector<16xf32>
        %add3A_857 = arith.constant 13 : i32
        %add3A_858 = arith.addi %mul3A_104, %add3A_857 : i32
        %get3A_859 = arith.index_cast %add3A_858 : i32 to index
        %get3A_860 = arith.constant 112 : index
        %get3A_861 = tpu.vector_load %arg7[%get3A_859, %get3A_860] {strides = array<i32>} : memref<128x128xf32, #tpu.memory_space<vmem>>, vector<1x16xf32>,
        %get3A_862 = vector.shape_cast %get3A_861 : vector<1x16xf32> to vector<16xf32>
        %add3A_863 = arith.addf %add3A_807, %get3A_862 : vector<16xf32>
        %add3A_864 = arith.constant 14 : i32
        %add3A_865 = arith.addi %mul3A_104, %add3A_864 : i32
        %get3A_866 = arith.index_cast %add3A_865 : i32 to index
        %get3A_867 = arith.constant 0 : index
        %get3A_868 = tpu.vector_load %arg7[%get3A_866, %get3A_867] {strides = array<i32>} : memref<128x128xf32, #tpu.memory_space<vmem>>, vector<1x16xf32>,
        %get3A_869 = vector.shape_cast %get3A_868 : vector<1x16xf32> to vector<16xf32>
        %add3A_870 = arith.addf %add3A_814, %get3A_869 : vector<16xf32>
        %add3A_871 = arith.constant 14 : i32
        %add3A_872 = arith.addi %mul3A_104, %add3A_871 : i32
        %get3A_873 = arith.index_cast %add3A_872 : i32 to index
        %get3A_874 = arith.constant 16 : index
        %get3A_875 = tpu.vector_load %arg7[%get3A_873, %get3A_874] {strides = array<i32>} : memref<128x128xf32, #tpu.memory_space<vmem>>, vector<1x16xf32>,
        %get3A_876 = vector.shape_cast %get3A_875 : vector<1x16xf32> to vector<16xf32>
        %add3A_877 = arith.addf %add3A_821, %get3A_876 : vector<16xf32>
        %add3A_878 = arith.constant 14 : i32
        %add3A_879 = arith.addi %mul3A_104, %add3A_878 : i32
        %get3A_880 = arith.index_cast %add3A_879 : i32 to index
        %get3A_881 = arith.constant 32 : index
        %get3A_882 = tpu.vector_load %arg7[%get3A_880, %get3A_881] {strides = array<i32>} : memref<128x128xf32, #tpu.memory_space<vmem>>, vector<1x16xf32>,
        %get3A_883 = vector.shape_cast %get3A_882 : vector<1x16xf32> to vector<16xf32>
        %add3A_884 = arith.addf %add3A_828, %get3A_883 : vector<16xf32>
        %add3A_885 = arith.constant 14 : i32
        %add3A_886 = arith.addi %mul3A_104, %add3A_885 : i32
        %get3A_887 = arith.index_cast %add3A_886 : i32 to index
        %get3A_888 = arith.constant 48 : index
        %get3A_889 = tpu.vector_load %arg7[%get3A_887, %get3A_888] {strides = array<i32>} : memref<128x128xf32, #tpu.memory_space<vmem>>, vector<1x16xf32>,
        %get3A_890 = vector.shape_cast %get3A_889 : vector<1x16xf32> to vector<16xf32>
        %add3A_891 = arith.addf %add3A_835, %get3A_890 : vector<16xf32>
        %add3A_892 = arith.constant 14 : i32
        %add3A_893 = arith.addi %mul3A_104, %add3A_892 : i32
        %get3A_894 = arith.index_cast %add3A_893 : i32 to index
        %get3A_895 = arith.constant 64 : index
        %get3A_896 = tpu.vector_load %arg7[%get3A_894, %get3A_895] {strides = array<i32>} : memref<128x128xf32, #tpu.memory_space<vmem>>, vector<1x16xf32>,
        %get3A_897 = vector.shape_cast %get3A_896 : vector<1x16xf32> to vector<16xf32>
        %add3A_898 = arith.addf %add3A_842, %get3A_897 : vector<16xf32>
        %add3A_899 = arith.constant 14 : i32
        %add3A_900 = arith.addi %mul3A_104, %add3A_899 : i32
        %get3A_901 = arith.index_cast %add3A_900 : i32 to index
        %get3A_902 = arith.constant 80 : index
        %get3A_903 = tpu.vector_load %arg7[%get3A_901, %get3A_902] {strides = array<i32>} : memref<128x128xf32, #tpu.memory_space<vmem>>, vector<1x16xf32>,
        %get3A_904 = vector.shape_cast %get3A_903 : vector<1x16xf32> to vector<16xf32>
        %add3A_905 = arith.addf %add3A_849, %get3A_904 : vector<16xf32>
        %add3A_906 = arith.constant 14 : i32
        %add3A_907 = arith.addi %mul3A_104, %add3A_906 : i32
        %get3A_908 = arith.index_cast %add3A_907 : i32 to index
        %get3A_909 = arith.constant 96 : index
        %get3A_910 = tpu.vector_load %arg7[%get3A_908, %get3A_909] {strides = array<i32>} : memref<128x128xf32, #tpu.memory_space<vmem>>, vector<1x16xf32>,
        %get3A_911 = vector.shape_cast %get3A_910 : vector<1x16xf32> to vector<16xf32>
        %add3A_912 = arith.addf %add3A_856, %get3A_911 : vector<16xf32>
        %add3A_913 = arith.constant 14 : i32
        %add3A_914 = arith.addi %mul3A_104, %add3A_913 : i32
        %get3A_915 = arith.index_cast %add3A_914 : i32 to index
        %get3A_916 = arith.constant 112 : index
        %get3A_917 = tpu.vector_load %arg7[%get3A_915, %get3A_916] {strides = array<i32>} : memref<128x128xf32, #tpu.memory_space<vmem>>, vector<1x16xf32>,
        %get3A_918 = vector.shape_cast %get3A_917 : vector<1x16xf32> to vector<16xf32>
        %add3A_919 = arith.addf %add3A_863, %get3A_918 : vector<16xf32>
        %add3A_920 = arith.constant 15 : i32
        %add3A_921 = arith.addi %mul3A_104, %add3A_920 : i32
        %get3A_922 = arith.index_cast %add3A_921 : i32 to index
        %get3A_923 = arith.constant 0 : index
        %get3A_924 = tpu.vector_load %arg7[%get3A_922, %get3A_923] {strides = array<i32>} : memref<128x128xf32, #tpu.memory_space<vmem>>, vector<1x16xf32>,
        %get3A_925 = vector.shape_cast %get3A_924 : vector<1x16xf32> to vector<16xf32>
        %add3A_926 = arith.addf %add3A_870, %get3A_925 : vector<16xf32>
        %add3A_927 = arith.constant 15 : i32
        %add3A_928 = arith.addi %mul3A_104, %add3A_927 : i32
        %get3A_929 = arith.index_cast %add3A_928 : i32 to index
        %get3A_930 = arith.constant 16 : index
        %get3A_931 = tpu.vector_load %arg7[%get3A_929, %get3A_930] {strides = array<i32>} : memref<128x128xf32, #tpu.memory_space<vmem>>, vector<1x16xf32>,
        %get3A_932 = vector.shape_cast %get3A_931 : vector<1x16xf32> to vector<16xf32>
        %add3A_933 = arith.addf %add3A_877, %get3A_932 : vector<16xf32>
        %add3A_934 = arith.constant 15 : i32
        %add3A_935 = arith.addi %mul3A_104, %add3A_934 : i32
        %get3A_936 = arith.index_cast %add3A_935 : i32 to index
        %get3A_937 = arith.constant 32 : index
        %get3A_938 = tpu.vector_load %arg7[%get3A_936, %get3A_937] {strides = array<i32>} : memref<128x128xf32, #tpu.memory_space<vmem>>, vector<1x16xf32>,
        %get3A_939 = vector.shape_cast %get3A_938 : vector<1x16xf32> to vector<16xf32>
        %add3A_940 = arith.addf %add3A_884, %get3A_939 : vector<16xf32>
        %add3A_941 = arith.constant 15 : i32
        %add3A_942 = arith.addi %mul3A_104, %add3A_941 : i32
        %get3A_943 = arith.index_cast %add3A_942 : i32 to index
        %get3A_944 = arith.constant 48 : index
        %get3A_945 = tpu.vector_load %arg7[%get3A_943, %get3A_944] {strides = array<i32>} : memref<128x128xf32, #tpu.memory_space<vmem>>, vector<1x16xf32>,
        %get3A_946 = vector.shape_cast %get3A_945 : vector<1x16xf32> to vector<16xf32>
        %add3A_947 = arith.addf %add3A_891, %get3A_946 : vector<16xf32>
        %add3A_948 = arith.constant 15 : i32
        %add3A_949 = arith.addi %mul3A_104, %add3A_948 : i32
        %get3A_950 = arith.index_cast %add3A_949 : i32 to index
        %get3A_951 = arith.constant 64 : index
        %get3A_952 = tpu.vector_load %arg7[%get3A_950, %get3A_951] {strides = array<i32>} : memref<128x128xf32, #tpu.memory_space<vmem>>, vector<1x16xf32>,
        %get3A_953 = vector.shape_cast %get3A_952 : vector<1x16xf32> to vector<16xf32>
        %add3A_954 = arith.addf %add3A_898, %get3A_953 : vector<16xf32>
        %add3A_955 = arith.constant 15 : i32
        %add3A_956 = arith.addi %mul3A_104, %add3A_955 : i32
        %get3A_957 = arith.index_cast %add3A_956 : i32 to index
        %get3A_958 = arith.constant 80 : index
        %get3A_959 = tpu.vector_load %arg7[%get3A_957, %get3A_958] {strides = array<i32>} : memref<128x128xf32, #tpu.memory_space<vmem>>, vector<1x16xf32>,
        %get3A_960 = vector.shape_cast %get3A_959 : vector<1x16xf32> to vector<16xf32>
        %add3A_961 = arith.addf %add3A_905, %get3A_960 : vector<16xf32>
        %add3A_962 = arith.constant 15 : i32
        %add3A_963 = arith.addi %mul3A_104, %add3A_962 : i32
        %get3A_964 = arith.index_cast %add3A_963 : i32 to index
        %get3A_965 = arith.constant 96 : index
        %get3A_966 = tpu.vector_load %arg7[%get3A_964, %get3A_965] {strides = array<i32>} : memref<128x128xf32, #tpu.memory_space<vmem>>, vector<1x16xf32>,
        %get3A_967 = vector.shape_cast %get3A_966 : vector<1x16xf32> to vector<16xf32>
        %add3A_968 = arith.addf %add3A_912, %get3A_967 : vector<16xf32>
        %add3A_969 = arith.constant 15 : i32
        %add3A_970 = arith.addi %mul3A_104, %add3A_969 : i32
        %get3A_971 = arith.index_cast %add3A_970 : i32 to index
        %get3A_972 = arith.constant 112 : index
        %get3A_973 = tpu.vector_load %arg7[%get3A_971, %get3A_972] {strides = array<i32>} : memref<128x128xf32, #tpu.memory_space<vmem>>, vector<1x16xf32>,
        %get3A_974 = vector.shape_cast %get3A_973 : vector<1x16xf32> to vector<16xf32>
        %add3A_975 = arith.addf %add3A_919, %get3A_974 : vector<16xf32>
        %swap3A = arith.index_cast %scan3A_102 : i32 to index
        %swap3A_976 = arith.constant 0 : index
        %swap3A_977 = tpu.vector_load %arg9[%swap3A, %swap3A_976] {strides = array<i32>} : memref<8x128xf32, #tpu.memory_space<vmem>>, vector<1x16xf32>,
        %swap3A_978 = vector.shape_cast %swap3A_977 : vector<1x16xf32> to vector<16xf32>
        %swap3A_979 = vector.shape_cast %add3A_926 : vector<16xf32> to vector<1x16xf32>
        tpu.vector_store %arg9[%swap3A, %swap3A_976], %swap3A_979 {strides = array<i32>} : memref<8x128xf32, #tpu.memory_space<vmem>>, vector<1x16xf32>,
        %swap3A_980 = arith.index_cast %scan3A_102 : i32 to index
        %swap3A_981 = arith.constant 16 : index
        %swap3A_982 = tpu.vector_load %arg9[%swap3A_980, %swap3A_981] {strides = array<i32>} : memref<8x128xf32, #tpu.memory_space<vmem>>, vector<1x16xf32>,
        %swap3A_983 = vector.shape_cast %swap3A_982 : vector<1x16xf32> to vector<16xf32>
        %swap3A_984 = vector.shape_cast %add3A_933 : vector<16xf32> to vector<1x16xf32>
        tpu.vector_store %arg9[%swap3A_980, %swap3A_981], %swap3A_984 {strides = array<i32>} : memref<8x128xf32, #tpu.memory_space<vmem>>, vector<1x16xf32>,
        %swap3A_985 = arith.index_cast %scan3A_102 : i32 to index
        %swap3A_986 = arith.constant 32 : index
        %swap3A_987 = tpu.vector_load %arg9[%swap3A_985, %swap3A_986] {strides = array<i32>} : memref<8x128xf32, #tpu.memory_space<vmem>>, vector<1x16xf32>,
        %swap3A_988 = vector.shape_cast %swap3A_987 : vector<1x16xf32> to vector<16xf32>
        %swap3A_989 = vector.shape_cast %add3A_940 : vector<16xf32> to vector<1x16xf32>
        tpu.vector_store %arg9[%swap3A_985, %swap3A_986], %swap3A_989 {strides = array<i32>} : memref<8x128xf32, #tpu.memory_space<vmem>>, vector<1x16xf32>,
        %swap3A_990 = arith.index_cast %scan3A_102 : i32 to index
        %swap3A_991 = arith.constant 48 : index
        %swap3A_992 = tpu.vector_load %arg9[%swap3A_990, %swap3A_991] {strides = array<i32>} : memref<8x128xf32, #tpu.memory_space<vmem>>, vector<1x16xf32>,
        %swap3A_993 = vector.shape_cast %swap3A_992 : vector<1x16xf32> to vector<16xf32>
        %swap3A_994 = vector.shape_cast %add3A_947 : vector<16xf32> to vector<1x16xf32>
        tpu.vector_store %arg9[%swap3A_990, %swap3A_991], %swap3A_994 {strides = array<i32>} : memref<8x128xf32, #tpu.memory_space<vmem>>, vector<1x16xf32>,
        %swap3A_995 = arith.index_cast %scan3A_102 : i32 to index
        %swap3A_996 = arith.constant 64 : index
        %swap3A_997 = tpu.vector_load %arg9[%swap3A_995, %swap3A_996] {strides = array<i32>} : memref<8x128xf32, #tpu.memory_space<vmem>>, vector<1x16xf32>,
        %swap3A_998 = vector.shape_cast %swap3A_997 : vector<1x16xf32> to vector<16xf32>
        %swap3A_999 = vector.shape_cast %add3A_954 : vector<16xf32> to vector<1x16xf32>
        tpu.vector_store %arg9[%swap3A_995, %swap3A_996], %swap3A_999 {strides = array<i32>} : memref<8x128xf32, #tpu.memory_space<vmem>>, vector<1x16xf32>,
        %swap3A_1000 = arith.index_cast %scan3A_102 : i32 to index
        %swap3A_1001 = arith.constant 80 : index
        %swap3A_1002 = tpu.vector_load %arg9[%swap3A_1000, %swap3A_1001] {strides = array<i32>} : memref<8x128xf32, #tpu.memory_space<vmem>>, vector<1x16xf32>,
        %swap3A_1003 = vector.shape_cast %swap3A_1002 : vector<1x16xf32> to vector<16xf32>
        %swap3A_1004 = vector.shape_cast %add3A_961 : vector<16xf32> to vector<1x16xf32>
        tpu.vector_store %arg9[%swap3A_1000, %swap3A_1001], %swap3A_1004 {strides = array<i32>} : memref<8x128xf32, #tpu.memory_space<vmem>>, vector<1x16xf32>,
        %swap3A_1005 = arith.index_cast %scan3A_102 : i32 to index
        %swap3A_1006 = arith.constant 96 : index
        %swap3A_1007 = tpu.vector_load %arg9[%swap3A_1005, %swap3A_1006] {strides = array<i32>} : memref<8x128xf32, #tpu.memory_space<vmem>>, vector<1x16xf32>,
        %swap3A_1008 = vector.shape_cast %swap3A_1007 : vector<1x16xf32> to vector<16xf32>
        %swap3A_1009 = vector.shape_cast %add3A_968 : vector<16xf32> to vector<1x16xf32>
        tpu.vector_store %arg9[%swap3A_1005, %swap3A_1006], %swap3A_1009 {strides = array<i32>} : memref<8x128xf32, #tpu.memory_space<vmem>>, vector<1x16xf32>,
        %swap3A_1010 = arith.index_cast %scan3A_102 : i32 to index
        %swap3A_1011 = arith.constant 112 : index
        %swap3A_1012 = tpu.vector_load %arg9[%swap3A_1010, %swap3A_1011] {strides = array<i32>} : memref<8x128xf32, #tpu.memory_space<vmem>>, vector<1x16xf32>,
        %swap3A_1013 = vector.shape_cast %swap3A_1012 : vector<1x16xf32> to vector<16xf32>
        %swap3A_1014 = vector.shape_cast %add3A_975 : vector<16xf32> to vector<1x16xf32>
        tpu.vector_store %arg9[%swap3A_1010, %swap3A_1011], %swap3A_1014 {strides = array<i32>} : memref<8x128xf32, #tpu.memory_space<vmem>>, vector<1x16xf32>,
      }
      %scan3A_57 = arith.constant 8 : i32
      %mul3A_58 = arith.constant 8 : i32
      %mul3A_59 = arith.muli %add3A_35, %mul3A_58 : i32
      %add3A_60 = arith.addi %mul3A_2, %mul3A_59 : i32
      %dma_start3A_61 = arith.constant 0 : i32
      %dma_start3A_62 = tpu.memref_slice %arg4[%add3A_60, %dma_start3A_61] : memref<16384x128xf32, #tpu.memory_space<hbm>> -> memref<8x128xf32, #tpu.memory_space<hbm>>
      %dma_start3A_63 = arith.constant 0 : i32
      %dma_start3A_64 = tpu.memref_slice %arg4[%add3A_60, %dma_start3A_63] : memref<16384x128xf32, #tpu.memory_space<hbm>> -> memref<8x128xf32, #tpu.memory_space<hbm>>
      tpu.enqueue_dma source(%arg9 : memref<8x128xf32, #tpu.memory_space<vmem>>) target(%dma_start3A_64 : memref<8x128xf32, #tpu.memory_space<hbm>>) target_semaphore(%arg13 : memref<!tpu.dma_semaphore, #tpu.memory_space<semaphore_mem>>)
      %mul3A_65 = arith.constant 2 : i32
      %mul3A_66 = arith.muli %scan3A_31, %mul3A_65 : i32
      %add3A_67 = arith.constant 1 : i32
      %add3A_68 = arith.addi %mul3A_66, %add3A_67 : i32
      %add3A_69 = arith.constant 1 : i32
      %add3A_70 = arith.addi %add3A_68, %add3A_69 : i32
      %lt3A_71 = arith.constant 64 : i32
      %lt3A_72 = arith.cmpi slt, %add3A_70, %lt3A_71 : i32
      %convert_element_type3A_73 = arith.extui %lt3A_72 : i1 to i32
      %cond3A_74 = arith.constant 0 : i32
      %cond3A_75 = arith.cmpi ne, %convert_element_type3A_73, %cond3A_74 : i32
      scf.if %cond3A_75 {
        %add3A_102 = arith.constant 1 : i32
        %add3A_103 = arith.addi %add3A_68, %add3A_102 : i32
        %mul3A_104 = arith.constant 8 : i32
        %mul3A_105 = arith.muli %add3A_103, %mul3A_104 : i32
        %mul3A_106 = arith.constant 16 : i32
        %mul3A_107 = arith.muli %mul3A_105, %mul3A_106 : i32
        %dma_start3A_108 = tpu.memref_slice %arg6[%mul3A_107] : memref<8192xi32, #tpu.memory_space<vmem>> -> memref<128xi32, #tpu.memory_space<vmem>>
        %dma_start3A_109 = arith.constant 0 : i32
        %dma_start3A_110 = arith.constant 0 : i32
        %dma_start3A_111 = tpu.memref_slice %arg5[%dma_start3A_109, %dma_start3A_110] : memref<8192x128xf32, #tpu.memory_space<vmem_shared>> -> memref<8192x128xf32, #tpu.memory_space<vmem_shared>>
        tpu.enqueue_indirect_dma source(%dma_start3A_111 : memref<8192x128xf32, #tpu.memory_space<vmem_shared>>) target(%arg7 : memref<128x128xf32, #tpu.memory_space<vmem>>) offsets(%dma_start3A_108 : memref<128xi32, #tpu.memory_space<vmem>>) semaphore(%arg11 : memref<!tpu.dma_semaphore, #tpu.memory_space<semaphore_mem>>)
      } else {
      }
      %mul3A_76 = arith.constant 8 : i32
      %mul3A_77 = arith.muli %add3A_68, %mul3A_76 : i32
      %mul3A_78 = arith.constant 16 : i32
      %mul3A_79 = arith.muli %mul3A_77, %mul3A_78 : i32
      %dma_wait3A_80 = tpu.memref_slice %arg6[%mul3A_79] : memref<8192xi32, #tpu.memory_space<vmem>> -> memref<128xi32, #tpu.memory_space<vmem>>
      %dma_wait3A_81 = arith.constant 0 : i32
      %dma_wait3A_82 = arith.constant 0 : i32
      %dma_wait3A_83 = tpu.memref_slice %arg5[%dma_wait3A_81, %dma_wait3A_82] : memref<8192x128xf32, #tpu.memory_space<vmem_shared>> -> memref<8192x128xf32, #tpu.memory_space<vmem_shared>>
      tpu.wait_indirect_dma semaphore(%arg12 : memref<!tpu.dma_semaphore, #tpu.memory_space<semaphore_mem>>) src(%dma_wait3A_83 : memref<8192x128xf32, #tpu.memory_space<vmem_shared>>) dst(%arg8 : memref<128x128xf32, #tpu.memory_space<vmem>>)
      %ge3A_84 = arith.constant 2 : i32
      %ge3A_85 = arith.cmpi sge, %add3A_68, %ge3A_84 : i32
      %convert_element_type3A_86 = arith.extui %ge3A_85 : i1 to i32
      %cond3A_87 = arith.constant 0 : i32
      %cond3A_88 = arith.cmpi ne, %convert_element_type3A_86, %cond3A_87 : i32
      scf.if %cond3A_88 {
        %dma_wait3A_102 = arith.constant 0 : i32
        %dma_wait3A_103 = tpu.memref_slice %arg4[%mul3A_2, %dma_wait3A_102] : memref<16384x128xf32, #tpu.memory_space<hbm>> -> memref<8x128xf32, #tpu.memory_space<hbm>>
        %dma_wait3A_104 = arith.constant 0 : i32
        %dma_wait3A_105 = tpu.memref_slice %arg4[%mul3A_2, %dma_wait3A_104] : memref<16384x128xf32, #tpu.memory_space<hbm>> -> memref<8x128xf32, #tpu.memory_space<hbm>>
        tpu.wait_dma2 semaphore(%arg14 : memref<!tpu.dma_semaphore, #tpu.memory_space<semaphore_mem>>) src(%arg10 : memref<8x128xf32, #tpu.memory_space<vmem>>) dst(%dma_wait3A_105 : memref<8x128xf32, #tpu.memory_space<hbm>>)
      } else {
      }
      %scan3A_89 = arith.constant 0 : i32
      %scan3A_90 = arith.constant 0 : i32
      %scan3A_91 = arith.constant 8 : i32
      %scan3A_92 = arith.addi %scan3A_90, %scan3A_91 : i32
      %scan3A_93 = arith.constant 1 : i32
      scf.for %scan3A_102 = %scan3A_90 to %scan3A_92 step %scan3A_93  : i32 {
        %mul3A_103 = arith.constant 16 : i32
        %mul3A_104 = arith.muli %scan3A_102, %mul3A_103 : i32
        %get3A = arith.index_cast %mul3A_104 : i32 to index
        %get3A_105 = arith.constant 0 : index
        %get3A_106 = tpu.vector_load %arg8[%get3A, %get3A_105] {strides = array<i32>} : memref<128x128xf32, #tpu.memory_space<vmem>>, vector<1x16xf32>,
        %get3A_107 = vector.shape_cast %get3A_106 : vector<1x16xf32> to vector<16xf32>
        %get3A_108 = arith.index_cast %mul3A_104 : i32 to index
        %get3A_109 = arith.constant 16 : index
        %get3A_110 = tpu.vector_load %arg8[%get3A_108, %get3A_109] {strides = array<i32>} : memref<128x128xf32, #tpu.memory_space<vmem>>, vector<1x16xf32>,
        %get3A_111 = vector.shape_cast %get3A_110 : vector<1x16xf32> to vector<16xf32>
        %get3A_112 = arith.index_cast %mul3A_104 : i32 to index
        %get3A_113 = arith.constant 32 : index
        %get3A_114 = tpu.vector_load %arg8[%get3A_112, %get3A_113] {strides = array<i32>} : memref<128x128xf32, #tpu.memory_space<vmem>>, vector<1x16xf32>,
        %get3A_115 = vector.shape_cast %get3A_114 : vector<1x16xf32> to vector<16xf32>
        %get3A_116 = arith.index_cast %mul3A_104 : i32 to index
        %get3A_117 = arith.constant 48 : index
        %get3A_118 = tpu.vector_load %arg8[%get3A_116, %get3A_117] {strides = array<i32>} : memref<128x128xf32, #tpu.memory_space<vmem>>, vector<1x16xf32>,
        %get3A_119 = vector.shape_cast %get3A_118 : vector<1x16xf32> to vector<16xf32>
        %get3A_120 = arith.index_cast %mul3A_104 : i32 to index
        %get3A_121 = arith.constant 64 : index
        %get3A_122 = tpu.vector_load %arg8[%get3A_120, %get3A_121] {strides = array<i32>} : memref<128x128xf32, #tpu.memory_space<vmem>>, vector<1x16xf32>,
        %get3A_123 = vector.shape_cast %get3A_122 : vector<1x16xf32> to vector<16xf32>
        %get3A_124 = arith.index_cast %mul3A_104 : i32 to index
        %get3A_125 = arith.constant 80 : index
        %get3A_126 = tpu.vector_load %arg8[%get3A_124, %get3A_125] {strides = array<i32>} : memref<128x128xf32, #tpu.memory_space<vmem>>, vector<1x16xf32>,
        %get3A_127 = vector.shape_cast %get3A_126 : vector<1x16xf32> to vector<16xf32>
        %get3A_128 = arith.index_cast %mul3A_104 : i32 to index
        %get3A_129 = arith.constant 96 : index
        %get3A_130 = tpu.vector_load %arg8[%get3A_128, %get3A_129] {strides = array<i32>} : memref<128x128xf32, #tpu.memory_space<vmem>>, vector<1x16xf32>,
        %get3A_131 = vector.shape_cast %get3A_130 : vector<1x16xf32> to vector<16xf32>
        %get3A_132 = arith.index_cast %mul3A_104 : i32 to index
        %get3A_133 = arith.constant 112 : index
        %get3A_134 = tpu.vector_load %arg8[%get3A_132, %get3A_133] {strides = array<i32>} : memref<128x128xf32, #tpu.memory_space<vmem>>, vector<1x16xf32>,
        %get3A_135 = vector.shape_cast %get3A_134 : vector<1x16xf32> to vector<16xf32>
        %add3A_136 = arith.constant 1 : i32
        %add3A_137 = arith.addi %mul3A_104, %add3A_136 : i32
        %get3A_138 = arith.index_cast %add3A_137 : i32 to index
        %get3A_139 = arith.constant 0 : index
        %get3A_140 = tpu.vector_load %arg8[%get3A_138, %get3A_139] {strides = array<i32>} : memref<128x128xf32, #tpu.memory_space<vmem>>, vector<1x16xf32>,
        %get3A_141 = vector.shape_cast %get3A_140 : vector<1x16xf32> to vector<16xf32>
        %add3A_142 = arith.addf %get3A_107, %get3A_141 : vector<16xf32>
        %add3A_143 = arith.constant 1 : i32
        %add3A_144 = arith.addi %mul3A_104, %add3A_143 : i32
        %get3A_145 = arith.index_cast %add3A_144 : i32 to index
        %get3A_146 = arith.constant 16 : index
        %get3A_147 = tpu.vector_load %arg8[%get3A_145, %get3A_146] {strides = array<i32>} : memref<128x128xf32, #tpu.memory_space<vmem>>, vector<1x16xf32>,
        %get3A_148 = vector.shape_cast %get3A_147 : vector<1x16xf32> to vector<16xf32>
        %add3A_149 = arith.addf %get3A_111, %get3A_148 : vector<16xf32>
        %add3A_150 = arith.constant 1 : i32
        %add3A_151 = arith.addi %mul3A_104, %add3A_150 : i32
        %get3A_152 = arith.index_cast %add3A_151 : i32 to index
        %get3A_153 = arith.constant 32 : index
        %get3A_154 = tpu.vector_load %arg8[%get3A_152, %get3A_153] {strides = array<i32>} : memref<128x128xf32, #tpu.memory_space<vmem>>, vector<1x16xf32>,
        %get3A_155 = vector.shape_cast %get3A_154 : vector<1x16xf32> to vector<16xf32>
        %add3A_156 = arith.addf %get3A_115, %get3A_155 : vector<16xf32>
        %add3A_157 = arith.constant 1 : i32
        %add3A_158 = arith.addi %mul3A_104, %add3A_157 : i32
        %get3A_159 = arith.index_cast %add3A_158 : i32 to index
        %get3A_160 = arith.constant 48 : index
        %get3A_161 = tpu.vector_load %arg8[%get3A_159, %get3A_160] {strides = array<i32>} : memref<128x128xf32, #tpu.memory_space<vmem>>, vector<1x16xf32>,
        %get3A_162 = vector.shape_cast %get3A_161 : vector<1x16xf32> to vector<16xf32>
        %add3A_163 = arith.addf %get3A_119, %get3A_162 : vector<16xf32>
        %add3A_164 = arith.constant 1 : i32
        %add3A_165 = arith.addi %mul3A_104, %add3A_164 : i32
        %get3A_166 = arith.index_cast %add3A_165 : i32 to index
        %get3A_167 = arith.constant 64 : index
        %get3A_168 = tpu.vector_load %arg8[%get3A_166, %get3A_167] {strides = array<i32>} : memref<128x128xf32, #tpu.memory_space<vmem>>, vector<1x16xf32>,
        %get3A_169 = vector.shape_cast %get3A_168 : vector<1x16xf32> to vector<16xf32>
        %add3A_170 = arith.addf %get3A_123, %get3A_169 : vector<16xf32>
        %add3A_171 = arith.constant 1 : i32
        %add3A_172 = arith.addi %mul3A_104, %add3A_171 : i32
        %get3A_173 = arith.index_cast %add3A_172 : i32 to index
        %get3A_174 = arith.constant 80 : index
        %get3A_175 = tpu.vector_load %arg8[%get3A_173, %get3A_174] {strides = array<i32>} : memref<128x128xf32, #tpu.memory_space<vmem>>, vector<1x16xf32>,
        %get3A_176 = vector.shape_cast %get3A_175 : vector<1x16xf32> to vector<16xf32>
        %add3A_177 = arith.addf %get3A_127, %get3A_176 : vector<16xf32>
        %add3A_178 = arith.constant 1 : i32
        %add3A_179 = arith.addi %mul3A_104, %add3A_178 : i32
        %get3A_180 = arith.index_cast %add3A_179 : i32 to index
        %get3A_181 = arith.constant 96 : index
        %get3A_182 = tpu.vector_load %arg8[%get3A_180, %get3A_181] {strides = array<i32>} : memref<128x128xf32, #tpu.memory_space<vmem>>, vector<1x16xf32>,
        %get3A_183 = vector.shape_cast %get3A_182 : vector<1x16xf32> to vector<16xf32>
        %add3A_184 = arith.addf %get3A_131, %get3A_183 : vector<16xf32>
        %add3A_185 = arith.constant 1 : i32
        %add3A_186 = arith.addi %mul3A_104, %add3A_185 : i32
        %get3A_187 = arith.index_cast %add3A_186 : i32 to index
        %get3A_188 = arith.constant 112 : index
        %get3A_189 = tpu.vector_load %arg8[%get3A_187, %get3A_188] {strides = array<i32>} : memref<128x128xf32, #tpu.memory_space<vmem>>, vector<1x16xf32>,
        %get3A_190 = vector.shape_cast %get3A_189 : vector<1x16xf32> to vector<16xf32>
        %add3A_191 = arith.addf %get3A_135, %get3A_190 : vector<16xf32>
        %add3A_192 = arith.constant 2 : i32
        %add3A_193 = arith.addi %mul3A_104, %add3A_192 : i32
        %get3A_194 = arith.index_cast %add3A_193 : i32 to index
        %get3A_195 = arith.constant 0 : index
        %get3A_196 = tpu.vector_load %arg8[%get3A_194, %get3A_195] {strides = array<i32>} : memref<128x128xf32, #tpu.memory_space<vmem>>, vector<1x16xf32>,
        %get3A_197 = vector.shape_cast %get3A_196 : vector<1x16xf32> to vector<16xf32>
        %add3A_198 = arith.addf %add3A_142, %get3A_197 : vector<16xf32>
        %add3A_199 = arith.constant 2 : i32
        %add3A_200 = arith.addi %mul3A_104, %add3A_199 : i32
        %get3A_201 = arith.index_cast %add3A_200 : i32 to index
        %get3A_202 = arith.constant 16 : index
        %get3A_203 = tpu.vector_load %arg8[%get3A_201, %get3A_202] {strides = array<i32>} : memref<128x128xf32, #tpu.memory_space<vmem>>, vector<1x16xf32>,
        %get3A_204 = vector.shape_cast %get3A_203 : vector<1x16xf32> to vector<16xf32>
        %add3A_205 = arith.addf %add3A_149, %get3A_204 : vector<16xf32>
        %add3A_206 = arith.constant 2 : i32
        %add3A_207 = arith.addi %mul3A_104, %add3A_206 : i32
        %get3A_208 = arith.index_cast %add3A_207 : i32 to index
        %get3A_209 = arith.constant 32 : index
        %get3A_210 = tpu.vector_load %arg8[%get3A_208, %get3A_209] {strides = array<i32>} : memref<128x128xf32, #tpu.memory_space<vmem>>, vector<1x16xf32>,
        %get3A_211 = vector.shape_cast %get3A_210 : vector<1x16xf32> to vector<16xf32>
        %add3A_212 = arith.addf %add3A_156, %get3A_211 : vector<16xf32>
        %add3A_213 = arith.constant 2 : i32
        %add3A_214 = arith.addi %mul3A_104, %add3A_213 : i32
        %get3A_215 = arith.index_cast %add3A_214 : i32 to index
        %get3A_216 = arith.constant 48 : index
        %get3A_217 = tpu.vector_load %arg8[%get3A_215, %get3A_216] {strides = array<i32>} : memref<128x128xf32, #tpu.memory_space<vmem>>, vector<1x16xf32>,
        %get3A_218 = vector.shape_cast %get3A_217 : vector<1x16xf32> to vector<16xf32>
        %add3A_219 = arith.addf %add3A_163, %get3A_218 : vector<16xf32>
        %add3A_220 = arith.constant 2 : i32
        %add3A_221 = arith.addi %mul3A_104, %add3A_220 : i32
        %get3A_222 = arith.index_cast %add3A_221 : i32 to index
        %get3A_223 = arith.constant 64 : index
        %get3A_224 = tpu.vector_load %arg8[%get3A_222, %get3A_223] {strides = array<i32>} : memref<128x128xf32, #tpu.memory_space<vmem>>, vector<1x16xf32>,
        %get3A_225 = vector.shape_cast %get3A_224 : vector<1x16xf32> to vector<16xf32>
        %add3A_226 = arith.addf %add3A_170, %get3A_225 : vector<16xf32>
        %add3A_227 = arith.constant 2 : i32
        %add3A_228 = arith.addi %mul3A_104, %add3A_227 : i32
        %get3A_229 = arith.index_cast %add3A_228 : i32 to index
        %get3A_230 = arith.constant 80 : index
        %get3A_231 = tpu.vector_load %arg8[%get3A_229, %get3A_230] {strides = array<i32>} : memref<128x128xf32, #tpu.memory_space<vmem>>, vector<1x16xf32>,
        %get3A_232 = vector.shape_cast %get3A_231 : vector<1x16xf32> to vector<16xf32>
        %add3A_233 = arith.addf %add3A_177, %get3A_232 : vector<16xf32>
        %add3A_234 = arith.constant 2 : i32
        %add3A_235 = arith.addi %mul3A_104, %add3A_234 : i32
        %get3A_236 = arith.index_cast %add3A_235 : i32 to index
        %get3A_237 = arith.constant 96 : index
        %get3A_238 = tpu.vector_load %arg8[%get3A_236, %get3A_237] {strides = array<i32>} : memref<128x128xf32, #tpu.memory_space<vmem>>, vector<1x16xf32>,
        %get3A_239 = vector.shape_cast %get3A_238 : vector<1x16xf32> to vector<16xf32>
        %add3A_240 = arith.addf %add3A_184, %get3A_239 : vector<16xf32>
        %add3A_241 = arith.constant 2 : i32
        %add3A_242 = arith.addi %mul3A_104, %add3A_241 : i32
        %get3A_243 = arith.index_cast %add3A_242 : i32 to index
        %get3A_244 = arith.constant 112 : index
        %get3A_245 = tpu.vector_load %arg8[%get3A_243, %get3A_244] {strides = array<i32>} : memref<128x128xf32, #tpu.memory_space<vmem>>, vector<1x16xf32>,
        %get3A_246 = vector.shape_cast %get3A_245 : vector<1x16xf32> to vector<16xf32>
        %add3A_247 = arith.addf %add3A_191, %get3A_246 : vector<16xf32>
        %add3A_248 = arith.constant 3 : i32
        %add3A_249 = arith.addi %mul3A_104, %add3A_248 : i32
        %get3A_250 = arith.index_cast %add3A_249 : i32 to index
        %get3A_251 = arith.constant 0 : index
        %get3A_252 = tpu.vector_load %arg8[%get3A_250, %get3A_251] {strides = array<i32>} : memref<128x128xf32, #tpu.memory_space<vmem>>, vector<1x16xf32>,
        %get3A_253 = vector.shape_cast %get3A_252 : vector<1x16xf32> to vector<16xf32>
        %add3A_254 = arith.addf %add3A_198, %get3A_253 : vector<16xf32>
        %add3A_255 = arith.constant 3 : i32
        %add3A_256 = arith.addi %mul3A_104, %add3A_255 : i32
        %get3A_257 = arith.index_cast %add3A_256 : i32 to index
        %get3A_258 = arith.constant 16 : index
        %get3A_259 = tpu.vector_load %arg8[%get3A_257, %get3A_258] {strides = array<i32>} : memref<128x128xf32, #tpu.memory_space<vmem>>, vector<1x16xf32>,
        %get3A_260 = vector.shape_cast %get3A_259 : vector<1x16xf32> to vector<16xf32>
        %add3A_261 = arith.addf %add3A_205, %get3A_260 : vector<16xf32>
        %add3A_262 = arith.constant 3 : i32
        %add3A_263 = arith.addi %mul3A_104, %add3A_262 : i32
        %get3A_264 = arith.index_cast %add3A_263 : i32 to index
        %get3A_265 = arith.constant 32 : index
        %get3A_266 = tpu.vector_load %arg8[%get3A_264, %get3A_265] {strides = array<i32>} : memref<128x128xf32, #tpu.memory_space<vmem>>, vector<1x16xf32>,
        %get3A_267 = vector.shape_cast %get3A_266 : vector<1x16xf32> to vector<16xf32>
        %add3A_268 = arith.addf %add3A_212, %get3A_267 : vector<16xf32>
        %add3A_269 = arith.constant 3 : i32
        %add3A_270 = arith.addi %mul3A_104, %add3A_269 : i32
        %get3A_271 = arith.index_cast %add3A_270 : i32 to index
        %get3A_272 = arith.constant 48 : index
        %get3A_273 = tpu.vector_load %arg8[%get3A_271, %get3A_272] {strides = array<i32>} : memref<128x128xf32, #tpu.memory_space<vmem>>, vector<1x16xf32>,
        %get3A_274 = vector.shape_cast %get3A_273 : vector<1x16xf32> to vector<16xf32>
        %add3A_275 = arith.addf %add3A_219, %get3A_274 : vector<16xf32>
        %add3A_276 = arith.constant 3 : i32
        %add3A_277 = arith.addi %mul3A_104, %add3A_276 : i32
        %get3A_278 = arith.index_cast %add3A_277 : i32 to index
        %get3A_279 = arith.constant 64 : index
        %get3A_280 = tpu.vector_load %arg8[%get3A_278, %get3A_279] {strides = array<i32>} : memref<128x128xf32, #tpu.memory_space<vmem>>, vector<1x16xf32>,
        %get3A_281 = vector.shape_cast %get3A_280 : vector<1x16xf32> to vector<16xf32>
        %add3A_282 = arith.addf %add3A_226, %get3A_281 : vector<16xf32>
        %add3A_283 = arith.constant 3 : i32
        %add3A_284 = arith.addi %mul3A_104, %add3A_283 : i32
        %get3A_285 = arith.index_cast %add3A_284 : i32 to index
        %get3A_286 = arith.constant 80 : index
        %get3A_287 = tpu.vector_load %arg8[%get3A_285, %get3A_286] {strides = array<i32>} : memref<128x128xf32, #tpu.memory_space<vmem>>, vector<1x16xf32>,
        %get3A_288 = vector.shape_cast %get3A_287 : vector<1x16xf32> to vector<16xf32>
        %add3A_289 = arith.addf %add3A_233, %get3A_288 : vector<16xf32>
        %add3A_290 = arith.constant 3 : i32
        %add3A_291 = arith.addi %mul3A_104, %add3A_290 : i32
        %get3A_292 = arith.index_cast %add3A_291 : i32 to index
        %get3A_293 = arith.constant 96 : index
        %get3A_294 = tpu.vector_load %arg8[%get3A_292, %get3A_293] {strides = array<i32>} : memref<128x128xf32, #tpu.memory_space<vmem>>, vector<1x16xf32>,
        %get3A_295 = vector.shape_cast %get3A_294 : vector<1x16xf32> to vector<16xf32>
        %add3A_296 = arith.addf %add3A_240, %get3A_295 : vector<16xf32>
        %add3A_297 = arith.constant 3 : i32
        %add3A_298 = arith.addi %mul3A_104, %add3A_297 : i32
        %get3A_299 = arith.index_cast %add3A_298 : i32 to index
        %get3A_300 = arith.constant 112 : index
        %get3A_301 = tpu.vector_load %arg8[%get3A_299, %get3A_300] {strides = array<i32>} : memref<128x128xf32, #tpu.memory_space<vmem>>, vector<1x16xf32>,
        %get3A_302 = vector.shape_cast %get3A_301 : vector<1x16xf32> to vector<16xf32>
        %add3A_303 = arith.addf %add3A_247, %get3A_302 : vector<16xf32>
        %add3A_304 = arith.constant 4 : i32
        %add3A_305 = arith.addi %mul3A_104, %add3A_304 : i32
        %get3A_306 = arith.index_cast %add3A_305 : i32 to index
        %get3A_307 = arith.constant 0 : index
        %get3A_308 = tpu.vector_load %arg8[%get3A_306, %get3A_307] {strides = array<i32>} : memref<128x128xf32, #tpu.memory_space<vmem>>, vector<1x16xf32>,
        %get3A_309 = vector.shape_cast %get3A_308 : vector<1x16xf32> to vector<16xf32>
        %add3A_310 = arith.addf %add3A_254, %get3A_309 : vector<16xf32>
        %add3A_311 = arith.constant 4 : i32
        %add3A_312 = arith.addi %mul3A_104, %add3A_311 : i32
        %get3A_313 = arith.index_cast %add3A_312 : i32 to index
        %get3A_314 = arith.constant 16 : index
        %get3A_315 = tpu.vector_load %arg8[%get3A_313, %get3A_314] {strides = array<i32>} : memref<128x128xf32, #tpu.memory_space<vmem>>, vector<1x16xf32>,
        %get3A_316 = vector.shape_cast %get3A_315 : vector<1x16xf32> to vector<16xf32>
        %add3A_317 = arith.addf %add3A_261, %get3A_316 : vector<16xf32>
        %add3A_318 = arith.constant 4 : i32
        %add3A_319 = arith.addi %mul3A_104, %add3A_318 : i32
        %get3A_320 = arith.index_cast %add3A_319 : i32 to index
        %get3A_321 = arith.constant 32 : index
        %get3A_322 = tpu.vector_load %arg8[%get3A_320, %get3A_321] {strides = array<i32>} : memref<128x128xf32, #tpu.memory_space<vmem>>, vector<1x16xf32>,
        %get3A_323 = vector.shape_cast %get3A_322 : vector<1x16xf32> to vector<16xf32>
        %add3A_324 = arith.addf %add3A_268, %get3A_323 : vector<16xf32>
        %add3A_325 = arith.constant 4 : i32
        %add3A_326 = arith.addi %mul3A_104, %add3A_325 : i32
        %get3A_327 = arith.index_cast %add3A_326 : i32 to index
        %get3A_328 = arith.constant 48 : index
        %get3A_329 = tpu.vector_load %arg8[%get3A_327, %get3A_328] {strides = array<i32>} : memref<128x128xf32, #tpu.memory_space<vmem>>, vector<1x16xf32>,
        %get3A_330 = vector.shape_cast %get3A_329 : vector<1x16xf32> to vector<16xf32>
        %add3A_331 = arith.addf %add3A_275, %get3A_330 : vector<16xf32>
        %add3A_332 = arith.constant 4 : i32
        %add3A_333 = arith.addi %mul3A_104, %add3A_332 : i32
        %get3A_334 = arith.index_cast %add3A_333 : i32 to index
        %get3A_335 = arith.constant 64 : index
        %get3A_336 = tpu.vector_load %arg8[%get3A_334, %get3A_335] {strides = array<i32>} : memref<128x128xf32, #tpu.memory_space<vmem>>, vector<1x16xf32>,
        %get3A_337 = vector.shape_cast %get3A_336 : vector<1x16xf32> to vector<16xf32>
        %add3A_338 = arith.addf %add3A_282, %get3A_337 : vector<16xf32>
        %add3A_339 = arith.constant 4 : i32
        %add3A_340 = arith.addi %mul3A_104, %add3A_339 : i32
        %get3A_341 = arith.index_cast %add3A_340 : i32 to index
        %get3A_342 = arith.constant 80 : index
        %get3A_343 = tpu.vector_load %arg8[%get3A_341, %get3A_342] {strides = array<i32>} : memref<128x128xf32, #tpu.memory_space<vmem>>, vector<1x16xf32>,
        %get3A_344 = vector.shape_cast %get3A_343 : vector<1x16xf32> to vector<16xf32>
        %add3A_345 = arith.addf %add3A_289, %get3A_344 : vector<16xf32>
        %add3A_346 = arith.constant 4 : i32
        %add3A_347 = arith.addi %mul3A_104, %add3A_346 : i32
        %get3A_348 = arith.index_cast %add3A_347 : i32 to index
        %get3A_349 = arith.constant 96 : index
        %get3A_350 = tpu.vector_load %arg8[%get3A_348, %get3A_349] {strides = array<i32>} : memref<128x128xf32, #tpu.memory_space<vmem>>, vector<1x16xf32>,
        %get3A_351 = vector.shape_cast %get3A_350 : vector<1x16xf32> to vector<16xf32>
        %add3A_352 = arith.addf %add3A_296, %get3A_351 : vector<16xf32>
        %add3A_353 = arith.constant 4 : i32
        %add3A_354 = arith.addi %mul3A_104, %add3A_353 : i32
        %get3A_355 = arith.index_cast %add3A_354 : i32 to index
        %get3A_356 = arith.constant 112 : index
        %get3A_357 = tpu.vector_load %arg8[%get3A_355, %get3A_356] {strides = array<i32>} : memref<128x128xf32, #tpu.memory_space<vmem>>, vector<1x16xf32>,
        %get3A_358 = vector.shape_cast %get3A_357 : vector<1x16xf32> to vector<16xf32>
        %add3A_359 = arith.addf %add3A_303, %get3A_358 : vector<16xf32>
        %add3A_360 = arith.constant 5 : i32
        %add3A_361 = arith.addi %mul3A_104, %add3A_360 : i32
        %get3A_362 = arith.index_cast %add3A_361 : i32 to index
        %get3A_363 = arith.constant 0 : index
        %get3A_364 = tpu.vector_load %arg8[%get3A_362, %get3A_363] {strides = array<i32>} : memref<128x128xf32, #tpu.memory_space<vmem>>, vector<1x16xf32>,
        %get3A_365 = vector.shape_cast %get3A_364 : vector<1x16xf32> to vector<16xf32>
        %add3A_366 = arith.addf %add3A_310, %get3A_365 : vector<16xf32>
        %add3A_367 = arith.constant 5 : i32
        %add3A_368 = arith.addi %mul3A_104, %add3A_367 : i32
        %get3A_369 = arith.index_cast %add3A_368 : i32 to index
        %get3A_370 = arith.constant 16 : index
        %get3A_371 = tpu.vector_load %arg8[%get3A_369, %get3A_370] {strides = array<i32>} : memref<128x128xf32, #tpu.memory_space<vmem>>, vector<1x16xf32>,
        %get3A_372 = vector.shape_cast %get3A_371 : vector<1x16xf32> to vector<16xf32>
        %add3A_373 = arith.addf %add3A_317, %get3A_372 : vector<16xf32>
        %add3A_374 = arith.constant 5 : i32
        %add3A_375 = arith.addi %mul3A_104, %add3A_374 : i32
        %get3A_376 = arith.index_cast %add3A_375 : i32 to index
        %get3A_377 = arith.constant 32 : index
        %get3A_378 = tpu.vector_load %arg8[%get3A_376, %get3A_377] {strides = array<i32>} : memref<128x128xf32, #tpu.memory_space<vmem>>, vector<1x16xf32>,
        %get3A_379 = vector.shape_cast %get3A_378 : vector<1x16xf32> to vector<16xf32>
        %add3A_380 = arith.addf %add3A_324, %get3A_379 : vector<16xf32>
        %add3A_381 = arith.constant 5 : i32
        %add3A_382 = arith.addi %mul3A_104, %add3A_381 : i32
        %get3A_383 = arith.index_cast %add3A_382 : i32 to index
        %get3A_384 = arith.constant 48 : index
        %get3A_385 = tpu.vector_load %arg8[%get3A_383, %get3A_384] {strides = array<i32>} : memref<128x128xf32, #tpu.memory_space<vmem>>, vector<1x16xf32>,
        %get3A_386 = vector.shape_cast %get3A_385 : vector<1x16xf32> to vector<16xf32>
        %add3A_387 = arith.addf %add3A_331, %get3A_386 : vector<16xf32>
        %add3A_388 = arith.constant 5 : i32
        %add3A_389 = arith.addi %mul3A_104, %add3A_388 : i32
        %get3A_390 = arith.index_cast %add3A_389 : i32 to index
        %get3A_391 = arith.constant 64 : index
        %get3A_392 = tpu.vector_load %arg8[%get3A_390, %get3A_391] {strides = array<i32>} : memref<128x128xf32, #tpu.memory_space<vmem>>, vector<1x16xf32>,
        %get3A_393 = vector.shape_cast %get3A_392 : vector<1x16xf32> to vector<16xf32>
        %add3A_394 = arith.addf %add3A_338, %get3A_393 : vector<16xf32>
        %add3A_395 = arith.constant 5 : i32
        %add3A_396 = arith.addi %mul3A_104, %add3A_395 : i32
        %get3A_397 = arith.index_cast %add3A_396 : i32 to index
        %get3A_398 = arith.constant 80 : index
        %get3A_399 = tpu.vector_load %arg8[%get3A_397, %get3A_398] {strides = array<i32>} : memref<128x128xf32, #tpu.memory_space<vmem>>, vector<1x16xf32>,
        %get3A_400 = vector.shape_cast %get3A_399 : vector<1x16xf32> to vector<16xf32>
        %add3A_401 = arith.addf %add3A_345, %get3A_400 : vector<16xf32>
        %add3A_402 = arith.constant 5 : i32
        %add3A_403 = arith.addi %mul3A_104, %add3A_402 : i32
        %get3A_404 = arith.index_cast %add3A_403 : i32 to index
        %get3A_405 = arith.constant 96 : index
        %get3A_406 = tpu.vector_load %arg8[%get3A_404, %get3A_405] {strides = array<i32>} : memref<128x128xf32, #tpu.memory_space<vmem>>, vector<1x16xf32>,
        %get3A_407 = vector.shape_cast %get3A_406 : vector<1x16xf32> to vector<16xf32>
        %add3A_408 = arith.addf %add3A_352, %get3A_407 : vector<16xf32>
        %add3A_409 = arith.constant 5 : i32
        %add3A_410 = arith.addi %mul3A_104, %add3A_409 : i32
        %get3A_411 = arith.index_cast %add3A_410 : i32 to index
        %get3A_412 = arith.constant 112 : index
        %get3A_413 = tpu.vector_load %arg8[%get3A_411, %get3A_412] {strides = array<i32>} : memref<128x128xf32, #tpu.memory_space<vmem>>, vector<1x16xf32>,
        %get3A_414 = vector.shape_cast %get3A_413 : vector<1x16xf32> to vector<16xf32>
        %add3A_415 = arith.addf %add3A_359, %get3A_414 : vector<16xf32>
        %add3A_416 = arith.constant 6 : i32
        %add3A_417 = arith.addi %mul3A_104, %add3A_416 : i32
        %get3A_418 = arith.index_cast %add3A_417 : i32 to index
        %get3A_419 = arith.constant 0 : index
        %get3A_420 = tpu.vector_load %arg8[%get3A_418, %get3A_419] {strides = array<i32>} : memref<128x128xf32, #tpu.memory_space<vmem>>, vector<1x16xf32>,
        %get3A_421 = vector.shape_cast %get3A_420 : vector<1x16xf32> to vector<16xf32>
        %add3A_422 = arith.addf %add3A_366, %get3A_421 : vector<16xf32>
        %add3A_423 = arith.constant 6 : i32
        %add3A_424 = arith.addi %mul3A_104, %add3A_423 : i32
        %get3A_425 = arith.index_cast %add3A_424 : i32 to index
        %get3A_426 = arith.constant 16 : index
        %get3A_427 = tpu.vector_load %arg8[%get3A_425, %get3A_426] {strides = array<i32>} : memref<128x128xf32, #tpu.memory_space<vmem>>, vector<1x16xf32>,
        %get3A_428 = vector.shape_cast %get3A_427 : vector<1x16xf32> to vector<16xf32>
        %add3A_429 = arith.addf %add3A_373, %get3A_428 : vector<16xf32>
        %add3A_430 = arith.constant 6 : i32
        %add3A_431 = arith.addi %mul3A_104, %add3A_430 : i32
        %get3A_432 = arith.index_cast %add3A_431 : i32 to index
        %get3A_433 = arith.constant 32 : index
        %get3A_434 = tpu.vector_load %arg8[%get3A_432, %get3A_433] {strides = array<i32>} : memref<128x128xf32, #tpu.memory_space<vmem>>, vector<1x16xf32>,
        %get3A_435 = vector.shape_cast %get3A_434 : vector<1x16xf32> to vector<16xf32>
        %add3A_436 = arith.addf %add3A_380, %get3A_435 : vector<16xf32>
        %add3A_437 = arith.constant 6 : i32
        %add3A_438 = arith.addi %mul3A_104, %add3A_437 : i32
        %get3A_439 = arith.index_cast %add3A_438 : i32 to index
        %get3A_440 = arith.constant 48 : index
        %get3A_441 = tpu.vector_load %arg8[%get3A_439, %get3A_440] {strides = array<i32>} : memref<128x128xf32, #tpu.memory_space<vmem>>, vector<1x16xf32>,
        %get3A_442 = vector.shape_cast %get3A_441 : vector<1x16xf32> to vector<16xf32>
        %add3A_443 = arith.addf %add3A_387, %get3A_442 : vector<16xf32>
        %add3A_444 = arith.constant 6 : i32
        %add3A_445 = arith.addi %mul3A_104, %add3A_444 : i32
        %get3A_446 = arith.index_cast %add3A_445 : i32 to index
        %get3A_447 = arith.constant 64 : index
        %get3A_448 = tpu.vector_load %arg8[%get3A_446, %get3A_447] {strides = array<i32>} : memref<128x128xf32, #tpu.memory_space<vmem>>, vector<1x16xf32>,
        %get3A_449 = vector.shape_cast %get3A_448 : vector<1x16xf32> to vector<16xf32>
        %add3A_450 = arith.addf %add3A_394, %get3A_449 : vector<16xf32>
        %add3A_451 = arith.constant 6 : i32
        %add3A_452 = arith.addi %mul3A_104, %add3A_451 : i32
        %get3A_453 = arith.index_cast %add3A_452 : i32 to index
        %get3A_454 = arith.constant 80 : index
        %get3A_455 = tpu.vector_load %arg8[%get3A_453, %get3A_454] {strides = array<i32>} : memref<128x128xf32, #tpu.memory_space<vmem>>, vector<1x16xf32>,
        %get3A_456 = vector.shape_cast %get3A_455 : vector<1x16xf32> to vector<16xf32>
        %add3A_457 = arith.addf %add3A_401, %get3A_456 : vector<16xf32>
        %add3A_458 = arith.constant 6 : i32
        %add3A_459 = arith.addi %mul3A_104, %add3A_458 : i32
        %get3A_460 = arith.index_cast %add3A_459 : i32 to index
        %get3A_461 = arith.constant 96 : index
        %get3A_462 = tpu.vector_load %arg8[%get3A_460, %get3A_461] {strides = array<i32>} : memref<128x128xf32, #tpu.memory_space<vmem>>, vector<1x16xf32>,
        %get3A_463 = vector.shape_cast %get3A_462 : vector<1x16xf32> to vector<16xf32>
        %add3A_464 = arith.addf %add3A_408, %get3A_463 : vector<16xf32>
        %add3A_465 = arith.constant 6 : i32
        %add3A_466 = arith.addi %mul3A_104, %add3A_465 : i32
        %get3A_467 = arith.index_cast %add3A_466 : i32 to index
        %get3A_468 = arith.constant 112 : index
        %get3A_469 = tpu.vector_load %arg8[%get3A_467, %get3A_468] {strides = array<i32>} : memref<128x128xf32, #tpu.memory_space<vmem>>, vector<1x16xf32>,
        %get3A_470 = vector.shape_cast %get3A_469 : vector<1x16xf32> to vector<16xf32>
        %add3A_471 = arith.addf %add3A_415, %get3A_470 : vector<16xf32>
        %add3A_472 = arith.constant 7 : i32
        %add3A_473 = arith.addi %mul3A_104, %add3A_472 : i32
        %get3A_474 = arith.index_cast %add3A_473 : i32 to index
        %get3A_475 = arith.constant 0 : index
        %get3A_476 = tpu.vector_load %arg8[%get3A_474, %get3A_475] {strides = array<i32>} : memref<128x128xf32, #tpu.memory_space<vmem>>, vector<1x16xf32>,
        %get3A_477 = vector.shape_cast %get3A_476 : vector<1x16xf32> to vector<16xf32>
        %add3A_478 = arith.addf %add3A_422, %get3A_477 : vector<16xf32>
        %add3A_479 = arith.constant 7 : i32
        %add3A_480 = arith.addi %mul3A_104, %add3A_479 : i32
        %get3A_481 = arith.index_cast %add3A_480 : i32 to index
        %get3A_482 = arith.constant 16 : index
        %get3A_483 = tpu.vector_load %arg8[%get3A_481, %get3A_482] {strides = array<i32>} : memref<128x128xf32, #tpu.memory_space<vmem>>, vector<1x16xf32>,
        %get3A_484 = vector.shape_cast %get3A_483 : vector<1x16xf32> to vector<16xf32>
        %add3A_485 = arith.addf %add3A_429, %get3A_484 : vector<16xf32>
        %add3A_486 = arith.constant 7 : i32
        %add3A_487 = arith.addi %mul3A_104, %add3A_486 : i32
        %get3A_488 = arith.index_cast %add3A_487 : i32 to index
        %get3A_489 = arith.constant 32 : index
        %get3A_490 = tpu.vector_load %arg8[%get3A_488, %get3A_489] {strides = array<i32>} : memref<128x128xf32, #tpu.memory_space<vmem>>, vector<1x16xf32>,
        %get3A_491 = vector.shape_cast %get3A_490 : vector<1x16xf32> to vector<16xf32>
        %add3A_492 = arith.addf %add3A_436, %get3A_491 : vector<16xf32>
        %add3A_493 = arith.constant 7 : i32
        %add3A_494 = arith.addi %mul3A_104, %add3A_493 : i32
        %get3A_495 = arith.index_cast %add3A_494 : i32 to index
        %get3A_496 = arith.constant 48 : index
        %get3A_497 = tpu.vector_load %arg8[%get3A_495, %get3A_496] {strides = array<i32>} : memref<128x128xf32, #tpu.memory_space<vmem>>, vector<1x16xf32>,
        %get3A_498 = vector.shape_cast %get3A_497 : vector<1x16xf32> to vector<16xf32>
        %add3A_499 = arith.addf %add3A_443, %get3A_498 : vector<16xf32>
        %add3A_500 = arith.constant 7 : i32
        %add3A_501 = arith.addi %mul3A_104, %add3A_500 : i32
        %get3A_502 = arith.index_cast %add3A_501 : i32 to index
        %get3A_503 = arith.constant 64 : index
        %get3A_504 = tpu.vector_load %arg8[%get3A_502, %get3A_503] {strides = array<i32>} : memref<128x128xf32, #tpu.memory_space<vmem>>, vector<1x16xf32>,
        %get3A_505 = vector.shape_cast %get3A_504 : vector<1x16xf32> to vector<16xf32>
        %add3A_506 = arith.addf %add3A_450, %get3A_505 : vector<16xf32>
        %add3A_507 = arith.constant 7 : i32
        %add3A_508 = arith.addi %mul3A_104, %add3A_507 : i32
        %get3A_509 = arith.index_cast %add3A_508 : i32 to index
        %get3A_510 = arith.constant 80 : index
        %get3A_511 = tpu.vector_load %arg8[%get3A_509, %get3A_510] {strides = array<i32>} : memref<128x128xf32, #tpu.memory_space<vmem>>, vector<1x16xf32>,
        %get3A_512 = vector.shape_cast %get3A_511 : vector<1x16xf32> to vector<16xf32>
        %add3A_513 = arith.addf %add3A_457, %get3A_512 : vector<16xf32>
        %add3A_514 = arith.constant 7 : i32
        %add3A_515 = arith.addi %mul3A_104, %add3A_514 : i32
        %get3A_516 = arith.index_cast %add3A_515 : i32 to index
        %get3A_517 = arith.constant 96 : index
        %get3A_518 = tpu.vector_load %arg8[%get3A_516, %get3A_517] {strides = array<i32>} : memref<128x128xf32, #tpu.memory_space<vmem>>, vector<1x16xf32>,
        %get3A_519 = vector.shape_cast %get3A_518 : vector<1x16xf32> to vector<16xf32>
        %add3A_520 = arith.addf %add3A_464, %get3A_519 : vector<16xf32>
        %add3A_521 = arith.constant 7 : i32
        %add3A_522 = arith.addi %mul3A_104, %add3A_521 : i32
        %get3A_523 = arith.index_cast %add3A_522 : i32 to index
        %get3A_524 = arith.constant 112 : index
        %get3A_525 = tpu.vector_load %arg8[%get3A_523, %get3A_524] {strides = array<i32>} : memref<128x128xf32, #tpu.memory_space<vmem>>, vector<1x16xf32>,
        %get3A_526 = vector.shape_cast %get3A_525 : vector<1x16xf32> to vector<16xf32>
        %add3A_527 = arith.addf %add3A_471, %get3A_526 : vector<16xf32>
        %add3A_528 = arith.constant 8 : i32
        %add3A_529 = arith.addi %mul3A_104, %add3A_528 : i32
        %get3A_530 = arith.index_cast %add3A_529 : i32 to index
        %get3A_531 = arith.constant 0 : index
        %get3A_532 = tpu.vector_load %arg8[%get3A_530, %get3A_531] {strides = array<i32>} : memref<128x128xf32, #tpu.memory_space<vmem>>, vector<1x16xf32>,
        %get3A_533 = vector.shape_cast %get3A_532 : vector<1x16xf32> to vector<16xf32>
        %add3A_534 = arith.addf %add3A_478, %get3A_533 : vector<16xf32>
        %add3A_535 = arith.constant 8 : i32
        %add3A_536 = arith.addi %mul3A_104, %add3A_535 : i32
        %get3A_537 = arith.index_cast %add3A_536 : i32 to index
        %get3A_538 = arith.constant 16 : index
        %get3A_539 = tpu.vector_load %arg8[%get3A_537, %get3A_538] {strides = array<i32>} : memref<128x128xf32, #tpu.memory_space<vmem>>, vector<1x16xf32>,
        %get3A_540 = vector.shape_cast %get3A_539 : vector<1x16xf32> to vector<16xf32>
        %add3A_541 = arith.addf %add3A_485, %get3A_540 : vector<16xf32>
        %add3A_542 = arith.constant 8 : i32
        %add3A_543 = arith.addi %mul3A_104, %add3A_542 : i32
        %get3A_544 = arith.index_cast %add3A_543 : i32 to index
        %get3A_545 = arith.constant 32 : index
        %get3A_546 = tpu.vector_load %arg8[%get3A_544, %get3A_545] {strides = array<i32>} : memref<128x128xf32, #tpu.memory_space<vmem>>, vector<1x16xf32>,
        %get3A_547 = vector.shape_cast %get3A_546 : vector<1x16xf32> to vector<16xf32>
        %add3A_548 = arith.addf %add3A_492, %get3A_547 : vector<16xf32>
        %add3A_549 = arith.constant 8 : i32
        %add3A_550 = arith.addi %mul3A_104, %add3A_549 : i32
        %get3A_551 = arith.index_cast %add3A_550 : i32 to index
        %get3A_552 = arith.constant 48 : index
        %get3A_553 = tpu.vector_load %arg8[%get3A_551, %get3A_552] {strides = array<i32>} : memref<128x128xf32, #tpu.memory_space<vmem>>, vector<1x16xf32>,
        %get3A_554 = vector.shape_cast %get3A_553 : vector<1x16xf32> to vector<16xf32>
        %add3A_555 = arith.addf %add3A_499, %get3A_554 : vector<16xf32>
        %add3A_556 = arith.constant 8 : i32
        %add3A_557 = arith.addi %mul3A_104, %add3A_556 : i32
        %get3A_558 = arith.index_cast %add3A_557 : i32 to index
        %get3A_559 = arith.constant 64 : index
        %get3A_560 = tpu.vector_load %arg8[%get3A_558, %get3A_559] {strides = array<i32>} : memref<128x128xf32, #tpu.memory_space<vmem>>, vector<1x16xf32>,
        %get3A_561 = vector.shape_cast %get3A_560 : vector<1x16xf32> to vector<16xf32>
        %add3A_562 = arith.addf %add3A_506, %get3A_561 : vector<16xf32>
        %add3A_563 = arith.constant 8 : i32
        %add3A_564 = arith.addi %mul3A_104, %add3A_563 : i32
        %get3A_565 = arith.index_cast %add3A_564 : i32 to index
        %get3A_566 = arith.constant 80 : index
        %get3A_567 = tpu.vector_load %arg8[%get3A_565, %get3A_566] {strides = array<i32>} : memref<128x128xf32, #tpu.memory_space<vmem>>, vector<1x16xf32>,
        %get3A_568 = vector.shape_cast %get3A_567 : vector<1x16xf32> to vector<16xf32>
        %add3A_569 = arith.addf %add3A_513, %get3A_568 : vector<16xf32>
        %add3A_570 = arith.constant 8 : i32
        %add3A_571 = arith.addi %mul3A_104, %add3A_570 : i32
        %get3A_572 = arith.index_cast %add3A_571 : i32 to index
        %get3A_573 = arith.constant 96 : index
        %get3A_574 = tpu.vector_load %arg8[%get3A_572, %get3A_573] {strides = array<i32>} : memref<128x128xf32, #tpu.memory_space<vmem>>, vector<1x16xf32>,
        %get3A_575 = vector.shape_cast %get3A_574 : vector<1x16xf32> to vector<16xf32>
        %add3A_576 = arith.addf %add3A_520, %get3A_575 : vector<16xf32>
        %add3A_577 = arith.constant 8 : i32
        %add3A_578 = arith.addi %mul3A_104, %add3A_577 : i32
        %get3A_579 = arith.index_cast %add3A_578 : i32 to index
        %get3A_580 = arith.constant 112 : index
        %get3A_581 = tpu.vector_load %arg8[%get3A_579, %get3A_580] {strides = array<i32>} : memref<128x128xf32, #tpu.memory_space<vmem>>, vector<1x16xf32>,
        %get3A_582 = vector.shape_cast %get3A_581 : vector<1x16xf32> to vector<16xf32>
        %add3A_583 = arith.addf %add3A_527, %get3A_582 : vector<16xf32>
        %add3A_584 = arith.constant 9 : i32
        %add3A_585 = arith.addi %mul3A_104, %add3A_584 : i32
        %get3A_586 = arith.index_cast %add3A_585 : i32 to index
        %get3A_587 = arith.constant 0 : index
        %get3A_588 = tpu.vector_load %arg8[%get3A_586, %get3A_587] {strides = array<i32>} : memref<128x128xf32, #tpu.memory_space<vmem>>, vector<1x16xf32>,
        %get3A_589 = vector.shape_cast %get3A_588 : vector<1x16xf32> to vector<16xf32>
        %add3A_590 = arith.addf %add3A_534, %get3A_589 : vector<16xf32>
        %add3A_591 = arith.constant 9 : i32
        %add3A_592 = arith.addi %mul3A_104, %add3A_591 : i32
        %get3A_593 = arith.index_cast %add3A_592 : i32 to index
        %get3A_594 = arith.constant 16 : index
        %get3A_595 = tpu.vector_load %arg8[%get3A_593, %get3A_594] {strides = array<i32>} : memref<128x128xf32, #tpu.memory_space<vmem>>, vector<1x16xf32>,
        %get3A_596 = vector.shape_cast %get3A_595 : vector<1x16xf32> to vector<16xf32>
        %add3A_597 = arith.addf %add3A_541, %get3A_596 : vector<16xf32>
        %add3A_598 = arith.constant 9 : i32
        %add3A_599 = arith.addi %mul3A_104, %add3A_598 : i32
        %get3A_600 = arith.index_cast %add3A_599 : i32 to index
        %get3A_601 = arith.constant 32 : index
        %get3A_602 = tpu.vector_load %arg8[%get3A_600, %get3A_601] {strides = array<i32>} : memref<128x128xf32, #tpu.memory_space<vmem>>, vector<1x16xf32>,
        %get3A_603 = vector.shape_cast %get3A_602 : vector<1x16xf32> to vector<16xf32>
        %add3A_604 = arith.addf %add3A_548, %get3A_603 : vector<16xf32>
        %add3A_605 = arith.constant 9 : i32
        %add3A_606 = arith.addi %mul3A_104, %add3A_605 : i32
        %get3A_607 = arith.index_cast %add3A_606 : i32 to index
        %get3A_608 = arith.constant 48 : index
        %get3A_609 = tpu.vector_load %arg8[%get3A_607, %get3A_608] {strides = array<i32>} : memref<128x128xf32, #tpu.memory_space<vmem>>, vector<1x16xf32>,
        %get3A_610 = vector.shape_cast %get3A_609 : vector<1x16xf32> to vector<16xf32>
        %add3A_611 = arith.addf %add3A_555, %get3A_610 : vector<16xf32>
        %add3A_612 = arith.constant 9 : i32
        %add3A_613 = arith.addi %mul3A_104, %add3A_612 : i32
        %get3A_614 = arith.index_cast %add3A_613 : i32 to index
        %get3A_615 = arith.constant 64 : index
        %get3A_616 = tpu.vector_load %arg8[%get3A_614, %get3A_615] {strides = array<i32>} : memref<128x128xf32, #tpu.memory_space<vmem>>, vector<1x16xf32>,
        %get3A_617 = vector.shape_cast %get3A_616 : vector<1x16xf32> to vector<16xf32>
        %add3A_618 = arith.addf %add3A_562, %get3A_617 : vector<16xf32>
        %add3A_619 = arith.constant 9 : i32
        %add3A_620 = arith.addi %mul3A_104, %add3A_619 : i32
        %get3A_621 = arith.index_cast %add3A_620 : i32 to index
        %get3A_622 = arith.constant 80 : index
        %get3A_623 = tpu.vector_load %arg8[%get3A_621, %get3A_622] {strides = array<i32>} : memref<128x128xf32, #tpu.memory_space<vmem>>, vector<1x16xf32>,
        %get3A_624 = vector.shape_cast %get3A_623 : vector<1x16xf32> to vector<16xf32>
        %add3A_625 = arith.addf %add3A_569, %get3A_624 : vector<16xf32>
        %add3A_626 = arith.constant 9 : i32
        %add3A_627 = arith.addi %mul3A_104, %add3A_626 : i32
        %get3A_628 = arith.index_cast %add3A_627 : i32 to index
        %get3A_629 = arith.constant 96 : index
        %get3A_630 = tpu.vector_load %arg8[%get3A_628, %get3A_629] {strides = array<i32>} : memref<128x128xf32, #tpu.memory_space<vmem>>, vector<1x16xf32>,
        %get3A_631 = vector.shape_cast %get3A_630 : vector<1x16xf32> to vector<16xf32>
        %add3A_632 = arith.addf %add3A_576, %get3A_631 : vector<16xf32>
        %add3A_633 = arith.constant 9 : i32
        %add3A_634 = arith.addi %mul3A_104, %add3A_633 : i32
        %get3A_635 = arith.index_cast %add3A_634 : i32 to index
        %get3A_636 = arith.constant 112 : index
        %get3A_637 = tpu.vector_load %arg8[%get3A_635, %get3A_636] {strides = array<i32>} : memref<128x128xf32, #tpu.memory_space<vmem>>, vector<1x16xf32>,
        %get3A_638 = vector.shape_cast %get3A_637 : vector<1x16xf32> to vector<16xf32>
        %add3A_639 = arith.addf %add3A_583, %get3A_638 : vector<16xf32>
        %add3A_640 = arith.constant 10 : i32
        %add3A_641 = arith.addi %mul3A_104, %add3A_640 : i32
        %get3A_642 = arith.index_cast %add3A_641 : i32 to index
        %get3A_643 = arith.constant 0 : index
        %get3A_644 = tpu.vector_load %arg8[%get3A_642, %get3A_643] {strides = array<i32>} : memref<128x128xf32, #tpu.memory_space<vmem>>, vector<1x16xf32>,
        %get3A_645 = vector.shape_cast %get3A_644 : vector<1x16xf32> to vector<16xf32>
        %add3A_646 = arith.addf %add3A_590, %get3A_645 : vector<16xf32>
        %add3A_647 = arith.constant 10 : i32
        %add3A_648 = arith.addi %mul3A_104, %add3A_647 : i32
        %get3A_649 = arith.index_cast %add3A_648 : i32 to index
        %get3A_650 = arith.constant 16 : index
        %get3A_651 = tpu.vector_load %arg8[%get3A_649, %get3A_650] {strides = array<i32>} : memref<128x128xf32, #tpu.memory_space<vmem>>, vector<1x16xf32>,
        %get3A_652 = vector.shape_cast %get3A_651 : vector<1x16xf32> to vector<16xf32>
        %add3A_653 = arith.addf %add3A_597, %get3A_652 : vector<16xf32>
        %add3A_654 = arith.constant 10 : i32
        %add3A_655 = arith.addi %mul3A_104, %add3A_654 : i32
        %get3A_656 = arith.index_cast %add3A_655 : i32 to index
        %get3A_657 = arith.constant 32 : index
        %get3A_658 = tpu.vector_load %arg8[%get3A_656, %get3A_657] {strides = array<i32>} : memref<128x128xf32, #tpu.memory_space<vmem>>, vector<1x16xf32>,
        %get3A_659 = vector.shape_cast %get3A_658 : vector<1x16xf32> to vector<16xf32>
        %add3A_660 = arith.addf %add3A_604, %get3A_659 : vector<16xf32>
        %add3A_661 = arith.constant 10 : i32
        %add3A_662 = arith.addi %mul3A_104, %add3A_661 : i32
        %get3A_663 = arith.index_cast %add3A_662 : i32 to index
        %get3A_664 = arith.constant 48 : index
        %get3A_665 = tpu.vector_load %arg8[%get3A_663, %get3A_664] {strides = array<i32>} : memref<128x128xf32, #tpu.memory_space<vmem>>, vector<1x16xf32>,
        %get3A_666 = vector.shape_cast %get3A_665 : vector<1x16xf32> to vector<16xf32>
        %add3A_667 = arith.addf %add3A_611, %get3A_666 : vector<16xf32>
        %add3A_668 = arith.constant 10 : i32
        %add3A_669 = arith.addi %mul3A_104, %add3A_668 : i32
        %get3A_670 = arith.index_cast %add3A_669 : i32 to index
        %get3A_671 = arith.constant 64 : index
        %get3A_672 = tpu.vector_load %arg8[%get3A_670, %get3A_671] {strides = array<i32>} : memref<128x128xf32, #tpu.memory_space<vmem>>, vector<1x16xf32>,
        %get3A_673 = vector.shape_cast %get3A_672 : vector<1x16xf32> to vector<16xf32>
        %add3A_674 = arith.addf %add3A_618, %get3A_673 : vector<16xf32>
        %add3A_675 = arith.constant 10 : i32
        %add3A_676 = arith.addi %mul3A_104, %add3A_675 : i32
        %get3A_677 = arith.index_cast %add3A_676 : i32 to index
        %get3A_678 = arith.constant 80 : index
        %get3A_679 = tpu.vector_load %arg8[%get3A_677, %get3A_678] {strides = array<i32>} : memref<128x128xf32, #tpu.memory_space<vmem>>, vector<1x16xf32>,
        %get3A_680 = vector.shape_cast %get3A_679 : vector<1x16xf32> to vector<16xf32>
        %add3A_681 = arith.addf %add3A_625, %get3A_680 : vector<16xf32>
        %add3A_682 = arith.constant 10 : i32
        %add3A_683 = arith.addi %mul3A_104, %add3A_682 : i32
        %get3A_684 = arith.index_cast %add3A_683 : i32 to index
        %get3A_685 = arith.constant 96 : index
        %get3A_686 = tpu.vector_load %arg8[%get3A_684, %get3A_685] {strides = array<i32>} : memref<128x128xf32, #tpu.memory_space<vmem>>, vector<1x16xf32>,
        %get3A_687 = vector.shape_cast %get3A_686 : vector<1x16xf32> to vector<16xf32>
        %add3A_688 = arith.addf %add3A_632, %get3A_687 : vector<16xf32>
        %add3A_689 = arith.constant 10 : i32
        %add3A_690 = arith.addi %mul3A_104, %add3A_689 : i32
        %get3A_691 = arith.index_cast %add3A_690 : i32 to index
        %get3A_692 = arith.constant 112 : index
        %get3A_693 = tpu.vector_load %arg8[%get3A_691, %get3A_692] {strides = array<i32>} : memref<128x128xf32, #tpu.memory_space<vmem>>, vector<1x16xf32>,
        %get3A_694 = vector.shape_cast %get3A_693 : vector<1x16xf32> to vector<16xf32>
        %add3A_695 = arith.addf %add3A_639, %get3A_694 : vector<16xf32>
        %add3A_696 = arith.constant 11 : i32
        %add3A_697 = arith.addi %mul3A_104, %add3A_696 : i32
        %get3A_698 = arith.index_cast %add3A_697 : i32 to index
        %get3A_699 = arith.constant 0 : index
        %get3A_700 = tpu.vector_load %arg8[%get3A_698, %get3A_699] {strides = array<i32>} : memref<128x128xf32, #tpu.memory_space<vmem>>, vector<1x16xf32>,
        %get3A_701 = vector.shape_cast %get3A_700 : vector<1x16xf32> to vector<16xf32>
        %add3A_702 = arith.addf %add3A_646, %get3A_701 : vector<16xf32>
        %add3A_703 = arith.constant 11 : i32
        %add3A_704 = arith.addi %mul3A_104, %add3A_703 : i32
        %get3A_705 = arith.index_cast %add3A_704 : i32 to index
        %get3A_706 = arith.constant 16 : index
        %get3A_707 = tpu.vector_load %arg8[%get3A_705, %get3A_706] {strides = array<i32>} : memref<128x128xf32, #tpu.memory_space<vmem>>, vector<1x16xf32>,
        %get3A_708 = vector.shape_cast %get3A_707 : vector<1x16xf32> to vector<16xf32>
        %add3A_709 = arith.addf %add3A_653, %get3A_708 : vector<16xf32>
        %add3A_710 = arith.constant 11 : i32
        %add3A_711 = arith.addi %mul3A_104, %add3A_710 : i32
        %get3A_712 = arith.index_cast %add3A_711 : i32 to index
        %get3A_713 = arith.constant 32 : index
        %get3A_714 = tpu.vector_load %arg8[%get3A_712, %get3A_713] {strides = array<i32>} : memref<128x128xf32, #tpu.memory_space<vmem>>, vector<1x16xf32>,
        %get3A_715 = vector.shape_cast %get3A_714 : vector<1x16xf32> to vector<16xf32>
        %add3A_716 = arith.addf %add3A_660, %get3A_715 : vector<16xf32>
        %add3A_717 = arith.constant 11 : i32
        %add3A_718 = arith.addi %mul3A_104, %add3A_717 : i32
        %get3A_719 = arith.index_cast %add3A_718 : i32 to index
        %get3A_720 = arith.constant 48 : index
        %get3A_721 = tpu.vector_load %arg8[%get3A_719, %get3A_720] {strides = array<i32>} : memref<128x128xf32, #tpu.memory_space<vmem>>, vector<1x16xf32>,
        %get3A_722 = vector.shape_cast %get3A_721 : vector<1x16xf32> to vector<16xf32>
        %add3A_723 = arith.addf %add3A_667, %get3A_722 : vector<16xf32>
        %add3A_724 = arith.constant 11 : i32
        %add3A_725 = arith.addi %mul3A_104, %add3A_724 : i32
        %get3A_726 = arith.index_cast %add3A_725 : i32 to index
        %get3A_727 = arith.constant 64 : index
        %get3A_728 = tpu.vector_load %arg8[%get3A_726, %get3A_727] {strides = array<i32>} : memref<128x128xf32, #tpu.memory_space<vmem>>, vector<1x16xf32>,
        %get3A_729 = vector.shape_cast %get3A_728 : vector<1x16xf32> to vector<16xf32>
        %add3A_730 = arith.addf %add3A_674, %get3A_729 : vector<16xf32>
        %add3A_731 = arith.constant 11 : i32
        %add3A_732 = arith.addi %mul3A_104, %add3A_731 : i32
        %get3A_733 = arith.index_cast %add3A_732 : i32 to index
        %get3A_734 = arith.constant 80 : index
        %get3A_735 = tpu.vector_load %arg8[%get3A_733, %get3A_734] {strides = array<i32>} : memref<128x128xf32, #tpu.memory_space<vmem>>, vector<1x16xf32>,
        %get3A_736 = vector.shape_cast %get3A_735 : vector<1x16xf32> to vector<16xf32>
        %add3A_737 = arith.addf %add3A_681, %get3A_736 : vector<16xf32>
        %add3A_738 = arith.constant 11 : i32
        %add3A_739 = arith.addi %mul3A_104, %add3A_738 : i32
        %get3A_740 = arith.index_cast %add3A_739 : i32 to index
        %get3A_741 = arith.constant 96 : index
        %get3A_742 = tpu.vector_load %arg8[%get3A_740, %get3A_741] {strides = array<i32>} : memref<128x128xf32, #tpu.memory_space<vmem>>, vector<1x16xf32>,
        %get3A_743 = vector.shape_cast %get3A_742 : vector<1x16xf32> to vector<16xf32>
        %add3A_744 = arith.addf %add3A_688, %get3A_743 : vector<16xf32>
        %add3A_745 = arith.constant 11 : i32
        %add3A_746 = arith.addi %mul3A_104, %add3A_745 : i32
        %get3A_747 = arith.index_cast %add3A_746 : i32 to index
        %get3A_748 = arith.constant 112 : index
        %get3A_749 = tpu.vector_load %arg8[%get3A_747, %get3A_748] {strides = array<i32>} : memref<128x128xf32, #tpu.memory_space<vmem>>, vector<1x16xf32>,
        %get3A_750 = vector.shape_cast %get3A_749 : vector<1x16xf32> to vector<16xf32>
        %add3A_751 = arith.addf %add3A_695, %get3A_750 : vector<16xf32>
        %add3A_752 = arith.constant 12 : i32
        %add3A_753 = arith.addi %mul3A_104, %add3A_752 : i32
        %get3A_754 = arith.index_cast %add3A_753 : i32 to index
        %get3A_755 = arith.constant 0 : index
        %get3A_756 = tpu.vector_load %arg8[%get3A_754, %get3A_755] {strides = array<i32>} : memref<128x128xf32, #tpu.memory_space<vmem>>, vector<1x16xf32>,
        %get3A_757 = vector.shape_cast %get3A_756 : vector<1x16xf32> to vector<16xf32>
        %add3A_758 = arith.addf %add3A_702, %get3A_757 : vector<16xf32>
        %add3A_759 = arith.constant 12 : i32
        %add3A_760 = arith.addi %mul3A_104, %add3A_759 : i32
        %get3A_761 = arith.index_cast %add3A_760 : i32 to index
        %get3A_762 = arith.constant 16 : index
        %get3A_763 = tpu.vector_load %arg8[%get3A_761, %get3A_762] {strides = array<i32>} : memref<128x128xf32, #tpu.memory_space<vmem>>, vector<1x16xf32>,
        %get3A_764 = vector.shape_cast %get3A_763 : vector<1x16xf32> to vector<16xf32>
        %add3A_765 = arith.addf %add3A_709, %get3A_764 : vector<16xf32>
        %add3A_766 = arith.constant 12 : i32
        %add3A_767 = arith.addi %mul3A_104, %add3A_766 : i32
        %get3A_768 = arith.index_cast %add3A_767 : i32 to index
        %get3A_769 = arith.constant 32 : index
        %get3A_770 = tpu.vector_load %arg8[%get3A_768, %get3A_769] {strides = array<i32>} : memref<128x128xf32, #tpu.memory_space<vmem>>, vector<1x16xf32>,
        %get3A_771 = vector.shape_cast %get3A_770 : vector<1x16xf32> to vector<16xf32>
        %add3A_772 = arith.addf %add3A_716, %get3A_771 : vector<16xf32>
        %add3A_773 = arith.constant 12 : i32
        %add3A_774 = arith.addi %mul3A_104, %add3A_773 : i32
        %get3A_775 = arith.index_cast %add3A_774 : i32 to index
        %get3A_776 = arith.constant 48 : index
        %get3A_777 = tpu.vector_load %arg8[%get3A_775, %get3A_776] {strides = array<i32>} : memref<128x128xf32, #tpu.memory_space<vmem>>, vector<1x16xf32>,
        %get3A_778 = vector.shape_cast %get3A_777 : vector<1x16xf32> to vector<16xf32>
        %add3A_779 = arith.addf %add3A_723, %get3A_778 : vector<16xf32>
        %add3A_780 = arith.constant 12 : i32
        %add3A_781 = arith.addi %mul3A_104, %add3A_780 : i32
        %get3A_782 = arith.index_cast %add3A_781 : i32 to index
        %get3A_783 = arith.constant 64 : index
        %get3A_784 = tpu.vector_load %arg8[%get3A_782, %get3A_783] {strides = array<i32>} : memref<128x128xf32, #tpu.memory_space<vmem>>, vector<1x16xf32>,
        %get3A_785 = vector.shape_cast %get3A_784 : vector<1x16xf32> to vector<16xf32>
        %add3A_786 = arith.addf %add3A_730, %get3A_785 : vector<16xf32>
        %add3A_787 = arith.constant 12 : i32
        %add3A_788 = arith.addi %mul3A_104, %add3A_787 : i32
        %get3A_789 = arith.index_cast %add3A_788 : i32 to index
        %get3A_790 = arith.constant 80 : index
        %get3A_791 = tpu.vector_load %arg8[%get3A_789, %get3A_790] {strides = array<i32>} : memref<128x128xf32, #tpu.memory_space<vmem>>, vector<1x16xf32>,
        %get3A_792 = vector.shape_cast %get3A_791 : vector<1x16xf32> to vector<16xf32>
        %add3A_793 = arith.addf %add3A_737, %get3A_792 : vector<16xf32>
        %add3A_794 = arith.constant 12 : i32
        %add3A_795 = arith.addi %mul3A_104, %add3A_794 : i32
        %get3A_796 = arith.index_cast %add3A_795 : i32 to index
        %get3A_797 = arith.constant 96 : index
        %get3A_798 = tpu.vector_load %arg8[%get3A_796, %get3A_797] {strides = array<i32>} : memref<128x128xf32, #tpu.memory_space<vmem>>, vector<1x16xf32>,
        %get3A_799 = vector.shape_cast %get3A_798 : vector<1x16xf32> to vector<16xf32>
        %add3A_800 = arith.addf %add3A_744, %get3A_799 : vector<16xf32>
        %add3A_801 = arith.constant 12 : i32
        %add3A_802 = arith.addi %mul3A_104, %add3A_801 : i32
        %get3A_803 = arith.index_cast %add3A_802 : i32 to index
        %get3A_804 = arith.constant 112 : index
        %get3A_805 = tpu.vector_load %arg8[%get3A_803, %get3A_804] {strides = array<i32>} : memref<128x128xf32, #tpu.memory_space<vmem>>, vector<1x16xf32>,
        %get3A_806 = vector.shape_cast %get3A_805 : vector<1x16xf32> to vector<16xf32>
        %add3A_807 = arith.addf %add3A_751, %get3A_806 : vector<16xf32>
        %add3A_808 = arith.constant 13 : i32
        %add3A_809 = arith.addi %mul3A_104, %add3A_808 : i32
        %get3A_810 = arith.index_cast %add3A_809 : i32 to index
        %get3A_811 = arith.constant 0 : index
        %get3A_812 = tpu.vector_load %arg8[%get3A_810, %get3A_811] {strides = array<i32>} : memref<128x128xf32, #tpu.memory_space<vmem>>, vector<1x16xf32>,
        %get3A_813 = vector.shape_cast %get3A_812 : vector<1x16xf32> to vector<16xf32>
        %add3A_814 = arith.addf %add3A_758, %get3A_813 : vector<16xf32>
        %add3A_815 = arith.constant 13 : i32
        %add3A_816 = arith.addi %mul3A_104, %add3A_815 : i32
        %get3A_817 = arith.index_cast %add3A_816 : i32 to index
        %get3A_818 = arith.constant 16 : index
        %get3A_819 = tpu.vector_load %arg8[%get3A_817, %get3A_818] {strides = array<i32>} : memref<128x128xf32, #tpu.memory_space<vmem>>, vector<1x16xf32>,
        %get3A_820 = vector.shape_cast %get3A_819 : vector<1x16xf32> to vector<16xf32>
        %add3A_821 = arith.addf %add3A_765, %get3A_820 : vector<16xf32>
        %add3A_822 = arith.constant 13 : i32
        %add3A_823 = arith.addi %mul3A_104, %add3A_822 : i32
        %get3A_824 = arith.index_cast %add3A_823 : i32 to index
        %get3A_825 = arith.constant 32 : index
        %get3A_826 = tpu.vector_load %arg8[%get3A_824, %get3A_825] {strides = array<i32>} : memref<128x128xf32, #tpu.memory_space<vmem>>, vector<1x16xf32>,
        %get3A_827 = vector.shape_cast %get3A_826 : vector<1x16xf32> to vector<16xf32>
        %add3A_828 = arith.addf %add3A_772, %get3A_827 : vector<16xf32>
        %add3A_829 = arith.constant 13 : i32
        %add3A_830 = arith.addi %mul3A_104, %add3A_829 : i32
        %get3A_831 = arith.index_cast %add3A_830 : i32 to index
        %get3A_832 = arith.constant 48 : index
        %get3A_833 = tpu.vector_load %arg8[%get3A_831, %get3A_832] {strides = array<i32>} : memref<128x128xf32, #tpu.memory_space<vmem>>, vector<1x16xf32>,
        %get3A_834 = vector.shape_cast %get3A_833 : vector<1x16xf32> to vector<16xf32>
        %add3A_835 = arith.addf %add3A_779, %get3A_834 : vector<16xf32>
        %add3A_836 = arith.constant 13 : i32
        %add3A_837 = arith.addi %mul3A_104, %add3A_836 : i32
        %get3A_838 = arith.index_cast %add3A_837 : i32 to index
        %get3A_839 = arith.constant 64 : index
        %get3A_840 = tpu.vector_load %arg8[%get3A_838, %get3A_839] {strides = array<i32>} : memref<128x128xf32, #tpu.memory_space<vmem>>, vector<1x16xf32>,
        %get3A_841 = vector.shape_cast %get3A_840 : vector<1x16xf32> to vector<16xf32>
        %add3A_842 = arith.addf %add3A_786, %get3A_841 : vector<16xf32>
        %add3A_843 = arith.constant 13 : i32
        %add3A_844 = arith.addi %mul3A_104, %add3A_843 : i32
        %get3A_845 = arith.index_cast %add3A_844 : i32 to index
        %get3A_846 = arith.constant 80 : index
        %get3A_847 = tpu.vector_load %arg8[%get3A_845, %get3A_846] {strides = array<i32>} : memref<128x128xf32, #tpu.memory_space<vmem>>, vector<1x16xf32>,
        %get3A_848 = vector.shape_cast %get3A_847 : vector<1x16xf32> to vector<16xf32>
        %add3A_849 = arith.addf %add3A_793, %get3A_848 : vector<16xf32>
        %add3A_850 = arith.constant 13 : i32
        %add3A_851 = arith.addi %mul3A_104, %add3A_850 : i32
        %get3A_852 = arith.index_cast %add3A_851 : i32 to index
        %get3A_853 = arith.constant 96 : index
        %get3A_854 = tpu.vector_load %arg8[%get3A_852, %get3A_853] {strides = array<i32>} : memref<128x128xf32, #tpu.memory_space<vmem>>, vector<1x16xf32>,
        %get3A_855 = vector.shape_cast %get3A_854 : vector<1x16xf32> to vector<16xf32>
        %add3A_856 = arith.addf %add3A_800, %get3A_855 : vector<16xf32>
        %add3A_857 = arith.constant 13 : i32
        %add3A_858 = arith.addi %mul3A_104, %add3A_857 : i32
        %get3A_859 = arith.index_cast %add3A_858 : i32 to index
        %get3A_860 = arith.constant 112 : index
        %get3A_861 = tpu.vector_load %arg8[%get3A_859, %get3A_860] {strides = array<i32>} : memref<128x128xf32, #tpu.memory_space<vmem>>, vector<1x16xf32>,
        %get3A_862 = vector.shape_cast %get3A_861 : vector<1x16xf32> to vector<16xf32>
        %add3A_863 = arith.addf %add3A_807, %get3A_862 : vector<16xf32>
        %add3A_864 = arith.constant 14 : i32
        %add3A_865 = arith.addi %mul3A_104, %add3A_864 : i32
        %get3A_866 = arith.index_cast %add3A_865 : i32 to index
        %get3A_867 = arith.constant 0 : index
        %get3A_868 = tpu.vector_load %arg8[%get3A_866, %get3A_867] {strides = array<i32>} : memref<128x128xf32, #tpu.memory_space<vmem>>, vector<1x16xf32>,
        %get3A_869 = vector.shape_cast %get3A_868 : vector<1x16xf32> to vector<16xf32>
        %add3A_870 = arith.addf %add3A_814, %get3A_869 : vector<16xf32>
        %add3A_871 = arith.constant 14 : i32
        %add3A_872 = arith.addi %mul3A_104, %add3A_871 : i32
        %get3A_873 = arith.index_cast %add3A_872 : i32 to index
        %get3A_874 = arith.constant 16 : index
        %get3A_875 = tpu.vector_load %arg8[%get3A_873, %get3A_874] {strides = array<i32>} : memref<128x128xf32, #tpu.memory_space<vmem>>, vector<1x16xf32>,
        %get3A_876 = vector.shape_cast %get3A_875 : vector<1x16xf32> to vector<16xf32>
        %add3A_877 = arith.addf %add3A_821, %get3A_876 : vector<16xf32>
        %add3A_878 = arith.constant 14 : i32
        %add3A_879 = arith.addi %mul3A_104, %add3A_878 : i32
        %get3A_880 = arith.index_cast %add3A_879 : i32 to index
        %get3A_881 = arith.constant 32 : index
        %get3A_882 = tpu.vector_load %arg8[%get3A_880, %get3A_881] {strides = array<i32>} : memref<128x128xf32, #tpu.memory_space<vmem>>, vector<1x16xf32>,
        %get3A_883 = vector.shape_cast %get3A_882 : vector<1x16xf32> to vector<16xf32>
        %add3A_884 = arith.addf %add3A_828, %get3A_883 : vector<16xf32>
        %add3A_885 = arith.constant 14 : i32
        %add3A_886 = arith.addi %mul3A_104, %add3A_885 : i32
        %get3A_887 = arith.index_cast %add3A_886 : i32 to index
        %get3A_888 = arith.constant 48 : index
        %get3A_889 = tpu.vector_load %arg8[%get3A_887, %get3A_888] {strides = array<i32>} : memref<128x128xf32, #tpu.memory_space<vmem>>, vector<1x16xf32>,
        %get3A_890 = vector.shape_cast %get3A_889 : vector<1x16xf32> to vector<16xf32>
        %add3A_891 = arith.addf %add3A_835, %get3A_890 : vector<16xf32>
        %add3A_892 = arith.constant 14 : i32
        %add3A_893 = arith.addi %mul3A_104, %add3A_892 : i32
        %get3A_894 = arith.index_cast %add3A_893 : i32 to index
        %get3A_895 = arith.constant 64 : index
        %get3A_896 = tpu.vector_load %arg8[%get3A_894, %get3A_895] {strides = array<i32>} : memref<128x128xf32, #tpu.memory_space<vmem>>, vector<1x16xf32>,
        %get3A_897 = vector.shape_cast %get3A_896 : vector<1x16xf32> to vector<16xf32>
        %add3A_898 = arith.addf %add3A_842, %get3A_897 : vector<16xf32>
        %add3A_899 = arith.constant 14 : i32
        %add3A_900 = arith.addi %mul3A_104, %add3A_899 : i32
        %get3A_901 = arith.index_cast %add3A_900 : i32 to index
        %get3A_902 = arith.constant 80 : index
        %get3A_903 = tpu.vector_load %arg8[%get3A_901, %get3A_902] {strides = array<i32>} : memref<128x128xf32, #tpu.memory_space<vmem>>, vector<1x16xf32>,
        %get3A_904 = vector.shape_cast %get3A_903 : vector<1x16xf32> to vector<16xf32>
        %add3A_905 = arith.addf %add3A_849, %get3A_904 : vector<16xf32>
        %add3A_906 = arith.constant 14 : i32
        %add3A_907 = arith.addi %mul3A_104, %add3A_906 : i32
        %get3A_908 = arith.index_cast %add3A_907 : i32 to index
        %get3A_909 = arith.constant 96 : index
        %get3A_910 = tpu.vector_load %arg8[%get3A_908, %get3A_909] {strides = array<i32>} : memref<128x128xf32, #tpu.memory_space<vmem>>, vector<1x16xf32>,
        %get3A_911 = vector.shape_cast %get3A_910 : vector<1x16xf32> to vector<16xf32>
        %add3A_912 = arith.addf %add3A_856, %get3A_911 : vector<16xf32>
        %add3A_913 = arith.constant 14 : i32
        %add3A_914 = arith.addi %mul3A_104, %add3A_913 : i32
        %get3A_915 = arith.index_cast %add3A_914 : i32 to index
        %get3A_916 = arith.constant 112 : index
        %get3A_917 = tpu.vector_load %arg8[%get3A_915, %get3A_916] {strides = array<i32>} : memref<128x128xf32, #tpu.memory_space<vmem>>, vector<1x16xf32>,
        %get3A_918 = vector.shape_cast %get3A_917 : vector<1x16xf32> to vector<16xf32>
        %add3A_919 = arith.addf %add3A_863, %get3A_918 : vector<16xf32>
        %add3A_920 = arith.constant 15 : i32
        %add3A_921 = arith.addi %mul3A_104, %add3A_920 : i32
        %get3A_922 = arith.index_cast %add3A_921 : i32 to index
        %get3A_923 = arith.constant 0 : index
        %get3A_924 = tpu.vector_load %arg8[%get3A_922, %get3A_923] {strides = array<i32>} : memref<128x128xf32, #tpu.memory_space<vmem>>, vector<1x16xf32>,
        %get3A_925 = vector.shape_cast %get3A_924 : vector<1x16xf32> to vector<16xf32>
        %add3A_926 = arith.addf %add3A_870, %get3A_925 : vector<16xf32>
        %add3A_927 = arith.constant 15 : i32
        %add3A_928 = arith.addi %mul3A_104, %add3A_927 : i32
        %get3A_929 = arith.index_cast %add3A_928 : i32 to index
        %get3A_930 = arith.constant 16 : index
        %get3A_931 = tpu.vector_load %arg8[%get3A_929, %get3A_930] {strides = array<i32>} : memref<128x128xf32, #tpu.memory_space<vmem>>, vector<1x16xf32>,
        %get3A_932 = vector.shape_cast %get3A_931 : vector<1x16xf32> to vector<16xf32>
        %add3A_933 = arith.addf %add3A_877, %get3A_932 : vector<16xf32>
        %add3A_934 = arith.constant 15 : i32
        %add3A_935 = arith.addi %mul3A_104, %add3A_934 : i32
        %get3A_936 = arith.index_cast %add3A_935 : i32 to index
        %get3A_937 = arith.constant 32 : index
        %get3A_938 = tpu.vector_load %arg8[%get3A_936, %get3A_937] {strides = array<i32>} : memref<128x128xf32, #tpu.memory_space<vmem>>, vector<1x16xf32>,
        %get3A_939 = vector.shape_cast %get3A_938 : vector<1x16xf32> to vector<16xf32>
        %add3A_940 = arith.addf %add3A_884, %get3A_939 : vector<16xf32>
        %add3A_941 = arith.constant 15 : i32
        %add3A_942 = arith.addi %mul3A_104, %add3A_941 : i32
        %get3A_943 = arith.index_cast %add3A_942 : i32 to index
        %get3A_944 = arith.constant 48 : index
        %get3A_945 = tpu.vector_load %arg8[%get3A_943, %get3A_944] {strides = array<i32>} : memref<128x128xf32, #tpu.memory_space<vmem>>, vector<1x16xf32>,
        %get3A_946 = vector.shape_cast %get3A_945 : vector<1x16xf32> to vector<16xf32>
        %add3A_947 = arith.addf %add3A_891, %get3A_946 : vector<16xf32>
        %add3A_948 = arith.constant 15 : i32
        %add3A_949 = arith.addi %mul3A_104, %add3A_948 : i32
        %get3A_950 = arith.index_cast %add3A_949 : i32 to index
        %get3A_951 = arith.constant 64 : index
        %get3A_952 = tpu.vector_load %arg8[%get3A_950, %get3A_951] {strides = array<i32>} : memref<128x128xf32, #tpu.memory_space<vmem>>, vector<1x16xf32>,
        %get3A_953 = vector.shape_cast %get3A_952 : vector<1x16xf32> to vector<16xf32>
        %add3A_954 = arith.addf %add3A_898, %get3A_953 : vector<16xf32>
        %add3A_955 = arith.constant 15 : i32
        %add3A_956 = arith.addi %mul3A_104, %add3A_955 : i32
        %get3A_957 = arith.index_cast %add3A_956 : i32 to index
        %get3A_958 = arith.constant 80 : index
        %get3A_959 = tpu.vector_load %arg8[%get3A_957, %get3A_958] {strides = array<i32>} : memref<128x128xf32, #tpu.memory_space<vmem>>, vector<1x16xf32>,
        %get3A_960 = vector.shape_cast %get3A_959 : vector<1x16xf32> to vector<16xf32>
        %add3A_961 = arith.addf %add3A_905, %get3A_960 : vector<16xf32>
        %add3A_962 = arith.constant 15 : i32
        %add3A_963 = arith.addi %mul3A_104, %add3A_962 : i32
        %get3A_964 = arith.index_cast %add3A_963 : i32 to index
        %get3A_965 = arith.constant 96 : index
        %get3A_966 = tpu.vector_load %arg8[%get3A_964, %get3A_965] {strides = array<i32>} : memref<128x128xf32, #tpu.memory_space<vmem>>, vector<1x16xf32>,
        %get3A_967 = vector.shape_cast %get3A_966 : vector<1x16xf32> to vector<16xf32>
        %add3A_968 = arith.addf %add3A_912, %get3A_967 : vector<16xf32>
        %add3A_969 = arith.constant 15 : i32
        %add3A_970 = arith.addi %mul3A_104, %add3A_969 : i32
        %get3A_971 = arith.index_cast %add3A_970 : i32 to index
        %get3A_972 = arith.constant 112 : index
        %get3A_973 = tpu.vector_load %arg8[%get3A_971, %get3A_972] {strides = array<i32>} : memref<128x128xf32, #tpu.memory_space<vmem>>, vector<1x16xf32>,
        %get3A_974 = vector.shape_cast %get3A_973 : vector<1x16xf32> to vector<16xf32>
        %add3A_975 = arith.addf %add3A_919, %get3A_974 : vector<16xf32>
        %swap3A = arith.index_cast %scan3A_102 : i32 to index
        %swap3A_976 = arith.constant 0 : index
        %swap3A_977 = tpu.vector_load %arg10[%swap3A, %swap3A_976] {strides = array<i32>} : memref<8x128xf32, #tpu.memory_space<vmem>>, vector<1x16xf32>,
        %swap3A_978 = vector.shape_cast %swap3A_977 : vector<1x16xf32> to vector<16xf32>
        %swap3A_979 = vector.shape_cast %add3A_926 : vector<16xf32> to vector<1x16xf32>
        tpu.vector_store %arg10[%swap3A, %swap3A_976], %swap3A_979 {strides = array<i32>} : memref<8x128xf32, #tpu.memory_space<vmem>>, vector<1x16xf32>,
        %swap3A_980 = arith.index_cast %scan3A_102 : i32 to index
        %swap3A_981 = arith.constant 16 : index
        %swap3A_982 = tpu.vector_load %arg10[%swap3A_980, %swap3A_981] {strides = array<i32>} : memref<8x128xf32, #tpu.memory_space<vmem>>, vector<1x16xf32>,
        %swap3A_983 = vector.shape_cast %swap3A_982 : vector<1x16xf32> to vector<16xf32>
        %swap3A_984 = vector.shape_cast %add3A_933 : vector<16xf32> to vector<1x16xf32>
        tpu.vector_store %arg10[%swap3A_980, %swap3A_981], %swap3A_984 {strides = array<i32>} : memref<8x128xf32, #tpu.memory_space<vmem>>, vector<1x16xf32>,
        %swap3A_985 = arith.index_cast %scan3A_102 : i32 to index
        %swap3A_986 = arith.constant 32 : index
        %swap3A_987 = tpu.vector_load %arg10[%swap3A_985, %swap3A_986] {strides = array<i32>} : memref<8x128xf32, #tpu.memory_space<vmem>>, vector<1x16xf32>,
        %swap3A_988 = vector.shape_cast %swap3A_987 : vector<1x16xf32> to vector<16xf32>
        %swap3A_989 = vector.shape_cast %add3A_940 : vector<16xf32> to vector<1x16xf32>
        tpu.vector_store %arg10[%swap3A_985, %swap3A_986], %swap3A_989 {strides = array<i32>} : memref<8x128xf32, #tpu.memory_space<vmem>>, vector<1x16xf32>,
        %swap3A_990 = arith.index_cast %scan3A_102 : i32 to index
        %swap3A_991 = arith.constant 48 : index
        %swap3A_992 = tpu.vector_load %arg10[%swap3A_990, %swap3A_991] {strides = array<i32>} : memref<8x128xf32, #tpu.memory_space<vmem>>, vector<1x16xf32>,
        %swap3A_993 = vector.shape_cast %swap3A_992 : vector<1x16xf32> to vector<16xf32>
        %swap3A_994 = vector.shape_cast %add3A_947 : vector<16xf32> to vector<1x16xf32>
        tpu.vector_store %arg10[%swap3A_990, %swap3A_991], %swap3A_994 {strides = array<i32>} : memref<8x128xf32, #tpu.memory_space<vmem>>, vector<1x16xf32>,
        %swap3A_995 = arith.index_cast %scan3A_102 : i32 to index
        %swap3A_996 = arith.constant 64 : index
        %swap3A_997 = tpu.vector_load %arg10[%swap3A_995, %swap3A_996] {strides = array<i32>} : memref<8x128xf32, #tpu.memory_space<vmem>>, vector<1x16xf32>,
        %swap3A_998 = vector.shape_cast %swap3A_997 : vector<1x16xf32> to vector<16xf32>
        %swap3A_999 = vector.shape_cast %add3A_954 : vector<16xf32> to vector<1x16xf32>
        tpu.vector_store %arg10[%swap3A_995, %swap3A_996], %swap3A_999 {strides = array<i32>} : memref<8x128xf32, #tpu.memory_space<vmem>>, vector<1x16xf32>,
        %swap3A_1000 = arith.index_cast %scan3A_102 : i32 to index
        %swap3A_1001 = arith.constant 80 : index
        %swap3A_1002 = tpu.vector_load %arg10[%swap3A_1000, %swap3A_1001] {strides = array<i32>} : memref<8x128xf32, #tpu.memory_space<vmem>>, vector<1x16xf32>,
        %swap3A_1003 = vector.shape_cast %swap3A_1002 : vector<1x16xf32> to vector<16xf32>
        %swap3A_1004 = vector.shape_cast %add3A_961 : vector<16xf32> to vector<1x16xf32>
        tpu.vector_store %arg10[%swap3A_1000, %swap3A_1001], %swap3A_1004 {strides = array<i32>} : memref<8x128xf32, #tpu.memory_space<vmem>>, vector<1x16xf32>,
        %swap3A_1005 = arith.index_cast %scan3A_102 : i32 to index
        %swap3A_1006 = arith.constant 96 : index
        %swap3A_1007 = tpu.vector_load %arg10[%swap3A_1005, %swap3A_1006] {strides = array<i32>} : memref<8x128xf32, #tpu.memory_space<vmem>>, vector<1x16xf32>,
        %swap3A_1008 = vector.shape_cast %swap3A_1007 : vector<1x16xf32> to vector<16xf32>
        %swap3A_1009 = vector.shape_cast %add3A_968 : vector<16xf32> to vector<1x16xf32>
        tpu.vector_store %arg10[%swap3A_1005, %swap3A_1006], %swap3A_1009 {strides = array<i32>} : memref<8x128xf32, #tpu.memory_space<vmem>>, vector<1x16xf32>,
        %swap3A_1010 = arith.index_cast %scan3A_102 : i32 to index
        %swap3A_1011 = arith.constant 112 : index
        %swap3A_1012 = tpu.vector_load %arg10[%swap3A_1010, %swap3A_1011] {strides = array<i32>} : memref<8x128xf32, #tpu.memory_space<vmem>>, vector<1x16xf32>,
        %swap3A_1013 = vector.shape_cast %swap3A_1012 : vector<1x16xf32> to vector<16xf32>
        %swap3A_1014 = vector.shape_cast %add3A_975 : vector<16xf32> to vector<1x16xf32>
        tpu.vector_store %arg10[%swap3A_1010, %swap3A_1011], %swap3A_1014 {strides = array<i32>} : memref<8x128xf32, #tpu.memory_space<vmem>>, vector<1x16xf32>,
      }
      %scan3A_94 = arith.constant 8 : i32
      %mul3A_95 = arith.constant 8 : i32
      %mul3A_96 = arith.muli %add3A_68, %mul3A_95 : i32
      %add3A_97 = arith.addi %mul3A_2, %mul3A_96 : i32
      %dma_start3A_98 = arith.constant 0 : i32
      %dma_start3A_99 = tpu.memref_slice %arg4[%add3A_97, %dma_start3A_98] : memref<16384x128xf32, #tpu.memory_space<hbm>> -> memref<8x128xf32, #tpu.memory_space<hbm>>
      %dma_start3A_100 = arith.constant 0 : i32
      %dma_start3A_101 = tpu.memref_slice %arg4[%add3A_97, %dma_start3A_100] : memref<16384x128xf32, #tpu.memory_space<hbm>> -> memref<8x128xf32, #tpu.memory_space<hbm>>
      tpu.enqueue_dma source(%arg10 : memref<8x128xf32, #tpu.memory_space<vmem>>) target(%dma_start3A_101 : memref<8x128xf32, #tpu.memory_space<hbm>>) target_semaphore(%arg14 : memref<!tpu.dma_semaphore, #tpu.memory_space<semaphore_mem>>)
    }
    %scan3A_22 = arith.constant 32 : i32
    %dma_wait3A_23 = arith.constant 0 : i32
    %dma_wait3A_24 = tpu.memref_slice %arg4[%mul3A_2, %dma_wait3A_23] : memref<16384x128xf32, #tpu.memory_space<hbm>> -> memref<8x128xf32, #tpu.memory_space<hbm>>
    %dma_wait3A_25 = arith.constant 0 : i32
    %dma_wait3A_26 = tpu.memref_slice %arg4[%mul3A_2, %dma_wait3A_25] : memref<16384x128xf32, #tpu.memory_space<hbm>> -> memref<8x128xf32, #tpu.memory_space<hbm>>
    tpu.wait_dma2 semaphore(%arg13 : memref<!tpu.dma_semaphore, #tpu.memory_space<semaphore_mem>>) src(%arg9 : memref<8x128xf32, #tpu.memory_space<vmem>>) dst(%dma_wait3A_26 : memref<8x128xf32, #tpu.memory_space<hbm>>)
    %dma_wait3A_27 = arith.constant 0 : i32
    %dma_wait3A_28 = tpu.memref_slice %arg4[%mul3A_2, %dma_wait3A_27] : memref<16384x128xf32, #tpu.memory_space<hbm>> -> memref<8x128xf32, #tpu.memory_space<hbm>>
    %dma_wait3A_29 = arith.constant 0 : i32
    %dma_wait3A_30 = tpu.memref_slice %arg4[%mul3A_2, %dma_wait3A_29] : memref<16384x128xf32, #tpu.memory_space<hbm>> -> memref<8x128xf32, #tpu.memory_space<hbm>>
    tpu.wait_dma2 semaphore(%arg14 : memref<!tpu.dma_semaphore, #tpu.memory_space<semaphore_mem>>) src(%arg10 : memref<8x128xf32, #tpu.memory_space<vmem>>) dst(%dma_wait3A_30 : memref<8x128xf32, #tpu.memory_space<hbm>>)
    return
  }
}

#map = affine_map<(d0, d1) -> (0, 0)>
#map1 = affine_map<(d0, d1) -> (0)>
module attributes {stable_mosaic.version = 14 : i64} {
  func.func @k(%arg0: i32, %arg1: i32, %arg2: memref<50000x128xf32, #tpu.memory_space<hbm>>, %arg3: memref<262144xi32, #tpu.memory_space<hbm>>, %arg4: memref<8192xi32, #tpu.memory_space<hbm>>, %arg5: memref<16384x128xf32, #tpu.memory_space<hbm>>, %arg6: memref<8192x128xf32, #tpu.memory_space<vmem_shared>>, %arg7: memref<8192xi32, #tpu.memory_space<vmem>>, %arg8: memref<128x128xf32, #tpu.memory_space<vmem>>, %arg9: memref<128x128xf32, #tpu.memory_space<vmem>>, %arg10: memref<8x128xf32, #tpu.memory_space<vmem>>, %arg11: memref<8x128xf32, #tpu.memory_space<vmem>>, %arg12: memref<512xi32, #tpu.memory_space<vmem>>, %arg13: memref<!tpu.dma_semaphore, #tpu.memory_space<semaphore_mem>>, %arg14: memref<!tpu.dma_semaphore, #tpu.memory_space<semaphore_mem>>, %arg15: memref<!tpu.dma_semaphore, #tpu.memory_space<semaphore_mem>>, %arg16: memref<!tpu.dma_semaphore, #tpu.memory_space<semaphore_mem>>, %arg17: memref<!tpu.dma_semaphore, #tpu.memory_space<semaphore_mem>>) attributes {dimension_semantics = [#tpu.dimension_semantics<core_parallel>, #tpu.dimension_semantics<subcore_parallel>], iteration_bounds = array<i64: 2, 16>, scalar_prefetch = 0 : i64, scratch_operands = 12 : i64, tpu.core_type = #tpu.core_type<sc_vector_subcore>, window_params = [{transform_indices = #map}, {transform_indices = #map1}, {transform_indices = #map1}, {transform_indices = #map}]} {
    %mul3A = arith.constant 2 : i32
    %mul3A_0 = arith.muli %arg1, %mul3A : i32
    %add3A = arith.addi %mul3A_0, %arg0 : i32
    %mul3A_1 = arith.constant 512 : i32
    %mul3A_2 = arith.muli %add3A, %mul3A_1 : i32
    %mul3A_3 = arith.constant 16 : i32
    %mul3A_4 = arith.muli %mul3A_2, %mul3A_3 : i32
    %dma_start3A = tpu.memref_slice %arg3[%mul3A_4] : memref<262144xi32, #tpu.memory_space<hbm>> -> memref<8192xi32, #tpu.memory_space<hbm>>
    %dma_start3A_5 = tpu.memref_slice %arg3[%mul3A_4] : memref<262144xi32, #tpu.memory_space<hbm>> -> memref<8192xi32, #tpu.memory_space<hbm>>
    tpu.enqueue_dma source(%dma_start3A_5 : memref<8192xi32, #tpu.memory_space<hbm>>) target(%arg7 : memref<8192xi32, #tpu.memory_space<vmem>>) target_semaphore(%arg17 : memref<!tpu.dma_semaphore, #tpu.memory_space<semaphore_mem>>)
    %mul3A_6 = arith.constant 512 : i32
    %mul3A_7 = arith.muli %arg1, %mul3A_6 : i32
    "tpu.region"() ({
      %run_scoped3A = tpu.sem_alloc : memref<!tpu.dma_semaphore, #tpu.memory_space<semaphore_mem>>
      %dma_start3A_85 = tpu.memref_slice %arg4[%mul3A_7] : memref<8192xi32, #tpu.memory_space<hbm>> -> memref<512xi32, #tpu.memory_space<hbm>>
      %dma_start3A_86 = tpu.memref_slice %arg4[%mul3A_7] : memref<8192xi32, #tpu.memory_space<hbm>> -> memref<512xi32, #tpu.memory_space<hbm>>
      tpu.enqueue_dma source(%dma_start3A_86 : memref<512xi32, #tpu.memory_space<hbm>>) target(%arg12 : memref<512xi32, #tpu.memory_space<vmem>>) target_semaphore(%run_scoped3A : memref<!tpu.dma_semaphore, #tpu.memory_space<semaphore_mem>>)
      %dma_wait3A_87 = tpu.memref_slice %arg4[%mul3A_7] : memref<8192xi32, #tpu.memory_space<hbm>> -> memref<512xi32, #tpu.memory_space<hbm>>
      %dma_wait3A_88 = tpu.memref_slice %arg4[%mul3A_7] : memref<8192xi32, #tpu.memory_space<hbm>> -> memref<512xi32, #tpu.memory_space<hbm>>
      tpu.wait_dma2 semaphore(%run_scoped3A : memref<!tpu.dma_semaphore, #tpu.memory_space<semaphore_mem>>) src(%dma_wait3A_88 : memref<512xi32, #tpu.memory_space<hbm>>) dst(%arg12 : memref<512xi32, #tpu.memory_space<vmem>>)
      tpu.yield
    }) : () -> ()
    %dma_start3A_8 = arith.constant 0 : i32
    %dma_start3A_9 = tpu.memref_slice %arg12[%dma_start3A_8] : memref<512xi32, #tpu.memory_space<vmem>> -> memref<128xi32, #tpu.memory_space<vmem>>
    %dma_start3A_10 = arith.constant 0 : i32
    %dma_start3A_11 = arith.constant 0 : i32
    %dma_start3A_12 = tpu.memref_slice %arg2[%dma_start3A_10, %dma_start3A_11] : memref<50000x128xf32, #tpu.memory_space<hbm>> -> memref<50000x128xf32, #tpu.memory_space<hbm>>
    tpu.enqueue_indirect_dma source(%dma_start3A_12 : memref<50000x128xf32, #tpu.memory_space<hbm>>) target(%arg8 : memref<128x128xf32, #tpu.memory_space<vmem>>) offsets(%dma_start3A_9 : memref<128xi32, #tpu.memory_space<vmem>>) semaphore(%arg13 : memref<!tpu.dma_semaphore, #tpu.memory_space<semaphore_mem>>)
    %dma_start3A_13 = arith.constant 128 : i32
    %dma_start3A_14 = tpu.memref_slice %arg12[%dma_start3A_13] : memref<512xi32, #tpu.memory_space<vmem>> -> memref<128xi32, #tpu.memory_space<vmem>>
    %dma_start3A_15 = arith.constant 0 : i32
    %dma_start3A_16 = arith.constant 0 : i32
    %dma_start3A_17 = tpu.memref_slice %arg2[%dma_start3A_15, %dma_start3A_16] : memref<50000x128xf32, #tpu.memory_space<hbm>> -> memref<50000x128xf32, #tpu.memory_space<hbm>>
    tpu.enqueue_indirect_dma source(%dma_start3A_17 : memref<50000x128xf32, #tpu.memory_space<hbm>>) target(%arg9 : memref<128x128xf32, #tpu.memory_space<vmem>>) offsets(%dma_start3A_14 : memref<128xi32, #tpu.memory_space<vmem>>) semaphore(%arg14 : memref<!tpu.dma_semaphore, #tpu.memory_space<semaphore_mem>>)
    %dma_wait3A = arith.constant 0 : i32
    %dma_wait3A_18 = tpu.memref_slice %arg12[%dma_wait3A] : memref<512xi32, #tpu.memory_space<vmem>> -> memref<128xi32, #tpu.memory_space<vmem>>
    %dma_wait3A_19 = arith.constant 0 : i32
    %dma_wait3A_20 = arith.constant 0 : i32
    %dma_wait3A_21 = tpu.memref_slice %arg2[%dma_wait3A_19, %dma_wait3A_20] : memref<50000x128xf32, #tpu.memory_space<hbm>> -> memref<50000x128xf32, #tpu.memory_space<hbm>>
    tpu.wait_indirect_dma semaphore(%arg13 : memref<!tpu.dma_semaphore, #tpu.memory_space<semaphore_mem>>) src(%dma_wait3A_21 : memref<50000x128xf32, #tpu.memory_space<hbm>>) dst(%arg8 : memref<128x128xf32, #tpu.memory_space<vmem>>)
    %mul3A_22 = arith.constant 512 : i32
    %mul3A_23 = arith.muli %arg1, %mul3A_22 : i32
    %add3A_24 = arith.constant 0 : i32
    %add3A_25 = arith.addi %mul3A_23, %add3A_24 : i32
    "tpu.region"() ({
      %run_scoped3A = tpu.sem_alloc : memref<!tpu.dma_semaphore, #tpu.memory_space<semaphore_mem>>
      %dma_start3A_85 = arith.constant 0 : i32
      %dma_start3A_86 = tpu.memref_slice %arg6[%add3A_25, %dma_start3A_85] : memref<8192x128xf32, #tpu.memory_space<vmem_shared>> -> memref<128x128xf32, #tpu.memory_space<vmem_shared>>
      %dma_start3A_87 = arith.constant 0 : i32
      %dma_start3A_88 = tpu.memref_slice %arg6[%add3A_25, %dma_start3A_87] : memref<8192x128xf32, #tpu.memory_space<vmem_shared>> -> memref<128x128xf32, #tpu.memory_space<vmem_shared>>
      tpu.enqueue_dma source(%arg8 : memref<128x128xf32, #tpu.memory_space<vmem>>) target(%dma_start3A_88 : memref<128x128xf32, #tpu.memory_space<vmem_shared>>) target_semaphore(%run_scoped3A : memref<!tpu.dma_semaphore, #tpu.memory_space<semaphore_mem>>)
      %dma_wait3A_89 = arith.constant 0 : i32
      %dma_wait3A_90 = tpu.memref_slice %arg6[%add3A_25, %dma_wait3A_89] : memref<8192x128xf32, #tpu.memory_space<vmem_shared>> -> memref<128x128xf32, #tpu.memory_space<vmem_shared>>
      %dma_wait3A_91 = arith.constant 0 : i32
      %dma_wait3A_92 = tpu.memref_slice %arg6[%add3A_25, %dma_wait3A_91] : memref<8192x128xf32, #tpu.memory_space<vmem_shared>> -> memref<128x128xf32, #tpu.memory_space<vmem_shared>>
      tpu.wait_dma2 semaphore(%run_scoped3A : memref<!tpu.dma_semaphore, #tpu.memory_space<semaphore_mem>>) src(%arg8 : memref<128x128xf32, #tpu.memory_space<vmem>>) dst(%dma_wait3A_92 : memref<128x128xf32, #tpu.memory_space<vmem_shared>>)
      tpu.yield
    }) : () -> ()
    %dma_start3A_26 = arith.constant 256 : i32
    %dma_start3A_27 = tpu.memref_slice %arg12[%dma_start3A_26] : memref<512xi32, #tpu.memory_space<vmem>> -> memref<128xi32, #tpu.memory_space<vmem>>
    %dma_start3A_28 = arith.constant 0 : i32
    %dma_start3A_29 = arith.constant 0 : i32
    %dma_start3A_30 = tpu.memref_slice %arg2[%dma_start3A_28, %dma_start3A_29] : memref<50000x128xf32, #tpu.memory_space<hbm>> -> memref<50000x128xf32, #tpu.memory_space<hbm>>
    tpu.enqueue_indirect_dma source(%dma_start3A_30 : memref<50000x128xf32, #tpu.memory_space<hbm>>) target(%arg8 : memref<128x128xf32, #tpu.memory_space<vmem>>) offsets(%dma_start3A_27 : memref<128xi32, #tpu.memory_space<vmem>>) semaphore(%arg13 : memref<!tpu.dma_semaphore, #tpu.memory_space<semaphore_mem>>)
    %dma_wait3A_31 = arith.constant 128 : i32
    %dma_wait3A_32 = tpu.memref_slice %arg12[%dma_wait3A_31] : memref<512xi32, #tpu.memory_space<vmem>> -> memref<128xi32, #tpu.memory_space<vmem>>
    %dma_wait3A_33 = arith.constant 0 : i32
    %dma_wait3A_34 = arith.constant 0 : i32
    %dma_wait3A_35 = tpu.memref_slice %arg2[%dma_wait3A_33, %dma_wait3A_34] : memref<50000x128xf32, #tpu.memory_space<hbm>> -> memref<50000x128xf32, #tpu.memory_space<hbm>>
    tpu.wait_indirect_dma semaphore(%arg14 : memref<!tpu.dma_semaphore, #tpu.memory_space<semaphore_mem>>) src(%dma_wait3A_35 : memref<50000x128xf32, #tpu.memory_space<hbm>>) dst(%arg9 : memref<128x128xf32, #tpu.memory_space<vmem>>)
    %mul3A_36 = arith.constant 512 : i32
    %mul3A_37 = arith.muli %arg1, %mul3A_36 : i32
    %add3A_38 = arith.constant 128 : i32
    %add3A_39 = arith.addi %mul3A_37, %add3A_38 : i32
    "tpu.region"() ({
      %run_scoped3A = tpu.sem_alloc : memref<!tpu.dma_semaphore, #tpu.memory_space<semaphore_mem>>
      %dma_start3A_85 = arith.constant 0 : i32
      %dma_start3A_86 = tpu.memref_slice %arg6[%add3A_39, %dma_start3A_85] : memref<8192x128xf32, #tpu.memory_space<vmem_shared>> -> memref<128x128xf32, #tpu.memory_space<vmem_shared>>
      %dma_start3A_87 = arith.constant 0 : i32
      %dma_start3A_88 = tpu.memref_slice %arg6[%add3A_39, %dma_start3A_87] : memref<8192x128xf32, #tpu.memory_space<vmem_shared>> -> memref<128x128xf32, #tpu.memory_space<vmem_shared>>
      tpu.enqueue_dma source(%arg9 : memref<128x128xf32, #tpu.memory_space<vmem>>) target(%dma_start3A_88 : memref<128x128xf32, #tpu.memory_space<vmem_shared>>) target_semaphore(%run_scoped3A : memref<!tpu.dma_semaphore, #tpu.memory_space<semaphore_mem>>)
      %dma_wait3A_89 = arith.constant 0 : i32
      %dma_wait3A_90 = tpu.memref_slice %arg6[%add3A_39, %dma_wait3A_89] : memref<8192x128xf32, #tpu.memory_space<vmem_shared>> -> memref<128x128xf32, #tpu.memory_space<vmem_shared>>
      %dma_wait3A_91 = arith.constant 0 : i32
      %dma_wait3A_92 = tpu.memref_slice %arg6[%add3A_39, %dma_wait3A_91] : memref<8192x128xf32, #tpu.memory_space<vmem_shared>> -> memref<128x128xf32, #tpu.memory_space<vmem_shared>>
      tpu.wait_dma2 semaphore(%run_scoped3A : memref<!tpu.dma_semaphore, #tpu.memory_space<semaphore_mem>>) src(%arg9 : memref<128x128xf32, #tpu.memory_space<vmem>>) dst(%dma_wait3A_92 : memref<128x128xf32, #tpu.memory_space<vmem_shared>>)
      tpu.yield
    }) : () -> ()
    %dma_start3A_40 = arith.constant 384 : i32
    %dma_start3A_41 = tpu.memref_slice %arg12[%dma_start3A_40] : memref<512xi32, #tpu.memory_space<vmem>> -> memref<128xi32, #tpu.memory_space<vmem>>
    %dma_start3A_42 = arith.constant 0 : i32
    %dma_start3A_43 = arith.constant 0 : i32
    %dma_start3A_44 = tpu.memref_slice %arg2[%dma_start3A_42, %dma_start3A_43] : memref<50000x128xf32, #tpu.memory_space<hbm>> -> memref<50000x128xf32, #tpu.memory_space<hbm>>
    tpu.enqueue_indirect_dma source(%dma_start3A_44 : memref<50000x128xf32, #tpu.memory_space<hbm>>) target(%arg9 : memref<128x128xf32, #tpu.memory_space<vmem>>) offsets(%dma_start3A_41 : memref<128xi32, #tpu.memory_space<vmem>>) semaphore(%arg14 : memref<!tpu.dma_semaphore, #tpu.memory_space<semaphore_mem>>)
    %dma_wait3A_45 = arith.constant 256 : i32
    %dma_wait3A_46 = tpu.memref_slice %arg12[%dma_wait3A_45] : memref<512xi32, #tpu.memory_space<vmem>> -> memref<128xi32, #tpu.memory_space<vmem>>
    %dma_wait3A_47 = arith.constant 0 : i32
    %dma_wait3A_48 = arith.constant 0 : i32
    %dma_wait3A_49 = tpu.memref_slice %arg2[%dma_wait3A_47, %dma_wait3A_48] : memref<50000x128xf32, #tpu.memory_space<hbm>> -> memref<50000x128xf32, #tpu.memory_space<hbm>>
    tpu.wait_indirect_dma semaphore(%arg13 : memref<!tpu.dma_semaphore, #tpu.memory_space<semaphore_mem>>) src(%dma_wait3A_49 : memref<50000x128xf32, #tpu.memory_space<hbm>>) dst(%arg8 : memref<128x128xf32, #tpu.memory_space<vmem>>)
    %mul3A_50 = arith.constant 512 : i32
    %mul3A_51 = arith.muli %arg1, %mul3A_50 : i32
    %add3A_52 = arith.constant 256 : i32
    %add3A_53 = arith.addi %mul3A_51, %add3A_52 : i32
    "tpu.region"() ({
      %run_scoped3A = tpu.sem_alloc : memref<!tpu.dma_semaphore, #tpu.memory_space<semaphore_mem>>
      %dma_start3A_85 = arith.constant 0 : i32
      %dma_start3A_86 = tpu.memref_slice %arg6[%add3A_53, %dma_start3A_85] : memref<8192x128xf32, #tpu.memory_space<vmem_shared>> -> memref<128x128xf32, #tpu.memory_space<vmem_shared>>
      %dma_start3A_87 = arith.constant 0 : i32
      %dma_start3A_88 = tpu.memref_slice %arg6[%add3A_53, %dma_start3A_87] : memref<8192x128xf32, #tpu.memory_space<vmem_shared>> -> memref<128x128xf32, #tpu.memory_space<vmem_shared>>
      tpu.enqueue_dma source(%arg8 : memref<128x128xf32, #tpu.memory_space<vmem>>) target(%dma_start3A_88 : memref<128x128xf32, #tpu.memory_space<vmem_shared>>) target_semaphore(%run_scoped3A : memref<!tpu.dma_semaphore, #tpu.memory_space<semaphore_mem>>)
      %dma_wait3A_89 = arith.constant 0 : i32
      %dma_wait3A_90 = tpu.memref_slice %arg6[%add3A_53, %dma_wait3A_89] : memref<8192x128xf32, #tpu.memory_space<vmem_shared>> -> memref<128x128xf32, #tpu.memory_space<vmem_shared>>
      %dma_wait3A_91 = arith.constant 0 : i32
      %dma_wait3A_92 = tpu.memref_slice %arg6[%add3A_53, %dma_wait3A_91] : memref<8192x128xf32, #tpu.memory_space<vmem_shared>> -> memref<128x128xf32, #tpu.memory_space<vmem_shared>>
      tpu.wait_dma2 semaphore(%run_scoped3A : memref<!tpu.dma_semaphore, #tpu.memory_space<semaphore_mem>>) src(%arg8 : memref<128x128xf32, #tpu.memory_space<vmem>>) dst(%dma_wait3A_92 : memref<128x128xf32, #tpu.memory_space<vmem_shared>>)
      tpu.yield
    }) : () -> ()
    %dma_wait3A_54 = arith.constant 384 : i32
    %dma_wait3A_55 = tpu.memref_slice %arg12[%dma_wait3A_54] : memref<512xi32, #tpu.memory_space<vmem>> -> memref<128xi32, #tpu.memory_space<vmem>>
    %dma_wait3A_56 = arith.constant 0 : i32
    %dma_wait3A_57 = arith.constant 0 : i32
    %dma_wait3A_58 = tpu.memref_slice %arg2[%dma_wait3A_56, %dma_wait3A_57] : memref<50000x128xf32, #tpu.memory_space<hbm>> -> memref<50000x128xf32, #tpu.memory_space<hbm>>
    tpu.wait_indirect_dma semaphore(%arg14 : memref<!tpu.dma_semaphore, #tpu.memory_space<semaphore_mem>>) src(%dma_wait3A_58 : memref<50000x128xf32, #tpu.memory_space<hbm>>) dst(%arg9 : memref<128x128xf32, #tpu.memory_space<vmem>>)
    %mul3A_59 = arith.constant 512 : i32
    %mul3A_60 = arith.muli %arg1, %mul3A_59 : i32
    %add3A_61 = arith.constant 384 : i32
    %add3A_62 = arith.addi %mul3A_60, %add3A_61 : i32
    "tpu.region"() ({
      %run_scoped3A = tpu.sem_alloc : memref<!tpu.dma_semaphore, #tpu.memory_space<semaphore_mem>>
      %dma_start3A_85 = arith.constant 0 : i32
      %dma_start3A_86 = tpu.memref_slice %arg6[%add3A_62, %dma_start3A_85] : memref<8192x128xf32, #tpu.memory_space<vmem_shared>> -> memref<128x128xf32, #tpu.memory_space<vmem_shared>>
      %dma_start3A_87 = arith.constant 0 : i32
      %dma_start3A_88 = tpu.memref_slice %arg6[%add3A_62, %dma_start3A_87] : memref<8192x128xf32, #tpu.memory_space<vmem_shared>> -> memref<128x128xf32, #tpu.memory_space<vmem_shared>>
      tpu.enqueue_dma source(%arg9 : memref<128x128xf32, #tpu.memory_space<vmem>>) target(%dma_start3A_88 : memref<128x128xf32, #tpu.memory_space<vmem_shared>>) target_semaphore(%run_scoped3A : memref<!tpu.dma_semaphore, #tpu.memory_space<semaphore_mem>>)
      %dma_wait3A_89 = arith.constant 0 : i32
      %dma_wait3A_90 = tpu.memref_slice %arg6[%add3A_62, %dma_wait3A_89] : memref<8192x128xf32, #tpu.memory_space<vmem_shared>> -> memref<128x128xf32, #tpu.memory_space<vmem_shared>>
      %dma_wait3A_91 = arith.constant 0 : i32
      %dma_wait3A_92 = tpu.memref_slice %arg6[%add3A_62, %dma_wait3A_91] : memref<8192x128xf32, #tpu.memory_space<vmem_shared>> -> memref<128x128xf32, #tpu.memory_space<vmem_shared>>
      tpu.wait_dma2 semaphore(%run_scoped3A : memref<!tpu.dma_semaphore, #tpu.memory_space<semaphore_mem>>) src(%arg9 : memref<128x128xf32, #tpu.memory_space<vmem>>) dst(%dma_wait3A_92 : memref<128x128xf32, #tpu.memory_space<vmem_shared>>)
      tpu.yield
    }) : () -> ()
    %barrier3A = arith.constant 0 : index
    tpu.barrier barrier_id(%barrier3A)
    %mul3A_63 = arith.constant 16 : i32
    %mul3A_64 = arith.muli %mul3A_2, %mul3A_63 : i32
    %dma_wait3A_65 = tpu.memref_slice %arg3[%mul3A_64] : memref<262144xi32, #tpu.memory_space<hbm>> -> memref<8192xi32, #tpu.memory_space<hbm>>
    %dma_wait3A_66 = tpu.memref_slice %arg3[%mul3A_64] : memref<262144xi32, #tpu.memory_space<hbm>> -> memref<8192xi32, #tpu.memory_space<hbm>>
    tpu.wait_dma2 semaphore(%arg17 : memref<!tpu.dma_semaphore, #tpu.memory_space<semaphore_mem>>) src(%dma_wait3A_66 : memref<8192xi32, #tpu.memory_space<hbm>>) dst(%arg7 : memref<8192xi32, #tpu.memory_space<vmem>>)
    %dma_start3A_67 = arith.constant 0 : i32
    %dma_start3A_68 = tpu.memref_slice %arg7[%dma_start3A_67] : memref<8192xi32, #tpu.memory_space<vmem>> -> memref<128xi32, #tpu.memory_space<vmem>>
    %dma_start3A_69 = arith.constant 0 : i32
    %dma_start3A_70 = arith.constant 0 : i32
    %dma_start3A_71 = tpu.memref_slice %arg6[%dma_start3A_69, %dma_start3A_70] : memref<8192x128xf32, #tpu.memory_space<vmem_shared>> -> memref<8192x128xf32, #tpu.memory_space<vmem_shared>>
    tpu.enqueue_indirect_dma source(%dma_start3A_71 : memref<8192x128xf32, #tpu.memory_space<vmem_shared>>) target(%arg8 : memref<128x128xf32, #tpu.memory_space<vmem>>) offsets(%dma_start3A_68 : memref<128xi32, #tpu.memory_space<vmem>>) semaphore(%arg13 : memref<!tpu.dma_semaphore, #tpu.memory_space<semaphore_mem>>)
    %scan3A = arith.constant 0 : i32
    %scan3A_72 = arith.constant 0 : i32
    %scan3A_73 = arith.constant 32 : i32
    %scan3A_74 = arith.addi %scan3A_72, %scan3A_73 : i32
    %scan3A_75 = arith.constant 1 : i32
    scf.for %scan3A_85 = %scan3A_72 to %scan3A_74 step %scan3A_75  : i32 {
      %mul3A_86 = arith.constant 2 : i32
      %mul3A_87 = arith.muli %scan3A_85, %mul3A_86 : i32
      %add3A_88 = arith.constant 0 : i32
      %add3A_89 = arith.addi %mul3A_87, %add3A_88 : i32
      %add3A_90 = arith.constant 1 : i32
      %add3A_91 = arith.addi %add3A_89, %add3A_90 : i32
      %lt3A = arith.constant 64 : i32
      %lt3A_92 = arith.cmpi slt, %add3A_91, %lt3A : i32
      %convert_element_type3A = arith.extui %lt3A_92 : i1 to i32
      %cond3A = arith.constant 0 : i32
      %cond3A_93 = arith.cmpi ne, %convert_element_type3A, %cond3A : i32
      scf.if %cond3A_93 {
        %add3A_156 = arith.constant 1 : i32
        %add3A_157 = arith.addi %add3A_89, %add3A_156 : i32
        %mul3A_158 = arith.constant 8 : i32
        %mul3A_159 = arith.muli %add3A_157, %mul3A_158 : i32
        %mul3A_160 = arith.constant 16 : i32
        %mul3A_161 = arith.muli %mul3A_159, %mul3A_160 : i32
        %dma_start3A_162 = tpu.memref_slice %arg7[%mul3A_161] : memref<8192xi32, #tpu.memory_space<vmem>> -> memref<128xi32, #tpu.memory_space<vmem>>
        %dma_start3A_163 = arith.constant 0 : i32
        %dma_start3A_164 = arith.constant 0 : i32
        %dma_start3A_165 = tpu.memref_slice %arg6[%dma_start3A_163, %dma_start3A_164] : memref<8192x128xf32, #tpu.memory_space<vmem_shared>> -> memref<8192x128xf32, #tpu.memory_space<vmem_shared>>
        tpu.enqueue_indirect_dma source(%dma_start3A_165 : memref<8192x128xf32, #tpu.memory_space<vmem_shared>>) target(%arg9 : memref<128x128xf32, #tpu.memory_space<vmem>>) offsets(%dma_start3A_162 : memref<128xi32, #tpu.memory_space<vmem>>) semaphore(%arg14 : memref<!tpu.dma_semaphore, #tpu.memory_space<semaphore_mem>>)
      } else {
      }
      %mul3A_94 = arith.constant 8 : i32
      %mul3A_95 = arith.muli %add3A_89, %mul3A_94 : i32
      %mul3A_96 = arith.constant 16 : i32
      %mul3A_97 = arith.muli %mul3A_95, %mul3A_96 : i32
      %dma_wait3A_98 = tpu.memref_slice %arg7[%mul3A_97] : memref<8192xi32, #tpu.memory_space<vmem>> -> memref<128xi32, #tpu.memory_space<vmem>>
      %dma_wait3A_99 = arith.constant 0 : i32
      %dma_wait3A_100 = arith.constant 0 : i32
      %dma_wait3A_101 = tpu.memref_slice %arg6[%dma_wait3A_99, %dma_wait3A_100] : memref<8192x128xf32, #tpu.memory_space<vmem_shared>> -> memref<8192x128xf32, #tpu.memory_space<vmem_shared>>
      tpu.wait_indirect_dma semaphore(%arg13 : memref<!tpu.dma_semaphore, #tpu.memory_space<semaphore_mem>>) src(%dma_wait3A_101 : memref<8192x128xf32, #tpu.memory_space<vmem_shared>>) dst(%arg8 : memref<128x128xf32, #tpu.memory_space<vmem>>)
      %ge3A = arith.constant 2 : i32
      %ge3A_102 = arith.cmpi sge, %add3A_89, %ge3A : i32
      %convert_element_type3A_103 = arith.extui %ge3A_102 : i1 to i32
      %cond3A_104 = arith.constant 0 : i32
      %cond3A_105 = arith.cmpi ne, %convert_element_type3A_103, %cond3A_104 : i32
      scf.if %cond3A_105 {
        %dma_wait3A_156 = arith.constant 0 : i32
        %dma_wait3A_157 = tpu.memref_slice %arg5[%mul3A_2, %dma_wait3A_156] : memref<16384x128xf32, #tpu.memory_space<hbm>> -> memref<8x128xf32, #tpu.memory_space<hbm>>
        %dma_wait3A_158 = arith.constant 0 : i32
        %dma_wait3A_159 = tpu.memref_slice %arg5[%mul3A_2, %dma_wait3A_158] : memref<16384x128xf32, #tpu.memory_space<hbm>> -> memref<8x128xf32, #tpu.memory_space<hbm>>
        tpu.wait_dma2 semaphore(%arg15 : memref<!tpu.dma_semaphore, #tpu.memory_space<semaphore_mem>>) src(%arg10 : memref<8x128xf32, #tpu.memory_space<vmem>>) dst(%dma_wait3A_159 : memref<8x128xf32, #tpu.memory_space<hbm>>)
      } else {
      }
      %scan3A_106 = arith.constant 0 : i32
      %scan3A_107 = arith.constant 0 : i32
      %scan3A_108 = arith.constant 8 : i32
      %scan3A_109 = arith.addi %scan3A_107, %scan3A_108 : i32
      %scan3A_110 = arith.constant 1 : i32
      scf.for %scan3A_156 = %scan3A_107 to %scan3A_109 step %scan3A_110  : i32 {
        %mul3A_157 = arith.constant 16 : i32
        %mul3A_158 = arith.muli %scan3A_156, %mul3A_157 : i32
        %get3A = arith.index_cast %mul3A_158 : i32 to index
        %get3A_159 = arith.constant 0 : index
        %get3A_160 = tpu.vector_load %arg8[%get3A, %get3A_159] {strides = array<i32>} : memref<128x128xf32, #tpu.memory_space<vmem>>, vector<1x16xf32>,
        %get3A_161 = vector.shape_cast %get3A_160 : vector<1x16xf32> to vector<16xf32>
        %get3A_162 = arith.index_cast %mul3A_158 : i32 to index
        %get3A_163 = arith.constant 16 : index
        %get3A_164 = tpu.vector_load %arg8[%get3A_162, %get3A_163] {strides = array<i32>} : memref<128x128xf32, #tpu.memory_space<vmem>>, vector<1x16xf32>,
        %get3A_165 = vector.shape_cast %get3A_164 : vector<1x16xf32> to vector<16xf32>
        %get3A_166 = arith.index_cast %mul3A_158 : i32 to index
        %get3A_167 = arith.constant 32 : index
        %get3A_168 = tpu.vector_load %arg8[%get3A_166, %get3A_167] {strides = array<i32>} : memref<128x128xf32, #tpu.memory_space<vmem>>, vector<1x16xf32>,
        %get3A_169 = vector.shape_cast %get3A_168 : vector<1x16xf32> to vector<16xf32>
        %get3A_170 = arith.index_cast %mul3A_158 : i32 to index
        %get3A_171 = arith.constant 48 : index
        %get3A_172 = tpu.vector_load %arg8[%get3A_170, %get3A_171] {strides = array<i32>} : memref<128x128xf32, #tpu.memory_space<vmem>>, vector<1x16xf32>,
        %get3A_173 = vector.shape_cast %get3A_172 : vector<1x16xf32> to vector<16xf32>
        %get3A_174 = arith.index_cast %mul3A_158 : i32 to index
        %get3A_175 = arith.constant 64 : index
        %get3A_176 = tpu.vector_load %arg8[%get3A_174, %get3A_175] {strides = array<i32>} : memref<128x128xf32, #tpu.memory_space<vmem>>, vector<1x16xf32>,
        %get3A_177 = vector.shape_cast %get3A_176 : vector<1x16xf32> to vector<16xf32>
        %get3A_178 = arith.index_cast %mul3A_158 : i32 to index
        %get3A_179 = arith.constant 80 : index
        %get3A_180 = tpu.vector_load %arg8[%get3A_178, %get3A_179] {strides = array<i32>} : memref<128x128xf32, #tpu.memory_space<vmem>>, vector<1x16xf32>,
        %get3A_181 = vector.shape_cast %get3A_180 : vector<1x16xf32> to vector<16xf32>
        %get3A_182 = arith.index_cast %mul3A_158 : i32 to index
        %get3A_183 = arith.constant 96 : index
        %get3A_184 = tpu.vector_load %arg8[%get3A_182, %get3A_183] {strides = array<i32>} : memref<128x128xf32, #tpu.memory_space<vmem>>, vector<1x16xf32>,
        %get3A_185 = vector.shape_cast %get3A_184 : vector<1x16xf32> to vector<16xf32>
        %get3A_186 = arith.index_cast %mul3A_158 : i32 to index
        %get3A_187 = arith.constant 112 : index
        %get3A_188 = tpu.vector_load %arg8[%get3A_186, %get3A_187] {strides = array<i32>} : memref<128x128xf32, #tpu.memory_space<vmem>>, vector<1x16xf32>,
        %get3A_189 = vector.shape_cast %get3A_188 : vector<1x16xf32> to vector<16xf32>
        %add3A_190 = arith.constant 1 : i32
        %add3A_191 = arith.addi %mul3A_158, %add3A_190 : i32
        %get3A_192 = arith.index_cast %add3A_191 : i32 to index
        %get3A_193 = arith.constant 0 : index
        %get3A_194 = tpu.vector_load %arg8[%get3A_192, %get3A_193] {strides = array<i32>} : memref<128x128xf32, #tpu.memory_space<vmem>>, vector<1x16xf32>,
        %get3A_195 = vector.shape_cast %get3A_194 : vector<1x16xf32> to vector<16xf32>
        %add3A_196 = arith.addf %get3A_161, %get3A_195 : vector<16xf32>
        %add3A_197 = arith.constant 1 : i32
        %add3A_198 = arith.addi %mul3A_158, %add3A_197 : i32
        %get3A_199 = arith.index_cast %add3A_198 : i32 to index
        %get3A_200 = arith.constant 16 : index
        %get3A_201 = tpu.vector_load %arg8[%get3A_199, %get3A_200] {strides = array<i32>} : memref<128x128xf32, #tpu.memory_space<vmem>>, vector<1x16xf32>,
        %get3A_202 = vector.shape_cast %get3A_201 : vector<1x16xf32> to vector<16xf32>
        %add3A_203 = arith.addf %get3A_165, %get3A_202 : vector<16xf32>
        %add3A_204 = arith.constant 1 : i32
        %add3A_205 = arith.addi %mul3A_158, %add3A_204 : i32
        %get3A_206 = arith.index_cast %add3A_205 : i32 to index
        %get3A_207 = arith.constant 32 : index
        %get3A_208 = tpu.vector_load %arg8[%get3A_206, %get3A_207] {strides = array<i32>} : memref<128x128xf32, #tpu.memory_space<vmem>>, vector<1x16xf32>,
        %get3A_209 = vector.shape_cast %get3A_208 : vector<1x16xf32> to vector<16xf32>
        %add3A_210 = arith.addf %get3A_169, %get3A_209 : vector<16xf32>
        %add3A_211 = arith.constant 1 : i32
        %add3A_212 = arith.addi %mul3A_158, %add3A_211 : i32
        %get3A_213 = arith.index_cast %add3A_212 : i32 to index
        %get3A_214 = arith.constant 48 : index
        %get3A_215 = tpu.vector_load %arg8[%get3A_213, %get3A_214] {strides = array<i32>} : memref<128x128xf32, #tpu.memory_space<vmem>>, vector<1x16xf32>,
        %get3A_216 = vector.shape_cast %get3A_215 : vector<1x16xf32> to vector<16xf32>
        %add3A_217 = arith.addf %get3A_173, %get3A_216 : vector<16xf32>
        %add3A_218 = arith.constant 1 : i32
        %add3A_219 = arith.addi %mul3A_158, %add3A_218 : i32
        %get3A_220 = arith.index_cast %add3A_219 : i32 to index
        %get3A_221 = arith.constant 64 : index
        %get3A_222 = tpu.vector_load %arg8[%get3A_220, %get3A_221] {strides = array<i32>} : memref<128x128xf32, #tpu.memory_space<vmem>>, vector<1x16xf32>,
        %get3A_223 = vector.shape_cast %get3A_222 : vector<1x16xf32> to vector<16xf32>
        %add3A_224 = arith.addf %get3A_177, %get3A_223 : vector<16xf32>
        %add3A_225 = arith.constant 1 : i32
        %add3A_226 = arith.addi %mul3A_158, %add3A_225 : i32
        %get3A_227 = arith.index_cast %add3A_226 : i32 to index
        %get3A_228 = arith.constant 80 : index
        %get3A_229 = tpu.vector_load %arg8[%get3A_227, %get3A_228] {strides = array<i32>} : memref<128x128xf32, #tpu.memory_space<vmem>>, vector<1x16xf32>,
        %get3A_230 = vector.shape_cast %get3A_229 : vector<1x16xf32> to vector<16xf32>
        %add3A_231 = arith.addf %get3A_181, %get3A_230 : vector<16xf32>
        %add3A_232 = arith.constant 1 : i32
        %add3A_233 = arith.addi %mul3A_158, %add3A_232 : i32
        %get3A_234 = arith.index_cast %add3A_233 : i32 to index
        %get3A_235 = arith.constant 96 : index
        %get3A_236 = tpu.vector_load %arg8[%get3A_234, %get3A_235] {strides = array<i32>} : memref<128x128xf32, #tpu.memory_space<vmem>>, vector<1x16xf32>,
        %get3A_237 = vector.shape_cast %get3A_236 : vector<1x16xf32> to vector<16xf32>
        %add3A_238 = arith.addf %get3A_185, %get3A_237 : vector<16xf32>
        %add3A_239 = arith.constant 1 : i32
        %add3A_240 = arith.addi %mul3A_158, %add3A_239 : i32
        %get3A_241 = arith.index_cast %add3A_240 : i32 to index
        %get3A_242 = arith.constant 112 : index
        %get3A_243 = tpu.vector_load %arg8[%get3A_241, %get3A_242] {strides = array<i32>} : memref<128x128xf32, #tpu.memory_space<vmem>>, vector<1x16xf32>,
        %get3A_244 = vector.shape_cast %get3A_243 : vector<1x16xf32> to vector<16xf32>
        %add3A_245 = arith.addf %get3A_189, %get3A_244 : vector<16xf32>
        %add3A_246 = arith.constant 2 : i32
        %add3A_247 = arith.addi %mul3A_158, %add3A_246 : i32
        %get3A_248 = arith.index_cast %add3A_247 : i32 to index
        %get3A_249 = arith.constant 0 : index
        %get3A_250 = tpu.vector_load %arg8[%get3A_248, %get3A_249] {strides = array<i32>} : memref<128x128xf32, #tpu.memory_space<vmem>>, vector<1x16xf32>,
        %get3A_251 = vector.shape_cast %get3A_250 : vector<1x16xf32> to vector<16xf32>
        %add3A_252 = arith.addf %add3A_196, %get3A_251 : vector<16xf32>
        %add3A_253 = arith.constant 2 : i32
        %add3A_254 = arith.addi %mul3A_158, %add3A_253 : i32
        %get3A_255 = arith.index_cast %add3A_254 : i32 to index
        %get3A_256 = arith.constant 16 : index
        %get3A_257 = tpu.vector_load %arg8[%get3A_255, %get3A_256] {strides = array<i32>} : memref<128x128xf32, #tpu.memory_space<vmem>>, vector<1x16xf32>,
        %get3A_258 = vector.shape_cast %get3A_257 : vector<1x16xf32> to vector<16xf32>
        %add3A_259 = arith.addf %add3A_203, %get3A_258 : vector<16xf32>
        %add3A_260 = arith.constant 2 : i32
        %add3A_261 = arith.addi %mul3A_158, %add3A_260 : i32
        %get3A_262 = arith.index_cast %add3A_261 : i32 to index
        %get3A_263 = arith.constant 32 : index
        %get3A_264 = tpu.vector_load %arg8[%get3A_262, %get3A_263] {strides = array<i32>} : memref<128x128xf32, #tpu.memory_space<vmem>>, vector<1x16xf32>,
        %get3A_265 = vector.shape_cast %get3A_264 : vector<1x16xf32> to vector<16xf32>
        %add3A_266 = arith.addf %add3A_210, %get3A_265 : vector<16xf32>
        %add3A_267 = arith.constant 2 : i32
        %add3A_268 = arith.addi %mul3A_158, %add3A_267 : i32
        %get3A_269 = arith.index_cast %add3A_268 : i32 to index
        %get3A_270 = arith.constant 48 : index
        %get3A_271 = tpu.vector_load %arg8[%get3A_269, %get3A_270] {strides = array<i32>} : memref<128x128xf32, #tpu.memory_space<vmem>>, vector<1x16xf32>,
        %get3A_272 = vector.shape_cast %get3A_271 : vector<1x16xf32> to vector<16xf32>
        %add3A_273 = arith.addf %add3A_217, %get3A_272 : vector<16xf32>
        %add3A_274 = arith.constant 2 : i32
        %add3A_275 = arith.addi %mul3A_158, %add3A_274 : i32
        %get3A_276 = arith.index_cast %add3A_275 : i32 to index
        %get3A_277 = arith.constant 64 : index
        %get3A_278 = tpu.vector_load %arg8[%get3A_276, %get3A_277] {strides = array<i32>} : memref<128x128xf32, #tpu.memory_space<vmem>>, vector<1x16xf32>,
        %get3A_279 = vector.shape_cast %get3A_278 : vector<1x16xf32> to vector<16xf32>
        %add3A_280 = arith.addf %add3A_224, %get3A_279 : vector<16xf32>
        %add3A_281 = arith.constant 2 : i32
        %add3A_282 = arith.addi %mul3A_158, %add3A_281 : i32
        %get3A_283 = arith.index_cast %add3A_282 : i32 to index
        %get3A_284 = arith.constant 80 : index
        %get3A_285 = tpu.vector_load %arg8[%get3A_283, %get3A_284] {strides = array<i32>} : memref<128x128xf32, #tpu.memory_space<vmem>>, vector<1x16xf32>,
        %get3A_286 = vector.shape_cast %get3A_285 : vector<1x16xf32> to vector<16xf32>
        %add3A_287 = arith.addf %add3A_231, %get3A_286 : vector<16xf32>
        %add3A_288 = arith.constant 2 : i32
        %add3A_289 = arith.addi %mul3A_158, %add3A_288 : i32
        %get3A_290 = arith.index_cast %add3A_289 : i32 to index
        %get3A_291 = arith.constant 96 : index
        %get3A_292 = tpu.vector_load %arg8[%get3A_290, %get3A_291] {strides = array<i32>} : memref<128x128xf32, #tpu.memory_space<vmem>>, vector<1x16xf32>,
        %get3A_293 = vector.shape_cast %get3A_292 : vector<1x16xf32> to vector<16xf32>
        %add3A_294 = arith.addf %add3A_238, %get3A_293 : vector<16xf32>
        %add3A_295 = arith.constant 2 : i32
        %add3A_296 = arith.addi %mul3A_158, %add3A_295 : i32
        %get3A_297 = arith.index_cast %add3A_296 : i32 to index
        %get3A_298 = arith.constant 112 : index
        %get3A_299 = tpu.vector_load %arg8[%get3A_297, %get3A_298] {strides = array<i32>} : memref<128x128xf32, #tpu.memory_space<vmem>>, vector<1x16xf32>,
        %get3A_300 = vector.shape_cast %get3A_299 : vector<1x16xf32> to vector<16xf32>
        %add3A_301 = arith.addf %add3A_245, %get3A_300 : vector<16xf32>
        %add3A_302 = arith.constant 3 : i32
        %add3A_303 = arith.addi %mul3A_158, %add3A_302 : i32
        %get3A_304 = arith.index_cast %add3A_303 : i32 to index
        %get3A_305 = arith.constant 0 : index
        %get3A_306 = tpu.vector_load %arg8[%get3A_304, %get3A_305] {strides = array<i32>} : memref<128x128xf32, #tpu.memory_space<vmem>>, vector<1x16xf32>,
        %get3A_307 = vector.shape_cast %get3A_306 : vector<1x16xf32> to vector<16xf32>
        %add3A_308 = arith.addf %add3A_252, %get3A_307 : vector<16xf32>
        %add3A_309 = arith.constant 3 : i32
        %add3A_310 = arith.addi %mul3A_158, %add3A_309 : i32
        %get3A_311 = arith.index_cast %add3A_310 : i32 to index
        %get3A_312 = arith.constant 16 : index
        %get3A_313 = tpu.vector_load %arg8[%get3A_311, %get3A_312] {strides = array<i32>} : memref<128x128xf32, #tpu.memory_space<vmem>>, vector<1x16xf32>,
        %get3A_314 = vector.shape_cast %get3A_313 : vector<1x16xf32> to vector<16xf32>
        %add3A_315 = arith.addf %add3A_259, %get3A_314 : vector<16xf32>
        %add3A_316 = arith.constant 3 : i32
        %add3A_317 = arith.addi %mul3A_158, %add3A_316 : i32
        %get3A_318 = arith.index_cast %add3A_317 : i32 to index
        %get3A_319 = arith.constant 32 : index
        %get3A_320 = tpu.vector_load %arg8[%get3A_318, %get3A_319] {strides = array<i32>} : memref<128x128xf32, #tpu.memory_space<vmem>>, vector<1x16xf32>,
        %get3A_321 = vector.shape_cast %get3A_320 : vector<1x16xf32> to vector<16xf32>
        %add3A_322 = arith.addf %add3A_266, %get3A_321 : vector<16xf32>
        %add3A_323 = arith.constant 3 : i32
        %add3A_324 = arith.addi %mul3A_158, %add3A_323 : i32
        %get3A_325 = arith.index_cast %add3A_324 : i32 to index
        %get3A_326 = arith.constant 48 : index
        %get3A_327 = tpu.vector_load %arg8[%get3A_325, %get3A_326] {strides = array<i32>} : memref<128x128xf32, #tpu.memory_space<vmem>>, vector<1x16xf32>,
        %get3A_328 = vector.shape_cast %get3A_327 : vector<1x16xf32> to vector<16xf32>
        %add3A_329 = arith.addf %add3A_273, %get3A_328 : vector<16xf32>
        %add3A_330 = arith.constant 3 : i32
        %add3A_331 = arith.addi %mul3A_158, %add3A_330 : i32
        %get3A_332 = arith.index_cast %add3A_331 : i32 to index
        %get3A_333 = arith.constant 64 : index
        %get3A_334 = tpu.vector_load %arg8[%get3A_332, %get3A_333] {strides = array<i32>} : memref<128x128xf32, #tpu.memory_space<vmem>>, vector<1x16xf32>,
        %get3A_335 = vector.shape_cast %get3A_334 : vector<1x16xf32> to vector<16xf32>
        %add3A_336 = arith.addf %add3A_280, %get3A_335 : vector<16xf32>
        %add3A_337 = arith.constant 3 : i32
        %add3A_338 = arith.addi %mul3A_158, %add3A_337 : i32
        %get3A_339 = arith.index_cast %add3A_338 : i32 to index
        %get3A_340 = arith.constant 80 : index
        %get3A_341 = tpu.vector_load %arg8[%get3A_339, %get3A_340] {strides = array<i32>} : memref<128x128xf32, #tpu.memory_space<vmem>>, vector<1x16xf32>,
        %get3A_342 = vector.shape_cast %get3A_341 : vector<1x16xf32> to vector<16xf32>
        %add3A_343 = arith.addf %add3A_287, %get3A_342 : vector<16xf32>
        %add3A_344 = arith.constant 3 : i32
        %add3A_345 = arith.addi %mul3A_158, %add3A_344 : i32
        %get3A_346 = arith.index_cast %add3A_345 : i32 to index
        %get3A_347 = arith.constant 96 : index
        %get3A_348 = tpu.vector_load %arg8[%get3A_346, %get3A_347] {strides = array<i32>} : memref<128x128xf32, #tpu.memory_space<vmem>>, vector<1x16xf32>,
        %get3A_349 = vector.shape_cast %get3A_348 : vector<1x16xf32> to vector<16xf32>
        %add3A_350 = arith.addf %add3A_294, %get3A_349 : vector<16xf32>
        %add3A_351 = arith.constant 3 : i32
        %add3A_352 = arith.addi %mul3A_158, %add3A_351 : i32
        %get3A_353 = arith.index_cast %add3A_352 : i32 to index
        %get3A_354 = arith.constant 112 : index
        %get3A_355 = tpu.vector_load %arg8[%get3A_353, %get3A_354] {strides = array<i32>} : memref<128x128xf32, #tpu.memory_space<vmem>>, vector<1x16xf32>,
        %get3A_356 = vector.shape_cast %get3A_355 : vector<1x16xf32> to vector<16xf32>
        %add3A_357 = arith.addf %add3A_301, %get3A_356 : vector<16xf32>
        %add3A_358 = arith.constant 4 : i32
        %add3A_359 = arith.addi %mul3A_158, %add3A_358 : i32
        %get3A_360 = arith.index_cast %add3A_359 : i32 to index
        %get3A_361 = arith.constant 0 : index
        %get3A_362 = tpu.vector_load %arg8[%get3A_360, %get3A_361] {strides = array<i32>} : memref<128x128xf32, #tpu.memory_space<vmem>>, vector<1x16xf32>,
        %get3A_363 = vector.shape_cast %get3A_362 : vector<1x16xf32> to vector<16xf32>
        %add3A_364 = arith.addf %add3A_308, %get3A_363 : vector<16xf32>
        %add3A_365 = arith.constant 4 : i32
        %add3A_366 = arith.addi %mul3A_158, %add3A_365 : i32
        %get3A_367 = arith.index_cast %add3A_366 : i32 to index
        %get3A_368 = arith.constant 16 : index
        %get3A_369 = tpu.vector_load %arg8[%get3A_367, %get3A_368] {strides = array<i32>} : memref<128x128xf32, #tpu.memory_space<vmem>>, vector<1x16xf32>,
        %get3A_370 = vector.shape_cast %get3A_369 : vector<1x16xf32> to vector<16xf32>
        %add3A_371 = arith.addf %add3A_315, %get3A_370 : vector<16xf32>
        %add3A_372 = arith.constant 4 : i32
        %add3A_373 = arith.addi %mul3A_158, %add3A_372 : i32
        %get3A_374 = arith.index_cast %add3A_373 : i32 to index
        %get3A_375 = arith.constant 32 : index
        %get3A_376 = tpu.vector_load %arg8[%get3A_374, %get3A_375] {strides = array<i32>} : memref<128x128xf32, #tpu.memory_space<vmem>>, vector<1x16xf32>,
        %get3A_377 = vector.shape_cast %get3A_376 : vector<1x16xf32> to vector<16xf32>
        %add3A_378 = arith.addf %add3A_322, %get3A_377 : vector<16xf32>
        %add3A_379 = arith.constant 4 : i32
        %add3A_380 = arith.addi %mul3A_158, %add3A_379 : i32
        %get3A_381 = arith.index_cast %add3A_380 : i32 to index
        %get3A_382 = arith.constant 48 : index
        %get3A_383 = tpu.vector_load %arg8[%get3A_381, %get3A_382] {strides = array<i32>} : memref<128x128xf32, #tpu.memory_space<vmem>>, vector<1x16xf32>,
        %get3A_384 = vector.shape_cast %get3A_383 : vector<1x16xf32> to vector<16xf32>
        %add3A_385 = arith.addf %add3A_329, %get3A_384 : vector<16xf32>
        %add3A_386 = arith.constant 4 : i32
        %add3A_387 = arith.addi %mul3A_158, %add3A_386 : i32
        %get3A_388 = arith.index_cast %add3A_387 : i32 to index
        %get3A_389 = arith.constant 64 : index
        %get3A_390 = tpu.vector_load %arg8[%get3A_388, %get3A_389] {strides = array<i32>} : memref<128x128xf32, #tpu.memory_space<vmem>>, vector<1x16xf32>,
        %get3A_391 = vector.shape_cast %get3A_390 : vector<1x16xf32> to vector<16xf32>
        %add3A_392 = arith.addf %add3A_336, %get3A_391 : vector<16xf32>
        %add3A_393 = arith.constant 4 : i32
        %add3A_394 = arith.addi %mul3A_158, %add3A_393 : i32
        %get3A_395 = arith.index_cast %add3A_394 : i32 to index
        %get3A_396 = arith.constant 80 : index
        %get3A_397 = tpu.vector_load %arg8[%get3A_395, %get3A_396] {strides = array<i32>} : memref<128x128xf32, #tpu.memory_space<vmem>>, vector<1x16xf32>,
        %get3A_398 = vector.shape_cast %get3A_397 : vector<1x16xf32> to vector<16xf32>
        %add3A_399 = arith.addf %add3A_343, %get3A_398 : vector<16xf32>
        %add3A_400 = arith.constant 4 : i32
        %add3A_401 = arith.addi %mul3A_158, %add3A_400 : i32
        %get3A_402 = arith.index_cast %add3A_401 : i32 to index
        %get3A_403 = arith.constant 96 : index
        %get3A_404 = tpu.vector_load %arg8[%get3A_402, %get3A_403] {strides = array<i32>} : memref<128x128xf32, #tpu.memory_space<vmem>>, vector<1x16xf32>,
        %get3A_405 = vector.shape_cast %get3A_404 : vector<1x16xf32> to vector<16xf32>
        %add3A_406 = arith.addf %add3A_350, %get3A_405 : vector<16xf32>
        %add3A_407 = arith.constant 4 : i32
        %add3A_408 = arith.addi %mul3A_158, %add3A_407 : i32
        %get3A_409 = arith.index_cast %add3A_408 : i32 to index
        %get3A_410 = arith.constant 112 : index
        %get3A_411 = tpu.vector_load %arg8[%get3A_409, %get3A_410] {strides = array<i32>} : memref<128x128xf32, #tpu.memory_space<vmem>>, vector<1x16xf32>,
        %get3A_412 = vector.shape_cast %get3A_411 : vector<1x16xf32> to vector<16xf32>
        %add3A_413 = arith.addf %add3A_357, %get3A_412 : vector<16xf32>
        %add3A_414 = arith.constant 5 : i32
        %add3A_415 = arith.addi %mul3A_158, %add3A_414 : i32
        %get3A_416 = arith.index_cast %add3A_415 : i32 to index
        %get3A_417 = arith.constant 0 : index
        %get3A_418 = tpu.vector_load %arg8[%get3A_416, %get3A_417] {strides = array<i32>} : memref<128x128xf32, #tpu.memory_space<vmem>>, vector<1x16xf32>,
        %get3A_419 = vector.shape_cast %get3A_418 : vector<1x16xf32> to vector<16xf32>
        %add3A_420 = arith.addf %add3A_364, %get3A_419 : vector<16xf32>
        %add3A_421 = arith.constant 5 : i32
        %add3A_422 = arith.addi %mul3A_158, %add3A_421 : i32
        %get3A_423 = arith.index_cast %add3A_422 : i32 to index
        %get3A_424 = arith.constant 16 : index
        %get3A_425 = tpu.vector_load %arg8[%get3A_423, %get3A_424] {strides = array<i32>} : memref<128x128xf32, #tpu.memory_space<vmem>>, vector<1x16xf32>,
        %get3A_426 = vector.shape_cast %get3A_425 : vector<1x16xf32> to vector<16xf32>
        %add3A_427 = arith.addf %add3A_371, %get3A_426 : vector<16xf32>
        %add3A_428 = arith.constant 5 : i32
        %add3A_429 = arith.addi %mul3A_158, %add3A_428 : i32
        %get3A_430 = arith.index_cast %add3A_429 : i32 to index
        %get3A_431 = arith.constant 32 : index
        %get3A_432 = tpu.vector_load %arg8[%get3A_430, %get3A_431] {strides = array<i32>} : memref<128x128xf32, #tpu.memory_space<vmem>>, vector<1x16xf32>,
        %get3A_433 = vector.shape_cast %get3A_432 : vector<1x16xf32> to vector<16xf32>
        %add3A_434 = arith.addf %add3A_378, %get3A_433 : vector<16xf32>
        %add3A_435 = arith.constant 5 : i32
        %add3A_436 = arith.addi %mul3A_158, %add3A_435 : i32
        %get3A_437 = arith.index_cast %add3A_436 : i32 to index
        %get3A_438 = arith.constant 48 : index
        %get3A_439 = tpu.vector_load %arg8[%get3A_437, %get3A_438] {strides = array<i32>} : memref<128x128xf32, #tpu.memory_space<vmem>>, vector<1x16xf32>,
        %get3A_440 = vector.shape_cast %get3A_439 : vector<1x16xf32> to vector<16xf32>
        %add3A_441 = arith.addf %add3A_385, %get3A_440 : vector<16xf32>
        %add3A_442 = arith.constant 5 : i32
        %add3A_443 = arith.addi %mul3A_158, %add3A_442 : i32
        %get3A_444 = arith.index_cast %add3A_443 : i32 to index
        %get3A_445 = arith.constant 64 : index
        %get3A_446 = tpu.vector_load %arg8[%get3A_444, %get3A_445] {strides = array<i32>} : memref<128x128xf32, #tpu.memory_space<vmem>>, vector<1x16xf32>,
        %get3A_447 = vector.shape_cast %get3A_446 : vector<1x16xf32> to vector<16xf32>
        %add3A_448 = arith.addf %add3A_392, %get3A_447 : vector<16xf32>
        %add3A_449 = arith.constant 5 : i32
        %add3A_450 = arith.addi %mul3A_158, %add3A_449 : i32
        %get3A_451 = arith.index_cast %add3A_450 : i32 to index
        %get3A_452 = arith.constant 80 : index
        %get3A_453 = tpu.vector_load %arg8[%get3A_451, %get3A_452] {strides = array<i32>} : memref<128x128xf32, #tpu.memory_space<vmem>>, vector<1x16xf32>,
        %get3A_454 = vector.shape_cast %get3A_453 : vector<1x16xf32> to vector<16xf32>
        %add3A_455 = arith.addf %add3A_399, %get3A_454 : vector<16xf32>
        %add3A_456 = arith.constant 5 : i32
        %add3A_457 = arith.addi %mul3A_158, %add3A_456 : i32
        %get3A_458 = arith.index_cast %add3A_457 : i32 to index
        %get3A_459 = arith.constant 96 : index
        %get3A_460 = tpu.vector_load %arg8[%get3A_458, %get3A_459] {strides = array<i32>} : memref<128x128xf32, #tpu.memory_space<vmem>>, vector<1x16xf32>,
        %get3A_461 = vector.shape_cast %get3A_460 : vector<1x16xf32> to vector<16xf32>
        %add3A_462 = arith.addf %add3A_406, %get3A_461 : vector<16xf32>
        %add3A_463 = arith.constant 5 : i32
        %add3A_464 = arith.addi %mul3A_158, %add3A_463 : i32
        %get3A_465 = arith.index_cast %add3A_464 : i32 to index
        %get3A_466 = arith.constant 112 : index
        %get3A_467 = tpu.vector_load %arg8[%get3A_465, %get3A_466] {strides = array<i32>} : memref<128x128xf32, #tpu.memory_space<vmem>>, vector<1x16xf32>,
        %get3A_468 = vector.shape_cast %get3A_467 : vector<1x16xf32> to vector<16xf32>
        %add3A_469 = arith.addf %add3A_413, %get3A_468 : vector<16xf32>
        %add3A_470 = arith.constant 6 : i32
        %add3A_471 = arith.addi %mul3A_158, %add3A_470 : i32
        %get3A_472 = arith.index_cast %add3A_471 : i32 to index
        %get3A_473 = arith.constant 0 : index
        %get3A_474 = tpu.vector_load %arg8[%get3A_472, %get3A_473] {strides = array<i32>} : memref<128x128xf32, #tpu.memory_space<vmem>>, vector<1x16xf32>,
        %get3A_475 = vector.shape_cast %get3A_474 : vector<1x16xf32> to vector<16xf32>
        %add3A_476 = arith.addf %add3A_420, %get3A_475 : vector<16xf32>
        %add3A_477 = arith.constant 6 : i32
        %add3A_478 = arith.addi %mul3A_158, %add3A_477 : i32
        %get3A_479 = arith.index_cast %add3A_478 : i32 to index
        %get3A_480 = arith.constant 16 : index
        %get3A_481 = tpu.vector_load %arg8[%get3A_479, %get3A_480] {strides = array<i32>} : memref<128x128xf32, #tpu.memory_space<vmem>>, vector<1x16xf32>,
        %get3A_482 = vector.shape_cast %get3A_481 : vector<1x16xf32> to vector<16xf32>
        %add3A_483 = arith.addf %add3A_427, %get3A_482 : vector<16xf32>
        %add3A_484 = arith.constant 6 : i32
        %add3A_485 = arith.addi %mul3A_158, %add3A_484 : i32
        %get3A_486 = arith.index_cast %add3A_485 : i32 to index
        %get3A_487 = arith.constant 32 : index
        %get3A_488 = tpu.vector_load %arg8[%get3A_486, %get3A_487] {strides = array<i32>} : memref<128x128xf32, #tpu.memory_space<vmem>>, vector<1x16xf32>,
        %get3A_489 = vector.shape_cast %get3A_488 : vector<1x16xf32> to vector<16xf32>
        %add3A_490 = arith.addf %add3A_434, %get3A_489 : vector<16xf32>
        %add3A_491 = arith.constant 6 : i32
        %add3A_492 = arith.addi %mul3A_158, %add3A_491 : i32
        %get3A_493 = arith.index_cast %add3A_492 : i32 to index
        %get3A_494 = arith.constant 48 : index
        %get3A_495 = tpu.vector_load %arg8[%get3A_493, %get3A_494] {strides = array<i32>} : memref<128x128xf32, #tpu.memory_space<vmem>>, vector<1x16xf32>,
        %get3A_496 = vector.shape_cast %get3A_495 : vector<1x16xf32> to vector<16xf32>
        %add3A_497 = arith.addf %add3A_441, %get3A_496 : vector<16xf32>
        %add3A_498 = arith.constant 6 : i32
        %add3A_499 = arith.addi %mul3A_158, %add3A_498 : i32
        %get3A_500 = arith.index_cast %add3A_499 : i32 to index
        %get3A_501 = arith.constant 64 : index
        %get3A_502 = tpu.vector_load %arg8[%get3A_500, %get3A_501] {strides = array<i32>} : memref<128x128xf32, #tpu.memory_space<vmem>>, vector<1x16xf32>,
        %get3A_503 = vector.shape_cast %get3A_502 : vector<1x16xf32> to vector<16xf32>
        %add3A_504 = arith.addf %add3A_448, %get3A_503 : vector<16xf32>
        %add3A_505 = arith.constant 6 : i32
        %add3A_506 = arith.addi %mul3A_158, %add3A_505 : i32
        %get3A_507 = arith.index_cast %add3A_506 : i32 to index
        %get3A_508 = arith.constant 80 : index
        %get3A_509 = tpu.vector_load %arg8[%get3A_507, %get3A_508] {strides = array<i32>} : memref<128x128xf32, #tpu.memory_space<vmem>>, vector<1x16xf32>,
        %get3A_510 = vector.shape_cast %get3A_509 : vector<1x16xf32> to vector<16xf32>
        %add3A_511 = arith.addf %add3A_455, %get3A_510 : vector<16xf32>
        %add3A_512 = arith.constant 6 : i32
        %add3A_513 = arith.addi %mul3A_158, %add3A_512 : i32
        %get3A_514 = arith.index_cast %add3A_513 : i32 to index
        %get3A_515 = arith.constant 96 : index
        %get3A_516 = tpu.vector_load %arg8[%get3A_514, %get3A_515] {strides = array<i32>} : memref<128x128xf32, #tpu.memory_space<vmem>>, vector<1x16xf32>,
        %get3A_517 = vector.shape_cast %get3A_516 : vector<1x16xf32> to vector<16xf32>
        %add3A_518 = arith.addf %add3A_462, %get3A_517 : vector<16xf32>
        %add3A_519 = arith.constant 6 : i32
        %add3A_520 = arith.addi %mul3A_158, %add3A_519 : i32
        %get3A_521 = arith.index_cast %add3A_520 : i32 to index
        %get3A_522 = arith.constant 112 : index
        %get3A_523 = tpu.vector_load %arg8[%get3A_521, %get3A_522] {strides = array<i32>} : memref<128x128xf32, #tpu.memory_space<vmem>>, vector<1x16xf32>,
        %get3A_524 = vector.shape_cast %get3A_523 : vector<1x16xf32> to vector<16xf32>
        %add3A_525 = arith.addf %add3A_469, %get3A_524 : vector<16xf32>
        %add3A_526 = arith.constant 7 : i32
        %add3A_527 = arith.addi %mul3A_158, %add3A_526 : i32
        %get3A_528 = arith.index_cast %add3A_527 : i32 to index
        %get3A_529 = arith.constant 0 : index
        %get3A_530 = tpu.vector_load %arg8[%get3A_528, %get3A_529] {strides = array<i32>} : memref<128x128xf32, #tpu.memory_space<vmem>>, vector<1x16xf32>,
        %get3A_531 = vector.shape_cast %get3A_530 : vector<1x16xf32> to vector<16xf32>
        %add3A_532 = arith.addf %add3A_476, %get3A_531 : vector<16xf32>
        %add3A_533 = arith.constant 7 : i32
        %add3A_534 = arith.addi %mul3A_158, %add3A_533 : i32
        %get3A_535 = arith.index_cast %add3A_534 : i32 to index
        %get3A_536 = arith.constant 16 : index
        %get3A_537 = tpu.vector_load %arg8[%get3A_535, %get3A_536] {strides = array<i32>} : memref<128x128xf32, #tpu.memory_space<vmem>>, vector<1x16xf32>,
        %get3A_538 = vector.shape_cast %get3A_537 : vector<1x16xf32> to vector<16xf32>
        %add3A_539 = arith.addf %add3A_483, %get3A_538 : vector<16xf32>
        %add3A_540 = arith.constant 7 : i32
        %add3A_541 = arith.addi %mul3A_158, %add3A_540 : i32
        %get3A_542 = arith.index_cast %add3A_541 : i32 to index
        %get3A_543 = arith.constant 32 : index
        %get3A_544 = tpu.vector_load %arg8[%get3A_542, %get3A_543] {strides = array<i32>} : memref<128x128xf32, #tpu.memory_space<vmem>>, vector<1x16xf32>,
        %get3A_545 = vector.shape_cast %get3A_544 : vector<1x16xf32> to vector<16xf32>
        %add3A_546 = arith.addf %add3A_490, %get3A_545 : vector<16xf32>
        %add3A_547 = arith.constant 7 : i32
        %add3A_548 = arith.addi %mul3A_158, %add3A_547 : i32
        %get3A_549 = arith.index_cast %add3A_548 : i32 to index
        %get3A_550 = arith.constant 48 : index
        %get3A_551 = tpu.vector_load %arg8[%get3A_549, %get3A_550] {strides = array<i32>} : memref<128x128xf32, #tpu.memory_space<vmem>>, vector<1x16xf32>,
        %get3A_552 = vector.shape_cast %get3A_551 : vector<1x16xf32> to vector<16xf32>
        %add3A_553 = arith.addf %add3A_497, %get3A_552 : vector<16xf32>
        %add3A_554 = arith.constant 7 : i32
        %add3A_555 = arith.addi %mul3A_158, %add3A_554 : i32
        %get3A_556 = arith.index_cast %add3A_555 : i32 to index
        %get3A_557 = arith.constant 64 : index
        %get3A_558 = tpu.vector_load %arg8[%get3A_556, %get3A_557] {strides = array<i32>} : memref<128x128xf32, #tpu.memory_space<vmem>>, vector<1x16xf32>,
        %get3A_559 = vector.shape_cast %get3A_558 : vector<1x16xf32> to vector<16xf32>
        %add3A_560 = arith.addf %add3A_504, %get3A_559 : vector<16xf32>
        %add3A_561 = arith.constant 7 : i32
        %add3A_562 = arith.addi %mul3A_158, %add3A_561 : i32
        %get3A_563 = arith.index_cast %add3A_562 : i32 to index
        %get3A_564 = arith.constant 80 : index
        %get3A_565 = tpu.vector_load %arg8[%get3A_563, %get3A_564] {strides = array<i32>} : memref<128x128xf32, #tpu.memory_space<vmem>>, vector<1x16xf32>,
        %get3A_566 = vector.shape_cast %get3A_565 : vector<1x16xf32> to vector<16xf32>
        %add3A_567 = arith.addf %add3A_511, %get3A_566 : vector<16xf32>
        %add3A_568 = arith.constant 7 : i32
        %add3A_569 = arith.addi %mul3A_158, %add3A_568 : i32
        %get3A_570 = arith.index_cast %add3A_569 : i32 to index
        %get3A_571 = arith.constant 96 : index
        %get3A_572 = tpu.vector_load %arg8[%get3A_570, %get3A_571] {strides = array<i32>} : memref<128x128xf32, #tpu.memory_space<vmem>>, vector<1x16xf32>,
        %get3A_573 = vector.shape_cast %get3A_572 : vector<1x16xf32> to vector<16xf32>
        %add3A_574 = arith.addf %add3A_518, %get3A_573 : vector<16xf32>
        %add3A_575 = arith.constant 7 : i32
        %add3A_576 = arith.addi %mul3A_158, %add3A_575 : i32
        %get3A_577 = arith.index_cast %add3A_576 : i32 to index
        %get3A_578 = arith.constant 112 : index
        %get3A_579 = tpu.vector_load %arg8[%get3A_577, %get3A_578] {strides = array<i32>} : memref<128x128xf32, #tpu.memory_space<vmem>>, vector<1x16xf32>,
        %get3A_580 = vector.shape_cast %get3A_579 : vector<1x16xf32> to vector<16xf32>
        %add3A_581 = arith.addf %add3A_525, %get3A_580 : vector<16xf32>
        %add3A_582 = arith.constant 8 : i32
        %add3A_583 = arith.addi %mul3A_158, %add3A_582 : i32
        %get3A_584 = arith.index_cast %add3A_583 : i32 to index
        %get3A_585 = arith.constant 0 : index
        %get3A_586 = tpu.vector_load %arg8[%get3A_584, %get3A_585] {strides = array<i32>} : memref<128x128xf32, #tpu.memory_space<vmem>>, vector<1x16xf32>,
        %get3A_587 = vector.shape_cast %get3A_586 : vector<1x16xf32> to vector<16xf32>
        %add3A_588 = arith.addf %add3A_532, %get3A_587 : vector<16xf32>
        %add3A_589 = arith.constant 8 : i32
        %add3A_590 = arith.addi %mul3A_158, %add3A_589 : i32
        %get3A_591 = arith.index_cast %add3A_590 : i32 to index
        %get3A_592 = arith.constant 16 : index
        %get3A_593 = tpu.vector_load %arg8[%get3A_591, %get3A_592] {strides = array<i32>} : memref<128x128xf32, #tpu.memory_space<vmem>>, vector<1x16xf32>,
        %get3A_594 = vector.shape_cast %get3A_593 : vector<1x16xf32> to vector<16xf32>
        %add3A_595 = arith.addf %add3A_539, %get3A_594 : vector<16xf32>
        %add3A_596 = arith.constant 8 : i32
        %add3A_597 = arith.addi %mul3A_158, %add3A_596 : i32
        %get3A_598 = arith.index_cast %add3A_597 : i32 to index
        %get3A_599 = arith.constant 32 : index
        %get3A_600 = tpu.vector_load %arg8[%get3A_598, %get3A_599] {strides = array<i32>} : memref<128x128xf32, #tpu.memory_space<vmem>>, vector<1x16xf32>,
        %get3A_601 = vector.shape_cast %get3A_600 : vector<1x16xf32> to vector<16xf32>
        %add3A_602 = arith.addf %add3A_546, %get3A_601 : vector<16xf32>
        %add3A_603 = arith.constant 8 : i32
        %add3A_604 = arith.addi %mul3A_158, %add3A_603 : i32
        %get3A_605 = arith.index_cast %add3A_604 : i32 to index
        %get3A_606 = arith.constant 48 : index
        %get3A_607 = tpu.vector_load %arg8[%get3A_605, %get3A_606] {strides = array<i32>} : memref<128x128xf32, #tpu.memory_space<vmem>>, vector<1x16xf32>,
        %get3A_608 = vector.shape_cast %get3A_607 : vector<1x16xf32> to vector<16xf32>
        %add3A_609 = arith.addf %add3A_553, %get3A_608 : vector<16xf32>
        %add3A_610 = arith.constant 8 : i32
        %add3A_611 = arith.addi %mul3A_158, %add3A_610 : i32
        %get3A_612 = arith.index_cast %add3A_611 : i32 to index
        %get3A_613 = arith.constant 64 : index
        %get3A_614 = tpu.vector_load %arg8[%get3A_612, %get3A_613] {strides = array<i32>} : memref<128x128xf32, #tpu.memory_space<vmem>>, vector<1x16xf32>,
        %get3A_615 = vector.shape_cast %get3A_614 : vector<1x16xf32> to vector<16xf32>
        %add3A_616 = arith.addf %add3A_560, %get3A_615 : vector<16xf32>
        %add3A_617 = arith.constant 8 : i32
        %add3A_618 = arith.addi %mul3A_158, %add3A_617 : i32
        %get3A_619 = arith.index_cast %add3A_618 : i32 to index
        %get3A_620 = arith.constant 80 : index
        %get3A_621 = tpu.vector_load %arg8[%get3A_619, %get3A_620] {strides = array<i32>} : memref<128x128xf32, #tpu.memory_space<vmem>>, vector<1x16xf32>,
        %get3A_622 = vector.shape_cast %get3A_621 : vector<1x16xf32> to vector<16xf32>
        %add3A_623 = arith.addf %add3A_567, %get3A_622 : vector<16xf32>
        %add3A_624 = arith.constant 8 : i32
        %add3A_625 = arith.addi %mul3A_158, %add3A_624 : i32
        %get3A_626 = arith.index_cast %add3A_625 : i32 to index
        %get3A_627 = arith.constant 96 : index
        %get3A_628 = tpu.vector_load %arg8[%get3A_626, %get3A_627] {strides = array<i32>} : memref<128x128xf32, #tpu.memory_space<vmem>>, vector<1x16xf32>,
        %get3A_629 = vector.shape_cast %get3A_628 : vector<1x16xf32> to vector<16xf32>
        %add3A_630 = arith.addf %add3A_574, %get3A_629 : vector<16xf32>
        %add3A_631 = arith.constant 8 : i32
        %add3A_632 = arith.addi %mul3A_158, %add3A_631 : i32
        %get3A_633 = arith.index_cast %add3A_632 : i32 to index
        %get3A_634 = arith.constant 112 : index
        %get3A_635 = tpu.vector_load %arg8[%get3A_633, %get3A_634] {strides = array<i32>} : memref<128x128xf32, #tpu.memory_space<vmem>>, vector<1x16xf32>,
        %get3A_636 = vector.shape_cast %get3A_635 : vector<1x16xf32> to vector<16xf32>
        %add3A_637 = arith.addf %add3A_581, %get3A_636 : vector<16xf32>
        %add3A_638 = arith.constant 9 : i32
        %add3A_639 = arith.addi %mul3A_158, %add3A_638 : i32
        %get3A_640 = arith.index_cast %add3A_639 : i32 to index
        %get3A_641 = arith.constant 0 : index
        %get3A_642 = tpu.vector_load %arg8[%get3A_640, %get3A_641] {strides = array<i32>} : memref<128x128xf32, #tpu.memory_space<vmem>>, vector<1x16xf32>,
        %get3A_643 = vector.shape_cast %get3A_642 : vector<1x16xf32> to vector<16xf32>
        %add3A_644 = arith.addf %add3A_588, %get3A_643 : vector<16xf32>
        %add3A_645 = arith.constant 9 : i32
        %add3A_646 = arith.addi %mul3A_158, %add3A_645 : i32
        %get3A_647 = arith.index_cast %add3A_646 : i32 to index
        %get3A_648 = arith.constant 16 : index
        %get3A_649 = tpu.vector_load %arg8[%get3A_647, %get3A_648] {strides = array<i32>} : memref<128x128xf32, #tpu.memory_space<vmem>>, vector<1x16xf32>,
        %get3A_650 = vector.shape_cast %get3A_649 : vector<1x16xf32> to vector<16xf32>
        %add3A_651 = arith.addf %add3A_595, %get3A_650 : vector<16xf32>
        %add3A_652 = arith.constant 9 : i32
        %add3A_653 = arith.addi %mul3A_158, %add3A_652 : i32
        %get3A_654 = arith.index_cast %add3A_653 : i32 to index
        %get3A_655 = arith.constant 32 : index
        %get3A_656 = tpu.vector_load %arg8[%get3A_654, %get3A_655] {strides = array<i32>} : memref<128x128xf32, #tpu.memory_space<vmem>>, vector<1x16xf32>,
        %get3A_657 = vector.shape_cast %get3A_656 : vector<1x16xf32> to vector<16xf32>
        %add3A_658 = arith.addf %add3A_602, %get3A_657 : vector<16xf32>
        %add3A_659 = arith.constant 9 : i32
        %add3A_660 = arith.addi %mul3A_158, %add3A_659 : i32
        %get3A_661 = arith.index_cast %add3A_660 : i32 to index
        %get3A_662 = arith.constant 48 : index
        %get3A_663 = tpu.vector_load %arg8[%get3A_661, %get3A_662] {strides = array<i32>} : memref<128x128xf32, #tpu.memory_space<vmem>>, vector<1x16xf32>,
        %get3A_664 = vector.shape_cast %get3A_663 : vector<1x16xf32> to vector<16xf32>
        %add3A_665 = arith.addf %add3A_609, %get3A_664 : vector<16xf32>
        %add3A_666 = arith.constant 9 : i32
        %add3A_667 = arith.addi %mul3A_158, %add3A_666 : i32
        %get3A_668 = arith.index_cast %add3A_667 : i32 to index
        %get3A_669 = arith.constant 64 : index
        %get3A_670 = tpu.vector_load %arg8[%get3A_668, %get3A_669] {strides = array<i32>} : memref<128x128xf32, #tpu.memory_space<vmem>>, vector<1x16xf32>,
        %get3A_671 = vector.shape_cast %get3A_670 : vector<1x16xf32> to vector<16xf32>
        %add3A_672 = arith.addf %add3A_616, %get3A_671 : vector<16xf32>
        %add3A_673 = arith.constant 9 : i32
        %add3A_674 = arith.addi %mul3A_158, %add3A_673 : i32
        %get3A_675 = arith.index_cast %add3A_674 : i32 to index
        %get3A_676 = arith.constant 80 : index
        %get3A_677 = tpu.vector_load %arg8[%get3A_675, %get3A_676] {strides = array<i32>} : memref<128x128xf32, #tpu.memory_space<vmem>>, vector<1x16xf32>,
        %get3A_678 = vector.shape_cast %get3A_677 : vector<1x16xf32> to vector<16xf32>
        %add3A_679 = arith.addf %add3A_623, %get3A_678 : vector<16xf32>
        %add3A_680 = arith.constant 9 : i32
        %add3A_681 = arith.addi %mul3A_158, %add3A_680 : i32
        %get3A_682 = arith.index_cast %add3A_681 : i32 to index
        %get3A_683 = arith.constant 96 : index
        %get3A_684 = tpu.vector_load %arg8[%get3A_682, %get3A_683] {strides = array<i32>} : memref<128x128xf32, #tpu.memory_space<vmem>>, vector<1x16xf32>,
        %get3A_685 = vector.shape_cast %get3A_684 : vector<1x16xf32> to vector<16xf32>
        %add3A_686 = arith.addf %add3A_630, %get3A_685 : vector<16xf32>
        %add3A_687 = arith.constant 9 : i32
        %add3A_688 = arith.addi %mul3A_158, %add3A_687 : i32
        %get3A_689 = arith.index_cast %add3A_688 : i32 to index
        %get3A_690 = arith.constant 112 : index
        %get3A_691 = tpu.vector_load %arg8[%get3A_689, %get3A_690] {strides = array<i32>} : memref<128x128xf32, #tpu.memory_space<vmem>>, vector<1x16xf32>,
        %get3A_692 = vector.shape_cast %get3A_691 : vector<1x16xf32> to vector<16xf32>
        %add3A_693 = arith.addf %add3A_637, %get3A_692 : vector<16xf32>
        %add3A_694 = arith.constant 10 : i32
        %add3A_695 = arith.addi %mul3A_158, %add3A_694 : i32
        %get3A_696 = arith.index_cast %add3A_695 : i32 to index
        %get3A_697 = arith.constant 0 : index
        %get3A_698 = tpu.vector_load %arg8[%get3A_696, %get3A_697] {strides = array<i32>} : memref<128x128xf32, #tpu.memory_space<vmem>>, vector<1x16xf32>,
        %get3A_699 = vector.shape_cast %get3A_698 : vector<1x16xf32> to vector<16xf32>
        %add3A_700 = arith.addf %add3A_644, %get3A_699 : vector<16xf32>
        %add3A_701 = arith.constant 10 : i32
        %add3A_702 = arith.addi %mul3A_158, %add3A_701 : i32
        %get3A_703 = arith.index_cast %add3A_702 : i32 to index
        %get3A_704 = arith.constant 16 : index
        %get3A_705 = tpu.vector_load %arg8[%get3A_703, %get3A_704] {strides = array<i32>} : memref<128x128xf32, #tpu.memory_space<vmem>>, vector<1x16xf32>,
        %get3A_706 = vector.shape_cast %get3A_705 : vector<1x16xf32> to vector<16xf32>
        %add3A_707 = arith.addf %add3A_651, %get3A_706 : vector<16xf32>
        %add3A_708 = arith.constant 10 : i32
        %add3A_709 = arith.addi %mul3A_158, %add3A_708 : i32
        %get3A_710 = arith.index_cast %add3A_709 : i32 to index
        %get3A_711 = arith.constant 32 : index
        %get3A_712 = tpu.vector_load %arg8[%get3A_710, %get3A_711] {strides = array<i32>} : memref<128x128xf32, #tpu.memory_space<vmem>>, vector<1x16xf32>,
        %get3A_713 = vector.shape_cast %get3A_712 : vector<1x16xf32> to vector<16xf32>
        %add3A_714 = arith.addf %add3A_658, %get3A_713 : vector<16xf32>
        %add3A_715 = arith.constant 10 : i32
        %add3A_716 = arith.addi %mul3A_158, %add3A_715 : i32
        %get3A_717 = arith.index_cast %add3A_716 : i32 to index
        %get3A_718 = arith.constant 48 : index
        %get3A_719 = tpu.vector_load %arg8[%get3A_717, %get3A_718] {strides = array<i32>} : memref<128x128xf32, #tpu.memory_space<vmem>>, vector<1x16xf32>,
        %get3A_720 = vector.shape_cast %get3A_719 : vector<1x16xf32> to vector<16xf32>
        %add3A_721 = arith.addf %add3A_665, %get3A_720 : vector<16xf32>
        %add3A_722 = arith.constant 10 : i32
        %add3A_723 = arith.addi %mul3A_158, %add3A_722 : i32
        %get3A_724 = arith.index_cast %add3A_723 : i32 to index
        %get3A_725 = arith.constant 64 : index
        %get3A_726 = tpu.vector_load %arg8[%get3A_724, %get3A_725] {strides = array<i32>} : memref<128x128xf32, #tpu.memory_space<vmem>>, vector<1x16xf32>,
        %get3A_727 = vector.shape_cast %get3A_726 : vector<1x16xf32> to vector<16xf32>
        %add3A_728 = arith.addf %add3A_672, %get3A_727 : vector<16xf32>
        %add3A_729 = arith.constant 10 : i32
        %add3A_730 = arith.addi %mul3A_158, %add3A_729 : i32
        %get3A_731 = arith.index_cast %add3A_730 : i32 to index
        %get3A_732 = arith.constant 80 : index
        %get3A_733 = tpu.vector_load %arg8[%get3A_731, %get3A_732] {strides = array<i32>} : memref<128x128xf32, #tpu.memory_space<vmem>>, vector<1x16xf32>,
        %get3A_734 = vector.shape_cast %get3A_733 : vector<1x16xf32> to vector<16xf32>
        %add3A_735 = arith.addf %add3A_679, %get3A_734 : vector<16xf32>
        %add3A_736 = arith.constant 10 : i32
        %add3A_737 = arith.addi %mul3A_158, %add3A_736 : i32
        %get3A_738 = arith.index_cast %add3A_737 : i32 to index
        %get3A_739 = arith.constant 96 : index
        %get3A_740 = tpu.vector_load %arg8[%get3A_738, %get3A_739] {strides = array<i32>} : memref<128x128xf32, #tpu.memory_space<vmem>>, vector<1x16xf32>,
        %get3A_741 = vector.shape_cast %get3A_740 : vector<1x16xf32> to vector<16xf32>
        %add3A_742 = arith.addf %add3A_686, %get3A_741 : vector<16xf32>
        %add3A_743 = arith.constant 10 : i32
        %add3A_744 = arith.addi %mul3A_158, %add3A_743 : i32
        %get3A_745 = arith.index_cast %add3A_744 : i32 to index
        %get3A_746 = arith.constant 112 : index
        %get3A_747 = tpu.vector_load %arg8[%get3A_745, %get3A_746] {strides = array<i32>} : memref<128x128xf32, #tpu.memory_space<vmem>>, vector<1x16xf32>,
        %get3A_748 = vector.shape_cast %get3A_747 : vector<1x16xf32> to vector<16xf32>
        %add3A_749 = arith.addf %add3A_693, %get3A_748 : vector<16xf32>
        %add3A_750 = arith.constant 11 : i32
        %add3A_751 = arith.addi %mul3A_158, %add3A_750 : i32
        %get3A_752 = arith.index_cast %add3A_751 : i32 to index
        %get3A_753 = arith.constant 0 : index
        %get3A_754 = tpu.vector_load %arg8[%get3A_752, %get3A_753] {strides = array<i32>} : memref<128x128xf32, #tpu.memory_space<vmem>>, vector<1x16xf32>,
        %get3A_755 = vector.shape_cast %get3A_754 : vector<1x16xf32> to vector<16xf32>
        %add3A_756 = arith.addf %add3A_700, %get3A_755 : vector<16xf32>
        %add3A_757 = arith.constant 11 : i32
        %add3A_758 = arith.addi %mul3A_158, %add3A_757 : i32
        %get3A_759 = arith.index_cast %add3A_758 : i32 to index
        %get3A_760 = arith.constant 16 : index
        %get3A_761 = tpu.vector_load %arg8[%get3A_759, %get3A_760] {strides = array<i32>} : memref<128x128xf32, #tpu.memory_space<vmem>>, vector<1x16xf32>,
        %get3A_762 = vector.shape_cast %get3A_761 : vector<1x16xf32> to vector<16xf32>
        %add3A_763 = arith.addf %add3A_707, %get3A_762 : vector<16xf32>
        %add3A_764 = arith.constant 11 : i32
        %add3A_765 = arith.addi %mul3A_158, %add3A_764 : i32
        %get3A_766 = arith.index_cast %add3A_765 : i32 to index
        %get3A_767 = arith.constant 32 : index
        %get3A_768 = tpu.vector_load %arg8[%get3A_766, %get3A_767] {strides = array<i32>} : memref<128x128xf32, #tpu.memory_space<vmem>>, vector<1x16xf32>,
        %get3A_769 = vector.shape_cast %get3A_768 : vector<1x16xf32> to vector<16xf32>
        %add3A_770 = arith.addf %add3A_714, %get3A_769 : vector<16xf32>
        %add3A_771 = arith.constant 11 : i32
        %add3A_772 = arith.addi %mul3A_158, %add3A_771 : i32
        %get3A_773 = arith.index_cast %add3A_772 : i32 to index
        %get3A_774 = arith.constant 48 : index
        %get3A_775 = tpu.vector_load %arg8[%get3A_773, %get3A_774] {strides = array<i32>} : memref<128x128xf32, #tpu.memory_space<vmem>>, vector<1x16xf32>,
        %get3A_776 = vector.shape_cast %get3A_775 : vector<1x16xf32> to vector<16xf32>
        %add3A_777 = arith.addf %add3A_721, %get3A_776 : vector<16xf32>
        %add3A_778 = arith.constant 11 : i32
        %add3A_779 = arith.addi %mul3A_158, %add3A_778 : i32
        %get3A_780 = arith.index_cast %add3A_779 : i32 to index
        %get3A_781 = arith.constant 64 : index
        %get3A_782 = tpu.vector_load %arg8[%get3A_780, %get3A_781] {strides = array<i32>} : memref<128x128xf32, #tpu.memory_space<vmem>>, vector<1x16xf32>,
        %get3A_783 = vector.shape_cast %get3A_782 : vector<1x16xf32> to vector<16xf32>
        %add3A_784 = arith.addf %add3A_728, %get3A_783 : vector<16xf32>
        %add3A_785 = arith.constant 11 : i32
        %add3A_786 = arith.addi %mul3A_158, %add3A_785 : i32
        %get3A_787 = arith.index_cast %add3A_786 : i32 to index
        %get3A_788 = arith.constant 80 : index
        %get3A_789 = tpu.vector_load %arg8[%get3A_787, %get3A_788] {strides = array<i32>} : memref<128x128xf32, #tpu.memory_space<vmem>>, vector<1x16xf32>,
        %get3A_790 = vector.shape_cast %get3A_789 : vector<1x16xf32> to vector<16xf32>
        %add3A_791 = arith.addf %add3A_735, %get3A_790 : vector<16xf32>
        %add3A_792 = arith.constant 11 : i32
        %add3A_793 = arith.addi %mul3A_158, %add3A_792 : i32
        %get3A_794 = arith.index_cast %add3A_793 : i32 to index
        %get3A_795 = arith.constant 96 : index
        %get3A_796 = tpu.vector_load %arg8[%get3A_794, %get3A_795] {strides = array<i32>} : memref<128x128xf32, #tpu.memory_space<vmem>>, vector<1x16xf32>,
        %get3A_797 = vector.shape_cast %get3A_796 : vector<1x16xf32> to vector<16xf32>
        %add3A_798 = arith.addf %add3A_742, %get3A_797 : vector<16xf32>
        %add3A_799 = arith.constant 11 : i32
        %add3A_800 = arith.addi %mul3A_158, %add3A_799 : i32
        %get3A_801 = arith.index_cast %add3A_800 : i32 to index
        %get3A_802 = arith.constant 112 : index
        %get3A_803 = tpu.vector_load %arg8[%get3A_801, %get3A_802] {strides = array<i32>} : memref<128x128xf32, #tpu.memory_space<vmem>>, vector<1x16xf32>,
        %get3A_804 = vector.shape_cast %get3A_803 : vector<1x16xf32> to vector<16xf32>
        %add3A_805 = arith.addf %add3A_749, %get3A_804 : vector<16xf32>
        %add3A_806 = arith.constant 12 : i32
        %add3A_807 = arith.addi %mul3A_158, %add3A_806 : i32
        %get3A_808 = arith.index_cast %add3A_807 : i32 to index
        %get3A_809 = arith.constant 0 : index
        %get3A_810 = tpu.vector_load %arg8[%get3A_808, %get3A_809] {strides = array<i32>} : memref<128x128xf32, #tpu.memory_space<vmem>>, vector<1x16xf32>,
        %get3A_811 = vector.shape_cast %get3A_810 : vector<1x16xf32> to vector<16xf32>
        %add3A_812 = arith.addf %add3A_756, %get3A_811 : vector<16xf32>
        %add3A_813 = arith.constant 12 : i32
        %add3A_814 = arith.addi %mul3A_158, %add3A_813 : i32
        %get3A_815 = arith.index_cast %add3A_814 : i32 to index
        %get3A_816 = arith.constant 16 : index
        %get3A_817 = tpu.vector_load %arg8[%get3A_815, %get3A_816] {strides = array<i32>} : memref<128x128xf32, #tpu.memory_space<vmem>>, vector<1x16xf32>,
        %get3A_818 = vector.shape_cast %get3A_817 : vector<1x16xf32> to vector<16xf32>
        %add3A_819 = arith.addf %add3A_763, %get3A_818 : vector<16xf32>
        %add3A_820 = arith.constant 12 : i32
        %add3A_821 = arith.addi %mul3A_158, %add3A_820 : i32
        %get3A_822 = arith.index_cast %add3A_821 : i32 to index
        %get3A_823 = arith.constant 32 : index
        %get3A_824 = tpu.vector_load %arg8[%get3A_822, %get3A_823] {strides = array<i32>} : memref<128x128xf32, #tpu.memory_space<vmem>>, vector<1x16xf32>,
        %get3A_825 = vector.shape_cast %get3A_824 : vector<1x16xf32> to vector<16xf32>
        %add3A_826 = arith.addf %add3A_770, %get3A_825 : vector<16xf32>
        %add3A_827 = arith.constant 12 : i32
        %add3A_828 = arith.addi %mul3A_158, %add3A_827 : i32
        %get3A_829 = arith.index_cast %add3A_828 : i32 to index
        %get3A_830 = arith.constant 48 : index
        %get3A_831 = tpu.vector_load %arg8[%get3A_829, %get3A_830] {strides = array<i32>} : memref<128x128xf32, #tpu.memory_space<vmem>>, vector<1x16xf32>,
        %get3A_832 = vector.shape_cast %get3A_831 : vector<1x16xf32> to vector<16xf32>
        %add3A_833 = arith.addf %add3A_777, %get3A_832 : vector<16xf32>
        %add3A_834 = arith.constant 12 : i32
        %add3A_835 = arith.addi %mul3A_158, %add3A_834 : i32
        %get3A_836 = arith.index_cast %add3A_835 : i32 to index
        %get3A_837 = arith.constant 64 : index
        %get3A_838 = tpu.vector_load %arg8[%get3A_836, %get3A_837] {strides = array<i32>} : memref<128x128xf32, #tpu.memory_space<vmem>>, vector<1x16xf32>,
        %get3A_839 = vector.shape_cast %get3A_838 : vector<1x16xf32> to vector<16xf32>
        %add3A_840 = arith.addf %add3A_784, %get3A_839 : vector<16xf32>
        %add3A_841 = arith.constant 12 : i32
        %add3A_842 = arith.addi %mul3A_158, %add3A_841 : i32
        %get3A_843 = arith.index_cast %add3A_842 : i32 to index
        %get3A_844 = arith.constant 80 : index
        %get3A_845 = tpu.vector_load %arg8[%get3A_843, %get3A_844] {strides = array<i32>} : memref<128x128xf32, #tpu.memory_space<vmem>>, vector<1x16xf32>,
        %get3A_846 = vector.shape_cast %get3A_845 : vector<1x16xf32> to vector<16xf32>
        %add3A_847 = arith.addf %add3A_791, %get3A_846 : vector<16xf32>
        %add3A_848 = arith.constant 12 : i32
        %add3A_849 = arith.addi %mul3A_158, %add3A_848 : i32
        %get3A_850 = arith.index_cast %add3A_849 : i32 to index
        %get3A_851 = arith.constant 96 : index
        %get3A_852 = tpu.vector_load %arg8[%get3A_850, %get3A_851] {strides = array<i32>} : memref<128x128xf32, #tpu.memory_space<vmem>>, vector<1x16xf32>,
        %get3A_853 = vector.shape_cast %get3A_852 : vector<1x16xf32> to vector<16xf32>
        %add3A_854 = arith.addf %add3A_798, %get3A_853 : vector<16xf32>
        %add3A_855 = arith.constant 12 : i32
        %add3A_856 = arith.addi %mul3A_158, %add3A_855 : i32
        %get3A_857 = arith.index_cast %add3A_856 : i32 to index
        %get3A_858 = arith.constant 112 : index
        %get3A_859 = tpu.vector_load %arg8[%get3A_857, %get3A_858] {strides = array<i32>} : memref<128x128xf32, #tpu.memory_space<vmem>>, vector<1x16xf32>,
        %get3A_860 = vector.shape_cast %get3A_859 : vector<1x16xf32> to vector<16xf32>
        %add3A_861 = arith.addf %add3A_805, %get3A_860 : vector<16xf32>
        %add3A_862 = arith.constant 13 : i32
        %add3A_863 = arith.addi %mul3A_158, %add3A_862 : i32
        %get3A_864 = arith.index_cast %add3A_863 : i32 to index
        %get3A_865 = arith.constant 0 : index
        %get3A_866 = tpu.vector_load %arg8[%get3A_864, %get3A_865] {strides = array<i32>} : memref<128x128xf32, #tpu.memory_space<vmem>>, vector<1x16xf32>,
        %get3A_867 = vector.shape_cast %get3A_866 : vector<1x16xf32> to vector<16xf32>
        %add3A_868 = arith.addf %add3A_812, %get3A_867 : vector<16xf32>
        %add3A_869 = arith.constant 13 : i32
        %add3A_870 = arith.addi %mul3A_158, %add3A_869 : i32
        %get3A_871 = arith.index_cast %add3A_870 : i32 to index
        %get3A_872 = arith.constant 16 : index
        %get3A_873 = tpu.vector_load %arg8[%get3A_871, %get3A_872] {strides = array<i32>} : memref<128x128xf32, #tpu.memory_space<vmem>>, vector<1x16xf32>,
        %get3A_874 = vector.shape_cast %get3A_873 : vector<1x16xf32> to vector<16xf32>
        %add3A_875 = arith.addf %add3A_819, %get3A_874 : vector<16xf32>
        %add3A_876 = arith.constant 13 : i32
        %add3A_877 = arith.addi %mul3A_158, %add3A_876 : i32
        %get3A_878 = arith.index_cast %add3A_877 : i32 to index
        %get3A_879 = arith.constant 32 : index
        %get3A_880 = tpu.vector_load %arg8[%get3A_878, %get3A_879] {strides = array<i32>} : memref<128x128xf32, #tpu.memory_space<vmem>>, vector<1x16xf32>,
        %get3A_881 = vector.shape_cast %get3A_880 : vector<1x16xf32> to vector<16xf32>
        %add3A_882 = arith.addf %add3A_826, %get3A_881 : vector<16xf32>
        %add3A_883 = arith.constant 13 : i32
        %add3A_884 = arith.addi %mul3A_158, %add3A_883 : i32
        %get3A_885 = arith.index_cast %add3A_884 : i32 to index
        %get3A_886 = arith.constant 48 : index
        %get3A_887 = tpu.vector_load %arg8[%get3A_885, %get3A_886] {strides = array<i32>} : memref<128x128xf32, #tpu.memory_space<vmem>>, vector<1x16xf32>,
        %get3A_888 = vector.shape_cast %get3A_887 : vector<1x16xf32> to vector<16xf32>
        %add3A_889 = arith.addf %add3A_833, %get3A_888 : vector<16xf32>
        %add3A_890 = arith.constant 13 : i32
        %add3A_891 = arith.addi %mul3A_158, %add3A_890 : i32
        %get3A_892 = arith.index_cast %add3A_891 : i32 to index
        %get3A_893 = arith.constant 64 : index
        %get3A_894 = tpu.vector_load %arg8[%get3A_892, %get3A_893] {strides = array<i32>} : memref<128x128xf32, #tpu.memory_space<vmem>>, vector<1x16xf32>,
        %get3A_895 = vector.shape_cast %get3A_894 : vector<1x16xf32> to vector<16xf32>
        %add3A_896 = arith.addf %add3A_840, %get3A_895 : vector<16xf32>
        %add3A_897 = arith.constant 13 : i32
        %add3A_898 = arith.addi %mul3A_158, %add3A_897 : i32
        %get3A_899 = arith.index_cast %add3A_898 : i32 to index
        %get3A_900 = arith.constant 80 : index
        %get3A_901 = tpu.vector_load %arg8[%get3A_899, %get3A_900] {strides = array<i32>} : memref<128x128xf32, #tpu.memory_space<vmem>>, vector<1x16xf32>,
        %get3A_902 = vector.shape_cast %get3A_901 : vector<1x16xf32> to vector<16xf32>
        %add3A_903 = arith.addf %add3A_847, %get3A_902 : vector<16xf32>
        %add3A_904 = arith.constant 13 : i32
        %add3A_905 = arith.addi %mul3A_158, %add3A_904 : i32
        %get3A_906 = arith.index_cast %add3A_905 : i32 to index
        %get3A_907 = arith.constant 96 : index
        %get3A_908 = tpu.vector_load %arg8[%get3A_906, %get3A_907] {strides = array<i32>} : memref<128x128xf32, #tpu.memory_space<vmem>>, vector<1x16xf32>,
        %get3A_909 = vector.shape_cast %get3A_908 : vector<1x16xf32> to vector<16xf32>
        %add3A_910 = arith.addf %add3A_854, %get3A_909 : vector<16xf32>
        %add3A_911 = arith.constant 13 : i32
        %add3A_912 = arith.addi %mul3A_158, %add3A_911 : i32
        %get3A_913 = arith.index_cast %add3A_912 : i32 to index
        %get3A_914 = arith.constant 112 : index
        %get3A_915 = tpu.vector_load %arg8[%get3A_913, %get3A_914] {strides = array<i32>} : memref<128x128xf32, #tpu.memory_space<vmem>>, vector<1x16xf32>,
        %get3A_916 = vector.shape_cast %get3A_915 : vector<1x16xf32> to vector<16xf32>
        %add3A_917 = arith.addf %add3A_861, %get3A_916 : vector<16xf32>
        %add3A_918 = arith.constant 14 : i32
        %add3A_919 = arith.addi %mul3A_158, %add3A_918 : i32
        %get3A_920 = arith.index_cast %add3A_919 : i32 to index
        %get3A_921 = arith.constant 0 : index
        %get3A_922 = tpu.vector_load %arg8[%get3A_920, %get3A_921] {strides = array<i32>} : memref<128x128xf32, #tpu.memory_space<vmem>>, vector<1x16xf32>,
        %get3A_923 = vector.shape_cast %get3A_922 : vector<1x16xf32> to vector<16xf32>
        %add3A_924 = arith.addf %add3A_868, %get3A_923 : vector<16xf32>
        %add3A_925 = arith.constant 14 : i32
        %add3A_926 = arith.addi %mul3A_158, %add3A_925 : i32
        %get3A_927 = arith.index_cast %add3A_926 : i32 to index
        %get3A_928 = arith.constant 16 : index
        %get3A_929 = tpu.vector_load %arg8[%get3A_927, %get3A_928] {strides = array<i32>} : memref<128x128xf32, #tpu.memory_space<vmem>>, vector<1x16xf32>,
        %get3A_930 = vector.shape_cast %get3A_929 : vector<1x16xf32> to vector<16xf32>
        %add3A_931 = arith.addf %add3A_875, %get3A_930 : vector<16xf32>
        %add3A_932 = arith.constant 14 : i32
        %add3A_933 = arith.addi %mul3A_158, %add3A_932 : i32
        %get3A_934 = arith.index_cast %add3A_933 : i32 to index
        %get3A_935 = arith.constant 32 : index
        %get3A_936 = tpu.vector_load %arg8[%get3A_934, %get3A_935] {strides = array<i32>} : memref<128x128xf32, #tpu.memory_space<vmem>>, vector<1x16xf32>,
        %get3A_937 = vector.shape_cast %get3A_936 : vector<1x16xf32> to vector<16xf32>
        %add3A_938 = arith.addf %add3A_882, %get3A_937 : vector<16xf32>
        %add3A_939 = arith.constant 14 : i32
        %add3A_940 = arith.addi %mul3A_158, %add3A_939 : i32
        %get3A_941 = arith.index_cast %add3A_940 : i32 to index
        %get3A_942 = arith.constant 48 : index
        %get3A_943 = tpu.vector_load %arg8[%get3A_941, %get3A_942] {strides = array<i32>} : memref<128x128xf32, #tpu.memory_space<vmem>>, vector<1x16xf32>,
        %get3A_944 = vector.shape_cast %get3A_943 : vector<1x16xf32> to vector<16xf32>
        %add3A_945 = arith.addf %add3A_889, %get3A_944 : vector<16xf32>
        %add3A_946 = arith.constant 14 : i32
        %add3A_947 = arith.addi %mul3A_158, %add3A_946 : i32
        %get3A_948 = arith.index_cast %add3A_947 : i32 to index
        %get3A_949 = arith.constant 64 : index
        %get3A_950 = tpu.vector_load %arg8[%get3A_948, %get3A_949] {strides = array<i32>} : memref<128x128xf32, #tpu.memory_space<vmem>>, vector<1x16xf32>,
        %get3A_951 = vector.shape_cast %get3A_950 : vector<1x16xf32> to vector<16xf32>
        %add3A_952 = arith.addf %add3A_896, %get3A_951 : vector<16xf32>
        %add3A_953 = arith.constant 14 : i32
        %add3A_954 = arith.addi %mul3A_158, %add3A_953 : i32
        %get3A_955 = arith.index_cast %add3A_954 : i32 to index
        %get3A_956 = arith.constant 80 : index
        %get3A_957 = tpu.vector_load %arg8[%get3A_955, %get3A_956] {strides = array<i32>} : memref<128x128xf32, #tpu.memory_space<vmem>>, vector<1x16xf32>,
        %get3A_958 = vector.shape_cast %get3A_957 : vector<1x16xf32> to vector<16xf32>
        %add3A_959 = arith.addf %add3A_903, %get3A_958 : vector<16xf32>
        %add3A_960 = arith.constant 14 : i32
        %add3A_961 = arith.addi %mul3A_158, %add3A_960 : i32
        %get3A_962 = arith.index_cast %add3A_961 : i32 to index
        %get3A_963 = arith.constant 96 : index
        %get3A_964 = tpu.vector_load %arg8[%get3A_962, %get3A_963] {strides = array<i32>} : memref<128x128xf32, #tpu.memory_space<vmem>>, vector<1x16xf32>,
        %get3A_965 = vector.shape_cast %get3A_964 : vector<1x16xf32> to vector<16xf32>
        %add3A_966 = arith.addf %add3A_910, %get3A_965 : vector<16xf32>
        %add3A_967 = arith.constant 14 : i32
        %add3A_968 = arith.addi %mul3A_158, %add3A_967 : i32
        %get3A_969 = arith.index_cast %add3A_968 : i32 to index
        %get3A_970 = arith.constant 112 : index
        %get3A_971 = tpu.vector_load %arg8[%get3A_969, %get3A_970] {strides = array<i32>} : memref<128x128xf32, #tpu.memory_space<vmem>>, vector<1x16xf32>,
        %get3A_972 = vector.shape_cast %get3A_971 : vector<1x16xf32> to vector<16xf32>
        %add3A_973 = arith.addf %add3A_917, %get3A_972 : vector<16xf32>
        %add3A_974 = arith.constant 15 : i32
        %add3A_975 = arith.addi %mul3A_158, %add3A_974 : i32
        %get3A_976 = arith.index_cast %add3A_975 : i32 to index
        %get3A_977 = arith.constant 0 : index
        %get3A_978 = tpu.vector_load %arg8[%get3A_976, %get3A_977] {strides = array<i32>} : memref<128x128xf32, #tpu.memory_space<vmem>>, vector<1x16xf32>,
        %get3A_979 = vector.shape_cast %get3A_978 : vector<1x16xf32> to vector<16xf32>
        %add3A_980 = arith.addf %add3A_924, %get3A_979 : vector<16xf32>
        %add3A_981 = arith.constant 15 : i32
        %add3A_982 = arith.addi %mul3A_158, %add3A_981 : i32
        %get3A_983 = arith.index_cast %add3A_982 : i32 to index
        %get3A_984 = arith.constant 16 : index
        %get3A_985 = tpu.vector_load %arg8[%get3A_983, %get3A_984] {strides = array<i32>} : memref<128x128xf32, #tpu.memory_space<vmem>>, vector<1x16xf32>,
        %get3A_986 = vector.shape_cast %get3A_985 : vector<1x16xf32> to vector<16xf32>
        %add3A_987 = arith.addf %add3A_931, %get3A_986 : vector<16xf32>
        %add3A_988 = arith.constant 15 : i32
        %add3A_989 = arith.addi %mul3A_158, %add3A_988 : i32
        %get3A_990 = arith.index_cast %add3A_989 : i32 to index
        %get3A_991 = arith.constant 32 : index
        %get3A_992 = tpu.vector_load %arg8[%get3A_990, %get3A_991] {strides = array<i32>} : memref<128x128xf32, #tpu.memory_space<vmem>>, vector<1x16xf32>,
        %get3A_993 = vector.shape_cast %get3A_992 : vector<1x16xf32> to vector<16xf32>
        %add3A_994 = arith.addf %add3A_938, %get3A_993 : vector<16xf32>
        %add3A_995 = arith.constant 15 : i32
        %add3A_996 = arith.addi %mul3A_158, %add3A_995 : i32
        %get3A_997 = arith.index_cast %add3A_996 : i32 to index
        %get3A_998 = arith.constant 48 : index
        %get3A_999 = tpu.vector_load %arg8[%get3A_997, %get3A_998] {strides = array<i32>} : memref<128x128xf32, #tpu.memory_space<vmem>>, vector<1x16xf32>,
        %get3A_1000 = vector.shape_cast %get3A_999 : vector<1x16xf32> to vector<16xf32>
        %add3A_1001 = arith.addf %add3A_945, %get3A_1000 : vector<16xf32>
        %add3A_1002 = arith.constant 15 : i32
        %add3A_1003 = arith.addi %mul3A_158, %add3A_1002 : i32
        %get3A_1004 = arith.index_cast %add3A_1003 : i32 to index
        %get3A_1005 = arith.constant 64 : index
        %get3A_1006 = tpu.vector_load %arg8[%get3A_1004, %get3A_1005] {strides = array<i32>} : memref<128x128xf32, #tpu.memory_space<vmem>>, vector<1x16xf32>,
        %get3A_1007 = vector.shape_cast %get3A_1006 : vector<1x16xf32> to vector<16xf32>
        %add3A_1008 = arith.addf %add3A_952, %get3A_1007 : vector<16xf32>
        %add3A_1009 = arith.constant 15 : i32
        %add3A_1010 = arith.addi %mul3A_158, %add3A_1009 : i32
        %get3A_1011 = arith.index_cast %add3A_1010 : i32 to index
        %get3A_1012 = arith.constant 80 : index
        %get3A_1013 = tpu.vector_load %arg8[%get3A_1011, %get3A_1012] {strides = array<i32>} : memref<128x128xf32, #tpu.memory_space<vmem>>, vector<1x16xf32>,
        %get3A_1014 = vector.shape_cast %get3A_1013 : vector<1x16xf32> to vector<16xf32>
        %add3A_1015 = arith.addf %add3A_959, %get3A_1014 : vector<16xf32>
        %add3A_1016 = arith.constant 15 : i32
        %add3A_1017 = arith.addi %mul3A_158, %add3A_1016 : i32
        %get3A_1018 = arith.index_cast %add3A_1017 : i32 to index
        %get3A_1019 = arith.constant 96 : index
        %get3A_1020 = tpu.vector_load %arg8[%get3A_1018, %get3A_1019] {strides = array<i32>} : memref<128x128xf32, #tpu.memory_space<vmem>>, vector<1x16xf32>,
        %get3A_1021 = vector.shape_cast %get3A_1020 : vector<1x16xf32> to vector<16xf32>
        %add3A_1022 = arith.addf %add3A_966, %get3A_1021 : vector<16xf32>
        %add3A_1023 = arith.constant 15 : i32
        %add3A_1024 = arith.addi %mul3A_158, %add3A_1023 : i32
        %get3A_1025 = arith.index_cast %add3A_1024 : i32 to index
        %get3A_1026 = arith.constant 112 : index
        %get3A_1027 = tpu.vector_load %arg8[%get3A_1025, %get3A_1026] {strides = array<i32>} : memref<128x128xf32, #tpu.memory_space<vmem>>, vector<1x16xf32>,
        %get3A_1028 = vector.shape_cast %get3A_1027 : vector<1x16xf32> to vector<16xf32>
        %add3A_1029 = arith.addf %add3A_973, %get3A_1028 : vector<16xf32>
        %swap3A = arith.index_cast %scan3A_156 : i32 to index
        %swap3A_1030 = arith.constant 0 : index
        %swap3A_1031 = tpu.vector_load %arg10[%swap3A, %swap3A_1030] {strides = array<i32>} : memref<8x128xf32, #tpu.memory_space<vmem>>, vector<1x16xf32>,
        %swap3A_1032 = vector.shape_cast %swap3A_1031 : vector<1x16xf32> to vector<16xf32>
        %swap3A_1033 = vector.shape_cast %add3A_980 : vector<16xf32> to vector<1x16xf32>
        tpu.vector_store %arg10[%swap3A, %swap3A_1030], %swap3A_1033 {strides = array<i32>} : memref<8x128xf32, #tpu.memory_space<vmem>>, vector<1x16xf32>,
        %swap3A_1034 = arith.index_cast %scan3A_156 : i32 to index
        %swap3A_1035 = arith.constant 16 : index
        %swap3A_1036 = tpu.vector_load %arg10[%swap3A_1034, %swap3A_1035] {strides = array<i32>} : memref<8x128xf32, #tpu.memory_space<vmem>>, vector<1x16xf32>,
        %swap3A_1037 = vector.shape_cast %swap3A_1036 : vector<1x16xf32> to vector<16xf32>
        %swap3A_1038 = vector.shape_cast %add3A_987 : vector<16xf32> to vector<1x16xf32>
        tpu.vector_store %arg10[%swap3A_1034, %swap3A_1035], %swap3A_1038 {strides = array<i32>} : memref<8x128xf32, #tpu.memory_space<vmem>>, vector<1x16xf32>,
        %swap3A_1039 = arith.index_cast %scan3A_156 : i32 to index
        %swap3A_1040 = arith.constant 32 : index
        %swap3A_1041 = tpu.vector_load %arg10[%swap3A_1039, %swap3A_1040] {strides = array<i32>} : memref<8x128xf32, #tpu.memory_space<vmem>>, vector<1x16xf32>,
        %swap3A_1042 = vector.shape_cast %swap3A_1041 : vector<1x16xf32> to vector<16xf32>
        %swap3A_1043 = vector.shape_cast %add3A_994 : vector<16xf32> to vector<1x16xf32>
        tpu.vector_store %arg10[%swap3A_1039, %swap3A_1040], %swap3A_1043 {strides = array<i32>} : memref<8x128xf32, #tpu.memory_space<vmem>>, vector<1x16xf32>,
        %swap3A_1044 = arith.index_cast %scan3A_156 : i32 to index
        %swap3A_1045 = arith.constant 48 : index
        %swap3A_1046 = tpu.vector_load %arg10[%swap3A_1044, %swap3A_1045] {strides = array<i32>} : memref<8x128xf32, #tpu.memory_space<vmem>>, vector<1x16xf32>,
        %swap3A_1047 = vector.shape_cast %swap3A_1046 : vector<1x16xf32> to vector<16xf32>
        %swap3A_1048 = vector.shape_cast %add3A_1001 : vector<16xf32> to vector<1x16xf32>
        tpu.vector_store %arg10[%swap3A_1044, %swap3A_1045], %swap3A_1048 {strides = array<i32>} : memref<8x128xf32, #tpu.memory_space<vmem>>, vector<1x16xf32>,
        %swap3A_1049 = arith.index_cast %scan3A_156 : i32 to index
        %swap3A_1050 = arith.constant 64 : index
        %swap3A_1051 = tpu.vector_load %arg10[%swap3A_1049, %swap3A_1050] {strides = array<i32>} : memref<8x128xf32, #tpu.memory_space<vmem>>, vector<1x16xf32>,
        %swap3A_1052 = vector.shape_cast %swap3A_1051 : vector<1x16xf32> to vector<16xf32>
        %swap3A_1053 = vector.shape_cast %add3A_1008 : vector<16xf32> to vector<1x16xf32>
        tpu.vector_store %arg10[%swap3A_1049, %swap3A_1050], %swap3A_1053 {strides = array<i32>} : memref<8x128xf32, #tpu.memory_space<vmem>>, vector<1x16xf32>,
        %swap3A_1054 = arith.index_cast %scan3A_156 : i32 to index
        %swap3A_1055 = arith.constant 80 : index
        %swap3A_1056 = tpu.vector_load %arg10[%swap3A_1054, %swap3A_1055] {strides = array<i32>} : memref<8x128xf32, #tpu.memory_space<vmem>>, vector<1x16xf32>,
        %swap3A_1057 = vector.shape_cast %swap3A_1056 : vector<1x16xf32> to vector<16xf32>
        %swap3A_1058 = vector.shape_cast %add3A_1015 : vector<16xf32> to vector<1x16xf32>
        tpu.vector_store %arg10[%swap3A_1054, %swap3A_1055], %swap3A_1058 {strides = array<i32>} : memref<8x128xf32, #tpu.memory_space<vmem>>, vector<1x16xf32>,
        %swap3A_1059 = arith.index_cast %scan3A_156 : i32 to index
        %swap3A_1060 = arith.constant 96 : index
        %swap3A_1061 = tpu.vector_load %arg10[%swap3A_1059, %swap3A_1060] {strides = array<i32>} : memref<8x128xf32, #tpu.memory_space<vmem>>, vector<1x16xf32>,
        %swap3A_1062 = vector.shape_cast %swap3A_1061 : vector<1x16xf32> to vector<16xf32>
        %swap3A_1063 = vector.shape_cast %add3A_1022 : vector<16xf32> to vector<1x16xf32>
        tpu.vector_store %arg10[%swap3A_1059, %swap3A_1060], %swap3A_1063 {strides = array<i32>} : memref<8x128xf32, #tpu.memory_space<vmem>>, vector<1x16xf32>,
        %swap3A_1064 = arith.index_cast %scan3A_156 : i32 to index
        %swap3A_1065 = arith.constant 112 : index
        %swap3A_1066 = tpu.vector_load %arg10[%swap3A_1064, %swap3A_1065] {strides = array<i32>} : memref<8x128xf32, #tpu.memory_space<vmem>>, vector<1x16xf32>,
        %swap3A_1067 = vector.shape_cast %swap3A_1066 : vector<1x16xf32> to vector<16xf32>
        %swap3A_1068 = vector.shape_cast %add3A_1029 : vector<16xf32> to vector<1x16xf32>
        tpu.vector_store %arg10[%swap3A_1064, %swap3A_1065], %swap3A_1068 {strides = array<i32>} : memref<8x128xf32, #tpu.memory_space<vmem>>, vector<1x16xf32>,
      }
      %scan3A_111 = arith.constant 8 : i32
      %mul3A_112 = arith.constant 8 : i32
      %mul3A_113 = arith.muli %add3A_89, %mul3A_112 : i32
      %add3A_114 = arith.addi %mul3A_2, %mul3A_113 : i32
      %dma_start3A_115 = arith.constant 0 : i32
      %dma_start3A_116 = tpu.memref_slice %arg5[%add3A_114, %dma_start3A_115] : memref<16384x128xf32, #tpu.memory_space<hbm>> -> memref<8x128xf32, #tpu.memory_space<hbm>>
      %dma_start3A_117 = arith.constant 0 : i32
      %dma_start3A_118 = tpu.memref_slice %arg5[%add3A_114, %dma_start3A_117] : memref<16384x128xf32, #tpu.memory_space<hbm>> -> memref<8x128xf32, #tpu.memory_space<hbm>>
      tpu.enqueue_dma source(%arg10 : memref<8x128xf32, #tpu.memory_space<vmem>>) target(%dma_start3A_118 : memref<8x128xf32, #tpu.memory_space<hbm>>) target_semaphore(%arg15 : memref<!tpu.dma_semaphore, #tpu.memory_space<semaphore_mem>>)
      %mul3A_119 = arith.constant 2 : i32
      %mul3A_120 = arith.muli %scan3A_85, %mul3A_119 : i32
      %add3A_121 = arith.constant 1 : i32
      %add3A_122 = arith.addi %mul3A_120, %add3A_121 : i32
      %add3A_123 = arith.constant 1 : i32
      %add3A_124 = arith.addi %add3A_122, %add3A_123 : i32
      %lt3A_125 = arith.constant 64 : i32
      %lt3A_126 = arith.cmpi slt, %add3A_124, %lt3A_125 : i32
      %convert_element_type3A_127 = arith.extui %lt3A_126 : i1 to i32
      %cond3A_128 = arith.constant 0 : i32
      %cond3A_129 = arith.cmpi ne, %convert_element_type3A_127, %cond3A_128 : i32
      scf.if %cond3A_129 {
        %add3A_156 = arith.constant 1 : i32
        %add3A_157 = arith.addi %add3A_122, %add3A_156 : i32
        %mul3A_158 = arith.constant 8 : i32
        %mul3A_159 = arith.muli %add3A_157, %mul3A_158 : i32
        %mul3A_160 = arith.constant 16 : i32
        %mul3A_161 = arith.muli %mul3A_159, %mul3A_160 : i32
        %dma_start3A_162 = tpu.memref_slice %arg7[%mul3A_161] : memref<8192xi32, #tpu.memory_space<vmem>> -> memref<128xi32, #tpu.memory_space<vmem>>
        %dma_start3A_163 = arith.constant 0 : i32
        %dma_start3A_164 = arith.constant 0 : i32
        %dma_start3A_165 = tpu.memref_slice %arg6[%dma_start3A_163, %dma_start3A_164] : memref<8192x128xf32, #tpu.memory_space<vmem_shared>> -> memref<8192x128xf32, #tpu.memory_space<vmem_shared>>
        tpu.enqueue_indirect_dma source(%dma_start3A_165 : memref<8192x128xf32, #tpu.memory_space<vmem_shared>>) target(%arg8 : memref<128x128xf32, #tpu.memory_space<vmem>>) offsets(%dma_start3A_162 : memref<128xi32, #tpu.memory_space<vmem>>) semaphore(%arg13 : memref<!tpu.dma_semaphore, #tpu.memory_space<semaphore_mem>>)
      } else {
      }
      %mul3A_130 = arith.constant 8 : i32
      %mul3A_131 = arith.muli %add3A_122, %mul3A_130 : i32
      %mul3A_132 = arith.constant 16 : i32
      %mul3A_133 = arith.muli %mul3A_131, %mul3A_132 : i32
      %dma_wait3A_134 = tpu.memref_slice %arg7[%mul3A_133] : memref<8192xi32, #tpu.memory_space<vmem>> -> memref<128xi32, #tpu.memory_space<vmem>>
      %dma_wait3A_135 = arith.constant 0 : i32
      %dma_wait3A_136 = arith.constant 0 : i32
      %dma_wait3A_137 = tpu.memref_slice %arg6[%dma_wait3A_135, %dma_wait3A_136] : memref<8192x128xf32, #tpu.memory_space<vmem_shared>> -> memref<8192x128xf32, #tpu.memory_space<vmem_shared>>
      tpu.wait_indirect_dma semaphore(%arg14 : memref<!tpu.dma_semaphore, #tpu.memory_space<semaphore_mem>>) src(%dma_wait3A_137 : memref<8192x128xf32, #tpu.memory_space<vmem_shared>>) dst(%arg9 : memref<128x128xf32, #tpu.memory_space<vmem>>)
      %ge3A_138 = arith.constant 2 : i32
      %ge3A_139 = arith.cmpi sge, %add3A_122, %ge3A_138 : i32
      %convert_element_type3A_140 = arith.extui %ge3A_139 : i1 to i32
      %cond3A_141 = arith.constant 0 : i32
      %cond3A_142 = arith.cmpi ne, %convert_element_type3A_140, %cond3A_141 : i32
      scf.if %cond3A_142 {
        %dma_wait3A_156 = arith.constant 0 : i32
        %dma_wait3A_157 = tpu.memref_slice %arg5[%mul3A_2, %dma_wait3A_156] : memref<16384x128xf32, #tpu.memory_space<hbm>> -> memref<8x128xf32, #tpu.memory_space<hbm>>
        %dma_wait3A_158 = arith.constant 0 : i32
        %dma_wait3A_159 = tpu.memref_slice %arg5[%mul3A_2, %dma_wait3A_158] : memref<16384x128xf32, #tpu.memory_space<hbm>> -> memref<8x128xf32, #tpu.memory_space<hbm>>
        tpu.wait_dma2 semaphore(%arg16 : memref<!tpu.dma_semaphore, #tpu.memory_space<semaphore_mem>>) src(%arg11 : memref<8x128xf32, #tpu.memory_space<vmem>>) dst(%dma_wait3A_159 : memref<8x128xf32, #tpu.memory_space<hbm>>)
      } else {
      }
      %scan3A_143 = arith.constant 0 : i32
      %scan3A_144 = arith.constant 0 : i32
      %scan3A_145 = arith.constant 8 : i32
      %scan3A_146 = arith.addi %scan3A_144, %scan3A_145 : i32
      %scan3A_147 = arith.constant 1 : i32
      scf.for %scan3A_156 = %scan3A_144 to %scan3A_146 step %scan3A_147  : i32 {
        %mul3A_157 = arith.constant 16 : i32
        %mul3A_158 = arith.muli %scan3A_156, %mul3A_157 : i32
        %get3A = arith.index_cast %mul3A_158 : i32 to index
        %get3A_159 = arith.constant 0 : index
        %get3A_160 = tpu.vector_load %arg9[%get3A, %get3A_159] {strides = array<i32>} : memref<128x128xf32, #tpu.memory_space<vmem>>, vector<1x16xf32>,
        %get3A_161 = vector.shape_cast %get3A_160 : vector<1x16xf32> to vector<16xf32>
        %get3A_162 = arith.index_cast %mul3A_158 : i32 to index
        %get3A_163 = arith.constant 16 : index
        %get3A_164 = tpu.vector_load %arg9[%get3A_162, %get3A_163] {strides = array<i32>} : memref<128x128xf32, #tpu.memory_space<vmem>>, vector<1x16xf32>,
        %get3A_165 = vector.shape_cast %get3A_164 : vector<1x16xf32> to vector<16xf32>
        %get3A_166 = arith.index_cast %mul3A_158 : i32 to index
        %get3A_167 = arith.constant 32 : index
        %get3A_168 = tpu.vector_load %arg9[%get3A_166, %get3A_167] {strides = array<i32>} : memref<128x128xf32, #tpu.memory_space<vmem>>, vector<1x16xf32>,
        %get3A_169 = vector.shape_cast %get3A_168 : vector<1x16xf32> to vector<16xf32>
        %get3A_170 = arith.index_cast %mul3A_158 : i32 to index
        %get3A_171 = arith.constant 48 : index
        %get3A_172 = tpu.vector_load %arg9[%get3A_170, %get3A_171] {strides = array<i32>} : memref<128x128xf32, #tpu.memory_space<vmem>>, vector<1x16xf32>,
        %get3A_173 = vector.shape_cast %get3A_172 : vector<1x16xf32> to vector<16xf32>
        %get3A_174 = arith.index_cast %mul3A_158 : i32 to index
        %get3A_175 = arith.constant 64 : index
        %get3A_176 = tpu.vector_load %arg9[%get3A_174, %get3A_175] {strides = array<i32>} : memref<128x128xf32, #tpu.memory_space<vmem>>, vector<1x16xf32>,
        %get3A_177 = vector.shape_cast %get3A_176 : vector<1x16xf32> to vector<16xf32>
        %get3A_178 = arith.index_cast %mul3A_158 : i32 to index
        %get3A_179 = arith.constant 80 : index
        %get3A_180 = tpu.vector_load %arg9[%get3A_178, %get3A_179] {strides = array<i32>} : memref<128x128xf32, #tpu.memory_space<vmem>>, vector<1x16xf32>,
        %get3A_181 = vector.shape_cast %get3A_180 : vector<1x16xf32> to vector<16xf32>
        %get3A_182 = arith.index_cast %mul3A_158 : i32 to index
        %get3A_183 = arith.constant 96 : index
        %get3A_184 = tpu.vector_load %arg9[%get3A_182, %get3A_183] {strides = array<i32>} : memref<128x128xf32, #tpu.memory_space<vmem>>, vector<1x16xf32>,
        %get3A_185 = vector.shape_cast %get3A_184 : vector<1x16xf32> to vector<16xf32>
        %get3A_186 = arith.index_cast %mul3A_158 : i32 to index
        %get3A_187 = arith.constant 112 : index
        %get3A_188 = tpu.vector_load %arg9[%get3A_186, %get3A_187] {strides = array<i32>} : memref<128x128xf32, #tpu.memory_space<vmem>>, vector<1x16xf32>,
        %get3A_189 = vector.shape_cast %get3A_188 : vector<1x16xf32> to vector<16xf32>
        %add3A_190 = arith.constant 1 : i32
        %add3A_191 = arith.addi %mul3A_158, %add3A_190 : i32
        %get3A_192 = arith.index_cast %add3A_191 : i32 to index
        %get3A_193 = arith.constant 0 : index
        %get3A_194 = tpu.vector_load %arg9[%get3A_192, %get3A_193] {strides = array<i32>} : memref<128x128xf32, #tpu.memory_space<vmem>>, vector<1x16xf32>,
        %get3A_195 = vector.shape_cast %get3A_194 : vector<1x16xf32> to vector<16xf32>
        %add3A_196 = arith.addf %get3A_161, %get3A_195 : vector<16xf32>
        %add3A_197 = arith.constant 1 : i32
        %add3A_198 = arith.addi %mul3A_158, %add3A_197 : i32
        %get3A_199 = arith.index_cast %add3A_198 : i32 to index
        %get3A_200 = arith.constant 16 : index
        %get3A_201 = tpu.vector_load %arg9[%get3A_199, %get3A_200] {strides = array<i32>} : memref<128x128xf32, #tpu.memory_space<vmem>>, vector<1x16xf32>,
        %get3A_202 = vector.shape_cast %get3A_201 : vector<1x16xf32> to vector<16xf32>
        %add3A_203 = arith.addf %get3A_165, %get3A_202 : vector<16xf32>
        %add3A_204 = arith.constant 1 : i32
        %add3A_205 = arith.addi %mul3A_158, %add3A_204 : i32
        %get3A_206 = arith.index_cast %add3A_205 : i32 to index
        %get3A_207 = arith.constant 32 : index
        %get3A_208 = tpu.vector_load %arg9[%get3A_206, %get3A_207] {strides = array<i32>} : memref<128x128xf32, #tpu.memory_space<vmem>>, vector<1x16xf32>,
        %get3A_209 = vector.shape_cast %get3A_208 : vector<1x16xf32> to vector<16xf32>
        %add3A_210 = arith.addf %get3A_169, %get3A_209 : vector<16xf32>
        %add3A_211 = arith.constant 1 : i32
        %add3A_212 = arith.addi %mul3A_158, %add3A_211 : i32
        %get3A_213 = arith.index_cast %add3A_212 : i32 to index
        %get3A_214 = arith.constant 48 : index
        %get3A_215 = tpu.vector_load %arg9[%get3A_213, %get3A_214] {strides = array<i32>} : memref<128x128xf32, #tpu.memory_space<vmem>>, vector<1x16xf32>,
        %get3A_216 = vector.shape_cast %get3A_215 : vector<1x16xf32> to vector<16xf32>
        %add3A_217 = arith.addf %get3A_173, %get3A_216 : vector<16xf32>
        %add3A_218 = arith.constant 1 : i32
        %add3A_219 = arith.addi %mul3A_158, %add3A_218 : i32
        %get3A_220 = arith.index_cast %add3A_219 : i32 to index
        %get3A_221 = arith.constant 64 : index
        %get3A_222 = tpu.vector_load %arg9[%get3A_220, %get3A_221] {strides = array<i32>} : memref<128x128xf32, #tpu.memory_space<vmem>>, vector<1x16xf32>,
        %get3A_223 = vector.shape_cast %get3A_222 : vector<1x16xf32> to vector<16xf32>
        %add3A_224 = arith.addf %get3A_177, %get3A_223 : vector<16xf32>
        %add3A_225 = arith.constant 1 : i32
        %add3A_226 = arith.addi %mul3A_158, %add3A_225 : i32
        %get3A_227 = arith.index_cast %add3A_226 : i32 to index
        %get3A_228 = arith.constant 80 : index
        %get3A_229 = tpu.vector_load %arg9[%get3A_227, %get3A_228] {strides = array<i32>} : memref<128x128xf32, #tpu.memory_space<vmem>>, vector<1x16xf32>,
        %get3A_230 = vector.shape_cast %get3A_229 : vector<1x16xf32> to vector<16xf32>
        %add3A_231 = arith.addf %get3A_181, %get3A_230 : vector<16xf32>
        %add3A_232 = arith.constant 1 : i32
        %add3A_233 = arith.addi %mul3A_158, %add3A_232 : i32
        %get3A_234 = arith.index_cast %add3A_233 : i32 to index
        %get3A_235 = arith.constant 96 : index
        %get3A_236 = tpu.vector_load %arg9[%get3A_234, %get3A_235] {strides = array<i32>} : memref<128x128xf32, #tpu.memory_space<vmem>>, vector<1x16xf32>,
        %get3A_237 = vector.shape_cast %get3A_236 : vector<1x16xf32> to vector<16xf32>
        %add3A_238 = arith.addf %get3A_185, %get3A_237 : vector<16xf32>
        %add3A_239 = arith.constant 1 : i32
        %add3A_240 = arith.addi %mul3A_158, %add3A_239 : i32
        %get3A_241 = arith.index_cast %add3A_240 : i32 to index
        %get3A_242 = arith.constant 112 : index
        %get3A_243 = tpu.vector_load %arg9[%get3A_241, %get3A_242] {strides = array<i32>} : memref<128x128xf32, #tpu.memory_space<vmem>>, vector<1x16xf32>,
        %get3A_244 = vector.shape_cast %get3A_243 : vector<1x16xf32> to vector<16xf32>
        %add3A_245 = arith.addf %get3A_189, %get3A_244 : vector<16xf32>
        %add3A_246 = arith.constant 2 : i32
        %add3A_247 = arith.addi %mul3A_158, %add3A_246 : i32
        %get3A_248 = arith.index_cast %add3A_247 : i32 to index
        %get3A_249 = arith.constant 0 : index
        %get3A_250 = tpu.vector_load %arg9[%get3A_248, %get3A_249] {strides = array<i32>} : memref<128x128xf32, #tpu.memory_space<vmem>>, vector<1x16xf32>,
        %get3A_251 = vector.shape_cast %get3A_250 : vector<1x16xf32> to vector<16xf32>
        %add3A_252 = arith.addf %add3A_196, %get3A_251 : vector<16xf32>
        %add3A_253 = arith.constant 2 : i32
        %add3A_254 = arith.addi %mul3A_158, %add3A_253 : i32
        %get3A_255 = arith.index_cast %add3A_254 : i32 to index
        %get3A_256 = arith.constant 16 : index
        %get3A_257 = tpu.vector_load %arg9[%get3A_255, %get3A_256] {strides = array<i32>} : memref<128x128xf32, #tpu.memory_space<vmem>>, vector<1x16xf32>,
        %get3A_258 = vector.shape_cast %get3A_257 : vector<1x16xf32> to vector<16xf32>
        %add3A_259 = arith.addf %add3A_203, %get3A_258 : vector<16xf32>
        %add3A_260 = arith.constant 2 : i32
        %add3A_261 = arith.addi %mul3A_158, %add3A_260 : i32
        %get3A_262 = arith.index_cast %add3A_261 : i32 to index
        %get3A_263 = arith.constant 32 : index
        %get3A_264 = tpu.vector_load %arg9[%get3A_262, %get3A_263] {strides = array<i32>} : memref<128x128xf32, #tpu.memory_space<vmem>>, vector<1x16xf32>,
        %get3A_265 = vector.shape_cast %get3A_264 : vector<1x16xf32> to vector<16xf32>
        %add3A_266 = arith.addf %add3A_210, %get3A_265 : vector<16xf32>
        %add3A_267 = arith.constant 2 : i32
        %add3A_268 = arith.addi %mul3A_158, %add3A_267 : i32
        %get3A_269 = arith.index_cast %add3A_268 : i32 to index
        %get3A_270 = arith.constant 48 : index
        %get3A_271 = tpu.vector_load %arg9[%get3A_269, %get3A_270] {strides = array<i32>} : memref<128x128xf32, #tpu.memory_space<vmem>>, vector<1x16xf32>,
        %get3A_272 = vector.shape_cast %get3A_271 : vector<1x16xf32> to vector<16xf32>
        %add3A_273 = arith.addf %add3A_217, %get3A_272 : vector<16xf32>
        %add3A_274 = arith.constant 2 : i32
        %add3A_275 = arith.addi %mul3A_158, %add3A_274 : i32
        %get3A_276 = arith.index_cast %add3A_275 : i32 to index
        %get3A_277 = arith.constant 64 : index
        %get3A_278 = tpu.vector_load %arg9[%get3A_276, %get3A_277] {strides = array<i32>} : memref<128x128xf32, #tpu.memory_space<vmem>>, vector<1x16xf32>,
        %get3A_279 = vector.shape_cast %get3A_278 : vector<1x16xf32> to vector<16xf32>
        %add3A_280 = arith.addf %add3A_224, %get3A_279 : vector<16xf32>
        %add3A_281 = arith.constant 2 : i32
        %add3A_282 = arith.addi %mul3A_158, %add3A_281 : i32
        %get3A_283 = arith.index_cast %add3A_282 : i32 to index
        %get3A_284 = arith.constant 80 : index
        %get3A_285 = tpu.vector_load %arg9[%get3A_283, %get3A_284] {strides = array<i32>} : memref<128x128xf32, #tpu.memory_space<vmem>>, vector<1x16xf32>,
        %get3A_286 = vector.shape_cast %get3A_285 : vector<1x16xf32> to vector<16xf32>
        %add3A_287 = arith.addf %add3A_231, %get3A_286 : vector<16xf32>
        %add3A_288 = arith.constant 2 : i32
        %add3A_289 = arith.addi %mul3A_158, %add3A_288 : i32
        %get3A_290 = arith.index_cast %add3A_289 : i32 to index
        %get3A_291 = arith.constant 96 : index
        %get3A_292 = tpu.vector_load %arg9[%get3A_290, %get3A_291] {strides = array<i32>} : memref<128x128xf32, #tpu.memory_space<vmem>>, vector<1x16xf32>,
        %get3A_293 = vector.shape_cast %get3A_292 : vector<1x16xf32> to vector<16xf32>
        %add3A_294 = arith.addf %add3A_238, %get3A_293 : vector<16xf32>
        %add3A_295 = arith.constant 2 : i32
        %add3A_296 = arith.addi %mul3A_158, %add3A_295 : i32
        %get3A_297 = arith.index_cast %add3A_296 : i32 to index
        %get3A_298 = arith.constant 112 : index
        %get3A_299 = tpu.vector_load %arg9[%get3A_297, %get3A_298] {strides = array<i32>} : memref<128x128xf32, #tpu.memory_space<vmem>>, vector<1x16xf32>,
        %get3A_300 = vector.shape_cast %get3A_299 : vector<1x16xf32> to vector<16xf32>
        %add3A_301 = arith.addf %add3A_245, %get3A_300 : vector<16xf32>
        %add3A_302 = arith.constant 3 : i32
        %add3A_303 = arith.addi %mul3A_158, %add3A_302 : i32
        %get3A_304 = arith.index_cast %add3A_303 : i32 to index
        %get3A_305 = arith.constant 0 : index
        %get3A_306 = tpu.vector_load %arg9[%get3A_304, %get3A_305] {strides = array<i32>} : memref<128x128xf32, #tpu.memory_space<vmem>>, vector<1x16xf32>,
        %get3A_307 = vector.shape_cast %get3A_306 : vector<1x16xf32> to vector<16xf32>
        %add3A_308 = arith.addf %add3A_252, %get3A_307 : vector<16xf32>
        %add3A_309 = arith.constant 3 : i32
        %add3A_310 = arith.addi %mul3A_158, %add3A_309 : i32
        %get3A_311 = arith.index_cast %add3A_310 : i32 to index
        %get3A_312 = arith.constant 16 : index
        %get3A_313 = tpu.vector_load %arg9[%get3A_311, %get3A_312] {strides = array<i32>} : memref<128x128xf32, #tpu.memory_space<vmem>>, vector<1x16xf32>,
        %get3A_314 = vector.shape_cast %get3A_313 : vector<1x16xf32> to vector<16xf32>
        %add3A_315 = arith.addf %add3A_259, %get3A_314 : vector<16xf32>
        %add3A_316 = arith.constant 3 : i32
        %add3A_317 = arith.addi %mul3A_158, %add3A_316 : i32
        %get3A_318 = arith.index_cast %add3A_317 : i32 to index
        %get3A_319 = arith.constant 32 : index
        %get3A_320 = tpu.vector_load %arg9[%get3A_318, %get3A_319] {strides = array<i32>} : memref<128x128xf32, #tpu.memory_space<vmem>>, vector<1x16xf32>,
        %get3A_321 = vector.shape_cast %get3A_320 : vector<1x16xf32> to vector<16xf32>
        %add3A_322 = arith.addf %add3A_266, %get3A_321 : vector<16xf32>
        %add3A_323 = arith.constant 3 : i32
        %add3A_324 = arith.addi %mul3A_158, %add3A_323 : i32
        %get3A_325 = arith.index_cast %add3A_324 : i32 to index
        %get3A_326 = arith.constant 48 : index
        %get3A_327 = tpu.vector_load %arg9[%get3A_325, %get3A_326] {strides = array<i32>} : memref<128x128xf32, #tpu.memory_space<vmem>>, vector<1x16xf32>,
        %get3A_328 = vector.shape_cast %get3A_327 : vector<1x16xf32> to vector<16xf32>
        %add3A_329 = arith.addf %add3A_273, %get3A_328 : vector<16xf32>
        %add3A_330 = arith.constant 3 : i32
        %add3A_331 = arith.addi %mul3A_158, %add3A_330 : i32
        %get3A_332 = arith.index_cast %add3A_331 : i32 to index
        %get3A_333 = arith.constant 64 : index
        %get3A_334 = tpu.vector_load %arg9[%get3A_332, %get3A_333] {strides = array<i32>} : memref<128x128xf32, #tpu.memory_space<vmem>>, vector<1x16xf32>,
        %get3A_335 = vector.shape_cast %get3A_334 : vector<1x16xf32> to vector<16xf32>
        %add3A_336 = arith.addf %add3A_280, %get3A_335 : vector<16xf32>
        %add3A_337 = arith.constant 3 : i32
        %add3A_338 = arith.addi %mul3A_158, %add3A_337 : i32
        %get3A_339 = arith.index_cast %add3A_338 : i32 to index
        %get3A_340 = arith.constant 80 : index
        %get3A_341 = tpu.vector_load %arg9[%get3A_339, %get3A_340] {strides = array<i32>} : memref<128x128xf32, #tpu.memory_space<vmem>>, vector<1x16xf32>,
        %get3A_342 = vector.shape_cast %get3A_341 : vector<1x16xf32> to vector<16xf32>
        %add3A_343 = arith.addf %add3A_287, %get3A_342 : vector<16xf32>
        %add3A_344 = arith.constant 3 : i32
        %add3A_345 = arith.addi %mul3A_158, %add3A_344 : i32
        %get3A_346 = arith.index_cast %add3A_345 : i32 to index
        %get3A_347 = arith.constant 96 : index
        %get3A_348 = tpu.vector_load %arg9[%get3A_346, %get3A_347] {strides = array<i32>} : memref<128x128xf32, #tpu.memory_space<vmem>>, vector<1x16xf32>,
        %get3A_349 = vector.shape_cast %get3A_348 : vector<1x16xf32> to vector<16xf32>
        %add3A_350 = arith.addf %add3A_294, %get3A_349 : vector<16xf32>
        %add3A_351 = arith.constant 3 : i32
        %add3A_352 = arith.addi %mul3A_158, %add3A_351 : i32
        %get3A_353 = arith.index_cast %add3A_352 : i32 to index
        %get3A_354 = arith.constant 112 : index
        %get3A_355 = tpu.vector_load %arg9[%get3A_353, %get3A_354] {strides = array<i32>} : memref<128x128xf32, #tpu.memory_space<vmem>>, vector<1x16xf32>,
        %get3A_356 = vector.shape_cast %get3A_355 : vector<1x16xf32> to vector<16xf32>
        %add3A_357 = arith.addf %add3A_301, %get3A_356 : vector<16xf32>
        %add3A_358 = arith.constant 4 : i32
        %add3A_359 = arith.addi %mul3A_158, %add3A_358 : i32
        %get3A_360 = arith.index_cast %add3A_359 : i32 to index
        %get3A_361 = arith.constant 0 : index
        %get3A_362 = tpu.vector_load %arg9[%get3A_360, %get3A_361] {strides = array<i32>} : memref<128x128xf32, #tpu.memory_space<vmem>>, vector<1x16xf32>,
        %get3A_363 = vector.shape_cast %get3A_362 : vector<1x16xf32> to vector<16xf32>
        %add3A_364 = arith.addf %add3A_308, %get3A_363 : vector<16xf32>
        %add3A_365 = arith.constant 4 : i32
        %add3A_366 = arith.addi %mul3A_158, %add3A_365 : i32
        %get3A_367 = arith.index_cast %add3A_366 : i32 to index
        %get3A_368 = arith.constant 16 : index
        %get3A_369 = tpu.vector_load %arg9[%get3A_367, %get3A_368] {strides = array<i32>} : memref<128x128xf32, #tpu.memory_space<vmem>>, vector<1x16xf32>,
        %get3A_370 = vector.shape_cast %get3A_369 : vector<1x16xf32> to vector<16xf32>
        %add3A_371 = arith.addf %add3A_315, %get3A_370 : vector<16xf32>
        %add3A_372 = arith.constant 4 : i32
        %add3A_373 = arith.addi %mul3A_158, %add3A_372 : i32
        %get3A_374 = arith.index_cast %add3A_373 : i32 to index
        %get3A_375 = arith.constant 32 : index
        %get3A_376 = tpu.vector_load %arg9[%get3A_374, %get3A_375] {strides = array<i32>} : memref<128x128xf32, #tpu.memory_space<vmem>>, vector<1x16xf32>,
        %get3A_377 = vector.shape_cast %get3A_376 : vector<1x16xf32> to vector<16xf32>
        %add3A_378 = arith.addf %add3A_322, %get3A_377 : vector<16xf32>
        %add3A_379 = arith.constant 4 : i32
        %add3A_380 = arith.addi %mul3A_158, %add3A_379 : i32
        %get3A_381 = arith.index_cast %add3A_380 : i32 to index
        %get3A_382 = arith.constant 48 : index
        %get3A_383 = tpu.vector_load %arg9[%get3A_381, %get3A_382] {strides = array<i32>} : memref<128x128xf32, #tpu.memory_space<vmem>>, vector<1x16xf32>,
        %get3A_384 = vector.shape_cast %get3A_383 : vector<1x16xf32> to vector<16xf32>
        %add3A_385 = arith.addf %add3A_329, %get3A_384 : vector<16xf32>
        %add3A_386 = arith.constant 4 : i32
        %add3A_387 = arith.addi %mul3A_158, %add3A_386 : i32
        %get3A_388 = arith.index_cast %add3A_387 : i32 to index
        %get3A_389 = arith.constant 64 : index
        %get3A_390 = tpu.vector_load %arg9[%get3A_388, %get3A_389] {strides = array<i32>} : memref<128x128xf32, #tpu.memory_space<vmem>>, vector<1x16xf32>,
        %get3A_391 = vector.shape_cast %get3A_390 : vector<1x16xf32> to vector<16xf32>
        %add3A_392 = arith.addf %add3A_336, %get3A_391 : vector<16xf32>
        %add3A_393 = arith.constant 4 : i32
        %add3A_394 = arith.addi %mul3A_158, %add3A_393 : i32
        %get3A_395 = arith.index_cast %add3A_394 : i32 to index
        %get3A_396 = arith.constant 80 : index
        %get3A_397 = tpu.vector_load %arg9[%get3A_395, %get3A_396] {strides = array<i32>} : memref<128x128xf32, #tpu.memory_space<vmem>>, vector<1x16xf32>,
        %get3A_398 = vector.shape_cast %get3A_397 : vector<1x16xf32> to vector<16xf32>
        %add3A_399 = arith.addf %add3A_343, %get3A_398 : vector<16xf32>
        %add3A_400 = arith.constant 4 : i32
        %add3A_401 = arith.addi %mul3A_158, %add3A_400 : i32
        %get3A_402 = arith.index_cast %add3A_401 : i32 to index
        %get3A_403 = arith.constant 96 : index
        %get3A_404 = tpu.vector_load %arg9[%get3A_402, %get3A_403] {strides = array<i32>} : memref<128x128xf32, #tpu.memory_space<vmem>>, vector<1x16xf32>,
        %get3A_405 = vector.shape_cast %get3A_404 : vector<1x16xf32> to vector<16xf32>
        %add3A_406 = arith.addf %add3A_350, %get3A_405 : vector<16xf32>
        %add3A_407 = arith.constant 4 : i32
        %add3A_408 = arith.addi %mul3A_158, %add3A_407 : i32
        %get3A_409 = arith.index_cast %add3A_408 : i32 to index
        %get3A_410 = arith.constant 112 : index
        %get3A_411 = tpu.vector_load %arg9[%get3A_409, %get3A_410] {strides = array<i32>} : memref<128x128xf32, #tpu.memory_space<vmem>>, vector<1x16xf32>,
        %get3A_412 = vector.shape_cast %get3A_411 : vector<1x16xf32> to vector<16xf32>
        %add3A_413 = arith.addf %add3A_357, %get3A_412 : vector<16xf32>
        %add3A_414 = arith.constant 5 : i32
        %add3A_415 = arith.addi %mul3A_158, %add3A_414 : i32
        %get3A_416 = arith.index_cast %add3A_415 : i32 to index
        %get3A_417 = arith.constant 0 : index
        %get3A_418 = tpu.vector_load %arg9[%get3A_416, %get3A_417] {strides = array<i32>} : memref<128x128xf32, #tpu.memory_space<vmem>>, vector<1x16xf32>,
        %get3A_419 = vector.shape_cast %get3A_418 : vector<1x16xf32> to vector<16xf32>
        %add3A_420 = arith.addf %add3A_364, %get3A_419 : vector<16xf32>
        %add3A_421 = arith.constant 5 : i32
        %add3A_422 = arith.addi %mul3A_158, %add3A_421 : i32
        %get3A_423 = arith.index_cast %add3A_422 : i32 to index
        %get3A_424 = arith.constant 16 : index
        %get3A_425 = tpu.vector_load %arg9[%get3A_423, %get3A_424] {strides = array<i32>} : memref<128x128xf32, #tpu.memory_space<vmem>>, vector<1x16xf32>,
        %get3A_426 = vector.shape_cast %get3A_425 : vector<1x16xf32> to vector<16xf32>
        %add3A_427 = arith.addf %add3A_371, %get3A_426 : vector<16xf32>
        %add3A_428 = arith.constant 5 : i32
        %add3A_429 = arith.addi %mul3A_158, %add3A_428 : i32
        %get3A_430 = arith.index_cast %add3A_429 : i32 to index
        %get3A_431 = arith.constant 32 : index
        %get3A_432 = tpu.vector_load %arg9[%get3A_430, %get3A_431] {strides = array<i32>} : memref<128x128xf32, #tpu.memory_space<vmem>>, vector<1x16xf32>,
        %get3A_433 = vector.shape_cast %get3A_432 : vector<1x16xf32> to vector<16xf32>
        %add3A_434 = arith.addf %add3A_378, %get3A_433 : vector<16xf32>
        %add3A_435 = arith.constant 5 : i32
        %add3A_436 = arith.addi %mul3A_158, %add3A_435 : i32
        %get3A_437 = arith.index_cast %add3A_436 : i32 to index
        %get3A_438 = arith.constant 48 : index
        %get3A_439 = tpu.vector_load %arg9[%get3A_437, %get3A_438] {strides = array<i32>} : memref<128x128xf32, #tpu.memory_space<vmem>>, vector<1x16xf32>,
        %get3A_440 = vector.shape_cast %get3A_439 : vector<1x16xf32> to vector<16xf32>
        %add3A_441 = arith.addf %add3A_385, %get3A_440 : vector<16xf32>
        %add3A_442 = arith.constant 5 : i32
        %add3A_443 = arith.addi %mul3A_158, %add3A_442 : i32
        %get3A_444 = arith.index_cast %add3A_443 : i32 to index
        %get3A_445 = arith.constant 64 : index
        %get3A_446 = tpu.vector_load %arg9[%get3A_444, %get3A_445] {strides = array<i32>} : memref<128x128xf32, #tpu.memory_space<vmem>>, vector<1x16xf32>,
        %get3A_447 = vector.shape_cast %get3A_446 : vector<1x16xf32> to vector<16xf32>
        %add3A_448 = arith.addf %add3A_392, %get3A_447 : vector<16xf32>
        %add3A_449 = arith.constant 5 : i32
        %add3A_450 = arith.addi %mul3A_158, %add3A_449 : i32
        %get3A_451 = arith.index_cast %add3A_450 : i32 to index
        %get3A_452 = arith.constant 80 : index
        %get3A_453 = tpu.vector_load %arg9[%get3A_451, %get3A_452] {strides = array<i32>} : memref<128x128xf32, #tpu.memory_space<vmem>>, vector<1x16xf32>,
        %get3A_454 = vector.shape_cast %get3A_453 : vector<1x16xf32> to vector<16xf32>
        %add3A_455 = arith.addf %add3A_399, %get3A_454 : vector<16xf32>
        %add3A_456 = arith.constant 5 : i32
        %add3A_457 = arith.addi %mul3A_158, %add3A_456 : i32
        %get3A_458 = arith.index_cast %add3A_457 : i32 to index
        %get3A_459 = arith.constant 96 : index
        %get3A_460 = tpu.vector_load %arg9[%get3A_458, %get3A_459] {strides = array<i32>} : memref<128x128xf32, #tpu.memory_space<vmem>>, vector<1x16xf32>,
        %get3A_461 = vector.shape_cast %get3A_460 : vector<1x16xf32> to vector<16xf32>
        %add3A_462 = arith.addf %add3A_406, %get3A_461 : vector<16xf32>
        %add3A_463 = arith.constant 5 : i32
        %add3A_464 = arith.addi %mul3A_158, %add3A_463 : i32
        %get3A_465 = arith.index_cast %add3A_464 : i32 to index
        %get3A_466 = arith.constant 112 : index
        %get3A_467 = tpu.vector_load %arg9[%get3A_465, %get3A_466] {strides = array<i32>} : memref<128x128xf32, #tpu.memory_space<vmem>>, vector<1x16xf32>,
        %get3A_468 = vector.shape_cast %get3A_467 : vector<1x16xf32> to vector<16xf32>
        %add3A_469 = arith.addf %add3A_413, %get3A_468 : vector<16xf32>
        %add3A_470 = arith.constant 6 : i32
        %add3A_471 = arith.addi %mul3A_158, %add3A_470 : i32
        %get3A_472 = arith.index_cast %add3A_471 : i32 to index
        %get3A_473 = arith.constant 0 : index
        %get3A_474 = tpu.vector_load %arg9[%get3A_472, %get3A_473] {strides = array<i32>} : memref<128x128xf32, #tpu.memory_space<vmem>>, vector<1x16xf32>,
        %get3A_475 = vector.shape_cast %get3A_474 : vector<1x16xf32> to vector<16xf32>
        %add3A_476 = arith.addf %add3A_420, %get3A_475 : vector<16xf32>
        %add3A_477 = arith.constant 6 : i32
        %add3A_478 = arith.addi %mul3A_158, %add3A_477 : i32
        %get3A_479 = arith.index_cast %add3A_478 : i32 to index
        %get3A_480 = arith.constant 16 : index
        %get3A_481 = tpu.vector_load %arg9[%get3A_479, %get3A_480] {strides = array<i32>} : memref<128x128xf32, #tpu.memory_space<vmem>>, vector<1x16xf32>,
        %get3A_482 = vector.shape_cast %get3A_481 : vector<1x16xf32> to vector<16xf32>
        %add3A_483 = arith.addf %add3A_427, %get3A_482 : vector<16xf32>
        %add3A_484 = arith.constant 6 : i32
        %add3A_485 = arith.addi %mul3A_158, %add3A_484 : i32
        %get3A_486 = arith.index_cast %add3A_485 : i32 to index
        %get3A_487 = arith.constant 32 : index
        %get3A_488 = tpu.vector_load %arg9[%get3A_486, %get3A_487] {strides = array<i32>} : memref<128x128xf32, #tpu.memory_space<vmem>>, vector<1x16xf32>,
        %get3A_489 = vector.shape_cast %get3A_488 : vector<1x16xf32> to vector<16xf32>
        %add3A_490 = arith.addf %add3A_434, %get3A_489 : vector<16xf32>
        %add3A_491 = arith.constant 6 : i32
        %add3A_492 = arith.addi %mul3A_158, %add3A_491 : i32
        %get3A_493 = arith.index_cast %add3A_492 : i32 to index
        %get3A_494 = arith.constant 48 : index
        %get3A_495 = tpu.vector_load %arg9[%get3A_493, %get3A_494] {strides = array<i32>} : memref<128x128xf32, #tpu.memory_space<vmem>>, vector<1x16xf32>,
        %get3A_496 = vector.shape_cast %get3A_495 : vector<1x16xf32> to vector<16xf32>
        %add3A_497 = arith.addf %add3A_441, %get3A_496 : vector<16xf32>
        %add3A_498 = arith.constant 6 : i32
        %add3A_499 = arith.addi %mul3A_158, %add3A_498 : i32
        %get3A_500 = arith.index_cast %add3A_499 : i32 to index
        %get3A_501 = arith.constant 64 : index
        %get3A_502 = tpu.vector_load %arg9[%get3A_500, %get3A_501] {strides = array<i32>} : memref<128x128xf32, #tpu.memory_space<vmem>>, vector<1x16xf32>,
        %get3A_503 = vector.shape_cast %get3A_502 : vector<1x16xf32> to vector<16xf32>
        %add3A_504 = arith.addf %add3A_448, %get3A_503 : vector<16xf32>
        %add3A_505 = arith.constant 6 : i32
        %add3A_506 = arith.addi %mul3A_158, %add3A_505 : i32
        %get3A_507 = arith.index_cast %add3A_506 : i32 to index
        %get3A_508 = arith.constant 80 : index
        %get3A_509 = tpu.vector_load %arg9[%get3A_507, %get3A_508] {strides = array<i32>} : memref<128x128xf32, #tpu.memory_space<vmem>>, vector<1x16xf32>,
        %get3A_510 = vector.shape_cast %get3A_509 : vector<1x16xf32> to vector<16xf32>
        %add3A_511 = arith.addf %add3A_455, %get3A_510 : vector<16xf32>
        %add3A_512 = arith.constant 6 : i32
        %add3A_513 = arith.addi %mul3A_158, %add3A_512 : i32
        %get3A_514 = arith.index_cast %add3A_513 : i32 to index
        %get3A_515 = arith.constant 96 : index
        %get3A_516 = tpu.vector_load %arg9[%get3A_514, %get3A_515] {strides = array<i32>} : memref<128x128xf32, #tpu.memory_space<vmem>>, vector<1x16xf32>,
        %get3A_517 = vector.shape_cast %get3A_516 : vector<1x16xf32> to vector<16xf32>
        %add3A_518 = arith.addf %add3A_462, %get3A_517 : vector<16xf32>
        %add3A_519 = arith.constant 6 : i32
        %add3A_520 = arith.addi %mul3A_158, %add3A_519 : i32
        %get3A_521 = arith.index_cast %add3A_520 : i32 to index
        %get3A_522 = arith.constant 112 : index
        %get3A_523 = tpu.vector_load %arg9[%get3A_521, %get3A_522] {strides = array<i32>} : memref<128x128xf32, #tpu.memory_space<vmem>>, vector<1x16xf32>,
        %get3A_524 = vector.shape_cast %get3A_523 : vector<1x16xf32> to vector<16xf32>
        %add3A_525 = arith.addf %add3A_469, %get3A_524 : vector<16xf32>
        %add3A_526 = arith.constant 7 : i32
        %add3A_527 = arith.addi %mul3A_158, %add3A_526 : i32
        %get3A_528 = arith.index_cast %add3A_527 : i32 to index
        %get3A_529 = arith.constant 0 : index
        %get3A_530 = tpu.vector_load %arg9[%get3A_528, %get3A_529] {strides = array<i32>} : memref<128x128xf32, #tpu.memory_space<vmem>>, vector<1x16xf32>,
        %get3A_531 = vector.shape_cast %get3A_530 : vector<1x16xf32> to vector<16xf32>
        %add3A_532 = arith.addf %add3A_476, %get3A_531 : vector<16xf32>
        %add3A_533 = arith.constant 7 : i32
        %add3A_534 = arith.addi %mul3A_158, %add3A_533 : i32
        %get3A_535 = arith.index_cast %add3A_534 : i32 to index
        %get3A_536 = arith.constant 16 : index
        %get3A_537 = tpu.vector_load %arg9[%get3A_535, %get3A_536] {strides = array<i32>} : memref<128x128xf32, #tpu.memory_space<vmem>>, vector<1x16xf32>,
        %get3A_538 = vector.shape_cast %get3A_537 : vector<1x16xf32> to vector<16xf32>
        %add3A_539 = arith.addf %add3A_483, %get3A_538 : vector<16xf32>
        %add3A_540 = arith.constant 7 : i32
        %add3A_541 = arith.addi %mul3A_158, %add3A_540 : i32
        %get3A_542 = arith.index_cast %add3A_541 : i32 to index
        %get3A_543 = arith.constant 32 : index
        %get3A_544 = tpu.vector_load %arg9[%get3A_542, %get3A_543] {strides = array<i32>} : memref<128x128xf32, #tpu.memory_space<vmem>>, vector<1x16xf32>,
        %get3A_545 = vector.shape_cast %get3A_544 : vector<1x16xf32> to vector<16xf32>
        %add3A_546 = arith.addf %add3A_490, %get3A_545 : vector<16xf32>
        %add3A_547 = arith.constant 7 : i32
        %add3A_548 = arith.addi %mul3A_158, %add3A_547 : i32
        %get3A_549 = arith.index_cast %add3A_548 : i32 to index
        %get3A_550 = arith.constant 48 : index
        %get3A_551 = tpu.vector_load %arg9[%get3A_549, %get3A_550] {strides = array<i32>} : memref<128x128xf32, #tpu.memory_space<vmem>>, vector<1x16xf32>,
        %get3A_552 = vector.shape_cast %get3A_551 : vector<1x16xf32> to vector<16xf32>
        %add3A_553 = arith.addf %add3A_497, %get3A_552 : vector<16xf32>
        %add3A_554 = arith.constant 7 : i32
        %add3A_555 = arith.addi %mul3A_158, %add3A_554 : i32
        %get3A_556 = arith.index_cast %add3A_555 : i32 to index
        %get3A_557 = arith.constant 64 : index
        %get3A_558 = tpu.vector_load %arg9[%get3A_556, %get3A_557] {strides = array<i32>} : memref<128x128xf32, #tpu.memory_space<vmem>>, vector<1x16xf32>,
        %get3A_559 = vector.shape_cast %get3A_558 : vector<1x16xf32> to vector<16xf32>
        %add3A_560 = arith.addf %add3A_504, %get3A_559 : vector<16xf32>
        %add3A_561 = arith.constant 7 : i32
        %add3A_562 = arith.addi %mul3A_158, %add3A_561 : i32
        %get3A_563 = arith.index_cast %add3A_562 : i32 to index
        %get3A_564 = arith.constant 80 : index
        %get3A_565 = tpu.vector_load %arg9[%get3A_563, %get3A_564] {strides = array<i32>} : memref<128x128xf32, #tpu.memory_space<vmem>>, vector<1x16xf32>,
        %get3A_566 = vector.shape_cast %get3A_565 : vector<1x16xf32> to vector<16xf32>
        %add3A_567 = arith.addf %add3A_511, %get3A_566 : vector<16xf32>
        %add3A_568 = arith.constant 7 : i32
        %add3A_569 = arith.addi %mul3A_158, %add3A_568 : i32
        %get3A_570 = arith.index_cast %add3A_569 : i32 to index
        %get3A_571 = arith.constant 96 : index
        %get3A_572 = tpu.vector_load %arg9[%get3A_570, %get3A_571] {strides = array<i32>} : memref<128x128xf32, #tpu.memory_space<vmem>>, vector<1x16xf32>,
        %get3A_573 = vector.shape_cast %get3A_572 : vector<1x16xf32> to vector<16xf32>
        %add3A_574 = arith.addf %add3A_518, %get3A_573 : vector<16xf32>
        %add3A_575 = arith.constant 7 : i32
        %add3A_576 = arith.addi %mul3A_158, %add3A_575 : i32
        %get3A_577 = arith.index_cast %add3A_576 : i32 to index
        %get3A_578 = arith.constant 112 : index
        %get3A_579 = tpu.vector_load %arg9[%get3A_577, %get3A_578] {strides = array<i32>} : memref<128x128xf32, #tpu.memory_space<vmem>>, vector<1x16xf32>,
        %get3A_580 = vector.shape_cast %get3A_579 : vector<1x16xf32> to vector<16xf32>
        %add3A_581 = arith.addf %add3A_525, %get3A_580 : vector<16xf32>
        %add3A_582 = arith.constant 8 : i32
        %add3A_583 = arith.addi %mul3A_158, %add3A_582 : i32
        %get3A_584 = arith.index_cast %add3A_583 : i32 to index
        %get3A_585 = arith.constant 0 : index
        %get3A_586 = tpu.vector_load %arg9[%get3A_584, %get3A_585] {strides = array<i32>} : memref<128x128xf32, #tpu.memory_space<vmem>>, vector<1x16xf32>,
        %get3A_587 = vector.shape_cast %get3A_586 : vector<1x16xf32> to vector<16xf32>
        %add3A_588 = arith.addf %add3A_532, %get3A_587 : vector<16xf32>
        %add3A_589 = arith.constant 8 : i32
        %add3A_590 = arith.addi %mul3A_158, %add3A_589 : i32
        %get3A_591 = arith.index_cast %add3A_590 : i32 to index
        %get3A_592 = arith.constant 16 : index
        %get3A_593 = tpu.vector_load %arg9[%get3A_591, %get3A_592] {strides = array<i32>} : memref<128x128xf32, #tpu.memory_space<vmem>>, vector<1x16xf32>,
        %get3A_594 = vector.shape_cast %get3A_593 : vector<1x16xf32> to vector<16xf32>
        %add3A_595 = arith.addf %add3A_539, %get3A_594 : vector<16xf32>
        %add3A_596 = arith.constant 8 : i32
        %add3A_597 = arith.addi %mul3A_158, %add3A_596 : i32
        %get3A_598 = arith.index_cast %add3A_597 : i32 to index
        %get3A_599 = arith.constant 32 : index
        %get3A_600 = tpu.vector_load %arg9[%get3A_598, %get3A_599] {strides = array<i32>} : memref<128x128xf32, #tpu.memory_space<vmem>>, vector<1x16xf32>,
        %get3A_601 = vector.shape_cast %get3A_600 : vector<1x16xf32> to vector<16xf32>
        %add3A_602 = arith.addf %add3A_546, %get3A_601 : vector<16xf32>
        %add3A_603 = arith.constant 8 : i32
        %add3A_604 = arith.addi %mul3A_158, %add3A_603 : i32
        %get3A_605 = arith.index_cast %add3A_604 : i32 to index
        %get3A_606 = arith.constant 48 : index
        %get3A_607 = tpu.vector_load %arg9[%get3A_605, %get3A_606] {strides = array<i32>} : memref<128x128xf32, #tpu.memory_space<vmem>>, vector<1x16xf32>,
        %get3A_608 = vector.shape_cast %get3A_607 : vector<1x16xf32> to vector<16xf32>
        %add3A_609 = arith.addf %add3A_553, %get3A_608 : vector<16xf32>
        %add3A_610 = arith.constant 8 : i32
        %add3A_611 = arith.addi %mul3A_158, %add3A_610 : i32
        %get3A_612 = arith.index_cast %add3A_611 : i32 to index
        %get3A_613 = arith.constant 64 : index
        %get3A_614 = tpu.vector_load %arg9[%get3A_612, %get3A_613] {strides = array<i32>} : memref<128x128xf32, #tpu.memory_space<vmem>>, vector<1x16xf32>,
        %get3A_615 = vector.shape_cast %get3A_614 : vector<1x16xf32> to vector<16xf32>
        %add3A_616 = arith.addf %add3A_560, %get3A_615 : vector<16xf32>
        %add3A_617 = arith.constant 8 : i32
        %add3A_618 = arith.addi %mul3A_158, %add3A_617 : i32
        %get3A_619 = arith.index_cast %add3A_618 : i32 to index
        %get3A_620 = arith.constant 80 : index
        %get3A_621 = tpu.vector_load %arg9[%get3A_619, %get3A_620] {strides = array<i32>} : memref<128x128xf32, #tpu.memory_space<vmem>>, vector<1x16xf32>,
        %get3A_622 = vector.shape_cast %get3A_621 : vector<1x16xf32> to vector<16xf32>
        %add3A_623 = arith.addf %add3A_567, %get3A_622 : vector<16xf32>
        %add3A_624 = arith.constant 8 : i32
        %add3A_625 = arith.addi %mul3A_158, %add3A_624 : i32
        %get3A_626 = arith.index_cast %add3A_625 : i32 to index
        %get3A_627 = arith.constant 96 : index
        %get3A_628 = tpu.vector_load %arg9[%get3A_626, %get3A_627] {strides = array<i32>} : memref<128x128xf32, #tpu.memory_space<vmem>>, vector<1x16xf32>,
        %get3A_629 = vector.shape_cast %get3A_628 : vector<1x16xf32> to vector<16xf32>
        %add3A_630 = arith.addf %add3A_574, %get3A_629 : vector<16xf32>
        %add3A_631 = arith.constant 8 : i32
        %add3A_632 = arith.addi %mul3A_158, %add3A_631 : i32
        %get3A_633 = arith.index_cast %add3A_632 : i32 to index
        %get3A_634 = arith.constant 112 : index
        %get3A_635 = tpu.vector_load %arg9[%get3A_633, %get3A_634] {strides = array<i32>} : memref<128x128xf32, #tpu.memory_space<vmem>>, vector<1x16xf32>,
        %get3A_636 = vector.shape_cast %get3A_635 : vector<1x16xf32> to vector<16xf32>
        %add3A_637 = arith.addf %add3A_581, %get3A_636 : vector<16xf32>
        %add3A_638 = arith.constant 9 : i32
        %add3A_639 = arith.addi %mul3A_158, %add3A_638 : i32
        %get3A_640 = arith.index_cast %add3A_639 : i32 to index
        %get3A_641 = arith.constant 0 : index
        %get3A_642 = tpu.vector_load %arg9[%get3A_640, %get3A_641] {strides = array<i32>} : memref<128x128xf32, #tpu.memory_space<vmem>>, vector<1x16xf32>,
        %get3A_643 = vector.shape_cast %get3A_642 : vector<1x16xf32> to vector<16xf32>
        %add3A_644 = arith.addf %add3A_588, %get3A_643 : vector<16xf32>
        %add3A_645 = arith.constant 9 : i32
        %add3A_646 = arith.addi %mul3A_158, %add3A_645 : i32
        %get3A_647 = arith.index_cast %add3A_646 : i32 to index
        %get3A_648 = arith.constant 16 : index
        %get3A_649 = tpu.vector_load %arg9[%get3A_647, %get3A_648] {strides = array<i32>} : memref<128x128xf32, #tpu.memory_space<vmem>>, vector<1x16xf32>,
        %get3A_650 = vector.shape_cast %get3A_649 : vector<1x16xf32> to vector<16xf32>
        %add3A_651 = arith.addf %add3A_595, %get3A_650 : vector<16xf32>
        %add3A_652 = arith.constant 9 : i32
        %add3A_653 = arith.addi %mul3A_158, %add3A_652 : i32
        %get3A_654 = arith.index_cast %add3A_653 : i32 to index
        %get3A_655 = arith.constant 32 : index
        %get3A_656 = tpu.vector_load %arg9[%get3A_654, %get3A_655] {strides = array<i32>} : memref<128x128xf32, #tpu.memory_space<vmem>>, vector<1x16xf32>,
        %get3A_657 = vector.shape_cast %get3A_656 : vector<1x16xf32> to vector<16xf32>
        %add3A_658 = arith.addf %add3A_602, %get3A_657 : vector<16xf32>
        %add3A_659 = arith.constant 9 : i32
        %add3A_660 = arith.addi %mul3A_158, %add3A_659 : i32
        %get3A_661 = arith.index_cast %add3A_660 : i32 to index
        %get3A_662 = arith.constant 48 : index
        %get3A_663 = tpu.vector_load %arg9[%get3A_661, %get3A_662] {strides = array<i32>} : memref<128x128xf32, #tpu.memory_space<vmem>>, vector<1x16xf32>,
        %get3A_664 = vector.shape_cast %get3A_663 : vector<1x16xf32> to vector<16xf32>
        %add3A_665 = arith.addf %add3A_609, %get3A_664 : vector<16xf32>
        %add3A_666 = arith.constant 9 : i32
        %add3A_667 = arith.addi %mul3A_158, %add3A_666 : i32
        %get3A_668 = arith.index_cast %add3A_667 : i32 to index
        %get3A_669 = arith.constant 64 : index
        %get3A_670 = tpu.vector_load %arg9[%get3A_668, %get3A_669] {strides = array<i32>} : memref<128x128xf32, #tpu.memory_space<vmem>>, vector<1x16xf32>,
        %get3A_671 = vector.shape_cast %get3A_670 : vector<1x16xf32> to vector<16xf32>
        %add3A_672 = arith.addf %add3A_616, %get3A_671 : vector<16xf32>
        %add3A_673 = arith.constant 9 : i32
        %add3A_674 = arith.addi %mul3A_158, %add3A_673 : i32
        %get3A_675 = arith.index_cast %add3A_674 : i32 to index
        %get3A_676 = arith.constant 80 : index
        %get3A_677 = tpu.vector_load %arg9[%get3A_675, %get3A_676] {strides = array<i32>} : memref<128x128xf32, #tpu.memory_space<vmem>>, vector<1x16xf32>,
        %get3A_678 = vector.shape_cast %get3A_677 : vector<1x16xf32> to vector<16xf32>
        %add3A_679 = arith.addf %add3A_623, %get3A_678 : vector<16xf32>
        %add3A_680 = arith.constant 9 : i32
        %add3A_681 = arith.addi %mul3A_158, %add3A_680 : i32
        %get3A_682 = arith.index_cast %add3A_681 : i32 to index
        %get3A_683 = arith.constant 96 : index
        %get3A_684 = tpu.vector_load %arg9[%get3A_682, %get3A_683] {strides = array<i32>} : memref<128x128xf32, #tpu.memory_space<vmem>>, vector<1x16xf32>,
        %get3A_685 = vector.shape_cast %get3A_684 : vector<1x16xf32> to vector<16xf32>
        %add3A_686 = arith.addf %add3A_630, %get3A_685 : vector<16xf32>
        %add3A_687 = arith.constant 9 : i32
        %add3A_688 = arith.addi %mul3A_158, %add3A_687 : i32
        %get3A_689 = arith.index_cast %add3A_688 : i32 to index
        %get3A_690 = arith.constant 112 : index
        %get3A_691 = tpu.vector_load %arg9[%get3A_689, %get3A_690] {strides = array<i32>} : memref<128x128xf32, #tpu.memory_space<vmem>>, vector<1x16xf32>,
        %get3A_692 = vector.shape_cast %get3A_691 : vector<1x16xf32> to vector<16xf32>
        %add3A_693 = arith.addf %add3A_637, %get3A_692 : vector<16xf32>
        %add3A_694 = arith.constant 10 : i32
        %add3A_695 = arith.addi %mul3A_158, %add3A_694 : i32
        %get3A_696 = arith.index_cast %add3A_695 : i32 to index
        %get3A_697 = arith.constant 0 : index
        %get3A_698 = tpu.vector_load %arg9[%get3A_696, %get3A_697] {strides = array<i32>} : memref<128x128xf32, #tpu.memory_space<vmem>>, vector<1x16xf32>,
        %get3A_699 = vector.shape_cast %get3A_698 : vector<1x16xf32> to vector<16xf32>
        %add3A_700 = arith.addf %add3A_644, %get3A_699 : vector<16xf32>
        %add3A_701 = arith.constant 10 : i32
        %add3A_702 = arith.addi %mul3A_158, %add3A_701 : i32
        %get3A_703 = arith.index_cast %add3A_702 : i32 to index
        %get3A_704 = arith.constant 16 : index
        %get3A_705 = tpu.vector_load %arg9[%get3A_703, %get3A_704] {strides = array<i32>} : memref<128x128xf32, #tpu.memory_space<vmem>>, vector<1x16xf32>,
        %get3A_706 = vector.shape_cast %get3A_705 : vector<1x16xf32> to vector<16xf32>
        %add3A_707 = arith.addf %add3A_651, %get3A_706 : vector<16xf32>
        %add3A_708 = arith.constant 10 : i32
        %add3A_709 = arith.addi %mul3A_158, %add3A_708 : i32
        %get3A_710 = arith.index_cast %add3A_709 : i32 to index
        %get3A_711 = arith.constant 32 : index
        %get3A_712 = tpu.vector_load %arg9[%get3A_710, %get3A_711] {strides = array<i32>} : memref<128x128xf32, #tpu.memory_space<vmem>>, vector<1x16xf32>,
        %get3A_713 = vector.shape_cast %get3A_712 : vector<1x16xf32> to vector<16xf32>
        %add3A_714 = arith.addf %add3A_658, %get3A_713 : vector<16xf32>
        %add3A_715 = arith.constant 10 : i32
        %add3A_716 = arith.addi %mul3A_158, %add3A_715 : i32
        %get3A_717 = arith.index_cast %add3A_716 : i32 to index
        %get3A_718 = arith.constant 48 : index
        %get3A_719 = tpu.vector_load %arg9[%get3A_717, %get3A_718] {strides = array<i32>} : memref<128x128xf32, #tpu.memory_space<vmem>>, vector<1x16xf32>,
        %get3A_720 = vector.shape_cast %get3A_719 : vector<1x16xf32> to vector<16xf32>
        %add3A_721 = arith.addf %add3A_665, %get3A_720 : vector<16xf32>
        %add3A_722 = arith.constant 10 : i32
        %add3A_723 = arith.addi %mul3A_158, %add3A_722 : i32
        %get3A_724 = arith.index_cast %add3A_723 : i32 to index
        %get3A_725 = arith.constant 64 : index
        %get3A_726 = tpu.vector_load %arg9[%get3A_724, %get3A_725] {strides = array<i32>} : memref<128x128xf32, #tpu.memory_space<vmem>>, vector<1x16xf32>,
        %get3A_727 = vector.shape_cast %get3A_726 : vector<1x16xf32> to vector<16xf32>
        %add3A_728 = arith.addf %add3A_672, %get3A_727 : vector<16xf32>
        %add3A_729 = arith.constant 10 : i32
        %add3A_730 = arith.addi %mul3A_158, %add3A_729 : i32
        %get3A_731 = arith.index_cast %add3A_730 : i32 to index
        %get3A_732 = arith.constant 80 : index
        %get3A_733 = tpu.vector_load %arg9[%get3A_731, %get3A_732] {strides = array<i32>} : memref<128x128xf32, #tpu.memory_space<vmem>>, vector<1x16xf32>,
        %get3A_734 = vector.shape_cast %get3A_733 : vector<1x16xf32> to vector<16xf32>
        %add3A_735 = arith.addf %add3A_679, %get3A_734 : vector<16xf32>
        %add3A_736 = arith.constant 10 : i32
        %add3A_737 = arith.addi %mul3A_158, %add3A_736 : i32
        %get3A_738 = arith.index_cast %add3A_737 : i32 to index
        %get3A_739 = arith.constant 96 : index
        %get3A_740 = tpu.vector_load %arg9[%get3A_738, %get3A_739] {strides = array<i32>} : memref<128x128xf32, #tpu.memory_space<vmem>>, vector<1x16xf32>,
        %get3A_741 = vector.shape_cast %get3A_740 : vector<1x16xf32> to vector<16xf32>
        %add3A_742 = arith.addf %add3A_686, %get3A_741 : vector<16xf32>
        %add3A_743 = arith.constant 10 : i32
        %add3A_744 = arith.addi %mul3A_158, %add3A_743 : i32
        %get3A_745 = arith.index_cast %add3A_744 : i32 to index
        %get3A_746 = arith.constant 112 : index
        %get3A_747 = tpu.vector_load %arg9[%get3A_745, %get3A_746] {strides = array<i32>} : memref<128x128xf32, #tpu.memory_space<vmem>>, vector<1x16xf32>,
        %get3A_748 = vector.shape_cast %get3A_747 : vector<1x16xf32> to vector<16xf32>
        %add3A_749 = arith.addf %add3A_693, %get3A_748 : vector<16xf32>
        %add3A_750 = arith.constant 11 : i32
        %add3A_751 = arith.addi %mul3A_158, %add3A_750 : i32
        %get3A_752 = arith.index_cast %add3A_751 : i32 to index
        %get3A_753 = arith.constant 0 : index
        %get3A_754 = tpu.vector_load %arg9[%get3A_752, %get3A_753] {strides = array<i32>} : memref<128x128xf32, #tpu.memory_space<vmem>>, vector<1x16xf32>,
        %get3A_755 = vector.shape_cast %get3A_754 : vector<1x16xf32> to vector<16xf32>
        %add3A_756 = arith.addf %add3A_700, %get3A_755 : vector<16xf32>
        %add3A_757 = arith.constant 11 : i32
        %add3A_758 = arith.addi %mul3A_158, %add3A_757 : i32
        %get3A_759 = arith.index_cast %add3A_758 : i32 to index
        %get3A_760 = arith.constant 16 : index
        %get3A_761 = tpu.vector_load %arg9[%get3A_759, %get3A_760] {strides = array<i32>} : memref<128x128xf32, #tpu.memory_space<vmem>>, vector<1x16xf32>,
        %get3A_762 = vector.shape_cast %get3A_761 : vector<1x16xf32> to vector<16xf32>
        %add3A_763 = arith.addf %add3A_707, %get3A_762 : vector<16xf32>
        %add3A_764 = arith.constant 11 : i32
        %add3A_765 = arith.addi %mul3A_158, %add3A_764 : i32
        %get3A_766 = arith.index_cast %add3A_765 : i32 to index
        %get3A_767 = arith.constant 32 : index
        %get3A_768 = tpu.vector_load %arg9[%get3A_766, %get3A_767] {strides = array<i32>} : memref<128x128xf32, #tpu.memory_space<vmem>>, vector<1x16xf32>,
        %get3A_769 = vector.shape_cast %get3A_768 : vector<1x16xf32> to vector<16xf32>
        %add3A_770 = arith.addf %add3A_714, %get3A_769 : vector<16xf32>
        %add3A_771 = arith.constant 11 : i32
        %add3A_772 = arith.addi %mul3A_158, %add3A_771 : i32
        %get3A_773 = arith.index_cast %add3A_772 : i32 to index
        %get3A_774 = arith.constant 48 : index
        %get3A_775 = tpu.vector_load %arg9[%get3A_773, %get3A_774] {strides = array<i32>} : memref<128x128xf32, #tpu.memory_space<vmem>>, vector<1x16xf32>,
        %get3A_776 = vector.shape_cast %get3A_775 : vector<1x16xf32> to vector<16xf32>
        %add3A_777 = arith.addf %add3A_721, %get3A_776 : vector<16xf32>
        %add3A_778 = arith.constant 11 : i32
        %add3A_779 = arith.addi %mul3A_158, %add3A_778 : i32
        %get3A_780 = arith.index_cast %add3A_779 : i32 to index
        %get3A_781 = arith.constant 64 : index
        %get3A_782 = tpu.vector_load %arg9[%get3A_780, %get3A_781] {strides = array<i32>} : memref<128x128xf32, #tpu.memory_space<vmem>>, vector<1x16xf32>,
        %get3A_783 = vector.shape_cast %get3A_782 : vector<1x16xf32> to vector<16xf32>
        %add3A_784 = arith.addf %add3A_728, %get3A_783 : vector<16xf32>
        %add3A_785 = arith.constant 11 : i32
        %add3A_786 = arith.addi %mul3A_158, %add3A_785 : i32
        %get3A_787 = arith.index_cast %add3A_786 : i32 to index
        %get3A_788 = arith.constant 80 : index
        %get3A_789 = tpu.vector_load %arg9[%get3A_787, %get3A_788] {strides = array<i32>} : memref<128x128xf32, #tpu.memory_space<vmem>>, vector<1x16xf32>,
        %get3A_790 = vector.shape_cast %get3A_789 : vector<1x16xf32> to vector<16xf32>
        %add3A_791 = arith.addf %add3A_735, %get3A_790 : vector<16xf32>
        %add3A_792 = arith.constant 11 : i32
        %add3A_793 = arith.addi %mul3A_158, %add3A_792 : i32
        %get3A_794 = arith.index_cast %add3A_793 : i32 to index
        %get3A_795 = arith.constant 96 : index
        %get3A_796 = tpu.vector_load %arg9[%get3A_794, %get3A_795] {strides = array<i32>} : memref<128x128xf32, #tpu.memory_space<vmem>>, vector<1x16xf32>,
        %get3A_797 = vector.shape_cast %get3A_796 : vector<1x16xf32> to vector<16xf32>
        %add3A_798 = arith.addf %add3A_742, %get3A_797 : vector<16xf32>
        %add3A_799 = arith.constant 11 : i32
        %add3A_800 = arith.addi %mul3A_158, %add3A_799 : i32
        %get3A_801 = arith.index_cast %add3A_800 : i32 to index
        %get3A_802 = arith.constant 112 : index
        %get3A_803 = tpu.vector_load %arg9[%get3A_801, %get3A_802] {strides = array<i32>} : memref<128x128xf32, #tpu.memory_space<vmem>>, vector<1x16xf32>,
        %get3A_804 = vector.shape_cast %get3A_803 : vector<1x16xf32> to vector<16xf32>
        %add3A_805 = arith.addf %add3A_749, %get3A_804 : vector<16xf32>
        %add3A_806 = arith.constant 12 : i32
        %add3A_807 = arith.addi %mul3A_158, %add3A_806 : i32
        %get3A_808 = arith.index_cast %add3A_807 : i32 to index
        %get3A_809 = arith.constant 0 : index
        %get3A_810 = tpu.vector_load %arg9[%get3A_808, %get3A_809] {strides = array<i32>} : memref<128x128xf32, #tpu.memory_space<vmem>>, vector<1x16xf32>,
        %get3A_811 = vector.shape_cast %get3A_810 : vector<1x16xf32> to vector<16xf32>
        %add3A_812 = arith.addf %add3A_756, %get3A_811 : vector<16xf32>
        %add3A_813 = arith.constant 12 : i32
        %add3A_814 = arith.addi %mul3A_158, %add3A_813 : i32
        %get3A_815 = arith.index_cast %add3A_814 : i32 to index
        %get3A_816 = arith.constant 16 : index
        %get3A_817 = tpu.vector_load %arg9[%get3A_815, %get3A_816] {strides = array<i32>} : memref<128x128xf32, #tpu.memory_space<vmem>>, vector<1x16xf32>,
        %get3A_818 = vector.shape_cast %get3A_817 : vector<1x16xf32> to vector<16xf32>
        %add3A_819 = arith.addf %add3A_763, %get3A_818 : vector<16xf32>
        %add3A_820 = arith.constant 12 : i32
        %add3A_821 = arith.addi %mul3A_158, %add3A_820 : i32
        %get3A_822 = arith.index_cast %add3A_821 : i32 to index
        %get3A_823 = arith.constant 32 : index
        %get3A_824 = tpu.vector_load %arg9[%get3A_822, %get3A_823] {strides = array<i32>} : memref<128x128xf32, #tpu.memory_space<vmem>>, vector<1x16xf32>,
        %get3A_825 = vector.shape_cast %get3A_824 : vector<1x16xf32> to vector<16xf32>
        %add3A_826 = arith.addf %add3A_770, %get3A_825 : vector<16xf32>
        %add3A_827 = arith.constant 12 : i32
        %add3A_828 = arith.addi %mul3A_158, %add3A_827 : i32
        %get3A_829 = arith.index_cast %add3A_828 : i32 to index
        %get3A_830 = arith.constant 48 : index
        %get3A_831 = tpu.vector_load %arg9[%get3A_829, %get3A_830] {strides = array<i32>} : memref<128x128xf32, #tpu.memory_space<vmem>>, vector<1x16xf32>,
        %get3A_832 = vector.shape_cast %get3A_831 : vector<1x16xf32> to vector<16xf32>
        %add3A_833 = arith.addf %add3A_777, %get3A_832 : vector<16xf32>
        %add3A_834 = arith.constant 12 : i32
        %add3A_835 = arith.addi %mul3A_158, %add3A_834 : i32
        %get3A_836 = arith.index_cast %add3A_835 : i32 to index
        %get3A_837 = arith.constant 64 : index
        %get3A_838 = tpu.vector_load %arg9[%get3A_836, %get3A_837] {strides = array<i32>} : memref<128x128xf32, #tpu.memory_space<vmem>>, vector<1x16xf32>,
        %get3A_839 = vector.shape_cast %get3A_838 : vector<1x16xf32> to vector<16xf32>
        %add3A_840 = arith.addf %add3A_784, %get3A_839 : vector<16xf32>
        %add3A_841 = arith.constant 12 : i32
        %add3A_842 = arith.addi %mul3A_158, %add3A_841 : i32
        %get3A_843 = arith.index_cast %add3A_842 : i32 to index
        %get3A_844 = arith.constant 80 : index
        %get3A_845 = tpu.vector_load %arg9[%get3A_843, %get3A_844] {strides = array<i32>} : memref<128x128xf32, #tpu.memory_space<vmem>>, vector<1x16xf32>,
        %get3A_846 = vector.shape_cast %get3A_845 : vector<1x16xf32> to vector<16xf32>
        %add3A_847 = arith.addf %add3A_791, %get3A_846 : vector<16xf32>
        %add3A_848 = arith.constant 12 : i32
        %add3A_849 = arith.addi %mul3A_158, %add3A_848 : i32
        %get3A_850 = arith.index_cast %add3A_849 : i32 to index
        %get3A_851 = arith.constant 96 : index
        %get3A_852 = tpu.vector_load %arg9[%get3A_850, %get3A_851] {strides = array<i32>} : memref<128x128xf32, #tpu.memory_space<vmem>>, vector<1x16xf32>,
        %get3A_853 = vector.shape_cast %get3A_852 : vector<1x16xf32> to vector<16xf32>
        %add3A_854 = arith.addf %add3A_798, %get3A_853 : vector<16xf32>
        %add3A_855 = arith.constant 12 : i32
        %add3A_856 = arith.addi %mul3A_158, %add3A_855 : i32
        %get3A_857 = arith.index_cast %add3A_856 : i32 to index
        %get3A_858 = arith.constant 112 : index
        %get3A_859 = tpu.vector_load %arg9[%get3A_857, %get3A_858] {strides = array<i32>} : memref<128x128xf32, #tpu.memory_space<vmem>>, vector<1x16xf32>,
        %get3A_860 = vector.shape_cast %get3A_859 : vector<1x16xf32> to vector<16xf32>
        %add3A_861 = arith.addf %add3A_805, %get3A_860 : vector<16xf32>
        %add3A_862 = arith.constant 13 : i32
        %add3A_863 = arith.addi %mul3A_158, %add3A_862 : i32
        %get3A_864 = arith.index_cast %add3A_863 : i32 to index
        %get3A_865 = arith.constant 0 : index
        %get3A_866 = tpu.vector_load %arg9[%get3A_864, %get3A_865] {strides = array<i32>} : memref<128x128xf32, #tpu.memory_space<vmem>>, vector<1x16xf32>,
        %get3A_867 = vector.shape_cast %get3A_866 : vector<1x16xf32> to vector<16xf32>
        %add3A_868 = arith.addf %add3A_812, %get3A_867 : vector<16xf32>
        %add3A_869 = arith.constant 13 : i32
        %add3A_870 = arith.addi %mul3A_158, %add3A_869 : i32
        %get3A_871 = arith.index_cast %add3A_870 : i32 to index
        %get3A_872 = arith.constant 16 : index
        %get3A_873 = tpu.vector_load %arg9[%get3A_871, %get3A_872] {strides = array<i32>} : memref<128x128xf32, #tpu.memory_space<vmem>>, vector<1x16xf32>,
        %get3A_874 = vector.shape_cast %get3A_873 : vector<1x16xf32> to vector<16xf32>
        %add3A_875 = arith.addf %add3A_819, %get3A_874 : vector<16xf32>
        %add3A_876 = arith.constant 13 : i32
        %add3A_877 = arith.addi %mul3A_158, %add3A_876 : i32
        %get3A_878 = arith.index_cast %add3A_877 : i32 to index
        %get3A_879 = arith.constant 32 : index
        %get3A_880 = tpu.vector_load %arg9[%get3A_878, %get3A_879] {strides = array<i32>} : memref<128x128xf32, #tpu.memory_space<vmem>>, vector<1x16xf32>,
        %get3A_881 = vector.shape_cast %get3A_880 : vector<1x16xf32> to vector<16xf32>
        %add3A_882 = arith.addf %add3A_826, %get3A_881 : vector<16xf32>
        %add3A_883 = arith.constant 13 : i32
        %add3A_884 = arith.addi %mul3A_158, %add3A_883 : i32
        %get3A_885 = arith.index_cast %add3A_884 : i32 to index
        %get3A_886 = arith.constant 48 : index
        %get3A_887 = tpu.vector_load %arg9[%get3A_885, %get3A_886] {strides = array<i32>} : memref<128x128xf32, #tpu.memory_space<vmem>>, vector<1x16xf32>,
        %get3A_888 = vector.shape_cast %get3A_887 : vector<1x16xf32> to vector<16xf32>
        %add3A_889 = arith.addf %add3A_833, %get3A_888 : vector<16xf32>
        %add3A_890 = arith.constant 13 : i32
        %add3A_891 = arith.addi %mul3A_158, %add3A_890 : i32
        %get3A_892 = arith.index_cast %add3A_891 : i32 to index
        %get3A_893 = arith.constant 64 : index
        %get3A_894 = tpu.vector_load %arg9[%get3A_892, %get3A_893] {strides = array<i32>} : memref<128x128xf32, #tpu.memory_space<vmem>>, vector<1x16xf32>,
        %get3A_895 = vector.shape_cast %get3A_894 : vector<1x16xf32> to vector<16xf32>
        %add3A_896 = arith.addf %add3A_840, %get3A_895 : vector<16xf32>
        %add3A_897 = arith.constant 13 : i32
        %add3A_898 = arith.addi %mul3A_158, %add3A_897 : i32
        %get3A_899 = arith.index_cast %add3A_898 : i32 to index
        %get3A_900 = arith.constant 80 : index
        %get3A_901 = tpu.vector_load %arg9[%get3A_899, %get3A_900] {strides = array<i32>} : memref<128x128xf32, #tpu.memory_space<vmem>>, vector<1x16xf32>,
        %get3A_902 = vector.shape_cast %get3A_901 : vector<1x16xf32> to vector<16xf32>
        %add3A_903 = arith.addf %add3A_847, %get3A_902 : vector<16xf32>
        %add3A_904 = arith.constant 13 : i32
        %add3A_905 = arith.addi %mul3A_158, %add3A_904 : i32
        %get3A_906 = arith.index_cast %add3A_905 : i32 to index
        %get3A_907 = arith.constant 96 : index
        %get3A_908 = tpu.vector_load %arg9[%get3A_906, %get3A_907] {strides = array<i32>} : memref<128x128xf32, #tpu.memory_space<vmem>>, vector<1x16xf32>,
        %get3A_909 = vector.shape_cast %get3A_908 : vector<1x16xf32> to vector<16xf32>
        %add3A_910 = arith.addf %add3A_854, %get3A_909 : vector<16xf32>
        %add3A_911 = arith.constant 13 : i32
        %add3A_912 = arith.addi %mul3A_158, %add3A_911 : i32
        %get3A_913 = arith.index_cast %add3A_912 : i32 to index
        %get3A_914 = arith.constant 112 : index
        %get3A_915 = tpu.vector_load %arg9[%get3A_913, %get3A_914] {strides = array<i32>} : memref<128x128xf32, #tpu.memory_space<vmem>>, vector<1x16xf32>,
        %get3A_916 = vector.shape_cast %get3A_915 : vector<1x16xf32> to vector<16xf32>
        %add3A_917 = arith.addf %add3A_861, %get3A_916 : vector<16xf32>
        %add3A_918 = arith.constant 14 : i32
        %add3A_919 = arith.addi %mul3A_158, %add3A_918 : i32
        %get3A_920 = arith.index_cast %add3A_919 : i32 to index
        %get3A_921 = arith.constant 0 : index
        %get3A_922 = tpu.vector_load %arg9[%get3A_920, %get3A_921] {strides = array<i32>} : memref<128x128xf32, #tpu.memory_space<vmem>>, vector<1x16xf32>,
        %get3A_923 = vector.shape_cast %get3A_922 : vector<1x16xf32> to vector<16xf32>
        %add3A_924 = arith.addf %add3A_868, %get3A_923 : vector<16xf32>
        %add3A_925 = arith.constant 14 : i32
        %add3A_926 = arith.addi %mul3A_158, %add3A_925 : i32
        %get3A_927 = arith.index_cast %add3A_926 : i32 to index
        %get3A_928 = arith.constant 16 : index
        %get3A_929 = tpu.vector_load %arg9[%get3A_927, %get3A_928] {strides = array<i32>} : memref<128x128xf32, #tpu.memory_space<vmem>>, vector<1x16xf32>,
        %get3A_930 = vector.shape_cast %get3A_929 : vector<1x16xf32> to vector<16xf32>
        %add3A_931 = arith.addf %add3A_875, %get3A_930 : vector<16xf32>
        %add3A_932 = arith.constant 14 : i32
        %add3A_933 = arith.addi %mul3A_158, %add3A_932 : i32
        %get3A_934 = arith.index_cast %add3A_933 : i32 to index
        %get3A_935 = arith.constant 32 : index
        %get3A_936 = tpu.vector_load %arg9[%get3A_934, %get3A_935] {strides = array<i32>} : memref<128x128xf32, #tpu.memory_space<vmem>>, vector<1x16xf32>,
        %get3A_937 = vector.shape_cast %get3A_936 : vector<1x16xf32> to vector<16xf32>
        %add3A_938 = arith.addf %add3A_882, %get3A_937 : vector<16xf32>
        %add3A_939 = arith.constant 14 : i32
        %add3A_940 = arith.addi %mul3A_158, %add3A_939 : i32
        %get3A_941 = arith.index_cast %add3A_940 : i32 to index
        %get3A_942 = arith.constant 48 : index
        %get3A_943 = tpu.vector_load %arg9[%get3A_941, %get3A_942] {strides = array<i32>} : memref<128x128xf32, #tpu.memory_space<vmem>>, vector<1x16xf32>,
        %get3A_944 = vector.shape_cast %get3A_943 : vector<1x16xf32> to vector<16xf32>
        %add3A_945 = arith.addf %add3A_889, %get3A_944 : vector<16xf32>
        %add3A_946 = arith.constant 14 : i32
        %add3A_947 = arith.addi %mul3A_158, %add3A_946 : i32
        %get3A_948 = arith.index_cast %add3A_947 : i32 to index
        %get3A_949 = arith.constant 64 : index
        %get3A_950 = tpu.vector_load %arg9[%get3A_948, %get3A_949] {strides = array<i32>} : memref<128x128xf32, #tpu.memory_space<vmem>>, vector<1x16xf32>,
        %get3A_951 = vector.shape_cast %get3A_950 : vector<1x16xf32> to vector<16xf32>
        %add3A_952 = arith.addf %add3A_896, %get3A_951 : vector<16xf32>
        %add3A_953 = arith.constant 14 : i32
        %add3A_954 = arith.addi %mul3A_158, %add3A_953 : i32
        %get3A_955 = arith.index_cast %add3A_954 : i32 to index
        %get3A_956 = arith.constant 80 : index
        %get3A_957 = tpu.vector_load %arg9[%get3A_955, %get3A_956] {strides = array<i32>} : memref<128x128xf32, #tpu.memory_space<vmem>>, vector<1x16xf32>,
        %get3A_958 = vector.shape_cast %get3A_957 : vector<1x16xf32> to vector<16xf32>
        %add3A_959 = arith.addf %add3A_903, %get3A_958 : vector<16xf32>
        %add3A_960 = arith.constant 14 : i32
        %add3A_961 = arith.addi %mul3A_158, %add3A_960 : i32
        %get3A_962 = arith.index_cast %add3A_961 : i32 to index
        %get3A_963 = arith.constant 96 : index
        %get3A_964 = tpu.vector_load %arg9[%get3A_962, %get3A_963] {strides = array<i32>} : memref<128x128xf32, #tpu.memory_space<vmem>>, vector<1x16xf32>,
        %get3A_965 = vector.shape_cast %get3A_964 : vector<1x16xf32> to vector<16xf32>
        %add3A_966 = arith.addf %add3A_910, %get3A_965 : vector<16xf32>
        %add3A_967 = arith.constant 14 : i32
        %add3A_968 = arith.addi %mul3A_158, %add3A_967 : i32
        %get3A_969 = arith.index_cast %add3A_968 : i32 to index
        %get3A_970 = arith.constant 112 : index
        %get3A_971 = tpu.vector_load %arg9[%get3A_969, %get3A_970] {strides = array<i32>} : memref<128x128xf32, #tpu.memory_space<vmem>>, vector<1x16xf32>,
        %get3A_972 = vector.shape_cast %get3A_971 : vector<1x16xf32> to vector<16xf32>
        %add3A_973 = arith.addf %add3A_917, %get3A_972 : vector<16xf32>
        %add3A_974 = arith.constant 15 : i32
        %add3A_975 = arith.addi %mul3A_158, %add3A_974 : i32
        %get3A_976 = arith.index_cast %add3A_975 : i32 to index
        %get3A_977 = arith.constant 0 : index
        %get3A_978 = tpu.vector_load %arg9[%get3A_976, %get3A_977] {strides = array<i32>} : memref<128x128xf32, #tpu.memory_space<vmem>>, vector<1x16xf32>,
        %get3A_979 = vector.shape_cast %get3A_978 : vector<1x16xf32> to vector<16xf32>
        %add3A_980 = arith.addf %add3A_924, %get3A_979 : vector<16xf32>
        %add3A_981 = arith.constant 15 : i32
        %add3A_982 = arith.addi %mul3A_158, %add3A_981 : i32
        %get3A_983 = arith.index_cast %add3A_982 : i32 to index
        %get3A_984 = arith.constant 16 : index
        %get3A_985 = tpu.vector_load %arg9[%get3A_983, %get3A_984] {strides = array<i32>} : memref<128x128xf32, #tpu.memory_space<vmem>>, vector<1x16xf32>,
        %get3A_986 = vector.shape_cast %get3A_985 : vector<1x16xf32> to vector<16xf32>
        %add3A_987 = arith.addf %add3A_931, %get3A_986 : vector<16xf32>
        %add3A_988 = arith.constant 15 : i32
        %add3A_989 = arith.addi %mul3A_158, %add3A_988 : i32
        %get3A_990 = arith.index_cast %add3A_989 : i32 to index
        %get3A_991 = arith.constant 32 : index
        %get3A_992 = tpu.vector_load %arg9[%get3A_990, %get3A_991] {strides = array<i32>} : memref<128x128xf32, #tpu.memory_space<vmem>>, vector<1x16xf32>,
        %get3A_993 = vector.shape_cast %get3A_992 : vector<1x16xf32> to vector<16xf32>
        %add3A_994 = arith.addf %add3A_938, %get3A_993 : vector<16xf32>
        %add3A_995 = arith.constant 15 : i32
        %add3A_996 = arith.addi %mul3A_158, %add3A_995 : i32
        %get3A_997 = arith.index_cast %add3A_996 : i32 to index
        %get3A_998 = arith.constant 48 : index
        %get3A_999 = tpu.vector_load %arg9[%get3A_997, %get3A_998] {strides = array<i32>} : memref<128x128xf32, #tpu.memory_space<vmem>>, vector<1x16xf32>,
        %get3A_1000 = vector.shape_cast %get3A_999 : vector<1x16xf32> to vector<16xf32>
        %add3A_1001 = arith.addf %add3A_945, %get3A_1000 : vector<16xf32>
        %add3A_1002 = arith.constant 15 : i32
        %add3A_1003 = arith.addi %mul3A_158, %add3A_1002 : i32
        %get3A_1004 = arith.index_cast %add3A_1003 : i32 to index
        %get3A_1005 = arith.constant 64 : index
        %get3A_1006 = tpu.vector_load %arg9[%get3A_1004, %get3A_1005] {strides = array<i32>} : memref<128x128xf32, #tpu.memory_space<vmem>>, vector<1x16xf32>,
        %get3A_1007 = vector.shape_cast %get3A_1006 : vector<1x16xf32> to vector<16xf32>
        %add3A_1008 = arith.addf %add3A_952, %get3A_1007 : vector<16xf32>
        %add3A_1009 = arith.constant 15 : i32
        %add3A_1010 = arith.addi %mul3A_158, %add3A_1009 : i32
        %get3A_1011 = arith.index_cast %add3A_1010 : i32 to index
        %get3A_1012 = arith.constant 80 : index
        %get3A_1013 = tpu.vector_load %arg9[%get3A_1011, %get3A_1012] {strides = array<i32>} : memref<128x128xf32, #tpu.memory_space<vmem>>, vector<1x16xf32>,
        %get3A_1014 = vector.shape_cast %get3A_1013 : vector<1x16xf32> to vector<16xf32>
        %add3A_1015 = arith.addf %add3A_959, %get3A_1014 : vector<16xf32>
        %add3A_1016 = arith.constant 15 : i32
        %add3A_1017 = arith.addi %mul3A_158, %add3A_1016 : i32
        %get3A_1018 = arith.index_cast %add3A_1017 : i32 to index
        %get3A_1019 = arith.constant 96 : index
        %get3A_1020 = tpu.vector_load %arg9[%get3A_1018, %get3A_1019] {strides = array<i32>} : memref<128x128xf32, #tpu.memory_space<vmem>>, vector<1x16xf32>,
        %get3A_1021 = vector.shape_cast %get3A_1020 : vector<1x16xf32> to vector<16xf32>
        %add3A_1022 = arith.addf %add3A_966, %get3A_1021 : vector<16xf32>
        %add3A_1023 = arith.constant 15 : i32
        %add3A_1024 = arith.addi %mul3A_158, %add3A_1023 : i32
        %get3A_1025 = arith.index_cast %add3A_1024 : i32 to index
        %get3A_1026 = arith.constant 112 : index
        %get3A_1027 = tpu.vector_load %arg9[%get3A_1025, %get3A_1026] {strides = array<i32>} : memref<128x128xf32, #tpu.memory_space<vmem>>, vector<1x16xf32>,
        %get3A_1028 = vector.shape_cast %get3A_1027 : vector<1x16xf32> to vector<16xf32>
        %add3A_1029 = arith.addf %add3A_973, %get3A_1028 : vector<16xf32>
        %swap3A = arith.index_cast %scan3A_156 : i32 to index
        %swap3A_1030 = arith.constant 0 : index
        %swap3A_1031 = tpu.vector_load %arg11[%swap3A, %swap3A_1030] {strides = array<i32>} : memref<8x128xf32, #tpu.memory_space<vmem>>, vector<1x16xf32>,
        %swap3A_1032 = vector.shape_cast %swap3A_1031 : vector<1x16xf32> to vector<16xf32>
        %swap3A_1033 = vector.shape_cast %add3A_980 : vector<16xf32> to vector<1x16xf32>
        tpu.vector_store %arg11[%swap3A, %swap3A_1030], %swap3A_1033 {strides = array<i32>} : memref<8x128xf32, #tpu.memory_space<vmem>>, vector<1x16xf32>,
        %swap3A_1034 = arith.index_cast %scan3A_156 : i32 to index
        %swap3A_1035 = arith.constant 16 : index
        %swap3A_1036 = tpu.vector_load %arg11[%swap3A_1034, %swap3A_1035] {strides = array<i32>} : memref<8x128xf32, #tpu.memory_space<vmem>>, vector<1x16xf32>,
        %swap3A_1037 = vector.shape_cast %swap3A_1036 : vector<1x16xf32> to vector<16xf32>
        %swap3A_1038 = vector.shape_cast %add3A_987 : vector<16xf32> to vector<1x16xf32>
        tpu.vector_store %arg11[%swap3A_1034, %swap3A_1035], %swap3A_1038 {strides = array<i32>} : memref<8x128xf32, #tpu.memory_space<vmem>>, vector<1x16xf32>,
        %swap3A_1039 = arith.index_cast %scan3A_156 : i32 to index
        %swap3A_1040 = arith.constant 32 : index
        %swap3A_1041 = tpu.vector_load %arg11[%swap3A_1039, %swap3A_1040] {strides = array<i32>} : memref<8x128xf32, #tpu.memory_space<vmem>>, vector<1x16xf32>,
        %swap3A_1042 = vector.shape_cast %swap3A_1041 : vector<1x16xf32> to vector<16xf32>
        %swap3A_1043 = vector.shape_cast %add3A_994 : vector<16xf32> to vector<1x16xf32>
        tpu.vector_store %arg11[%swap3A_1039, %swap3A_1040], %swap3A_1043 {strides = array<i32>} : memref<8x128xf32, #tpu.memory_space<vmem>>, vector<1x16xf32>,
        %swap3A_1044 = arith.index_cast %scan3A_156 : i32 to index
        %swap3A_1045 = arith.constant 48 : index
        %swap3A_1046 = tpu.vector_load %arg11[%swap3A_1044, %swap3A_1045] {strides = array<i32>} : memref<8x128xf32, #tpu.memory_space<vmem>>, vector<1x16xf32>,
        %swap3A_1047 = vector.shape_cast %swap3A_1046 : vector<1x16xf32> to vector<16xf32>
        %swap3A_1048 = vector.shape_cast %add3A_1001 : vector<16xf32> to vector<1x16xf32>
        tpu.vector_store %arg11[%swap3A_1044, %swap3A_1045], %swap3A_1048 {strides = array<i32>} : memref<8x128xf32, #tpu.memory_space<vmem>>, vector<1x16xf32>,
        %swap3A_1049 = arith.index_cast %scan3A_156 : i32 to index
        %swap3A_1050 = arith.constant 64 : index
        %swap3A_1051 = tpu.vector_load %arg11[%swap3A_1049, %swap3A_1050] {strides = array<i32>} : memref<8x128xf32, #tpu.memory_space<vmem>>, vector<1x16xf32>,
        %swap3A_1052 = vector.shape_cast %swap3A_1051 : vector<1x16xf32> to vector<16xf32>
        %swap3A_1053 = vector.shape_cast %add3A_1008 : vector<16xf32> to vector<1x16xf32>
        tpu.vector_store %arg11[%swap3A_1049, %swap3A_1050], %swap3A_1053 {strides = array<i32>} : memref<8x128xf32, #tpu.memory_space<vmem>>, vector<1x16xf32>,
        %swap3A_1054 = arith.index_cast %scan3A_156 : i32 to index
        %swap3A_1055 = arith.constant 80 : index
        %swap3A_1056 = tpu.vector_load %arg11[%swap3A_1054, %swap3A_1055] {strides = array<i32>} : memref<8x128xf32, #tpu.memory_space<vmem>>, vector<1x16xf32>,
        %swap3A_1057 = vector.shape_cast %swap3A_1056 : vector<1x16xf32> to vector<16xf32>
        %swap3A_1058 = vector.shape_cast %add3A_1015 : vector<16xf32> to vector<1x16xf32>
        tpu.vector_store %arg11[%swap3A_1054, %swap3A_1055], %swap3A_1058 {strides = array<i32>} : memref<8x128xf32, #tpu.memory_space<vmem>>, vector<1x16xf32>,
        %swap3A_1059 = arith.index_cast %scan3A_156 : i32 to index
        %swap3A_1060 = arith.constant 96 : index
        %swap3A_1061 = tpu.vector_load %arg11[%swap3A_1059, %swap3A_1060] {strides = array<i32>} : memref<8x128xf32, #tpu.memory_space<vmem>>, vector<1x16xf32>,
        %swap3A_1062 = vector.shape_cast %swap3A_1061 : vector<1x16xf32> to vector<16xf32>
        %swap3A_1063 = vector.shape_cast %add3A_1022 : vector<16xf32> to vector<1x16xf32>
        tpu.vector_store %arg11[%swap3A_1059, %swap3A_1060], %swap3A_1063 {strides = array<i32>} : memref<8x128xf32, #tpu.memory_space<vmem>>, vector<1x16xf32>,
        %swap3A_1064 = arith.index_cast %scan3A_156 : i32 to index
        %swap3A_1065 = arith.constant 112 : index
        %swap3A_1066 = tpu.vector_load %arg11[%swap3A_1064, %swap3A_1065] {strides = array<i32>} : memref<8x128xf32, #tpu.memory_space<vmem>>, vector<1x16xf32>,
        %swap3A_1067 = vector.shape_cast %swap3A_1066 : vector<1x16xf32> to vector<16xf32>
        %swap3A_1068 = vector.shape_cast %add3A_1029 : vector<16xf32> to vector<1x16xf32>
        tpu.vector_store %arg11[%swap3A_1064, %swap3A_1065], %swap3A_1068 {strides = array<i32>} : memref<8x128xf32, #tpu.memory_space<vmem>>, vector<1x16xf32>,
      }
      %scan3A_148 = arith.constant 8 : i32
      %mul3A_149 = arith.constant 8 : i32
      %mul3A_150 = arith.muli %add3A_122, %mul3A_149 : i32
      %add3A_151 = arith.addi %mul3A_2, %mul3A_150 : i32
      %dma_start3A_152 = arith.constant 0 : i32
      %dma_start3A_153 = tpu.memref_slice %arg5[%add3A_151, %dma_start3A_152] : memref<16384x128xf32, #tpu.memory_space<hbm>> -> memref<8x128xf32, #tpu.memory_space<hbm>>
      %dma_start3A_154 = arith.constant 0 : i32
      %dma_start3A_155 = tpu.memref_slice %arg5[%add3A_151, %dma_start3A_154] : memref<16384x128xf32, #tpu.memory_space<hbm>> -> memref<8x128xf32, #tpu.memory_space<hbm>>
      tpu.enqueue_dma source(%arg11 : memref<8x128xf32, #tpu.memory_space<vmem>>) target(%dma_start3A_155 : memref<8x128xf32, #tpu.memory_space<hbm>>) target_semaphore(%arg16 : memref<!tpu.dma_semaphore, #tpu.memory_space<semaphore_mem>>)
    }
    %scan3A_76 = arith.constant 32 : i32
    %dma_wait3A_77 = arith.constant 0 : i32
    %dma_wait3A_78 = tpu.memref_slice %arg5[%mul3A_2, %dma_wait3A_77] : memref<16384x128xf32, #tpu.memory_space<hbm>> -> memref<8x128xf32, #tpu.memory_space<hbm>>
    %dma_wait3A_79 = arith.constant 0 : i32
    %dma_wait3A_80 = tpu.memref_slice %arg5[%mul3A_2, %dma_wait3A_79] : memref<16384x128xf32, #tpu.memory_space<hbm>> -> memref<8x128xf32, #tpu.memory_space<hbm>>
    tpu.wait_dma2 semaphore(%arg15 : memref<!tpu.dma_semaphore, #tpu.memory_space<semaphore_mem>>) src(%arg10 : memref<8x128xf32, #tpu.memory_space<vmem>>) dst(%dma_wait3A_80 : memref<8x128xf32, #tpu.memory_space<hbm>>)
    %dma_wait3A_81 = arith.constant 0 : i32
    %dma_wait3A_82 = tpu.memref_slice %arg5[%mul3A_2, %dma_wait3A_81] : memref<16384x128xf32, #tpu.memory_space<hbm>> -> memref<8x128xf32, #tpu.memory_space<hbm>>
    %dma_wait3A_83 = arith.constant 0 : i32
    %dma_wait3A_84 = tpu.memref_slice %arg5[%mul3A_2, %dma_wait3A_83] : memref<16384x128xf32, #tpu.memory_space<hbm>> -> memref<8x128xf32, #tpu.memory_space<hbm>>
    tpu.wait_dma2 semaphore(%arg16 : memref<!tpu.dma_semaphore, #tpu.memory_space<semaphore_mem>>) src(%arg11 : memref<8x128xf32, #tpu.memory_space<vmem>>) dst(%dma_wait3A_84 : memref<8x128xf32, #tpu.memory_space<hbm>>)
    return
  }
}

module attributes {stable_mosaic.version = 14 : i64} {
  func.func @body(%arg0: i32, %arg1: memref<512x16xi32, #tpu.memory_space<vmem>>, %arg2: memref<512x16xi32, #tpu.memory_space<vmem>>, %arg3: memref<512x128xf32, #tpu.memory_space<vmem>>, %arg4: memref<512x128xf32, #tpu.memory_space<vmem>>, %arg5: memref<256x128xf32, #tpu.memory_space<vmem>>, %arg6: memref<1x128xf32, #tpu.memory_space<vmem>>, %arg7: memref<256x128xf32, #tpu.memory_space<vmem>>, %arg8: memref<256x128xf32, #tpu.memory_space<vmem>>, %arg9: memref<256x128xf32, #tpu.memory_space<vmem>>, %arg10: memref<256x128xf32, #tpu.memory_space<vmem>>, %arg11: memref<1x128xf32, #tpu.memory_space<vmem>>, %arg12: memref<1x128xf32, #tpu.memory_space<vmem>>, %arg13: memref<1x128xf32, #tpu.memory_space<vmem>>, %arg14: memref<1x128xf32, #tpu.memory_space<vmem>>, %arg15: memref<512x128xf32, #tpu.memory_space<vmem>>, %arg16: memref<512x128xf32, #tpu.memory_space<vmem>>, %arg17: memref<512x128xf32, #tpu.memory_space<vmem>>, %arg18: memref<512x128xf32, #tpu.memory_space<vmem>>, %arg19: memref<512x128xf32, #tpu.memory_space<vmem>>, %arg20: memref<512x128xf32, #tpu.memory_space<vmem>>) attributes {dimension_semantics = [#tpu.dimension_semantics<arbitrary>], iteration_bounds = array<i64: 16>, scalar_prefetch = 0 : i64, scratch_operands = 0 : i64, tpu.core_type = #tpu.core_type<tc>, window_params = [{transform_indices = @transform_0, window_bounds = array<i64: 512, 16>}, {transform_indices = @transform_1, window_bounds = array<i64: 512, 16>}, {transform_indices = @transform_2, window_bounds = array<i64: 512, 128>}, {transform_indices = @transform_3, window_bounds = array<i64: 512, 128>}, {pipeline_mode = #tpu.pipeline_mode<synchronous>, transform_indices = @transform_4, window_bounds = array<i64: 256, 128>}, {pipeline_mode = #tpu.pipeline_mode<synchronous>, transform_indices = @transform_5, window_bounds = array<i64: 1, 128>}, {pipeline_mode = #tpu.pipeline_mode<synchronous>, transform_indices = @transform_6, window_bounds = array<i64: 256, 128>}, {pipeline_mode = #tpu.pipeline_mode<synchronous>, transform_indices = @transform_7, window_bounds = array<i64: 256, 128>}, {pipeline_mode = #tpu.pipeline_mode<synchronous>, transform_indices = @transform_8, window_bounds = array<i64: 256, 128>}, {pipeline_mode = #tpu.pipeline_mode<synchronous>, transform_indices = @transform_9, window_bounds = array<i64: 256, 128>}, {pipeline_mode = #tpu.pipeline_mode<synchronous>, transform_indices = @transform_10, window_bounds = array<i64: 1, 128>}, {pipeline_mode = #tpu.pipeline_mode<synchronous>, transform_indices = @transform_11, window_bounds = array<i64: 1, 128>}, {pipeline_mode = #tpu.pipeline_mode<synchronous>, transform_indices = @transform_12, window_bounds = array<i64: 1, 128>}, {pipeline_mode = #tpu.pipeline_mode<synchronous>, transform_indices = @transform_13, window_bounds = array<i64: 1, 128>}, {transform_indices = @transform_14, window_bounds = array<i64: 512, 128>}, {transform_indices = @transform_15, window_bounds = array<i64: 512, 128>}, {transform_indices = @transform_16, window_bounds = array<i64: 512, 128>}, {transform_indices = @transform_17, window_bounds = array<i64: 512, 128>}, {transform_indices = @transform_18, window_bounds = array<i64: 512, 128>}, {transform_indices = @transform_19, window_bounds = array<i64: 512, 128>}]} {
    %get3A = arith.constant 0 : index
    %get3A_0 = arith.constant 0 : index
    %get3A_1 = vector.load %arg5[%get3A, %get3A_0] : memref<256x128xf32, #tpu.memory_space<vmem>>, vector<256x128xf32>
    %iota3A = tpu.iota {dimensions = array<i32: 1>} : vector<512x128xi16>
    %get3A_2 = arith.constant 0 : index
    %get3A_3 = arith.constant 0 : index
    %get3A_4 = vector.load %arg1[%get3A_2, %get3A_3] : memref<512x16xi32, #tpu.memory_space<vmem>>, vector<512x16xi32>
    %convert_element_type3A = arith.trunci %get3A_4 : vector<512x16xi32> to vector<512x16xi16>
    %broadcast_in_dim3A = arith.constant 0 : i16
    %broadcast_in_dim3A_5 = vector.broadcast %broadcast_in_dim3A : i16 to vector<512x128xi16>
    %slice3A = vector.extract_strided_slice %convert_element_type3A {offsets = [0, 0], sizes = [512, 1], strides = [1, 1]} : vector<512x16xi16> to vector<512x1xi16>
    %squeeze3A = vector.shape_cast %slice3A : vector<512x1xi16> to vector<512xi16>
    %broadcast_in_dim3A_6 = vector.shape_cast %squeeze3A : vector<512xi16> to vector<512x1xi16>
    %eq3A = vector.broadcast %broadcast_in_dim3A_6 : vector<512x1xi16> to vector<512x128xi16>
    %eq3A_7 = arith.cmpi eq, %eq3A, %iota3A : vector<512x128xi16>
    %convert_element_type3A_8 = arith.extui %eq3A_7 : vector<512x128xi1> to vector<512x128xi16>
    %add3A = arith.addi %broadcast_in_dim3A_5, %convert_element_type3A_8 : vector<512x128xi16>
    %slice3A_9 = vector.extract_strided_slice %convert_element_type3A {offsets = [0, 1], sizes = [512, 1], strides = [1, 1]} : vector<512x16xi16> to vector<512x1xi16>
    %squeeze3A_10 = vector.shape_cast %slice3A_9 : vector<512x1xi16> to vector<512xi16>
    %broadcast_in_dim3A_11 = vector.shape_cast %squeeze3A_10 : vector<512xi16> to vector<512x1xi16>
    %eq3A_12 = vector.broadcast %broadcast_in_dim3A_11 : vector<512x1xi16> to vector<512x128xi16>
    %eq3A_13 = arith.cmpi eq, %eq3A_12, %iota3A : vector<512x128xi16>
    %convert_element_type3A_14 = arith.extui %eq3A_13 : vector<512x128xi1> to vector<512x128xi16>
    %add3A_15 = arith.addi %add3A, %convert_element_type3A_14 : vector<512x128xi16>
    %slice3A_16 = vector.extract_strided_slice %convert_element_type3A {offsets = [0, 2], sizes = [512, 1], strides = [1, 1]} : vector<512x16xi16> to vector<512x1xi16>
    %squeeze3A_17 = vector.shape_cast %slice3A_16 : vector<512x1xi16> to vector<512xi16>
    %broadcast_in_dim3A_18 = vector.shape_cast %squeeze3A_17 : vector<512xi16> to vector<512x1xi16>
    %eq3A_19 = vector.broadcast %broadcast_in_dim3A_18 : vector<512x1xi16> to vector<512x128xi16>
    %eq3A_20 = arith.cmpi eq, %eq3A_19, %iota3A : vector<512x128xi16>
    %convert_element_type3A_21 = arith.extui %eq3A_20 : vector<512x128xi1> to vector<512x128xi16>
    %add3A_22 = arith.addi %add3A_15, %convert_element_type3A_21 : vector<512x128xi16>
    %slice3A_23 = vector.extract_strided_slice %convert_element_type3A {offsets = [0, 3], sizes = [512, 1], strides = [1, 1]} : vector<512x16xi16> to vector<512x1xi16>
    %squeeze3A_24 = vector.shape_cast %slice3A_23 : vector<512x1xi16> to vector<512xi16>
    %broadcast_in_dim3A_25 = vector.shape_cast %squeeze3A_24 : vector<512xi16> to vector<512x1xi16>
    %eq3A_26 = vector.broadcast %broadcast_in_dim3A_25 : vector<512x1xi16> to vector<512x128xi16>
    %eq3A_27 = arith.cmpi eq, %eq3A_26, %iota3A : vector<512x128xi16>
    %convert_element_type3A_28 = arith.extui %eq3A_27 : vector<512x128xi1> to vector<512x128xi16>
    %add3A_29 = arith.addi %add3A_22, %convert_element_type3A_28 : vector<512x128xi16>
    %slice3A_30 = vector.extract_strided_slice %convert_element_type3A {offsets = [0, 4], sizes = [512, 1], strides = [1, 1]} : vector<512x16xi16> to vector<512x1xi16>
    %squeeze3A_31 = vector.shape_cast %slice3A_30 : vector<512x1xi16> to vector<512xi16>
    %broadcast_in_dim3A_32 = vector.shape_cast %squeeze3A_31 : vector<512xi16> to vector<512x1xi16>
    %eq3A_33 = vector.broadcast %broadcast_in_dim3A_32 : vector<512x1xi16> to vector<512x128xi16>
    %eq3A_34 = arith.cmpi eq, %eq3A_33, %iota3A : vector<512x128xi16>
    %convert_element_type3A_35 = arith.extui %eq3A_34 : vector<512x128xi1> to vector<512x128xi16>
    %add3A_36 = arith.addi %add3A_29, %convert_element_type3A_35 : vector<512x128xi16>
    %slice3A_37 = vector.extract_strided_slice %convert_element_type3A {offsets = [0, 5], sizes = [512, 1], strides = [1, 1]} : vector<512x16xi16> to vector<512x1xi16>
    %squeeze3A_38 = vector.shape_cast %slice3A_37 : vector<512x1xi16> to vector<512xi16>
    %broadcast_in_dim3A_39 = vector.shape_cast %squeeze3A_38 : vector<512xi16> to vector<512x1xi16>
    %eq3A_40 = vector.broadcast %broadcast_in_dim3A_39 : vector<512x1xi16> to vector<512x128xi16>
    %eq3A_41 = arith.cmpi eq, %eq3A_40, %iota3A : vector<512x128xi16>
    %convert_element_type3A_42 = arith.extui %eq3A_41 : vector<512x128xi1> to vector<512x128xi16>
    %add3A_43 = arith.addi %add3A_36, %convert_element_type3A_42 : vector<512x128xi16>
    %slice3A_44 = vector.extract_strided_slice %convert_element_type3A {offsets = [0, 6], sizes = [512, 1], strides = [1, 1]} : vector<512x16xi16> to vector<512x1xi16>
    %squeeze3A_45 = vector.shape_cast %slice3A_44 : vector<512x1xi16> to vector<512xi16>
    %broadcast_in_dim3A_46 = vector.shape_cast %squeeze3A_45 : vector<512xi16> to vector<512x1xi16>
    %eq3A_47 = vector.broadcast %broadcast_in_dim3A_46 : vector<512x1xi16> to vector<512x128xi16>
    %eq3A_48 = arith.cmpi eq, %eq3A_47, %iota3A : vector<512x128xi16>
    %convert_element_type3A_49 = arith.extui %eq3A_48 : vector<512x128xi1> to vector<512x128xi16>
    %add3A_50 = arith.addi %add3A_43, %convert_element_type3A_49 : vector<512x128xi16>
    %slice3A_51 = vector.extract_strided_slice %convert_element_type3A {offsets = [0, 7], sizes = [512, 1], strides = [1, 1]} : vector<512x16xi16> to vector<512x1xi16>
    %squeeze3A_52 = vector.shape_cast %slice3A_51 : vector<512x1xi16> to vector<512xi16>
    %broadcast_in_dim3A_53 = vector.shape_cast %squeeze3A_52 : vector<512xi16> to vector<512x1xi16>
    %eq3A_54 = vector.broadcast %broadcast_in_dim3A_53 : vector<512x1xi16> to vector<512x128xi16>
    %eq3A_55 = arith.cmpi eq, %eq3A_54, %iota3A : vector<512x128xi16>
    %convert_element_type3A_56 = arith.extui %eq3A_55 : vector<512x128xi1> to vector<512x128xi16>
    %add3A_57 = arith.addi %add3A_50, %convert_element_type3A_56 : vector<512x128xi16>
    %slice3A_58 = vector.extract_strided_slice %convert_element_type3A {offsets = [0, 8], sizes = [512, 1], strides = [1, 1]} : vector<512x16xi16> to vector<512x1xi16>
    %squeeze3A_59 = vector.shape_cast %slice3A_58 : vector<512x1xi16> to vector<512xi16>
    %broadcast_in_dim3A_60 = vector.shape_cast %squeeze3A_59 : vector<512xi16> to vector<512x1xi16>
    %eq3A_61 = vector.broadcast %broadcast_in_dim3A_60 : vector<512x1xi16> to vector<512x128xi16>
    %eq3A_62 = arith.cmpi eq, %eq3A_61, %iota3A : vector<512x128xi16>
    %convert_element_type3A_63 = arith.extui %eq3A_62 : vector<512x128xi1> to vector<512x128xi16>
    %add3A_64 = arith.addi %add3A_57, %convert_element_type3A_63 : vector<512x128xi16>
    %slice3A_65 = vector.extract_strided_slice %convert_element_type3A {offsets = [0, 9], sizes = [512, 1], strides = [1, 1]} : vector<512x16xi16> to vector<512x1xi16>
    %squeeze3A_66 = vector.shape_cast %slice3A_65 : vector<512x1xi16> to vector<512xi16>
    %broadcast_in_dim3A_67 = vector.shape_cast %squeeze3A_66 : vector<512xi16> to vector<512x1xi16>
    %eq3A_68 = vector.broadcast %broadcast_in_dim3A_67 : vector<512x1xi16> to vector<512x128xi16>
    %eq3A_69 = arith.cmpi eq, %eq3A_68, %iota3A : vector<512x128xi16>
    %convert_element_type3A_70 = arith.extui %eq3A_69 : vector<512x128xi1> to vector<512x128xi16>
    %add3A_71 = arith.addi %add3A_64, %convert_element_type3A_70 : vector<512x128xi16>
    %slice3A_72 = vector.extract_strided_slice %convert_element_type3A {offsets = [0, 10], sizes = [512, 1], strides = [1, 1]} : vector<512x16xi16> to vector<512x1xi16>
    %squeeze3A_73 = vector.shape_cast %slice3A_72 : vector<512x1xi16> to vector<512xi16>
    %broadcast_in_dim3A_74 = vector.shape_cast %squeeze3A_73 : vector<512xi16> to vector<512x1xi16>
    %eq3A_75 = vector.broadcast %broadcast_in_dim3A_74 : vector<512x1xi16> to vector<512x128xi16>
    %eq3A_76 = arith.cmpi eq, %eq3A_75, %iota3A : vector<512x128xi16>
    %convert_element_type3A_77 = arith.extui %eq3A_76 : vector<512x128xi1> to vector<512x128xi16>
    %add3A_78 = arith.addi %add3A_71, %convert_element_type3A_77 : vector<512x128xi16>
    %slice3A_79 = vector.extract_strided_slice %convert_element_type3A {offsets = [0, 11], sizes = [512, 1], strides = [1, 1]} : vector<512x16xi16> to vector<512x1xi16>
    %squeeze3A_80 = vector.shape_cast %slice3A_79 : vector<512x1xi16> to vector<512xi16>
    %broadcast_in_dim3A_81 = vector.shape_cast %squeeze3A_80 : vector<512xi16> to vector<512x1xi16>
    %eq3A_82 = vector.broadcast %broadcast_in_dim3A_81 : vector<512x1xi16> to vector<512x128xi16>
    %eq3A_83 = arith.cmpi eq, %eq3A_82, %iota3A : vector<512x128xi16>
    %convert_element_type3A_84 = arith.extui %eq3A_83 : vector<512x128xi1> to vector<512x128xi16>
    %add3A_85 = arith.addi %add3A_78, %convert_element_type3A_84 : vector<512x128xi16>
    %slice3A_86 = vector.extract_strided_slice %convert_element_type3A {offsets = [0, 12], sizes = [512, 1], strides = [1, 1]} : vector<512x16xi16> to vector<512x1xi16>
    %squeeze3A_87 = vector.shape_cast %slice3A_86 : vector<512x1xi16> to vector<512xi16>
    %broadcast_in_dim3A_88 = vector.shape_cast %squeeze3A_87 : vector<512xi16> to vector<512x1xi16>
    %eq3A_89 = vector.broadcast %broadcast_in_dim3A_88 : vector<512x1xi16> to vector<512x128xi16>
    %eq3A_90 = arith.cmpi eq, %eq3A_89, %iota3A : vector<512x128xi16>
    %convert_element_type3A_91 = arith.extui %eq3A_90 : vector<512x128xi1> to vector<512x128xi16>
    %add3A_92 = arith.addi %add3A_85, %convert_element_type3A_91 : vector<512x128xi16>
    %slice3A_93 = vector.extract_strided_slice %convert_element_type3A {offsets = [0, 13], sizes = [512, 1], strides = [1, 1]} : vector<512x16xi16> to vector<512x1xi16>
    %squeeze3A_94 = vector.shape_cast %slice3A_93 : vector<512x1xi16> to vector<512xi16>
    %broadcast_in_dim3A_95 = vector.shape_cast %squeeze3A_94 : vector<512xi16> to vector<512x1xi16>
    %eq3A_96 = vector.broadcast %broadcast_in_dim3A_95 : vector<512x1xi16> to vector<512x128xi16>
    %eq3A_97 = arith.cmpi eq, %eq3A_96, %iota3A : vector<512x128xi16>
    %convert_element_type3A_98 = arith.extui %eq3A_97 : vector<512x128xi1> to vector<512x128xi16>
    %add3A_99 = arith.addi %add3A_92, %convert_element_type3A_98 : vector<512x128xi16>
    %slice3A_100 = vector.extract_strided_slice %convert_element_type3A {offsets = [0, 14], sizes = [512, 1], strides = [1, 1]} : vector<512x16xi16> to vector<512x1xi16>
    %squeeze3A_101 = vector.shape_cast %slice3A_100 : vector<512x1xi16> to vector<512xi16>
    %broadcast_in_dim3A_102 = vector.shape_cast %squeeze3A_101 : vector<512xi16> to vector<512x1xi16>
    %eq3A_103 = vector.broadcast %broadcast_in_dim3A_102 : vector<512x1xi16> to vector<512x128xi16>
    %eq3A_104 = arith.cmpi eq, %eq3A_103, %iota3A : vector<512x128xi16>
    %convert_element_type3A_105 = arith.extui %eq3A_104 : vector<512x128xi1> to vector<512x128xi16>
    %add3A_106 = arith.addi %add3A_99, %convert_element_type3A_105 : vector<512x128xi16>
    %slice3A_107 = vector.extract_strided_slice %convert_element_type3A {offsets = [0, 15], sizes = [512, 1], strides = [1, 1]} : vector<512x16xi16> to vector<512x1xi16>
    %squeeze3A_108 = vector.shape_cast %slice3A_107 : vector<512x1xi16> to vector<512xi16>
    %broadcast_in_dim3A_109 = vector.shape_cast %squeeze3A_108 : vector<512xi16> to vector<512x1xi16>
    %eq3A_110 = vector.broadcast %broadcast_in_dim3A_109 : vector<512x1xi16> to vector<512x128xi16>
    %eq3A_111 = arith.cmpi eq, %eq3A_110, %iota3A : vector<512x128xi16>
    %convert_element_type3A_112 = arith.extui %eq3A_111 : vector<512x128xi1> to vector<512x128xi16>
    %add3A_113 = arith.addi %add3A_106, %convert_element_type3A_112 : vector<512x128xi16>
    %convert_element_type3A_114 = arith.sitofp %add3A_113 : vector<512x128xi16> to vector<512x128xf32>
    %get3A_115 = arith.constant 0 : index
    %get3A_116 = arith.constant 0 : index
    %get3A_117 = vector.load %arg3[%get3A_115, %get3A_116] : memref<512x128xf32, #tpu.memory_space<vmem>>, vector<512x128xf32>
    %concatenate3A = tpu.concatenate %convert_element_type3A_114, %get3A_117 in 1 : vector<512x128xf32>, vector<512x128xf32> -> vector<512x256xf32>
    %dot_general3A = arith.constant dense<0.000000e+00> : vector<512x128xf32>
    %dot_general3A_118 = tpu.matmul %concatenate3A, %get3A_1, %dot_general3A {dimension_numbers = #tpu.dot_dimension_numbers<[1], [0], [0], [1], [0, 0, 1, 1], [], []>, transpose_lhs_hint = false} : vector<512x256xf32>, vector<256x128xf32>, vector<512x128xf32> -> vector<512x128xf32>
    %get3A_119 = arith.constant 0 : index
    %get3A_120 = arith.constant 0 : index
    %get3A_121 = vector.load %arg6[%get3A_119, %get3A_120] : memref<1x128xf32, #tpu.memory_space<vmem>>, vector<1x128xf32>
    %add3A_122 = vector.broadcast %get3A_121 : vector<1x128xf32> to vector<512x128xf32>
    %add3A_123 = arith.addf %dot_general3A_118, %add3A_122 : vector<512x128xf32>
    %tanh3A = math.tanh %add3A_123 : vector<512x128xf32>
    %get3A_124 = arith.constant 0 : index
    %get3A_125 = arith.constant 0 : index
    %get3A_126 = vector.load %arg2[%get3A_124, %get3A_125] : memref<512x16xi32, #tpu.memory_space<vmem>>, vector<512x16xi32>
    %convert_element_type3A_127 = arith.trunci %get3A_126 : vector<512x16xi32> to vector<512x16xi16>
    %broadcast_in_dim3A_128 = arith.constant 0 : i16
    %broadcast_in_dim3A_129 = vector.broadcast %broadcast_in_dim3A_128 : i16 to vector<512x128xi16>
    %slice3A_130 = vector.extract_strided_slice %convert_element_type3A_127 {offsets = [0, 0], sizes = [512, 1], strides = [1, 1]} : vector<512x16xi16> to vector<512x1xi16>
    %squeeze3A_131 = vector.shape_cast %slice3A_130 : vector<512x1xi16> to vector<512xi16>
    %broadcast_in_dim3A_132 = vector.shape_cast %squeeze3A_131 : vector<512xi16> to vector<512x1xi16>
    %eq3A_133 = vector.broadcast %broadcast_in_dim3A_132 : vector<512x1xi16> to vector<512x128xi16>
    %eq3A_134 = arith.cmpi eq, %eq3A_133, %iota3A : vector<512x128xi16>
    %convert_element_type3A_135 = arith.extui %eq3A_134 : vector<512x128xi1> to vector<512x128xi16>
    %add3A_136 = arith.addi %broadcast_in_dim3A_129, %convert_element_type3A_135 : vector<512x128xi16>
    %slice3A_137 = vector.extract_strided_slice %convert_element_type3A_127 {offsets = [0, 1], sizes = [512, 1], strides = [1, 1]} : vector<512x16xi16> to vector<512x1xi16>
    %squeeze3A_138 = vector.shape_cast %slice3A_137 : vector<512x1xi16> to vector<512xi16>
    %broadcast_in_dim3A_139 = vector.shape_cast %squeeze3A_138 : vector<512xi16> to vector<512x1xi16>
    %eq3A_140 = vector.broadcast %broadcast_in_dim3A_139 : vector<512x1xi16> to vector<512x128xi16>
    %eq3A_141 = arith.cmpi eq, %eq3A_140, %iota3A : vector<512x128xi16>
    %convert_element_type3A_142 = arith.extui %eq3A_141 : vector<512x128xi1> to vector<512x128xi16>
    %add3A_143 = arith.addi %add3A_136, %convert_element_type3A_142 : vector<512x128xi16>
    %slice3A_144 = vector.extract_strided_slice %convert_element_type3A_127 {offsets = [0, 2], sizes = [512, 1], strides = [1, 1]} : vector<512x16xi16> to vector<512x1xi16>
    %squeeze3A_145 = vector.shape_cast %slice3A_144 : vector<512x1xi16> to vector<512xi16>
    %broadcast_in_dim3A_146 = vector.shape_cast %squeeze3A_145 : vector<512xi16> to vector<512x1xi16>
    %eq3A_147 = vector.broadcast %broadcast_in_dim3A_146 : vector<512x1xi16> to vector<512x128xi16>
    %eq3A_148 = arith.cmpi eq, %eq3A_147, %iota3A : vector<512x128xi16>
    %convert_element_type3A_149 = arith.extui %eq3A_148 : vector<512x128xi1> to vector<512x128xi16>
    %add3A_150 = arith.addi %add3A_143, %convert_element_type3A_149 : vector<512x128xi16>
    %slice3A_151 = vector.extract_strided_slice %convert_element_type3A_127 {offsets = [0, 3], sizes = [512, 1], strides = [1, 1]} : vector<512x16xi16> to vector<512x1xi16>
    %squeeze3A_152 = vector.shape_cast %slice3A_151 : vector<512x1xi16> to vector<512xi16>
    %broadcast_in_dim3A_153 = vector.shape_cast %squeeze3A_152 : vector<512xi16> to vector<512x1xi16>
    %eq3A_154 = vector.broadcast %broadcast_in_dim3A_153 : vector<512x1xi16> to vector<512x128xi16>
    %eq3A_155 = arith.cmpi eq, %eq3A_154, %iota3A : vector<512x128xi16>
    %convert_element_type3A_156 = arith.extui %eq3A_155 : vector<512x128xi1> to vector<512x128xi16>
    %add3A_157 = arith.addi %add3A_150, %convert_element_type3A_156 : vector<512x128xi16>
    %slice3A_158 = vector.extract_strided_slice %convert_element_type3A_127 {offsets = [0, 4], sizes = [512, 1], strides = [1, 1]} : vector<512x16xi16> to vector<512x1xi16>
    %squeeze3A_159 = vector.shape_cast %slice3A_158 : vector<512x1xi16> to vector<512xi16>
    %broadcast_in_dim3A_160 = vector.shape_cast %squeeze3A_159 : vector<512xi16> to vector<512x1xi16>
    %eq3A_161 = vector.broadcast %broadcast_in_dim3A_160 : vector<512x1xi16> to vector<512x128xi16>
    %eq3A_162 = arith.cmpi eq, %eq3A_161, %iota3A : vector<512x128xi16>
    %convert_element_type3A_163 = arith.extui %eq3A_162 : vector<512x128xi1> to vector<512x128xi16>
    %add3A_164 = arith.addi %add3A_157, %convert_element_type3A_163 : vector<512x128xi16>
    %slice3A_165 = vector.extract_strided_slice %convert_element_type3A_127 {offsets = [0, 5], sizes = [512, 1], strides = [1, 1]} : vector<512x16xi16> to vector<512x1xi16>
    %squeeze3A_166 = vector.shape_cast %slice3A_165 : vector<512x1xi16> to vector<512xi16>
    %broadcast_in_dim3A_167 = vector.shape_cast %squeeze3A_166 : vector<512xi16> to vector<512x1xi16>
    %eq3A_168 = vector.broadcast %broadcast_in_dim3A_167 : vector<512x1xi16> to vector<512x128xi16>
    %eq3A_169 = arith.cmpi eq, %eq3A_168, %iota3A : vector<512x128xi16>
    %convert_element_type3A_170 = arith.extui %eq3A_169 : vector<512x128xi1> to vector<512x128xi16>
    %add3A_171 = arith.addi %add3A_164, %convert_element_type3A_170 : vector<512x128xi16>
    %slice3A_172 = vector.extract_strided_slice %convert_element_type3A_127 {offsets = [0, 6], sizes = [512, 1], strides = [1, 1]} : vector<512x16xi16> to vector<512x1xi16>
    %squeeze3A_173 = vector.shape_cast %slice3A_172 : vector<512x1xi16> to vector<512xi16>
    %broadcast_in_dim3A_174 = vector.shape_cast %squeeze3A_173 : vector<512xi16> to vector<512x1xi16>
    %eq3A_175 = vector.broadcast %broadcast_in_dim3A_174 : vector<512x1xi16> to vector<512x128xi16>
    %eq3A_176 = arith.cmpi eq, %eq3A_175, %iota3A : vector<512x128xi16>
    %convert_element_type3A_177 = arith.extui %eq3A_176 : vector<512x128xi1> to vector<512x128xi16>
    %add3A_178 = arith.addi %add3A_171, %convert_element_type3A_177 : vector<512x128xi16>
    %slice3A_179 = vector.extract_strided_slice %convert_element_type3A_127 {offsets = [0, 7], sizes = [512, 1], strides = [1, 1]} : vector<512x16xi16> to vector<512x1xi16>
    %squeeze3A_180 = vector.shape_cast %slice3A_179 : vector<512x1xi16> to vector<512xi16>
    %broadcast_in_dim3A_181 = vector.shape_cast %squeeze3A_180 : vector<512xi16> to vector<512x1xi16>
    %eq3A_182 = vector.broadcast %broadcast_in_dim3A_181 : vector<512x1xi16> to vector<512x128xi16>
    %eq3A_183 = arith.cmpi eq, %eq3A_182, %iota3A : vector<512x128xi16>
    %convert_element_type3A_184 = arith.extui %eq3A_183 : vector<512x128xi1> to vector<512x128xi16>
    %add3A_185 = arith.addi %add3A_178, %convert_element_type3A_184 : vector<512x128xi16>
    %slice3A_186 = vector.extract_strided_slice %convert_element_type3A_127 {offsets = [0, 8], sizes = [512, 1], strides = [1, 1]} : vector<512x16xi16> to vector<512x1xi16>
    %squeeze3A_187 = vector.shape_cast %slice3A_186 : vector<512x1xi16> to vector<512xi16>
    %broadcast_in_dim3A_188 = vector.shape_cast %squeeze3A_187 : vector<512xi16> to vector<512x1xi16>
    %eq3A_189 = vector.broadcast %broadcast_in_dim3A_188 : vector<512x1xi16> to vector<512x128xi16>
    %eq3A_190 = arith.cmpi eq, %eq3A_189, %iota3A : vector<512x128xi16>
    %convert_element_type3A_191 = arith.extui %eq3A_190 : vector<512x128xi1> to vector<512x128xi16>
    %add3A_192 = arith.addi %add3A_185, %convert_element_type3A_191 : vector<512x128xi16>
    %slice3A_193 = vector.extract_strided_slice %convert_element_type3A_127 {offsets = [0, 9], sizes = [512, 1], strides = [1, 1]} : vector<512x16xi16> to vector<512x1xi16>
    %squeeze3A_194 = vector.shape_cast %slice3A_193 : vector<512x1xi16> to vector<512xi16>
    %broadcast_in_dim3A_195 = vector.shape_cast %squeeze3A_194 : vector<512xi16> to vector<512x1xi16>
    %eq3A_196 = vector.broadcast %broadcast_in_dim3A_195 : vector<512x1xi16> to vector<512x128xi16>
    %eq3A_197 = arith.cmpi eq, %eq3A_196, %iota3A : vector<512x128xi16>
    %convert_element_type3A_198 = arith.extui %eq3A_197 : vector<512x128xi1> to vector<512x128xi16>
    %add3A_199 = arith.addi %add3A_192, %convert_element_type3A_198 : vector<512x128xi16>
    %slice3A_200 = vector.extract_strided_slice %convert_element_type3A_127 {offsets = [0, 10], sizes = [512, 1], strides = [1, 1]} : vector<512x16xi16> to vector<512x1xi16>
    %squeeze3A_201 = vector.shape_cast %slice3A_200 : vector<512x1xi16> to vector<512xi16>
    %broadcast_in_dim3A_202 = vector.shape_cast %squeeze3A_201 : vector<512xi16> to vector<512x1xi16>
    %eq3A_203 = vector.broadcast %broadcast_in_dim3A_202 : vector<512x1xi16> to vector<512x128xi16>
    %eq3A_204 = arith.cmpi eq, %eq3A_203, %iota3A : vector<512x128xi16>
    %convert_element_type3A_205 = arith.extui %eq3A_204 : vector<512x128xi1> to vector<512x128xi16>
    %add3A_206 = arith.addi %add3A_199, %convert_element_type3A_205 : vector<512x128xi16>
    %slice3A_207 = vector.extract_strided_slice %convert_element_type3A_127 {offsets = [0, 11], sizes = [512, 1], strides = [1, 1]} : vector<512x16xi16> to vector<512x1xi16>
    %squeeze3A_208 = vector.shape_cast %slice3A_207 : vector<512x1xi16> to vector<512xi16>
    %broadcast_in_dim3A_209 = vector.shape_cast %squeeze3A_208 : vector<512xi16> to vector<512x1xi16>
    %eq3A_210 = vector.broadcast %broadcast_in_dim3A_209 : vector<512x1xi16> to vector<512x128xi16>
    %eq3A_211 = arith.cmpi eq, %eq3A_210, %iota3A : vector<512x128xi16>
    %convert_element_type3A_212 = arith.extui %eq3A_211 : vector<512x128xi1> to vector<512x128xi16>
    %add3A_213 = arith.addi %add3A_206, %convert_element_type3A_212 : vector<512x128xi16>
    %slice3A_214 = vector.extract_strided_slice %convert_element_type3A_127 {offsets = [0, 12], sizes = [512, 1], strides = [1, 1]} : vector<512x16xi16> to vector<512x1xi16>
    %squeeze3A_215 = vector.shape_cast %slice3A_214 : vector<512x1xi16> to vector<512xi16>
    %broadcast_in_dim3A_216 = vector.shape_cast %squeeze3A_215 : vector<512xi16> to vector<512x1xi16>
    %eq3A_217 = vector.broadcast %broadcast_in_dim3A_216 : vector<512x1xi16> to vector<512x128xi16>
    %eq3A_218 = arith.cmpi eq, %eq3A_217, %iota3A : vector<512x128xi16>
    %convert_element_type3A_219 = arith.extui %eq3A_218 : vector<512x128xi1> to vector<512x128xi16>
    %add3A_220 = arith.addi %add3A_213, %convert_element_type3A_219 : vector<512x128xi16>
    %slice3A_221 = vector.extract_strided_slice %convert_element_type3A_127 {offsets = [0, 13], sizes = [512, 1], strides = [1, 1]} : vector<512x16xi16> to vector<512x1xi16>
    %squeeze3A_222 = vector.shape_cast %slice3A_221 : vector<512x1xi16> to vector<512xi16>
    %broadcast_in_dim3A_223 = vector.shape_cast %squeeze3A_222 : vector<512xi16> to vector<512x1xi16>
    %eq3A_224 = vector.broadcast %broadcast_in_dim3A_223 : vector<512x1xi16> to vector<512x128xi16>
    %eq3A_225 = arith.cmpi eq, %eq3A_224, %iota3A : vector<512x128xi16>
    %convert_element_type3A_226 = arith.extui %eq3A_225 : vector<512x128xi1> to vector<512x128xi16>
    %add3A_227 = arith.addi %add3A_220, %convert_element_type3A_226 : vector<512x128xi16>
    %slice3A_228 = vector.extract_strided_slice %convert_element_type3A_127 {offsets = [0, 14], sizes = [512, 1], strides = [1, 1]} : vector<512x16xi16> to vector<512x1xi16>
    %squeeze3A_229 = vector.shape_cast %slice3A_228 : vector<512x1xi16> to vector<512xi16>
    %broadcast_in_dim3A_230 = vector.shape_cast %squeeze3A_229 : vector<512xi16> to vector<512x1xi16>
    %eq3A_231 = vector.broadcast %broadcast_in_dim3A_230 : vector<512x1xi16> to vector<512x128xi16>
    %eq3A_232 = arith.cmpi eq, %eq3A_231, %iota3A : vector<512x128xi16>
    %convert_element_type3A_233 = arith.extui %eq3A_232 : vector<512x128xi1> to vector<512x128xi16>
    %add3A_234 = arith.addi %add3A_227, %convert_element_type3A_233 : vector<512x128xi16>
    %slice3A_235 = vector.extract_strided_slice %convert_element_type3A_127 {offsets = [0, 15], sizes = [512, 1], strides = [1, 1]} : vector<512x16xi16> to vector<512x1xi16>
    %squeeze3A_236 = vector.shape_cast %slice3A_235 : vector<512x1xi16> to vector<512xi16>
    %broadcast_in_dim3A_237 = vector.shape_cast %squeeze3A_236 : vector<512xi16> to vector<512x1xi16>
    %eq3A_238 = vector.broadcast %broadcast_in_dim3A_237 : vector<512x1xi16> to vector<512x128xi16>
    %eq3A_239 = arith.cmpi eq, %eq3A_238, %iota3A : vector<512x128xi16>
    %convert_element_type3A_240 = arith.extui %eq3A_239 : vector<512x128xi1> to vector<512x128xi16>
    %add3A_241 = arith.addi %add3A_234, %convert_element_type3A_240 : vector<512x128xi16>
    %convert_element_type3A_242 = arith.sitofp %add3A_241 : vector<512x128xi16> to vector<512x128xf32>
    %get3A_243 = arith.constant 0 : index
    %get3A_244 = arith.constant 0 : index
    %get3A_245 = vector.load %arg4[%get3A_243, %get3A_244] : memref<512x128xf32, #tpu.memory_space<vmem>>, vector<512x128xf32>
    %concatenate3A_246 = tpu.concatenate %convert_element_type3A_242, %get3A_245 in 1 : vector<512x128xf32>, vector<512x128xf32> -> vector<512x256xf32>
    %dot_general3A_247 = arith.constant dense<0.000000e+00> : vector<512x128xf32>
    %dot_general3A_248 = tpu.matmul %concatenate3A_246, %get3A_1, %dot_general3A_247 {dimension_numbers = #tpu.dot_dimension_numbers<[1], [0], [0], [1], [0, 0, 1, 1], [], []>, transpose_lhs_hint = false} : vector<512x256xf32>, vector<256x128xf32>, vector<512x128xf32> -> vector<512x128xf32>
    %get3A_249 = arith.constant 0 : index
    %get3A_250 = arith.constant 0 : index
    %get3A_251 = vector.load %arg6[%get3A_249, %get3A_250] : memref<1x128xf32, #tpu.memory_space<vmem>>, vector<1x128xf32>
    %add3A_252 = vector.broadcast %get3A_251 : vector<1x128xf32> to vector<512x128xf32>
    %add3A_253 = arith.addf %dot_general3A_248, %add3A_252 : vector<512x128xf32>
    %tanh3A_254 = math.tanh %add3A_253 : vector<512x128xf32>
    %concatenate3A_255 = tpu.concatenate %tanh3A, %tanh3A_254 in 1 : vector<512x128xf32>, vector<512x128xf32> -> vector<512x256xf32>
    %get3A_256 = arith.constant 0 : index
    %get3A_257 = arith.constant 0 : index
    %get3A_258 = vector.load %arg7[%get3A_256, %get3A_257] : memref<256x128xf32, #tpu.memory_space<vmem>>, vector<256x128xf32>
    %dot_general3A_259 = arith.constant dense<0.000000e+00> : vector<512x128xf32>
    %dot_general3A_260 = tpu.matmul %concatenate3A_255, %get3A_258, %dot_general3A_259 {dimension_numbers = #tpu.dot_dimension_numbers<[1], [0], [0], [1], [0, 0, 1, 1], [], []>, transpose_lhs_hint = false} : vector<512x256xf32>, vector<256x128xf32>, vector<512x128xf32> -> vector<512x128xf32>
    %get3A_261 = arith.constant 0 : index
    %get3A_262 = arith.constant 0 : index
    %get3A_263 = vector.load %arg11[%get3A_261, %get3A_262] : memref<1x128xf32, #tpu.memory_space<vmem>>, vector<1x128xf32>
    %add3A_264 = vector.broadcast %get3A_263 : vector<1x128xf32> to vector<512x128xf32>
    %add3A_265 = arith.addf %dot_general3A_260, %add3A_264 : vector<512x128xf32>
    %get3A_266 = arith.constant 0 : index
    %get3A_267 = arith.constant 0 : index
    %get3A_268 = vector.load %arg8[%get3A_266, %get3A_267] : memref<256x128xf32, #tpu.memory_space<vmem>>, vector<256x128xf32>
    %dot_general3A_269 = arith.constant dense<0.000000e+00> : vector<512x128xf32>
    %dot_general3A_270 = tpu.matmul %concatenate3A_255, %get3A_268, %dot_general3A_269 {dimension_numbers = #tpu.dot_dimension_numbers<[1], [0], [0], [1], [0, 0, 1, 1], [], []>, transpose_lhs_hint = false} : vector<512x256xf32>, vector<256x128xf32>, vector<512x128xf32> -> vector<512x128xf32>
    %get3A_271 = arith.constant 0 : index
    %get3A_272 = arith.constant 0 : index
    %get3A_273 = vector.load %arg12[%get3A_271, %get3A_272] : memref<1x128xf32, #tpu.memory_space<vmem>>, vector<1x128xf32>
    %add3A_274 = vector.broadcast %get3A_273 : vector<1x128xf32> to vector<512x128xf32>
    %add3A_275 = arith.addf %dot_general3A_270, %add3A_274 : vector<512x128xf32>
    %get3A_276 = arith.constant 0 : index
    %get3A_277 = arith.constant 0 : index
    %get3A_278 = vector.load %arg9[%get3A_276, %get3A_277] : memref<256x128xf32, #tpu.memory_space<vmem>>, vector<256x128xf32>
    %dot_general3A_279 = arith.constant dense<0.000000e+00> : vector<512x128xf32>
    %dot_general3A_280 = tpu.matmul %concatenate3A_255, %get3A_278, %dot_general3A_279 {dimension_numbers = #tpu.dot_dimension_numbers<[1], [0], [0], [1], [0, 0, 1, 1], [], []>, transpose_lhs_hint = false} : vector<512x256xf32>, vector<256x128xf32>, vector<512x128xf32> -> vector<512x128xf32>
    %get3A_281 = arith.constant 0 : index
    %get3A_282 = arith.constant 0 : index
    %get3A_283 = vector.load %arg13[%get3A_281, %get3A_282] : memref<1x128xf32, #tpu.memory_space<vmem>>, vector<1x128xf32>
    %add3A_284 = vector.broadcast %get3A_283 : vector<1x128xf32> to vector<512x128xf32>
    %add3A_285 = arith.addf %dot_general3A_280, %add3A_284 : vector<512x128xf32>
    %get3A_286 = arith.constant 0 : index
    %get3A_287 = arith.constant 0 : index
    %get3A_288 = vector.load %arg10[%get3A_286, %get3A_287] : memref<256x128xf32, #tpu.memory_space<vmem>>, vector<256x128xf32>
    %dot_general3A_289 = arith.constant dense<0.000000e+00> : vector<512x128xf32>
    %dot_general3A_290 = tpu.matmul %concatenate3A_255, %get3A_288, %dot_general3A_289 {dimension_numbers = #tpu.dot_dimension_numbers<[1], [0], [0], [1], [0, 0, 1, 1], [], []>, transpose_lhs_hint = false} : vector<512x256xf32>, vector<256x128xf32>, vector<512x128xf32> -> vector<512x128xf32>
    %get3A_291 = arith.constant 0 : index
    %get3A_292 = arith.constant 0 : index
    %get3A_293 = vector.load %arg14[%get3A_291, %get3A_292] : memref<1x128xf32, #tpu.memory_space<vmem>>, vector<1x128xf32>
    %add3A_294 = vector.broadcast %get3A_293 : vector<1x128xf32> to vector<512x128xf32>
    %add3A_295 = arith.addf %dot_general3A_290, %add3A_294 : vector<512x128xf32>
    %swap3A = arith.constant 0 : index
    %swap3A_296 = arith.constant 0 : index
    %swap3A_297 = vector.load %arg15[%swap3A, %swap3A_296] : memref<512x128xf32, #tpu.memory_space<vmem>>, vector<512x128xf32>
    tpu.vector_store %arg15[%swap3A, %swap3A_296], %add3A_265 {strides = array<i32>} : memref<512x128xf32, #tpu.memory_space<vmem>>, vector<512x128xf32>,
    %swap3A_298 = arith.constant 0 : index
    %swap3A_299 = arith.constant 0 : index
    %swap3A_300 = vector.load %arg16[%swap3A_298, %swap3A_299] : memref<512x128xf32, #tpu.memory_space<vmem>>, vector<512x128xf32>
    tpu.vector_store %arg16[%swap3A_298, %swap3A_299], %add3A_275 {strides = array<i32>} : memref<512x128xf32, #tpu.memory_space<vmem>>, vector<512x128xf32>,
    %swap3A_301 = arith.constant 0 : index
    %swap3A_302 = arith.constant 0 : index
    %swap3A_303 = vector.load %arg17[%swap3A_301, %swap3A_302] : memref<512x128xf32, #tpu.memory_space<vmem>>, vector<512x128xf32>
    tpu.vector_store %arg17[%swap3A_301, %swap3A_302], %add3A_285 {strides = array<i32>} : memref<512x128xf32, #tpu.memory_space<vmem>>, vector<512x128xf32>,
    %swap3A_304 = arith.constant 0 : index
    %swap3A_305 = arith.constant 0 : index
    %swap3A_306 = vector.load %arg18[%swap3A_304, %swap3A_305] : memref<512x128xf32, #tpu.memory_space<vmem>>, vector<512x128xf32>
    tpu.vector_store %arg18[%swap3A_304, %swap3A_305], %add3A_295 {strides = array<i32>} : memref<512x128xf32, #tpu.memory_space<vmem>>, vector<512x128xf32>,
    %logistic3A = arith.negf %add3A_265 : vector<512x128xf32>
    %logistic3A_307 = math.exp %logistic3A : vector<512x128xf32>
    %logistic3A_308 = arith.constant 1.000000e+00 : f32
    %logistic3A_309 = vector.broadcast %logistic3A_308 : f32 to vector<512x128xf32>
    %logistic3A_310 = arith.addf %logistic3A_309, %logistic3A_307 : vector<512x128xf32>
    %logistic3A_311 = arith.divf %logistic3A_309, %logistic3A_310 : vector<512x128xf32>
    %logistic3A_312 = arith.negf %add3A_275 : vector<512x128xf32>
    %logistic3A_313 = math.exp %logistic3A_312 : vector<512x128xf32>
    %logistic3A_314 = arith.constant 1.000000e+00 : f32
    %logistic3A_315 = vector.broadcast %logistic3A_314 : f32 to vector<512x128xf32>
    %logistic3A_316 = arith.addf %logistic3A_315, %logistic3A_313 : vector<512x128xf32>
    %logistic3A_317 = arith.divf %logistic3A_315, %logistic3A_316 : vector<512x128xf32>
    %tanh3A_318 = math.tanh %add3A_295 : vector<512x128xf32>
    %mul3A = arith.mulf %logistic3A_311, %tanh3A_318 : vector<512x128xf32>
    %swap3A_319 = arith.constant 0 : index
    %swap3A_320 = arith.constant 0 : index
    %swap3A_321 = vector.load %arg19[%swap3A_319, %swap3A_320] : memref<512x128xf32, #tpu.memory_space<vmem>>, vector<512x128xf32>
    tpu.vector_store %arg19[%swap3A_319, %swap3A_320], %mul3A {strides = array<i32>} : memref<512x128xf32, #tpu.memory_space<vmem>>, vector<512x128xf32>,
    %tanh3A_322 = math.tanh %mul3A : vector<512x128xf32>
    %mul3A_323 = arith.mulf %logistic3A_317, %tanh3A_322 : vector<512x128xf32>
    %swap3A_324 = arith.constant 0 : index
    %swap3A_325 = arith.constant 0 : index
    %swap3A_326 = vector.load %arg20[%swap3A_324, %swap3A_325] : memref<512x128xf32, #tpu.memory_space<vmem>>, vector<512x128xf32>
    tpu.vector_store %arg20[%swap3A_324, %swap3A_325], %mul3A_323 {strides = array<i32>} : memref<512x128xf32, #tpu.memory_space<vmem>>, vector<512x128xf32>,
    return
  }
  func.func @transform_0(%arg0: i32) -> (i32, i32) {
    %c0_i32 = arith.constant 0 : i32
    %c0_i32_0 = arith.constant 0 : i32
    return %arg0, %c0_i32 : i32, i32
  }
  func.func @transform_1(%arg0: i32) -> (i32, i32) {
    %c0_i32 = arith.constant 0 : i32
    %c0_i32_0 = arith.constant 0 : i32
    return %arg0, %c0_i32 : i32, i32
  }
  func.func @transform_2(%arg0: i32) -> (i32, i32) {
    %c0_i32 = arith.constant 0 : i32
    %c0_i32_0 = arith.constant 0 : i32
    return %arg0, %c0_i32 : i32, i32
  }
  func.func @transform_3(%arg0: i32) -> (i32, i32) {
    %add3A = arith.constant 16 : i32
    %add3A_0 = arith.addi %arg0, %add3A : i32
    %c0_i32 = arith.constant 0 : i32
    %c0_i32_1 = arith.constant 0 : i32
    return %add3A_0, %c0_i32 : i32, i32
  }
  func.func @transform_4(%arg0: i32) -> (i32, i32) {
    %c0_i32 = arith.constant 0 : i32
    %c0_i32_0 = arith.constant 0 : i32
    %c0_i32_1 = arith.constant 0 : i32
    return %c0_i32, %c0_i32_0 : i32, i32
  }
  func.func @transform_5(%arg0: i32) -> (i32, i32) {
    %c0_i32 = arith.constant 0 : i32
    %c0_i32_0 = arith.constant 0 : i32
    %c0_i32_1 = arith.constant 0 : i32
    return %c0_i32, %c0_i32_0 : i32, i32
  }
  func.func @transform_6(%arg0: i32) -> (i32, i32) {
    %c0_i32 = arith.constant 0 : i32
    %c0_i32_0 = arith.constant 0 : i32
    %c0_i32_1 = arith.constant 0 : i32
    return %c0_i32, %c0_i32_0 : i32, i32
  }
  func.func @transform_7(%arg0: i32) -> (i32, i32) {
    %c0_i32 = arith.constant 0 : i32
    %c0_i32_0 = arith.constant 0 : i32
    %c0_i32_1 = arith.constant 0 : i32
    return %c0_i32, %c0_i32_0 : i32, i32
  }
  func.func @transform_8(%arg0: i32) -> (i32, i32) {
    %c0_i32 = arith.constant 0 : i32
    %c0_i32_0 = arith.constant 0 : i32
    %c0_i32_1 = arith.constant 0 : i32
    return %c0_i32, %c0_i32_0 : i32, i32
  }
  func.func @transform_9(%arg0: i32) -> (i32, i32) {
    %c0_i32 = arith.constant 0 : i32
    %c0_i32_0 = arith.constant 0 : i32
    %c0_i32_1 = arith.constant 0 : i32
    return %c0_i32, %c0_i32_0 : i32, i32
  }
  func.func @transform_10(%arg0: i32) -> (i32, i32) {
    %c0_i32 = arith.constant 0 : i32
    %c0_i32_0 = arith.constant 0 : i32
    %c0_i32_1 = arith.constant 0 : i32
    return %c0_i32, %c0_i32_0 : i32, i32
  }
  func.func @transform_11(%arg0: i32) -> (i32, i32) {
    %c0_i32 = arith.constant 0 : i32
    %c0_i32_0 = arith.constant 0 : i32
    %c0_i32_1 = arith.constant 0 : i32
    return %c0_i32, %c0_i32_0 : i32, i32
  }
  func.func @transform_12(%arg0: i32) -> (i32, i32) {
    %c0_i32 = arith.constant 0 : i32
    %c0_i32_0 = arith.constant 0 : i32
    %c0_i32_1 = arith.constant 0 : i32
    return %c0_i32, %c0_i32_0 : i32, i32
  }
  func.func @transform_13(%arg0: i32) -> (i32, i32) {
    %c0_i32 = arith.constant 0 : i32
    %c0_i32_0 = arith.constant 0 : i32
    %c0_i32_1 = arith.constant 0 : i32
    return %c0_i32, %c0_i32_0 : i32, i32
  }
  func.func @transform_14(%arg0: i32) -> (i32, i32) {
    %c0_i32 = arith.constant 0 : i32
    %c0_i32_0 = arith.constant 0 : i32
    return %arg0, %c0_i32 : i32, i32
  }
  func.func @transform_15(%arg0: i32) -> (i32, i32) {
    %c0_i32 = arith.constant 0 : i32
    %c0_i32_0 = arith.constant 0 : i32
    return %arg0, %c0_i32 : i32, i32
  }
  func.func @transform_16(%arg0: i32) -> (i32, i32) {
    %c0_i32 = arith.constant 0 : i32
    %c0_i32_0 = arith.constant 0 : i32
    return %arg0, %c0_i32 : i32, i32
  }
  func.func @transform_17(%arg0: i32) -> (i32, i32) {
    %c0_i32 = arith.constant 0 : i32
    %c0_i32_0 = arith.constant 0 : i32
    return %arg0, %c0_i32 : i32, i32
  }
  func.func @transform_18(%arg0: i32) -> (i32, i32) {
    %c0_i32 = arith.constant 0 : i32
    %c0_i32_0 = arith.constant 0 : i32
    return %arg0, %c0_i32 : i32, i32
  }
  func.func @transform_19(%arg0: i32) -> (i32, i32) {
    %c0_i32 = arith.constant 0 : i32
    %c0_i32_0 = arith.constant 0 : i32
    return %arg0, %c0_i32 : i32, i32
  }
}

module attributes {stable_mosaic.version = 14 : i64} {
  func.func @body(%arg0: i32, %arg1: memref<512x128xf32, #tpu.memory_space<vmem>>, %arg2: memref<512x128xf32, #tpu.memory_space<vmem>>, %arg3: memref<512x128xf32, #tpu.memory_space<vmem>>, %arg4: memref<512x128xf32, #tpu.memory_space<vmem>>, %arg5: memref<512x128xf32, #tpu.memory_space<vmem>>, %arg6: memref<512x128xf32, #tpu.memory_space<vmem>>, %arg7: memref<512x128xf32, #tpu.memory_space<vmem>>, %arg8: memref<256x128xf32, #tpu.memory_space<vmem>>, %arg9: memref<256x128xf32, #tpu.memory_space<vmem>>, %arg10: memref<256x128xf32, #tpu.memory_space<vmem>>, %arg11: memref<256x128xf32, #tpu.memory_space<vmem>>, %arg12: memref<512x128xf32, #tpu.memory_space<vmem>>) attributes {dimension_semantics = [#tpu.dimension_semantics<arbitrary>], iteration_bounds = array<i64: 16>, scalar_prefetch = 0 : i64, scratch_operands = 0 : i64, tpu.core_type = #tpu.core_type<tc>, window_params = [{transform_indices = @transform_0, window_bounds = array<i64: 512, 128>}, {transform_indices = @transform_1, window_bounds = array<i64: 512, 128>}, {transform_indices = @transform_2, window_bounds = array<i64: 512, 128>}, {transform_indices = @transform_3, window_bounds = array<i64: 512, 128>}, {transform_indices = @transform_4, window_bounds = array<i64: 512, 128>}, {transform_indices = @transform_5, window_bounds = array<i64: 512, 128>}, {transform_indices = @transform_6, window_bounds = array<i64: 512, 128>}, {pipeline_mode = #tpu.pipeline_mode<synchronous>, transform_indices = @transform_7, window_bounds = array<i64: 256, 128>}, {pipeline_mode = #tpu.pipeline_mode<synchronous>, transform_indices = @transform_8, window_bounds = array<i64: 256, 128>}, {pipeline_mode = #tpu.pipeline_mode<synchronous>, transform_indices = @transform_9, window_bounds = array<i64: 256, 128>}, {pipeline_mode = #tpu.pipeline_mode<synchronous>, transform_indices = @transform_10, window_bounds = array<i64: 256, 128>}, {transform_indices = @transform_11, window_bounds = array<i64: 512, 128>}]} {
    %get3A = arith.constant 0 : index
    %get3A_0 = arith.constant 0 : index
    %get3A_1 = vector.load %arg5[%get3A, %get3A_0] : memref<512x128xf32, #tpu.memory_space<vmem>>, vector<512x128xf32>
    %get3A_2 = arith.constant 0 : index
    %get3A_3 = arith.constant 0 : index
    %get3A_4 = vector.load %arg6[%get3A_2, %get3A_3] : memref<512x128xf32, #tpu.memory_space<vmem>>, vector<512x128xf32>
    %concatenate3A = tpu.concatenate %get3A_1, %get3A_4 in 1 : vector<512x128xf32>, vector<512x128xf32> -> vector<512x256xf32>
    %get3A_5 = arith.constant 0 : index
    %get3A_6 = arith.constant 0 : index
    %get3A_7 = vector.load %arg1[%get3A_5, %get3A_6] : memref<512x128xf32, #tpu.memory_space<vmem>>, vector<512x128xf32>
    %get3A_8 = arith.constant 0 : index
    %get3A_9 = arith.constant 0 : index
    %get3A_10 = vector.load %arg8[%get3A_8, %get3A_9] : memref<256x128xf32, #tpu.memory_space<vmem>>, vector<256x128xf32>
    %dot_general3A = arith.constant dense<0.000000e+00> : vector<512x128xf32>
    %dot_general3A_11 = tpu.matmul %concatenate3A, %get3A_10, %dot_general3A {dimension_numbers = #tpu.dot_dimension_numbers<[1], [0], [0], [1], [0, 0, 1, 1], [], []>, transpose_lhs_hint = false} : vector<512x256xf32>, vector<256x128xf32>, vector<512x128xf32> -> vector<512x128xf32>
    %add3A = arith.addf %get3A_7, %dot_general3A_11 : vector<512x128xf32>
    %get3A_12 = arith.constant 0 : index
    %get3A_13 = arith.constant 0 : index
    %get3A_14 = vector.load %arg2[%get3A_12, %get3A_13] : memref<512x128xf32, #tpu.memory_space<vmem>>, vector<512x128xf32>
    %get3A_15 = arith.constant 0 : index
    %get3A_16 = arith.constant 0 : index
    %get3A_17 = vector.load %arg9[%get3A_15, %get3A_16] : memref<256x128xf32, #tpu.memory_space<vmem>>, vector<256x128xf32>
    %dot_general3A_18 = arith.constant dense<0.000000e+00> : vector<512x128xf32>
    %dot_general3A_19 = tpu.matmul %concatenate3A, %get3A_17, %dot_general3A_18 {dimension_numbers = #tpu.dot_dimension_numbers<[1], [0], [0], [1], [0, 0, 1, 1], [], []>, transpose_lhs_hint = false} : vector<512x256xf32>, vector<256x128xf32>, vector<512x128xf32> -> vector<512x128xf32>
    %add3A_20 = arith.addf %get3A_14, %dot_general3A_19 : vector<512x128xf32>
    %get3A_21 = arith.constant 0 : index
    %get3A_22 = arith.constant 0 : index
    %get3A_23 = vector.load %arg3[%get3A_21, %get3A_22] : memref<512x128xf32, #tpu.memory_space<vmem>>, vector<512x128xf32>
    %get3A_24 = arith.constant 0 : index
    %get3A_25 = arith.constant 0 : index
    %get3A_26 = vector.load %arg10[%get3A_24, %get3A_25] : memref<256x128xf32, #tpu.memory_space<vmem>>, vector<256x128xf32>
    %dot_general3A_27 = arith.constant dense<0.000000e+00> : vector<512x128xf32>
    %dot_general3A_28 = tpu.matmul %concatenate3A, %get3A_26, %dot_general3A_27 {dimension_numbers = #tpu.dot_dimension_numbers<[1], [0], [0], [1], [0, 0, 1, 1], [], []>, transpose_lhs_hint = false} : vector<512x256xf32>, vector<256x128xf32>, vector<512x128xf32> -> vector<512x128xf32>
    %add3A_29 = arith.addf %get3A_23, %dot_general3A_28 : vector<512x128xf32>
    %get3A_30 = arith.constant 0 : index
    %get3A_31 = arith.constant 0 : index
    %get3A_32 = vector.load %arg4[%get3A_30, %get3A_31] : memref<512x128xf32, #tpu.memory_space<vmem>>, vector<512x128xf32>
    %get3A_33 = arith.constant 0 : index
    %get3A_34 = arith.constant 0 : index
    %get3A_35 = vector.load %arg11[%get3A_33, %get3A_34] : memref<256x128xf32, #tpu.memory_space<vmem>>, vector<256x128xf32>
    %dot_general3A_36 = arith.constant dense<0.000000e+00> : vector<512x128xf32>
    %dot_general3A_37 = tpu.matmul %concatenate3A, %get3A_35, %dot_general3A_36 {dimension_numbers = #tpu.dot_dimension_numbers<[1], [0], [0], [1], [0, 0, 1, 1], [], []>, transpose_lhs_hint = false} : vector<512x256xf32>, vector<256x128xf32>, vector<512x128xf32> -> vector<512x128xf32>
    %add3A_38 = arith.addf %get3A_32, %dot_general3A_37 : vector<512x128xf32>
    %logistic3A = arith.negf %add3A : vector<512x128xf32>
    %logistic3A_39 = math.exp %logistic3A : vector<512x128xf32>
    %logistic3A_40 = arith.constant 1.000000e+00 : f32
    %logistic3A_41 = vector.broadcast %logistic3A_40 : f32 to vector<512x128xf32>
    %logistic3A_42 = arith.addf %logistic3A_41, %logistic3A_39 : vector<512x128xf32>
    %logistic3A_43 = arith.divf %logistic3A_41, %logistic3A_42 : vector<512x128xf32>
    %logistic3A_44 = arith.negf %add3A_20 : vector<512x128xf32>
    %logistic3A_45 = math.exp %logistic3A_44 : vector<512x128xf32>
    %logistic3A_46 = arith.constant 1.000000e+00 : f32
    %logistic3A_47 = vector.broadcast %logistic3A_46 : f32 to vector<512x128xf32>
    %logistic3A_48 = arith.addf %logistic3A_47, %logistic3A_45 : vector<512x128xf32>
    %logistic3A_49 = arith.divf %logistic3A_47, %logistic3A_48 : vector<512x128xf32>
    %logistic3A_50 = arith.negf %add3A_29 : vector<512x128xf32>
    %logistic3A_51 = math.exp %logistic3A_50 : vector<512x128xf32>
    %logistic3A_52 = arith.constant 1.000000e+00 : f32
    %logistic3A_53 = vector.broadcast %logistic3A_52 : f32 to vector<512x128xf32>
    %logistic3A_54 = arith.addf %logistic3A_53, %logistic3A_51 : vector<512x128xf32>
    %logistic3A_55 = arith.divf %logistic3A_53, %logistic3A_54 : vector<512x128xf32>
    %tanh3A = math.tanh %add3A_38 : vector<512x128xf32>
    %get3A_56 = arith.constant 0 : index
    %get3A_57 = arith.constant 0 : index
    %get3A_58 = vector.load %arg7[%get3A_56, %get3A_57] : memref<512x128xf32, #tpu.memory_space<vmem>>, vector<512x128xf32>
    %mul3A = arith.mulf %logistic3A_55, %get3A_58 : vector<512x128xf32>
    %mul3A_59 = arith.mulf %logistic3A_43, %tanh3A : vector<512x128xf32>
    %add3A_60 = arith.addf %mul3A, %mul3A_59 : vector<512x128xf32>
    %tanh3A_61 = math.tanh %add3A_60 : vector<512x128xf32>
    %mul3A_62 = arith.mulf %logistic3A_49, %tanh3A_61 : vector<512x128xf32>
    %swap3A = arith.constant 0 : index
    %swap3A_63 = arith.constant 0 : index
    %swap3A_64 = vector.load %arg12[%swap3A, %swap3A_63] : memref<512x128xf32, #tpu.memory_space<vmem>>, vector<512x128xf32>
    tpu.vector_store %arg12[%swap3A, %swap3A_63], %mul3A_62 {strides = array<i32>} : memref<512x128xf32, #tpu.memory_space<vmem>>, vector<512x128xf32>,
    return
  }
  func.func @transform_0(%arg0: i32) -> (i32, i32) {
    %c0_i32 = arith.constant 0 : i32
    %c0_i32_0 = arith.constant 0 : i32
    return %arg0, %c0_i32 : i32, i32
  }
  func.func @transform_1(%arg0: i32) -> (i32, i32) {
    %c0_i32 = arith.constant 0 : i32
    %c0_i32_0 = arith.constant 0 : i32
    return %arg0, %c0_i32 : i32, i32
  }
  func.func @transform_2(%arg0: i32) -> (i32, i32) {
    %c0_i32 = arith.constant 0 : i32
    %c0_i32_0 = arith.constant 0 : i32
    return %arg0, %c0_i32 : i32, i32
  }
  func.func @transform_3(%arg0: i32) -> (i32, i32) {
    %c0_i32 = arith.constant 0 : i32
    %c0_i32_0 = arith.constant 0 : i32
    return %arg0, %c0_i32 : i32, i32
  }
  func.func @transform_4(%arg0: i32) -> (i32, i32) {
    %c0_i32 = arith.constant 0 : i32
    %c0_i32_0 = arith.constant 0 : i32
    return %arg0, %c0_i32 : i32, i32
  }
  func.func @transform_5(%arg0: i32) -> (i32, i32) {
    %add3A = arith.constant 16 : i32
    %add3A_0 = arith.addi %arg0, %add3A : i32
    %c0_i32 = arith.constant 0 : i32
    %c0_i32_1 = arith.constant 0 : i32
    return %add3A_0, %c0_i32 : i32, i32
  }
  func.func @transform_6(%arg0: i32) -> (i32, i32) {
    %c0_i32 = arith.constant 0 : i32
    %c0_i32_0 = arith.constant 0 : i32
    return %arg0, %c0_i32 : i32, i32
  }
  func.func @transform_7(%arg0: i32) -> (i32, i32) {
    %c0_i32 = arith.constant 0 : i32
    %c0_i32_0 = arith.constant 0 : i32
    %c0_i32_1 = arith.constant 0 : i32
    return %c0_i32, %c0_i32_0 : i32, i32
  }
  func.func @transform_8(%arg0: i32) -> (i32, i32) {
    %c0_i32 = arith.constant 0 : i32
    %c0_i32_0 = arith.constant 0 : i32
    %c0_i32_1 = arith.constant 0 : i32
    return %c0_i32, %c0_i32_0 : i32, i32
  }
  func.func @transform_9(%arg0: i32) -> (i32, i32) {
    %c0_i32 = arith.constant 0 : i32
    %c0_i32_0 = arith.constant 0 : i32
    %c0_i32_1 = arith.constant 0 : i32
    return %c0_i32, %c0_i32_0 : i32, i32
  }
  func.func @transform_10(%arg0: i32) -> (i32, i32) {
    %c0_i32 = arith.constant 0 : i32
    %c0_i32_0 = arith.constant 0 : i32
    %c0_i32_1 = arith.constant 0 : i32
    return %c0_i32, %c0_i32_0 : i32, i32
  }
  func.func @transform_11(%arg0: i32) -> (i32, i32) {
    %c0_i32 = arith.constant 0 : i32
    %c0_i32_0 = arith.constant 0 : i32
    return %arg0, %c0_i32 : i32, i32
  }
}

</mosaic_0001>

<sc_bundles>
// kernel: kernel.6.cloned.1.call-start
scs
__scs_entry_jumppad:
0x0: {  	(pc) =	sbr.rel $0x88, $3  }
0x1: {  	(tag) =	ssettag $0x0;
	lr =	simm.s32 $0x1  }
0x2: {  	[smem:$0x3F84] =	sst lr;
	_ =	strace $0xD0000000  }
0x3: {  	_ = 	snop  }
0x4: {  	_ = 	snop  }
0x5: {  	_ = 	snop  }
0x6: {  	_ = 	snop  }
0x7: {  	_ = 	snop  }
__scs_overlays_trampoline_lowered:
0x8: {  	[smem:$0x3F93] =	sst s0  }
0x9: {  	[smem:$0x3F94] =	sst s1  }
0xa: {  	[smem:$0x3F95] =	sst s2  }
0xb: {  	[smem:$0x3F96] =	sst s3  }
0xc: {  	[smem:$0x3F97] =	sst s4  }
0xd: {  	[smem:$0x3F98] =	sst s5  }
0xe: {  	[smem:$0x3F99] =	sst s6  }
0xf: {  	[smem:$0x3F9A] =	sst s7  }
0x10: {  	[smem:$0x3F9B] =	sst s8  }
0x11: {  	[smem:$0x3F9C] =	sst s9;
	s0 =	simm.s32 @!p0 $0x0  }
0x12: {  	s1 =	sld [smem:$0x3F82];
	s0 =	simm.s32 @p0 $0x1  }
0x13: {  	[smem:$0x3F9D] =	sst s0;
	s0 =	simm.s32 @!p1 $0x0  }
0x14: {  	s2 =	sld [smem:$0x3F81];
	s0 =	simm.s32 @p1 $0x1  }
0x15: {  	[smem:$0x3F9E] =	sst s0;
	s0 =	simm.s32 @!p2 $0x0  }
0x16: {  	s3 =	sld [smem:$0x3FDB];
	s0 =	simm.s32 @p2 $0x1  }
0x17: {  	s4 =	simm.s32 $0x1BF5;
	[smem:$0x3FA0] =	sst s0  }
0x18: {  	s0 =	sld [smem:$0x3F83];
	_ =	swait.ge [sflag:s4], $0x0  }
0x19: {  	s7 =	sld [smem:$0x3F84]  }
0x1a: {  	s8 =	sadd.s32 $0xFFFFE003, lr  }
0x1b: {  	s9 =	sadd.s32 $0xFFFFFEF7, lr;
	s5 =	simm.s32 $0xFFFFFFFF;
	p2 =	slt.u32 s8, $0xFFFFF086  }
0x1c: {  	p1 =	slt.u32 s9, $0xF7A;
	s5 =	simm.s32 @!p2 $0x0  }
0x1d: {  	s5 =	simm.s32 @p1 $0x1;
	p0 =	seq.s32 s7, s2  }
0x1e: {  	s7 =	smul.u32 @!p0 $0xF7A, s2;
	p2 =	seq.s32 @!p0 s5, $0x0  }
0x1f: {  	s9 =	smul.u32 $0xF7A, s1;
	s8 =	simm.s32 @!p0 $0x1BF5;
	p2 =	por !p2, p0  }
0x20: {  	[sflag:s8] =	ssyncset.s32 @!p0 $0xFFFFF086;
	s6 =	sadd.s32 @!p0 s3, s7;
	s7 =	simm.s32 @!p0 $0x108  }
0x21: {  	s3 =	sadd.s32 s3, s9;
	s6 =	sadd.s32 @!p0 $0x88, s6;
	s7 =	simm.s32 @p2 $0x1082  }
0x22: {  	[simem:s7], [sflag:s8] =	dma.local @!p0 [hbm:s6], $0xF7A  }
0x23: {  	s9 =	sor.u32 $0xD0000000, s2;
	s6 =	simm.s32 $0x108;
	_ =	swait.ge @!p0 [sflag:s8], $0x0  }
0x24: {  	s3 =	sadd.s32 $0x88, s3;
	s6 =	simm.s32 @!p1 $0x1082;
	[sflag:s4] =	ssyncset.s32 $0xFFFFF086  }
0x25: {  	[simem:s6], [sflag:s4] =	dma.local [hbm:s3], $0xF7A  }
0x26: {  	[smem:$0x3F84] =	sst s1;
	(tag) =	ssettag s2;
	_ =	strace s9  }
0x27: {  	s1 =	sld [smem:$0x3F94]  }
0x28: {  	s2 =	sld [smem:$0x3F95]  }
0x29: {  	s4 =	sld [smem:$0x3F97]  }
0x2a: {  	p0 =	seq.s32 s5, $0x0;
	s5 =	sld [smem:$0x3F98]  }
0x2b: {  	s6 =	sld [smem:$0x3F99]  }
0x2c: {  	s7 =	sld [smem:$0x3F9A]  }
0x2d: {  	s3 =	simm.s32 $0x108;
	s8 =	sld [smem:$0x3F9B]  }
0x2e: {  	s3 =	simm.s32 @!p0 $0x1082;
	s9 =	sld [smem:$0x3F9C]  }
0x2f: {  	lr =	sadd.s32 s0, s3;
	s0 =	sld [smem:$0x3F93]  }
0x30: {  	s3 =	sld [smem:$0x3F96]  }
0x31: {  	[smem:$0x3F9F] =	sst s10  }
0x32: {  	s10 =	sld [smem:$0x3F9D];
	_ =	sdelay $0x3  }
0x33: {  	p0 =	seq.s32 s10, $0x1;
	s10 =	sld [smem:$0x3F9F];
	_ =	sdelay $0x3  }
0x34: {  	[smem:$0x3F9F] =	sst s10  }
0x35: {  	s10 =	sld [smem:$0x3F9E];
	_ =	sdelay $0x3  }
0x36: {  	p1 =	seq.s32 s10, $0x1;
	s10 =	sld [smem:$0x3F9F];
	_ =	sdelay $0x3  }
0x37: {  	[smem:$0x3F9F] =	sst s10  }
0x38: {  	s10 =	sld [smem:$0x3FA0]  }
0x39: {  	_ = 	snop;
	(pc) =	sbr.ind lr, $3  }
0x3a: {  	_ = 	snop  }
0x3b: {  	_ = 	snop  }
0x3c: {  	p2 =	seq.s32 s10, $0x1;
	s10 =	sld [smem:$0x3F9F]  }
0x3d: {  	_ =	shalt  }
0x3e: {  	_ =	shalt  }
0x3f: {  	_ =	shalt  }
0x40: {  	_ =	shalt  }
0x41: {  	_ =	shalt  }
0x42: {  	_ =	shalt  }
0x43: {  	_ =	shalt  }
0x44: {  	_ =	shalt  }
0x45: {  	_ =	shalt  }
0x46: {  	_ =	shalt  }
0x47: {  	_ =	shalt  }
0x48: {  	_ =	shalt  }
0x49: {  	_ =	shalt  }
0x4a: {  	_ =	shalt  }
0x4b: {  	_ =	shalt  }
0x4c: {  	_ =	shalt  }
0x4d: {  	_ =	shalt  }
0x4e: {  	_ =	shalt  }
0x4f: {  	_ =	shalt  }
0x50: {  	_ =	shalt  }
0x51: {  	_ =	shalt  }
0x52: {  	_ =	shalt  }
0x53: {  	_ =	shalt  }
0x54: {  	_ =	shalt  }
0x55: {  	_ =	shalt  }
0x56: {  	_ =	shalt  }
0x57: {  	_ =	shalt  }
0x58: {  	_ =	shalt  }
0x59: {  	_ =	shalt  }
0x5a: {  	_ =	shalt  }
0x5b: {  	_ =	shalt  }
0x5c: {  	_ =	shalt  }
0x5d: {  	_ =	shalt  }
0x5e: {  	_ =	shalt  }
0x5f: {  	_ =	shalt  }
0x60: {  	_ =	shalt  }
0x61: {  	_ =	shalt  }
0x62: {  	_ =	shalt  }
0x63: {  	_ =	shalt  }
0x64: {  	_ =	shalt  }
0x65: {  	_ =	shalt  }
0x66: {  	_ =	shalt  }
0x67: {  	_ =	shalt  }
0x68: {  	_ =	shalt  }
0x69: {  	_ =	shalt  }
0x6a: {  	_ =	shalt  }
0x6b: {  	_ =	shalt  }
0x6c: {  	_ =	shalt  }
0x6d: {  	_ =	shalt  }
0x6e: {  	_ =	shalt  }
0x6f: {  	_ =	shalt  }
0x70: {  	_ =	shalt  }
0x71: {  	_ =	shalt  }
0x72: {  	_ =	shalt  }
0x73: {  	_ =	shalt  }
0x74: {  	_ =	shalt  }
0x75: {  	_ =	shalt  }
0x76: {  	_ =	shalt  }
0x77: {  	_ =	shalt  }
0x78: {  	_ =	shalt  }
0x79: {  	_ =	shalt  }
0x7a: {  	_ =	shalt  }
0x7b: {  	_ =	shalt  }
0x7c: {  	_ =	shalt  }
0x7d: {  	_ =	shalt  }
0x7e: {  	_ =	shalt  }
0x7f: {  	_ =	shalt  }
0x80: {  	_ =	shalt  }
0x81: {  	_ =	shalt  }
0x82: {  	_ =	shalt  }
0x83: {  	_ =	shalt  }
0x84: {  	_ =	shalt  }
0x85: {  	_ =	shalt  }
0x86: {  	_ =	shalt  }
0x87: {  	_ =	shalt  }
.Lfunc_end0:
.L_simem_size_0:
called_computation_lowered:
.L_overlay_start_0:
0x88: {  	s2 =	sld [smem:$0x3FD9]  }
0x89: {  	s3 =	sld [smem:$0x3FFE];
	_ =	sdelay $0x1  }
0x8a: {  	s1 =	srdreg.scid  }
0x8b: {  	s0 =	sand.u32 $0x1, s1  }
0x8c: {  	s17 =	sshll.u32 s0, $0xA;
	s2 =	sadd.s32 s3, s2  }
0x8d: {  	s2 =	sadd.s32 s2, s17  }
0x8e: {  	[smem:$0x3FAB] =	sst s2  }
0x8f: {  	_ = 	snop  }
0x90: {  	s2 =	sld [smem:$0x3FC4];
	(tm) =	ssettm $0x1  }
0x91: {  	s18 =	sld [smem:$0x3FFB];
	_ =	sdelay $0x3  }
0x92: {  	_ =	strace s18  }
0x93: {  	s3 =	sld [smem:$0x3FFC];
	_ =	sdelay $0x3  }
0x94: {  	_ =	strace s3  }
0x95: {  	s3 =	sld [smem:$0x3FFD];
	_ =	sdelay $0x3  }
0x96: {  	_ =	strace s3  }
0x97: {  	_ =	strace $0x8FFFFFFF  }
0x98: {  	s19 =	sld [smem:$0x3FDB];
	_ =	sdelay $0x1  }
0x99: {  	s4 =	simm.s32 $_scs_section_size  }
0x9a: {  	s5 =	simm.s32 $_size__tile_overlayer_lowered;
	s6 =	simm.s32 $_tile_overlayer_lowered  }
0x9b: {  	s22 =	simm.s32 $0x1BFF;
	s21 =	sshll.u32 s6, $0x1;
	s3 =	sadd.s32 s4, s19  }
0x9c: {  	s7 =	simm.s32 $0x0;
	s20 =	sshll.u32 s5, $0x1;
	s5 =	sadd.s32 s21, s3  }
0x9d: {  	[timem:s7], [sflag:s22] =	dma.local [hbm:s5], s20  }
0x9e: {  	_ =	swait.ge [sflag:s22], s20  }
0x9f: {  	s4 =	ssub.s32 $0x0, s20;
	[sflag:s22] =	ssyncset.done $0x0  }
0xa0: {  	[sflag:s22] =	ssyncadd.s32 s4;
	_ =	sdelay $0x1  }
0xa1: {  	s23 =	simm.s32 $0x1B8B  }
0xa2: {  	_ =	swait.ge [sflag:s23], $0x1  }
0xa3: {  	[sflag:s23] =	ssyncset.done $0x0  }
0xa4: {  	s25 =	simm.s32 $0x1B8E;
	s24 =	sld [smem:$0x3FFE];
	[sflag:s23] =	ssyncadd.s32 $0xFFFFFFFF  }
0xa5: {  	s26 =	simm.s32 $execute0_lowered;
	[smem:$0x3FD2] =	sst s25  }
0xa6: {  	s5 =	sshll.u32 s26, $0x1;
	_ =	strace $0x80000046;
	[dreg:$0x1] =	wrdreg $0xFFFFFFFF  }
0xa7: {  	s28 =	simm.s32 $_size_execute0_lowered;
	s3 =	sadd.s32 s3, s5;
	[dreg:$0x0] =	wrdreg $0x0  }
0xa8: {  	s5 =	sshll.u32 s28, $0x1;
	[dreg:$0x2] =	wrdreg s3  }
0xa9: {  	[dreg:$0x3] =	wrdreg s5  }
0xaa: {  	[dreg:$0x4] =	wrdreg $0xC0  }
0xab: {  	_ =	task [dreg:s7], $0x5FFFF  }
0xac: {  	[dreg:$0x1] =	wrdreg $0xFFFFFFFF  }
0xad: {  	[dreg:$0x0] =	wrdreg $0x60  }
0xae: {  	[dreg:$0x2] =	wrdreg s2  }
0xaf: {  	[dreg:$0x3] =	wrdreg s24  }
0xb0: {  	[dreg:$0x4] =	wrdreg $0x0  }
0xb1: {  	[dreg:$0x5] =	wrdreg $0x9  }
0xb2: {  	_ =	task.clear_ibuf [dreg:s7], $0x6FFFF;
	_ =	strace $0x90000046  }
0xb3: {  	s29 =	simm.s32 $0x9;
	_ =	strace $0x80000048  }
0xb4: {  	_ =	swait.ge [sflag:s29], $0x1  }
0xb5: {  	[sflag:s29] =	ssyncadd.s32 $0xFFFFFFFF  }
0xb6: {  	_ =	strace $0x90000048  }
0xb7: {  	_ =	sfence  }
0xb8: {  	s30 =	sld [smem:$0x0];
	_ =	sdelay $0x2  }
0xb9: {  	s31 =	sshll.u32 s1, $0xD;
	s1 =	sshrl.u32 s1, $0x2  }
0xba: {  	s3 =	sand.u32 $0x4000, s31;
	s1 =	sadd.s32 s1, s30  }
0xbb: {  	s0 =	sor.u32 s3, s0;
	s1 =	sshll.u32 s1, $0x11  }
0xbc: {  	s0 =	sor.u32 s1, s0  }
0xbd: {  	s0 =	sadd.s32 $0x8F2B, s0  }
0xbe: {  	[sflag:s0] =	ssyncadd.remote.s32 $0x1  }
0xbf: {  	_ =	sfence.sel $0xFFFF  }
0xc0: {  	[dreg:$0x0] =	wrdreg $0xFFFFFFFF;
	(pc) =	sbr.abs _section_cstart, $3  }
0xc1: {  	[dreg:$0x1] =	wrdreg $0xFFFFFFFF  }
0xc2: {  	_ =	task.clear_ibuf [dreg:s7], $0x2FFFF;
	_ =	strace $0x9FFFFFFF  }
0xc3: {  	(tm) =	ssettm $0x7FFFFFFF  }
tec
execute0_lowered:
.L_overlay_start_1:
0x0: {  	(tag) =	ssettag $0x1  }
0x1: {  	s1 =	rddreg [dreg:$0x0]  }
0x2: {  	s0 =	rddreg [dreg:$0x1]  }
0x3: {  	s3 =	rddreg [dreg:$0x2]  }
0x4: {  	s2 =	srdreg.scid;
	s9 =	stileid.u32  }
0x5: {  	s4 =	simm.s32 $0x0;
	s13 =	simm.s32 $0x10000;
	s14 =	simm.s32 $0x1A800  }
0x6: {  	s15 =	simm.s32 $0x6;
	s16 =	simm.s32 $0x80;
	s17 =	simm.s32 $0x12000  }
0x7: {  	s19 =	simm.s32 $0x16000;
	s20 =	simm.s32 $0x1;
	s22 =	simm.s32 $0x2  }
0x8: {  	s23 =	simm.s32 $0x1A980;
	s24 =	simm.s32 $0x5;
	s25 =	simm.s32 $0x1A000  }
0x9: {  	s26 =	simm.s32 $0x4;
	s28 =	simm.s32 $0x1A400;
	s29 =	simm.s32 $0x3  }
0xa: {  	s30 =	simm.s32 $0x0;
	s2 =	sand.u32 $0x1, s2;
	s5 =	sshll.u32 s9, $0x1  }
0xb: {  	[smem:$0x7FF] =	sst s4;
	s7 =	sshll.u32 s9, $0x6;
	s9 =	sshll.u32 s9, $0x10  }
0xc: {  	s5 =	sor.u32 s2, s5;
	_ =	strace $0x80000047;
	s7 =	sadd.s32 s7, s0  }
0xd: {  	s2 =	ssub.s32 $0x2, s2;
	s6 =	sshll.u32 s5, $0xA;
	s5 =	sshll.u32 s5, $0xD  }
0xe: {  	s8 =	sshrl.u32 s2, $0x1;
	s7 =	sadd.s32 $0x4E00, s7;
	s6 =	sadd.s32 s6, s0  }
0xf: {  	s0 =	sadd.s32 s5, s0;
	s2 =	ssub.s32 s2, s8;
	s5 =	sadd.s32 s9, s3  }
0x10: {  	s6 =	sadd.s32 $0x5200, s6;
	s8 =	sadd.s32 $0x4000, s5;
	s9 =	sadd.s32 $0x8000, s5  }
0x11: {  	s10 =	sadd.s32 $0xC000, s5;
	s11 =	sadd.s32 $0xD200, s0;
	s12 =	smax.u32 s2, $0x1  }
.LBB2_1:
0x12: {  	[tilespmem:s13], [sflag:$0x5] =	stream.linear.gather [hbm4b:s6+s4], $0x2000, $0x38;
	[tilespmem:$0x1AA00] =	vst v63  }
0x13: {  	_ = 	snop  }
0x14: {  	[tilespmem:s14], [sflag:$0x6] =	stream.linear.gather [hbm4b:s7+s4], $0x200, $0x38;
	[tilespmem:$0x1AA00] =	vst v63  }
0x15: {  	_ =	swait.ge [sflag:s15], $0x200  }
0x16: {  	[sflag:s15] =	ssyncset.done $0x0  }
0x17: {  	[sflag:s15] =	ssyncadd.s32 $0xFFFFFE00  }
0x18: {  	[tilespmem:s17], [sflag:$0x1] =	stream.indirect.gather [hbm4b:s1+s16], $0x80, s14, s16, $0xb8;
	[tilespmem:$0x1AA00] =	vst v63  }
0x19: {  	s0 =	simm.s32 $0x1A880  }
0x1a: {  	[tilespmem:s19], [sflag:$0x2] =	stream.indirect.gather [hbm4b:s1+s16], $0x80, s0, s16, $0xb8;
	[tilespmem:$0x1AA00] =	vst v63  }
0x1b: {  	_ =	swait.ge [sflag:s20], $0x4000  }
0x1c: {  	[sflag:s20] =	ssyncset.done $0x0  }
0x1d: {  	[sflag:s20] =	ssyncadd.s32 $0xFFFFC000  }
0x1e: {  	[spmem:s5] =	stream.linear.scatter [tilespmem:s17], [sflag:$0x6], $0x4000, $0x38;
	[tilespmem:$0x1AA00] =	vst v63  }
0x1f: {  	_ =	swait.ge [sflag:s15], $0x4000  }
0x20: {  	[sflag:s15] =	ssyncset.done $0x0  }
0x21: {  	s21 =	simm.s32 $0x1A900;
	[sflag:s15] =	ssyncadd.s32 $0xFFFFC000  }
0x22: {  	[tilespmem:s17], [sflag:$0x1] =	stream.indirect.gather [hbm4b:s1+s16], $0x80, s21, s16, $0xb8;
	[tilespmem:$0x1AA00] =	vst v63  }
0x23: {  	_ =	swait.ge [sflag:s22], $0x4000  }
0x24: {  	[sflag:s22] =	ssyncset.done $0x0  }
0x25: {  	[sflag:s22] =	ssyncadd.s32 $0xFFFFC000  }
0x26: {  	[spmem:s8] =	stream.linear.scatter [tilespmem:s19], [sflag:$0x6], $0x4000, $0x38;
	[tilespmem:$0x1AA00] =	vst v63  }
0x27: {  	_ =	swait.ge [sflag:s15], $0x4000  }
0x28: {  	[sflag:s15] =	ssyncset.done $0x0  }
0x29: {  	[sflag:s15] =	ssyncadd.s32 $0xFFFFC000  }
0x2a: {  	[tilespmem:s19], [sflag:$0x2] =	stream.indirect.gather [hbm4b:s1+s16], $0x80, s23, s16, $0xb8;
	[tilespmem:$0x1AA00] =	vst v63  }
0x2b: {  	_ =	swait.ge [sflag:s20], $0x4000  }
0x2c: {  	[sflag:s20] =	ssyncset.done $0x0  }
0x2d: {  	[sflag:s20] =	ssyncadd.s32 $0xFFFFC000  }
0x2e: {  	[spmem:s9] =	stream.linear.scatter [tilespmem:s17], [sflag:$0x6], $0x4000, $0x38;
	[tilespmem:$0x1AA00] =	vst v63  }
0x2f: {  	_ =	swait.ge [sflag:s15], $0x4000  }
0x30: {  	[sflag:s15] =	ssyncset.done $0x0  }
0x31: {  	[sflag:s15] =	ssyncadd.s32 $0xFFFFC000  }
0x32: {  	_ =	swait.ge [sflag:s22], $0x4000  }
0x33: {  	[sflag:s22] =	ssyncset.done $0x0  }
0x34: {  	[sflag:s22] =	ssyncadd.s32 $0xFFFFC000  }
0x35: {  	[spmem:s10] =	stream.linear.scatter [tilespmem:s19], [sflag:$0x6], $0x4000, $0x38;
	[tilespmem:$0x1AA00] =	vst v63  }
0x36: {  	_ =	swait.ge [sflag:s15], $0x4000  }
0x37: {  	[sflag:s15] =	ssyncset.done $0x0  }
0x38: {  	[sflag:s15] =	ssyncadd.s32 $0xFFFFC000  }
0x39: {  	[bflag:$0x0] =	sbarrier.arrive $0xFFFF  }
0x3a: {  	_ =	swait.ge [sflag:s24], $0x2000  }
0x3b: {  	[sflag:s24] =	ssyncset.done $0x0  }
0x3c: {  	s31 =	simm.s32 $0x0;
	[sflag:s24] =	ssyncadd.s32 $0xFFFFE000  }
0x3d: {  	[tilespmem:s17], [sflag:$0x1] =	stream.indirect.gather [spmem:s3], $0x80, s13, s16, $0xb8;
	[tilespmem:$0x1AA00] =	vst v63  }
.LBB2_2:
0x3e: {  	s0 =	sshllo.u32 s31, $0x1  }
0x3f: {  	s0 =	sshll.u32 s0, $0x7  }
0x40: {  	s2 =	sand.u32 $0x3FFFFF80, s0  }
0x41: {  	s2 =	sadd.s32 $0x10000, s2  }
0x42: {  	[tilespmem:s19], [sflag:$0x2] =	stream.indirect.gather [spmem:s3], $0x80, s2, s16, $0xb8;
	[tilespmem:$0x1AA00] =	vst v63  }
0x43: {  	_ =	swait.ge [sflag:s20], $0x4000  }
0x44: {  	p0 =	seq.s32 s31, $0x0;
	[sflag:s20] =	ssyncset.done $0x0  }
0x45: {  	s2 =	simm.s32 @!p0 $0x3;
	[sflag:s20] =	ssyncadd.s32 $0xFFFFC000  }
0x46: {  	_ =	swait.ge @!p0 [sflag:s2], $0x400  }
0x47: {  	[sflag:s2] =	ssyncset.done @!p0 $0x0  }
0x48: {  	s18 =	simm.s32 $0x12400;
	[sflag:s2] =	ssyncadd.s32 @!p0 $0xFFFFFC00;
	s2 =	simm.s32 $0x0  }
.LBB2_3:
0x49: {  	v0 =	vld [tilespmem:s18+$0xFFFFFC00]  }
0x4a: {  	v1 =	vld [tilespmem:s18+$0xFFFFFC10]  }
0x4b: {  	v2 =	vld [tilespmem:s18+$0xFFFFFC20]  }
0x4c: {  	v3 =	vld [tilespmem:s18+$0xFFFFFC30]  }
0x4d: {  	v4 =	vld [tilespmem:s18+$0xFFFFFC40]  }
0x4e: {  	v5 =	vld [tilespmem:s18+$0xFFFFFC50]  }
0x4f: {  	v6 =	vld [tilespmem:s18+$0xFFFFFC60]  }
0x50: {  	v7 =	vld [tilespmem:s18+$0xFFFFFC70]  }
0x51: {  	v8 =	vld [tilespmem:s18+$0xFFFFFC80]  }
0x52: {  	v9 =	vld [tilespmem:s18+$0xFFFFFC90]  }
0x53: {  	v10 =	vld [tilespmem:s18+$0xFFFFFCA0]  }
0x54: {  	v11 =	vld [tilespmem:s18+$0xFFFFFCB0]  }
0x55: {  	v12 =	vld [tilespmem:s18+$0xFFFFFCC0]  }
0x56: {  	v13 =	vld [tilespmem:s18+$0xFFFFFCD0]  }
0x57: {  	v14 =	vld [tilespmem:s18+$0xFFFFFCE0]  }
0x58: {  	v15 =	vld [tilespmem:s18+$0xFFFFFCF0]  }
0x59: {  	v16 =	vld [tilespmem:s18+$0xFFFFFD00]  }
0x5a: {  	v17 =	vld [tilespmem:s18+$0xFFFFFD10]  }
0x5b: {  	v18 =	vld [tilespmem:s18+$0xFFFFFD20]  }
0x5c: {  	v19 =	vld [tilespmem:s18+$0xFFFFFD30]  }
0x5d: {  	v20 =	vld [tilespmem:s18+$0xFFFFFD40]  }
0x5e: {  	v21 =	vld [tilespmem:s18+$0xFFFFFD50]  }
0x5f: {  	v22 =	vld [tilespmem:s18+$0xFFFFFD60]  }
0x60: {  	v23 =	vld [tilespmem:s18+$0xFFFFFD70]  }
0x61: {  	v24 =	vld [tilespmem:s18+$0xFFFFFD80]  }
0x62: {  	v25 =	vld [tilespmem:s18+$0xFFFFFD90]  }
0x63: {  	v26 =	vld [tilespmem:s18+$0xFFFFFDA0]  }
0x64: {  	v27 =	vld [tilespmem:s18+$0xFFFFFDB0]  }
0x65: {  	v28 =	vld [tilespmem:s18+$0xFFFFFDC0]  }
0x66: {  	v29 =	vld [tilespmem:s18+$0xFFFFFDD0]  }
0x67: {  	v30 =	vld [tilespmem:s18+$0xFFFFFDE0]  }
0x68: {  	v31 =	vld [tilespmem:s18+$0xFFFFFDF0]  }
0x69: {  	v32 =	vld [tilespmem:s18+$0xFFFFFE00]  }
0x6a: {  	v33 =	vld [tilespmem:s18+$0xFFFFFE10]  }
0x6b: {  	v34 =	vld [tilespmem:s18+$0xFFFFFE20]  }
0x6c: {  	v35 =	vld [tilespmem:s18+$0xFFFFFE30]  }
0x6d: {  	v36 =	vld [tilespmem:s18+$0xFFFFFE40]  }
0x6e: {  	v37 =	vld [tilespmem:s18+$0xFFFFFE50]  }
0x6f: {  	v38 =	vld [tilespmem:s18+$0xFFFFFE60]  }
0x70: {  	v39 =	vld [tilespmem:s18+$0xFFFFFE70]  }
0x71: {  	v40 =	vld [tilespmem:s18+$0xFFFFFE80]  }
0x72: {  	v41 =	vld [tilespmem:s18+$0xFFFFFE90]  }
0x73: {  	v42 =	vld [tilespmem:s18+$0xFFFFFEA0]  }
0x74: {  	v43 =	vld [tilespmem:s18+$0xFFFFFEB0]  }
0x75: {  	v44 =	vld [tilespmem:s18+$0xFFFFFEC0]  }
0x76: {  	v45 =	vld [tilespmem:s18+$0xFFFFFED0]  }
0x77: {  	v46 =	vld [tilespmem:s18+$0xFFFFFEE0]  }
0x78: {  	v47 =	vld [tilespmem:s18+$0xFFFFFEF0]  }
0x79: {  	v48 =	vld [tilespmem:s18+$0xFFFFFF00]  }
0x7a: {  	v49 =	vld [tilespmem:s18+$0xFFFFFF10]  }
0x7b: {  	v50 =	vld [tilespmem:s18+$0xFFFFFF20]  }
0x7c: {  	v51 =	vld [tilespmem:s18+$0xFFFFFF30]  }
0x7d: {  	v52 =	vld [tilespmem:s18+$0xFFFFFF40]  }
0x7e: {  	v53 =	vld [tilespmem:s18+$0xFFFFFF50]  }
0x7f: {  	v54 =	vld [tilespmem:s18+$0xFFFFFF60]  }
0x80: {  	v55 =	vld [tilespmem:s18+$0xFFFFFF70]  }
0x81: {  	v56 =	vld [tilespmem:s18+$0xFFFFFF80]  }
0x82: {  	v57 =	vld [tilespmem:s18+$0xFFFFFF90]  }
0x83: {  	v58 =	vld [tilespmem:s18+$0xFFFFFFA0]  }
0x84: {  	v62 =	vld [tilespmem:s18+$0xFFFFFFE0]  }
0x85: {  	v59 =	vld [tilespmem:s18+$0xFFFFFFB0]  }
0x86: {  	v60 =	vld [tilespmem:s18+$0xFFFFFFC0]  }
0x87: {  	v61 =	vld [tilespmem:s18+$0xFFFFFFD0]  }
0x88: {  	v63 =	vld [tilespmem:s18+$0xFFFFFFF0]  }
0x89: {  	[tilespmem:$0x1FF60] =	vst v62;
	v62 =	vld [tilespmem:s18+$0x0]  }
0x8a: {  	v1 =	vadd.f32 v9, v1;
	v9 =	vld [tilespmem:s18+$0xA0]  }
0x8b: {  	v2 =	vadd.f32 v10, v2;
	v10 =	vld [tilespmem:s18+$0xB0]  }
0x8c: {  	v3 =	vadd.f32 v11, v3;
	v11 =	vld [tilespmem:s18+$0xC0]  }
0x8d: {  	v4 =	vadd.f32 v12, v4;
	v12 =	vld [tilespmem:s18+$0xD0]  }
0x8e: {  	v5 =	vadd.f32 v13, v5;
	v13 =	vld [tilespmem:s18+$0xE0]  }
0x8f: {  	v0 =	vadd.f32 v8, v0;
	v6 =	vadd.f32 v14, v6;
	v14 =	vld [tilespmem:s18+$0xF0]  }
0x90: {  	v7 =	vadd.f32 v15, v7;
	v15 =	vld [tilespmem:s18+$0x100]  }
0x91: {  	v0 =	vadd.f32 v16, v0;
	v16 =	vld [tilespmem:s18+$0x110]  }
0x92: {  	v1 =	vadd.f32 v17, v1;
	v17 =	vld [tilespmem:s18+$0x120]  }
0x93: {  	v2 =	vadd.f32 v18, v2;
	v18 =	vld [tilespmem:s18+$0x130]  }
0x94: {  	v3 =	vadd.f32 v19, v3;
	v19 =	vld [tilespmem:s18+$0x140]  }
0x95: {  	v4 =	vadd.f32 v20, v4;
	v20 =	vld [tilespmem:s18+$0x150]  }
0x96: {  	v5 =	vadd.f32 v21, v5;
	v21 =	vld [tilespmem:s18+$0x160]  }
0x97: {  	v6 =	vadd.f32 v22, v6;
	v22 =	vld [tilespmem:s18+$0x170]  }
0x98: {  	v7 =	vadd.f32 v23, v7;
	v23 =	vld [tilespmem:s18+$0x180]  }
0x99: {  	v0 =	vadd.f32 v24, v0;
	v24 =	vld [tilespmem:s18+$0x190]  }
0x9a: {  	[tilespmem:$0x1FF70] =	vst v62;
	v62 =	vld [tilespmem:s18+$0x10]  }
0x9b: {  	v1 =	vadd.f32 v25, v1;
	v25 =	vld [tilespmem:s18+$0x1A0]  }
0x9c: {  	v2 =	vadd.f32 v26, v2;
	v26 =	vld [tilespmem:s18+$0x1B0]  }
0x9d: {  	v3 =	vadd.f32 v27, v3;
	v27 =	vld [tilespmem:s18+$0x1C0]  }
0x9e: {  	v5 =	vadd.f32 v29, v5;
	v29 =	vld [tilespmem:s18+$0x1E0]  }
0x9f: {  	[tilespmem:$0x1FF80] =	vst v62;
	v62 =	vld [tilespmem:s18+$0x20]  }
0xa0: {  	v6 =	vadd.f32 v30, v6;
	v30 =	vld [tilespmem:s18+$0x1F0]  }
0xa1: {  	v7 =	vadd.f32 v31, v7;
	v31 =	vld [tilespmem:s18+$0x200]  }
0xa2: {  	v0 =	vadd.f32 v32, v0;
	v32 =	vld [tilespmem:s18+$0x210]  }
0xa3: {  	v1 =	vadd.f32 v33, v1;
	v33 =	vld [tilespmem:s18+$0x220]  }
0xa4: {  	[tilespmem:$0x1FF90] =	vst v62;
	v62 =	vld [tilespmem:s18+$0x30]  }
0xa5: {  	v4 =	vadd.f32 v28, v4;
	v2 =	vadd.f32 v34, v2;
	v34 =	vld [tilespmem:s18+$0x230]  }
0xa6: {  	v3 =	vadd.f32 v35, v3;
	v35 =	vld [tilespmem:s18+$0x240]  }
0xa7: {  	v4 =	vadd.f32 v36, v4;
	v36 =	vld [tilespmem:s18+$0x250]  }
0xa8: {  	v0 =	vadd.f32 v40, v0;
	v40 =	vld [tilespmem:s18+$0x2B0]  }
0xa9: {  	[tilespmem:$0x1FFA0] =	vst v62;
	v62 =	vld [tilespmem:s18+$0x40]  }
0xaa: {  	v5 =	vadd.f32 v37, v5;
	v1 =	vadd.f32 v41, v1;
	v41 =	vld [tilespmem:s18+$0x2C0]  }
0xab: {  	v6 =	vadd.f32 v38, v6;
	v2 =	vadd.f32 v42, v2;
	v42 =	vld [tilespmem:s18+$0x2D0]  }
0xac: {  	v7 =	vadd.f32 v39, v7;
	v3 =	vadd.f32 v43, v3;
	v43 =	vld [tilespmem:s18+$0x2E0]  }
0xad: {  	v4 =	vadd.f32 v44, v4;
	v5 =	vadd.f32 v45, v5;
	v44 =	vld [tilespmem:s18+$0x2F0]  }
0xae: {  	v6 =	vadd.f32 v46, v6;
	v7 =	vadd.f32 v47, v7;
	[tilespmem:$0x1FFB0] =	vst v62;
	v62 =	vld [tilespmem:s18+$0x50]  }
0xaf: {  	v0 =	vadd.f32 v48, v0;
	v4 =	vadd.f32 v52, v4;
	v52 =	vld [tilespmem:$0x1FF90]  }
0xb0: {  	v45 =	vld [tilespmem:s18+$0x300];
	v1 =	vadd.f32 v49, v1;
	v2 =	vadd.f32 v50, v2  }
0xb1: {  	v3 =	vadd.f32 v51, v3;
	v5 =	vadd.f32 v53, v5;
	v49 =	vld [tilespmem:$0x1FF60]  }
0xb2: {  	v6 =	vadd.f32 v54, v6;
	v2 =	vadd.f32 v58, v2;
	v53 =	vld [tilespmem:$0x1FFA0]  }
0xb3: {  	v7 =	vadd.f32 v55, v7;
	v0 =	vadd.f32 v56, v0;
	[tilespmem:$0x1FFC0] =	vst v62;
	v62 =	vld [tilespmem:s18+$0x60]  }
0xb4: {  	v1 =	vadd.f32 v57, v1;
	v2 =	vadd.f32 v52, v2;
	v55 =	vld [tilespmem:$0x1FFB0]  }
0xb5: {  	v50 =	vld [tilespmem:$0x1FF70];
	v3 =	vadd.f32 v59, v3;
	v4 =	vadd.f32 v60, v4  }
0xb6: {  	v51 =	vld [tilespmem:$0x1FF80];
	v5 =	vadd.f32 v61, v5;
	v2 =	vadd.f32 v9, v2  }
0xb7: {  	v7 =	vadd.f32 v63, v7;
	v63 =	vld [tilespmem:s18+$0x2A0];
	v3 =	vadd.f32 v53, v3  }
0xb8: {  	v6 =	vadd.f32 v49, v6;
	v2 =	vadd.f32 v17, v2;
	[tilespmem:$0x1FFD0] =	vst v62;
	v62 =	vld [tilespmem:s18+$0x70]  }
0xb9: {  	v3 =	vadd.f32 v10, v3;
	v4 =	vadd.f32 v55, v4;
	v56 =	vld [tilespmem:$0x1FFC0]  }
0xba: {  	v47 =	vld [tilespmem:s18+$0x320];
	v0 =	vadd.f32 v50, v0;
	v2 =	vadd.f32 v25, v2  }
0xbb: {  	v48 =	vld [tilespmem:s18+$0x1D0];
	v3 =	vadd.f32 v18, v3;
	v4 =	vadd.f32 v11, v4  }
0xbc: {  	v1 =	vadd.f32 v51, v1;
	v2 =	vadd.f32 v33, v2;
	v58 =	vld [tilespmem:$0x1FFD0]  }
0xbd: {  	v3 =	vadd.f32 v26, v3;
	v4 =	vadd.f32 v19, v4;
	[tilespmem:$0x1FFE0] =	vst v62;
	v62 =	vld [tilespmem:s18+$0x80]  }
0xbe: {  	v2 =	vadd.f32 v63, v2;
	v55 =	vld [tilespmem:s18+$0x3A0];
	v5 =	vadd.f32 v56, v5  }
0xbf: {  	v49 =	vld [tilespmem:s18+$0x340];
	v3 =	vadd.f32 v34, v3;
	v4 =	vadd.f32 v27, v4  }
0xc0: {  	v2 =	vadd.f32 v47, v2;
	v5 =	vadd.f32 v12, v5;
	v59 =	vld [tilespmem:$0x1FFE0]  }
0xc1: {  	v46 =	vld [tilespmem:s18+$0x310];
	v3 =	vadd.f32 v40, v3;
	v4 =	vadd.f32 v35, v4  }
0xc2: {  	v5 =	vadd.f32 v20, v5;
	v6 =	vadd.f32 v58, v6;
	[tilespmem:$0x1FFF0] =	vst v62;
	v62 =	vld [tilespmem:s18+$0x90]  }
0xc3: {  	v2 =	vadd.f32 v55, v2;
	v4 =	vadd.f32 v41, v4;
	v61 =	vld [tilespmem:$0x1FFF0]  }
0xc4: {  	v54 =	vld [tilespmem:s18+$0x260];
	v5 =	vadd.f32 v48, v5;
	v6 =	vadd.f32 v13, v6  }
0xc5: {  	v57 =	vld [tilespmem:s18+$0x270];
	v4 =	vadd.f32 v49, v4;
	v7 =	vadd.f32 v59, v7  }
0xc6: {  	v60 =	vld [tilespmem:s18+$0x280];
	v5 =	vadd.f32 v36, v5;
	v6 =	vadd.f32 v21, v6  }
0xc7: {  	v48 =	vld [tilespmem:s18+$0x330];
	v7 =	vadd.f32 v14, v7;
	v1 =	vadd.f32 v62, v1  }
0xc8: {  	v50 =	vld [tilespmem:s18+$0x350];
	v5 =	vadd.f32 v42, v5;
	v0 =	vadd.f32 v61, v0  }
0xc9: {  	v56 =	vld [tilespmem:s18+$0x3B0];
	v7 =	vadd.f32 v22, v7;
	v1 =	vadd.f32 v16, v1  }
0xca: {  	v6 =	vadd.f32 v29, v6;
	v62 =	vld [tilespmem:s18+$0x290];
	v0 =	vadd.f32 v15, v0  }
0xcb: {  	v51 =	vld [tilespmem:s18+$0x360];
	v7 =	vadd.f32 v30, v7;
	v1 =	vadd.f32 v24, v1  }
0xcc: {  	v52 =	vld [tilespmem:s18+$0x370];
	v3 =	vadd.f32 v48, v3;
	v0 =	vadd.f32 v23, v0  }
0xcd: {  	v7 =	vadd.f32 v57, v7;
	v57 =	vld [tilespmem:s18+$0x3C0];
	v1 =	vadd.f32 v32, v1  }
0xce: {  	v6 =	vadd.f32 v54, v6;
	v54 =	vld [tilespmem:s18+$0x390];
	v0 =	vadd.f32 v31, v0  }
0xcf: {  	v53 =	vld [tilespmem:s18+$0x380];
	v3 =	vadd.f32 v56, v3;
	v1 =	vadd.f32 v62, v1  }
0xd0: {  	v59 =	vld [tilespmem:s18+$0x3E0];
	v6 =	vadd.f32 v43, v6;
	v0 =	vadd.f32 v60, v0  }
0xd1: {  	s21 =	sshra.s32 s2, $0x2;
	v7 =	vadd.f32 v44, v7;
	v60 =	vld [tilespmem:s18+$0x3F0];
	v1 =	vadd.f32 v46, v1  }
0xd2: {  	v58 =	vld [tilespmem:s18+$0x3D0];
	v4 =	vadd.f32 v57, v4;
	[tilespmem:s21+$0x1A020] =	vst v2;
	v0 =	vadd.f32 v45, v0  }
0xd3: {  	v62 =	vadd.f32 v51, v6;
	[tilespmem:s21+$0x1A030] =	vst v3;
	v1 =	vadd.f32 v54, v1  }
0xd4: {  	p1 =	sne.s32 s2, $0xE00;
	v63 =	vadd.f32 v52, v7;
	[tilespmem:s21+$0x1A040] =	vst v4;
	v0 =	vadd.f32 v53, v0  }
.Ltmp0:
0xd5: {  	v61 =	vadd.f32 v50, v5;
	[tilespmem:s21+$0x1A010] =	vst v1;
	v1 =	vadd.f32 v59, v62;
	(pc) =	sbr.rel @p1 .LBB2_3-.Ltmp0, $4  }
0xd6: {  	v2 =	vadd.f32 v60, v63;
	[tilespmem:s21+$0x1A000] =	vst v0  }
0xd7: {  	v0 =	vadd.f32 v58, v61;
	[tilespmem:s21+$0x1A060] =	vst v1  }
0xd8: {  	[tilespmem:s21+$0x1A070] =	vst v2  }
0xd9: {  	s2 =	sadd.s32 $0x200, s2;
	s18 =	sadd.s32 $0x800, s18;
	[tilespmem:s21+$0x1A050] =	vst v0  }
0xda: {  	p1 =	sne.s32 s31, $0x1F  }
.Ltmp1:
0xdb: {  	_ = 	snop;
	(pc) =	sbr.rel @p1 .LBB2_6-.Ltmp1, $4  }
0xdc: {  	_ = 	snop  }
0xdd: {  	s2 =	sshll.u32 s31, $0x8  }
0xde: {  	s18 =	sadd.s32 s2, s11  }
0xdf: {  	[hbm4b:s18+s4] =	stream.linear.scatter [tilespmem:s25], [sflag:$0x3], $0x400, $0x38;
	[tilespmem:$0x1AA00] =	vst v63  }
.Ltmp2:
0xe0: {  	(pc) =	sbr.rel .LBB2_7-.Ltmp2, $4  }
0xe1: {  	_ = 	snop  }
0xe2: {  	_ =	swait.ge [sflag:s22], $0x4000  }
0xe3: {  	[sflag:s22] =	ssyncset.done $0x0  }
0xe4: {  	[sflag:s22] =	ssyncadd.s32 $0xFFFFC000  }
.LBB2_6:
0xe5: {  	s2 =	sand.u32 $0x3FFFFF00, s2  }
.Ltmp3:
0xe6: {  	s2 =	sadd.s32 $0x10100, s2;
	(pc) =	sbr.rel @p0 .LBB2_8-.Ltmp3, $4  }
0xe7: {  	[tilespmem:s17], [sflag:$0x1] =	stream.indirect.gather [spmem:s3], $0x80, s2, s16, $0xb8;
	[tilespmem:$0x1AA00] =	vst v63  }
0xe8: {  	_ =	swait.ge [sflag:s22], $0x4000  }
0xe9: {  	[sflag:s22] =	ssyncset.done $0x0  }
0xea: {  	[sflag:s22] =	ssyncadd.s32 $0xFFFFC000  }
.LBB2_7:
0xeb: {  	_ =	swait.ge [sflag:s26], $0x400  }
0xec: {  	[sflag:s26] =	ssyncset.done $0x0  }
0xed: {  	[sflag:s26] =	ssyncadd.s32 $0xFFFFFC00  }
.LBB2_8:
0xee: {  	s2 =	simm.s32 $0x0;
	s18 =	simm.s32 $0x16400  }
.LBB2_9:
0xef: {  	v0 =	vld [tilespmem:s18+$0xFFFFFC00]  }
0xf0: {  	v1 =	vld [tilespmem:s18+$0xFFFFFC10]  }
0xf1: {  	v2 =	vld [tilespmem:s18+$0xFFFFFC20]  }
0xf2: {  	v3 =	vld [tilespmem:s18+$0xFFFFFC30]  }
0xf3: {  	v4 =	vld [tilespmem:s18+$0xFFFFFC40]  }
0xf4: {  	v5 =	vld [tilespmem:s18+$0xFFFFFC50]  }
0xf5: {  	v6 =	vld [tilespmem:s18+$0xFFFFFC60]  }
0xf6: {  	v7 =	vld [tilespmem:s18+$0xFFFFFC70]  }
0xf7: {  	v8 =	vld [tilespmem:s18+$0xFFFFFC80]  }
0xf8: {  	v9 =	vld [tilespmem:s18+$0xFFFFFC90]  }
0xf9: {  	v10 =	vld [tilespmem:s18+$0xFFFFFCA0]  }
0xfa: {  	v11 =	vld [tilespmem:s18+$0xFFFFFCB0]  }
0xfb: {  	v12 =	vld [tilespmem:s18+$0xFFFFFCC0]  }
0xfc: {  	v13 =	vld [tilespmem:s18+$0xFFFFFCD0]  }
0xfd: {  	v14 =	vld [tilespmem:s18+$0xFFFFFCE0]  }
0xfe: {  	v15 =	vld [tilespmem:s18+$0xFFFFFCF0]  }
0xff: {  	v16 =	vld [tilespmem:s18+$0xFFFFFD00]  }
0x100: {  	v17 =	vld [tilespmem:s18+$0xFFFFFD10]  }
0x101: {  	v18 =	vld [tilespmem:s18+$0xFFFFFD20]  }
0x102: {  	v19 =	vld [tilespmem:s18+$0xFFFFFD30]  }
0x103: {  	v20 =	vld [tilespmem:s18+$0xFFFFFD40]  }
0x104: {  	v21 =	vld [tilespmem:s18+$0xFFFFFD50]  }
0x105: {  	v22 =	vld [tilespmem:s18+$0xFFFFFD60]  }
0x106: {  	v23 =	vld [tilespmem:s18+$0xFFFFFD70]  }
0x107: {  	v24 =	vld [tilespmem:s18+$0xFFFFFD80]  }
0x108: {  	v25 =	vld [tilespmem:s18+$0xFFFFFD90]  }
0x109: {  	v26 =	vld [tilespmem:s18+$0xFFFFFDA0]  }
0x10a: {  	v27 =	vld [tilespmem:s18+$0xFFFFFDB0]  }
0x10b: {  	v28 =	vld [tilespmem:s18+$0xFFFFFDC0]  }
0x10c: {  	v29 =	vld [tilespmem:s18+$0xFFFFFDD0]  }
0x10d: {  	v30 =	vld [tilespmem:s18+$0xFFFFFDE0]  }
0x10e: {  	v31 =	vld [tilespmem:s18+$0xFFFFFDF0]  }
0x10f: {  	v32 =	vld [tilespmem:s18+$0xFFFFFE00]  }
0x110: {  	v33 =	vld [tilespmem:s18+$0xFFFFFE10]  }
0x111: {  	v34 =	vld [tilespmem:s18+$0xFFFFFE20]  }
0x112: {  	v35 =	vld [tilespmem:s18+$0xFFFFFE30]  }
0x113: {  	v36 =	vld [tilespmem:s18+$0xFFFFFE40]  }
0x114: {  	v37 =	vld [tilespmem:s18+$0xFFFFFE50]  }
0x115: {  	v38 =	vld [tilespmem:s18+$0xFFFFFE60]  }
0x116: {  	v39 =	vld [tilespmem:s18+$0xFFFFFE70]  }
0x117: {  	v40 =	vld [tilespmem:s18+$0xFFFFFE80]  }
0x118: {  	v41 =	vld [tilespmem:s18+$0xFFFFFE90]  }
0x119: {  	v42 =	vld [tilespmem:s18+$0xFFFFFEA0]  }
0x11a: {  	v43 =	vld [tilespmem:s18+$0xFFFFFEB0]  }
0x11b: {  	v44 =	vld [tilespmem:s18+$0xFFFFFEC0]  }
0x11c: {  	v45 =	vld [tilespmem:s18+$0xFFFFFED0]  }
0x11d: {  	v46 =	vld [tilespmem:s18+$0xFFFFFEE0]  }
0x11e: {  	v47 =	vld [tilespmem:s18+$0xFFFFFEF0]  }
0x11f: {  	v48 =	vld [tilespmem:s18+$0xFFFFFF00]  }
0x120: {  	v49 =	vld [tilespmem:s18+$0xFFFFFF10]  }
0x121: {  	v50 =	vld [tilespmem:s18+$0xFFFFFF20]  }
0x122: {  	v51 =	vld [tilespmem:s18+$0xFFFFFF30]  }
0x123: {  	v52 =	vld [tilespmem:s18+$0xFFFFFF40]  }
0x124: {  	v53 =	vld [tilespmem:s18+$0xFFFFFF50]  }
0x125: {  	v54 =	vld [tilespmem:s18+$0xFFFFFF60]  }
0x126: {  	v55 =	vld [tilespmem:s18+$0xFFFFFF70]  }
0x127: {  	v56 =	vld [tilespmem:s18+$0xFFFFFF80]  }
0x128: {  	v57 =	vld [tilespmem:s18+$0xFFFFFF90]  }
0x129: {  	v58 =	vld [tilespmem:s18+$0xFFFFFFA0]  }
0x12a: {  	v62 =	vld [tilespmem:s18+$0xFFFFFFE0]  }
0x12b: {  	v59 =	vld [tilespmem:s18+$0xFFFFFFB0]  }
0x12c: {  	v60 =	vld [tilespmem:s18+$0xFFFFFFC0]  }
0x12d: {  	v61 =	vld [tilespmem:s18+$0xFFFFFFD0]  }
0x12e: {  	v63 =	vld [tilespmem:s18+$0xFFFFFFF0]  }
0x12f: {  	[tilespmem:$0x1FEC0] =	vst v62;
	v62 =	vld [tilespmem:s18+$0x0]  }
0x130: {  	v1 =	vadd.f32 v9, v1;
	v9 =	vld [tilespmem:s18+$0xA0]  }
0x131: {  	v2 =	vadd.f32 v10, v2;
	v10 =	vld [tilespmem:s18+$0xB0]  }
0x132: {  	v3 =	vadd.f32 v11, v3;
	v11 =	vld [tilespmem:s18+$0xC0]  }
0x133: {  	v4 =	vadd.f32 v12, v4;
	v12 =	vld [tilespmem:s18+$0xD0]  }
0x134: {  	v5 =	vadd.f32 v13, v5;
	v13 =	vld [tilespmem:s18+$0xE0]  }
0x135: {  	v0 =	vadd.f32 v8, v0;
	v6 =	vadd.f32 v14, v6;
	v14 =	vld [tilespmem:s18+$0xF0]  }
0x136: {  	v7 =	vadd.f32 v15, v7;
	v15 =	vld [tilespmem:s18+$0x100]  }
0x137: {  	v0 =	vadd.f32 v16, v0;
	v16 =	vld [tilespmem:s18+$0x110]  }
0x138: {  	v1 =	vadd.f32 v17, v1;
	v17 =	vld [tilespmem:s18+$0x120]  }
0x139: {  	v2 =	vadd.f32 v18, v2;
	v18 =	vld [tilespmem:s18+$0x130]  }
0x13a: {  	v3 =	vadd.f32 v19, v3;
	v19 =	vld [tilespmem:s18+$0x140]  }
0x13b: {  	v4 =	vadd.f32 v20, v4;
	v20 =	vld [tilespmem:s18+$0x150]  }
0x13c: {  	v5 =	vadd.f32 v21, v5;
	v21 =	vld [tilespmem:s18+$0x160]  }
0x13d: {  	v6 =	vadd.f32 v22, v6;
	v22 =	vld [tilespmem:s18+$0x170]  }
0x13e: {  	v7 =	vadd.f32 v23, v7;
	v23 =	vld [tilespmem:s18+$0x180]  }
0x13f: {  	v0 =	vadd.f32 v24, v0;
	v24 =	vld [tilespmem:s18+$0x190]  }
0x140: {  	[tilespmem:$0x1FED0] =	vst v62;
	v62 =	vld [tilespmem:s18+$0x10]  }
0x141: {  	v1 =	vadd.f32 v25, v1;
	v25 =	vld [tilespmem:s18+$0x1A0]  }
0x142: {  	v2 =	vadd.f32 v26, v2;
	v26 =	vld [tilespmem:s18+$0x1B0]  }
0x143: {  	v3 =	vadd.f32 v27, v3;
	v27 =	vld [tilespmem:s18+$0x1C0]  }
0x144: {  	v5 =	vadd.f32 v29, v5;
	v29 =	vld [tilespmem:s18+$0x1E0]  }
0x145: {  	[tilespmem:$0x1FEE0] =	vst v62;
	v62 =	vld [tilespmem:s18+$0x20]  }
0x146: {  	v6 =	vadd.f32 v30, v6;
	v30 =	vld [tilespmem:s18+$0x1F0]  }
0x147: {  	v7 =	vadd.f32 v31, v7;
	v31 =	vld [tilespmem:s18+$0x200]  }
0x148: {  	v0 =	vadd.f32 v32, v0;
	v32 =	vld [tilespmem:s18+$0x210]  }
0x149: {  	v1 =	vadd.f32 v33, v1;
	v33 =	vld [tilespmem:s18+$0x220]  }
0x14a: {  	[tilespmem:$0x1FEF0] =	vst v62;
	v62 =	vld [tilespmem:s18+$0x30]  }
0x14b: {  	v4 =	vadd.f32 v28, v4;
	v2 =	vadd.f32 v34, v2;
	v34 =	vld [tilespmem:s18+$0x230]  }
0x14c: {  	v3 =	vadd.f32 v35, v3;
	v35 =	vld [tilespmem:s18+$0x240]  }
0x14d: {  	v4 =	vadd.f32 v36, v4;
	v36 =	vld [tilespmem:s18+$0x250]  }
0x14e: {  	v0 =	vadd.f32 v40, v0;
	v40 =	vld [tilespmem:s18+$0x2B0]  }
0x14f: {  	[tilespmem:$0x1FF00] =	vst v62;
	v62 =	vld [tilespmem:s18+$0x40]  }
0x150: {  	v5 =	vadd.f32 v37, v5;
	v1 =	vadd.f32 v41, v1;
	v41 =	vld [tilespmem:s18+$0x2C0]  }
0x151: {  	v6 =	vadd.f32 v38, v6;
	v2 =	vadd.f32 v42, v2;
	v42 =	vld [tilespmem:s18+$0x2D0]  }
0x152: {  	v7 =	vadd.f32 v39, v7;
	v3 =	vadd.f32 v43, v3;
	v43 =	vld [tilespmem:s18+$0x2E0]  }
0x153: {  	v4 =	vadd.f32 v44, v4;
	v5 =	vadd.f32 v45, v5;
	v44 =	vld [tilespmem:s18+$0x2F0]  }
0x154: {  	v6 =	vadd.f32 v46, v6;
	v7 =	vadd.f32 v47, v7;
	[tilespmem:$0x1FF10] =	vst v62;
	v62 =	vld [tilespmem:s18+$0x50]  }
0x155: {  	v0 =	vadd.f32 v48, v0;
	v4 =	vadd.f32 v52, v4;
	v52 =	vld [tilespmem:$0x1FEF0]  }
0x156: {  	v45 =	vld [tilespmem:s18+$0x300];
	v1 =	vadd.f32 v49, v1;
	v2 =	vadd.f32 v50, v2  }
0x157: {  	v3 =	vadd.f32 v51, v3;
	v5 =	vadd.f32 v53, v5;
	v49 =	vld [tilespmem:$0x1FEC0]  }
0x158: {  	v6 =	vadd.f32 v54, v6;
	v2 =	vadd.f32 v58, v2;
	v53 =	vld [tilespmem:$0x1FF00]  }
0x159: {  	v7 =	vadd.f32 v55, v7;
	v0 =	vadd.f32 v56, v0;
	[tilespmem:$0x1FF20] =	vst v62;
	v62 =	vld [tilespmem:s18+$0x60]  }
0x15a: {  	v1 =	vadd.f32 v57, v1;
	v2 =	vadd.f32 v52, v2;
	v55 =	vld [tilespmem:$0x1FF10]  }
0x15b: {  	v50 =	vld [tilespmem:$0x1FED0];
	v3 =	vadd.f32 v59, v3;
	v4 =	vadd.f32 v60, v4  }
0x15c: {  	v51 =	vld [tilespmem:$0x1FEE0];
	v5 =	vadd.f32 v61, v5;
	v2 =	vadd.f32 v9, v2  }
0x15d: {  	v7 =	vadd.f32 v63, v7;
	v63 =	vld [tilespmem:s18+$0x2A0];
	v3 =	vadd.f32 v53, v3  }
0x15e: {  	v6 =	vadd.f32 v49, v6;
	v2 =	vadd.f32 v17, v2;
	[tilespmem:$0x1FF30] =	vst v62;
	v62 =	vld [tilespmem:s18+$0x70]  }
0x15f: {  	v3 =	vadd.f32 v10, v3;
	v4 =	vadd.f32 v55, v4;
	v56 =	vld [tilespmem:$0x1FF20]  }
0x160: {  	v47 =	vld [tilespmem:s18+$0x320];
	v0 =	vadd.f32 v50, v0;
	v2 =	vadd.f32 v25, v2  }
0x161: {  	v48 =	vld [tilespmem:s18+$0x1D0];
	v3 =	vadd.f32 v18, v3;
	v4 =	vadd.f32 v11, v4  }
0x162: {  	v1 =	vadd.f32 v51, v1;
	v2 =	vadd.f32 v33, v2;
	v58 =	vld [tilespmem:$0x1FF30]  }
0x163: {  	v3 =	vadd.f32 v26, v3;
	v4 =	vadd.f32 v19, v4;
	[tilespmem:$0x1FF40] =	vst v62;
	v62 =	vld [tilespmem:s18+$0x80]  }
0x164: {  	v2 =	vadd.f32 v63, v2;
	v55 =	vld [tilespmem:s18+$0x3A0];
	v5 =	vadd.f32 v56, v5  }
0x165: {  	v49 =	vld [tilespmem:s18+$0x340];
	v3 =	vadd.f32 v34, v3;
	v4 =	vadd.f32 v27, v4  }
0x166: {  	v2 =	vadd.f32 v47, v2;
	v5 =	vadd.f32 v12, v5;
	v59 =	vld [tilespmem:$0x1FF40]  }
0x167: {  	v46 =	vld [tilespmem:s18+$0x310];
	v3 =	vadd.f32 v40, v3;
	v4 =	vadd.f32 v35, v4  }
0x168: {  	v5 =	vadd.f32 v20, v5;
	v6 =	vadd.f32 v58, v6;
	[tilespmem:$0x1FF50] =	vst v62;
	v62 =	vld [tilespmem:s18+$0x90]  }
0x169: {  	v2 =	vadd.f32 v55, v2;
	v4 =	vadd.f32 v41, v4;
	v61 =	vld [tilespmem:$0x1FF50]  }
0x16a: {  	v54 =	vld [tilespmem:s18+$0x260];
	v5 =	vadd.f32 v48, v5;
	v6 =	vadd.f32 v13, v6  }
0x16b: {  	v57 =	vld [tilespmem:s18+$0x270];
	v4 =	vadd.f32 v49, v4;
	v7 =	vadd.f32 v59, v7  }
0x16c: {  	v60 =	vld [tilespmem:s18+$0x280];
	v5 =	vadd.f32 v36, v5;
	v6 =	vadd.f32 v21, v6  }
0x16d: {  	v48 =	vld [tilespmem:s18+$0x330];
	v7 =	vadd.f32 v14, v7;
	v1 =	vadd.f32 v62, v1  }
0x16e: {  	v50 =	vld [tilespmem:s18+$0x350];
	v5 =	vadd.f32 v42, v5;
	v0 =	vadd.f32 v61, v0  }
0x16f: {  	v56 =	vld [tilespmem:s18+$0x3B0];
	v7 =	vadd.f32 v22, v7;
	v1 =	vadd.f32 v16, v1  }
0x170: {  	v6 =	vadd.f32 v29, v6;
	v62 =	vld [tilespmem:s18+$0x290];
	v0 =	vadd.f32 v15, v0  }
0x171: {  	v51 =	vld [tilespmem:s18+$0x360];
	v7 =	vadd.f32 v30, v7;
	v1 =	vadd.f32 v24, v1  }
0x172: {  	v52 =	vld [tilespmem:s18+$0x370];
	v3 =	vadd.f32 v48, v3;
	v0 =	vadd.f32 v23, v0  }
0x173: {  	v7 =	vadd.f32 v57, v7;
	v57 =	vld [tilespmem:s18+$0x3C0];
	v1 =	vadd.f32 v32, v1  }
0x174: {  	v6 =	vadd.f32 v54, v6;
	v54 =	vld [tilespmem:s18+$0x390];
	v0 =	vadd.f32 v31, v0  }
0x175: {  	v53 =	vld [tilespmem:s18+$0x380];
	v3 =	vadd.f32 v56, v3;
	v1 =	vadd.f32 v62, v1  }
0x176: {  	v59 =	vld [tilespmem:s18+$0x3E0];
	v6 =	vadd.f32 v43, v6;
	v0 =	vadd.f32 v60, v0  }
0x177: {  	s21 =	sshra.s32 s2, $0x2;
	v7 =	vadd.f32 v44, v7;
	v60 =	vld [tilespmem:s18+$0x3F0];
	v1 =	vadd.f32 v46, v1  }
0x178: {  	v58 =	vld [tilespmem:s18+$0x3D0];
	v4 =	vadd.f32 v57, v4;
	[tilespmem:s21+$0x1A420] =	vst v2;
	v0 =	vadd.f32 v45, v0  }
0x179: {  	v62 =	vadd.f32 v51, v6;
	[tilespmem:s21+$0x1A430] =	vst v3;
	v1 =	vadd.f32 v54, v1  }
0x17a: {  	p0 =	sne.s32 s2, $0xE00;
	v63 =	vadd.f32 v52, v7;
	[tilespmem:s21+$0x1A440] =	vst v4;
	v0 =	vadd.f32 v53, v0  }
.Ltmp4:
0x17b: {  	v61 =	vadd.f32 v50, v5;
	[tilespmem:s21+$0x1A410] =	vst v1;
	v1 =	vadd.f32 v59, v62;
	(pc) =	sbr.rel @p0 .LBB2_9-.Ltmp4, $4  }
0x17c: {  	v2 =	vadd.f32 v60, v63;
	[tilespmem:s21+$0x1A400] =	vst v0  }
0x17d: {  	v0 =	vadd.f32 v58, v61;
	[tilespmem:s21+$0x1A460] =	vst v1  }
0x17e: {  	[tilespmem:s21+$0x1A470] =	vst v2  }
0x17f: {  	s2 =	sadd.s32 $0x200, s2;
	s18 =	sadd.s32 $0x800, s18;
	[tilespmem:s21+$0x1A450] =	vst v0  }
0x180: {  	s31 =	sadd.s32 $0x1, s31  }
0x181: {  	p0 =	sne.s32 s31, $0x20  }
.Ltmp5:
0x182: {  	_ = 	snop;
	(pc) =	sbr.rel @p0 .LBB2_2-.Ltmp5, $3  }
0x183: {  	_ =	sdelay $0x1  }
0x184: {  	s0 =	sadd.s32 s0, s11  }
0x185: {  	[hbm4b:s0+s4] =	stream.linear.scatter [tilespmem:s28], [sflag:$0x4], $0x400, $0x38;
	[tilespmem:$0x1AA00] =	vst v63  }
0x186: {  	s30 =	sadd.s32 $0x1, s30  }
0x187: {  	_ =	swait.ge [sflag:s29], $0x400;
	p0 =	sne.s32 s30, s12  }
.Ltmp6:
0x188: {  	[sflag:s29] =	ssyncset.done $0x0;
	(pc) =	sbr.rel @p0 .LBB2_1-.Ltmp6, $4  }
0x189: {  	[sflag:s29] =	ssyncadd.s32 $0xFFFFFC00  }
0x18a: {  	_ =	swait.ge [sflag:s26], $0x400  }
0x18b: {  	[sflag:s26] =	ssyncset.done $0x0  }
0x18c: {  	[sflag:s26] =	ssyncadd.s32 $0xFFFFFC00  }
0x18d: {  	_ =	sfence.sel $0x180000  }
0x18e: {  	[bflag:$0x0] =	sbarrier.arrive $0xFFFF  }
0x18f: {  	_ =	strace $0x90000047  }
0x190: {  	s0 =	stileid.u32;
	[bflag:$0x2] =	sbarrier.arrive $0xFFFF  }
0x191: {  	p0 =	sne.s32 s0, $0x0;
	s0 =	rddreg [dreg:$0x3]  }
0x192: {  	s0 =	sadd.s32 @!p0 $0x100000, s0  }
0x193: {  	[sflag:s0] =	ssyncadd.tile.s32 @!p0 $0x1;
	_ =	shalt  }
.Lfunc_end2:
_tile_overlayer_lowered:
.L_overlay_start_2:
0x194: {  	(tag) =	ssettag $0x2  }
0x195: {  	s0 =	rddreg [dreg:$0x0];
	s2 =	stileid.u32  }
0x196: {  	s1 =	rddreg [dreg:$0x1];
	p0 =	sne.s32 s2, $0x0  }
0x197: {  	s3 =	rddreg [dreg:$0x2];
	[bflag:$0x3] =	sbarrier.arrive $0xFFFF;
	s2 =	simm.s32 @!p0 $0x1C06  }
0x198: {  	[timem:s3], [sflag:s2] =	dma.local @!p0 [hbm:s0], s1  }
0x199: {  	s0 =	simm.s32 @!p0 $0x6  }
0x19a: {  	_ =	swait.ge @!p0 [sflag:s0], s1  }
0x19b: {  	s1 =	ssub.s32 @!p0 $0x0, s1;
	[sflag:s0] =	ssyncset.done @!p0 $0x0  }
0x19c: {  	[sflag:s0] =	ssyncadd.s32 @!p0 s1  }
0x19d: {  	[bflag:$0x3] =	sbarrier.arrive $0xFFFF  }
0x19e: {  	_ =	shalt  }

// kernel: kernel.9.cloned.1.call-start
scs
__scs_entry_jumppad:
0x0: {  	(pc) =	sbr.rel $0x88, $3  }
0x1: {  	(tag) =	ssettag $0x0;
	lr =	simm.s32 $0x1  }
0x2: {  	[smem:$0x3F84] =	sst lr;
	_ =	strace $0xD0000000  }
0x3: {  	_ = 	snop  }
0x4: {  	_ = 	snop  }
0x5: {  	_ = 	snop  }
0x6: {  	_ = 	snop  }
0x7: {  	_ = 	snop  }
__scs_overlays_trampoline_lowered:
0x8: {  	[smem:$0x3F93] =	sst s0  }
0x9: {  	[smem:$0x3F94] =	sst s1  }
0xa: {  	[smem:$0x3F95] =	sst s2  }
0xb: {  	[smem:$0x3F96] =	sst s3  }
0xc: {  	[smem:$0x3F97] =	sst s4  }
0xd: {  	[smem:$0x3F98] =	sst s5  }
0xe: {  	[smem:$0x3F99] =	sst s6  }
0xf: {  	[smem:$0x3F9A] =	sst s7  }
0x10: {  	[smem:$0x3F9B] =	sst s8  }
0x11: {  	[smem:$0x3F9C] =	sst s9;
	s0 =	simm.s32 @!p0 $0x0  }
0x12: {  	s1 =	sld [smem:$0x3F82];
	s0 =	simm.s32 @p0 $0x1  }
0x13: {  	[smem:$0x3F9D] =	sst s0;
	s0 =	simm.s32 @!p1 $0x0  }
0x14: {  	s2 =	sld [smem:$0x3F81];
	s0 =	simm.s32 @p1 $0x1  }
0x15: {  	[smem:$0x3F9E] =	sst s0;
	s0 =	simm.s32 @!p2 $0x0  }
0x16: {  	s3 =	sld [smem:$0x3FDB];
	s0 =	simm.s32 @p2 $0x1  }
0x17: {  	s4 =	simm.s32 $0x1BF5;
	[smem:$0x3FA0] =	sst s0  }
0x18: {  	s0 =	sld [smem:$0x3F83];
	_ =	swait.ge [sflag:s4], $0x0  }
0x19: {  	s7 =	sld [smem:$0x3F84]  }
0x1a: {  	s8 =	sadd.s32 $0xFFFFE003, lr  }
0x1b: {  	s9 =	sadd.s32 $0xFFFFFEF7, lr;
	s5 =	simm.s32 $0xFFFFFFFF;
	p2 =	slt.u32 s8, $0xFFFFF086  }
0x1c: {  	p1 =	slt.u32 s9, $0xF7A;
	s5 =	simm.s32 @!p2 $0x0  }
0x1d: {  	s5 =	simm.s32 @p1 $0x1;
	p0 =	seq.s32 s7, s2  }
0x1e: {  	s7 =	smul.u32 @!p0 $0xF7A, s2;
	p2 =	seq.s32 @!p0 s5, $0x0  }
0x1f: {  	s9 =	smul.u32 $0xF7A, s1;
	s8 =	simm.s32 @!p0 $0x1BF5;
	p2 =	por !p2, p0  }
0x20: {  	[sflag:s8] =	ssyncset.s32 @!p0 $0xFFFFF086;
	s6 =	sadd.s32 @!p0 s3, s7;
	s7 =	simm.s32 @!p0 $0x108  }
0x21: {  	s3 =	sadd.s32 s3, s9;
	s6 =	sadd.s32 @!p0 $0x88, s6;
	s7 =	simm.s32 @p2 $0x1082  }
0x22: {  	[simem:s7], [sflag:s8] =	dma.local @!p0 [hbm:s6], $0xF7A  }
0x23: {  	s9 =	sor.u32 $0xD0000000, s2;
	s6 =	simm.s32 $0x108;
	_ =	swait.ge @!p0 [sflag:s8], $0x0  }
0x24: {  	s3 =	sadd.s32 $0x88, s3;
	s6 =	simm.s32 @!p1 $0x1082;
	[sflag:s4] =	ssyncset.s32 $0xFFFFF086  }
0x25: {  	[simem:s6], [sflag:s4] =	dma.local [hbm:s3], $0xF7A  }
0x26: {  	[smem:$0x3F84] =	sst s1;
	(tag) =	ssettag s2;
	_ =	strace s9  }
0x27: {  	s1 =	sld [smem:$0x3F94]  }
0x28: {  	s2 =	sld [smem:$0x3F95]  }
0x29: {  	s4 =	sld [smem:$0x3F97]  }
0x2a: {  	p0 =	seq.s32 s5, $0x0;
	s5 =	sld [smem:$0x3F98]  }
0x2b: {  	s6 =	sld [smem:$0x3F99]  }
0x2c: {  	s7 =	sld [smem:$0x3F9A]  }
0x2d: {  	s3 =	simm.s32 $0x108;
	s8 =	sld [smem:$0x3F9B]  }
0x2e: {  	s3 =	simm.s32 @!p0 $0x1082;
	s9 =	sld [smem:$0x3F9C]  }
0x2f: {  	lr =	sadd.s32 s0, s3;
	s0 =	sld [smem:$0x3F93]  }
0x30: {  	s3 =	sld [smem:$0x3F96]  }
0x31: {  	[smem:$0x3F9F] =	sst s10  }
0x32: {  	s10 =	sld [smem:$0x3F9D];
	_ =	sdelay $0x3  }
0x33: {  	p0 =	seq.s32 s10, $0x1;
	s10 =	sld [smem:$0x3F9F];
	_ =	sdelay $0x3  }
0x34: {  	[smem:$0x3F9F] =	sst s10  }
0x35: {  	s10 =	sld [smem:$0x3F9E];
	_ =	sdelay $0x3  }
0x36: {  	p1 =	seq.s32 s10, $0x1;
	s10 =	sld [smem:$0x3F9F];
	_ =	sdelay $0x3  }
0x37: {  	[smem:$0x3F9F] =	sst s10  }
0x38: {  	s10 =	sld [smem:$0x3FA0]  }
0x39: {  	_ = 	snop;
	(pc) =	sbr.ind lr, $3  }
0x3a: {  	_ = 	snop  }
0x3b: {  	_ = 	snop  }
0x3c: {  	p2 =	seq.s32 s10, $0x1;
	s10 =	sld [smem:$0x3F9F]  }
0x3d: {  	_ =	shalt  }
0x3e: {  	_ =	shalt  }
0x3f: {  	_ =	shalt  }
0x40: {  	_ =	shalt  }
0x41: {  	_ =	shalt  }
0x42: {  	_ =	shalt  }
0x43: {  	_ =	shalt  }
0x44: {  	_ =	shalt  }
0x45: {  	_ =	shalt  }
0x46: {  	_ =	shalt  }
0x47: {  	_ =	shalt  }
0x48: {  	_ =	shalt  }
0x49: {  	_ =	shalt  }
0x4a: {  	_ =	shalt  }
0x4b: {  	_ =	shalt  }
0x4c: {  	_ =	shalt  }
0x4d: {  	_ =	shalt  }
0x4e: {  	_ =	shalt  }
0x4f: {  	_ =	shalt  }
0x50: {  	_ =	shalt  }
0x51: {  	_ =	shalt  }
0x52: {  	_ =	shalt  }
0x53: {  	_ =	shalt  }
0x54: {  	_ =	shalt  }
0x55: {  	_ =	shalt  }
0x56: {  	_ =	shalt  }
0x57: {  	_ =	shalt  }
0x58: {  	_ =	shalt  }
0x59: {  	_ =	shalt  }
0x5a: {  	_ =	shalt  }
0x5b: {  	_ =	shalt  }
0x5c: {  	_ =	shalt  }
0x5d: {  	_ =	shalt  }
0x5e: {  	_ =	shalt  }
0x5f: {  	_ =	shalt  }
0x60: {  	_ =	shalt  }
0x61: {  	_ =	shalt  }
0x62: {  	_ =	shalt  }
0x63: {  	_ =	shalt  }
0x64: {  	_ =	shalt  }
0x65: {  	_ =	shalt  }
0x66: {  	_ =	shalt  }
0x67: {  	_ =	shalt  }
0x68: {  	_ =	shalt  }
0x69: {  	_ =	shalt  }
0x6a: {  	_ =	shalt  }
0x6b: {  	_ =	shalt  }
0x6c: {  	_ =	shalt  }
0x6d: {  	_ =	shalt  }
0x6e: {  	_ =	shalt  }
0x6f: {  	_ =	shalt  }
0x70: {  	_ =	shalt  }
0x71: {  	_ =	shalt  }
0x72: {  	_ =	shalt  }
0x73: {  	_ =	shalt  }
0x74: {  	_ =	shalt  }
0x75: {  	_ =	shalt  }
0x76: {  	_ =	shalt  }
0x77: {  	_ =	shalt  }
0x78: {  	_ =	shalt  }
0x79: {  	_ =	shalt  }
0x7a: {  	_ =	shalt  }
0x7b: {  	_ =	shalt  }
0x7c: {  	_ =	shalt  }
0x7d: {  	_ =	shalt  }
0x7e: {  	_ =	shalt  }
0x7f: {  	_ =	shalt  }
0x80: {  	_ =	shalt  }
0x81: {  	_ =	shalt  }
0x82: {  	_ =	shalt  }
0x83: {  	_ =	shalt  }
0x84: {  	_ =	shalt  }
0x85: {  	_ =	shalt  }
0x86: {  	_ =	shalt  }
0x87: {  	_ =	shalt  }
.Lfunc_end0:
.L_simem_size_0:
called_computation.1_lowered:
.L_overlay_start_0:
0x88: {  	s2 =	sld [smem:$0x3FD9]  }
0x89: {  	s3 =	sld [smem:$0x3FFE];
	_ =	sdelay $0x1  }
0x8a: {  	s1 =	srdreg.scid  }
0x8b: {  	s0 =	sand.u32 $0x1, s1  }
0x8c: {  	s16 =	sshll.u32 s0, $0xA;
	s2 =	sadd.s32 s3, s2  }
0x8d: {  	s2 =	sadd.s32 s2, s16  }
0x8e: {  	[smem:$0x3FAB] =	sst s2  }
0x8f: {  	_ = 	snop  }
0x90: {  	(tm) =	ssettm $0x1  }
0x91: {  	s17 =	sld [smem:$0x3FFB];
	_ =	sdelay $0x3  }
0x92: {  	_ =	strace s17  }
0x93: {  	s2 =	sld [smem:$0x3FFC];
	_ =	sdelay $0x3  }
0x94: {  	_ =	strace s2  }
0x95: {  	s2 =	sld [smem:$0x3FFD];
	_ =	sdelay $0x3  }
0x96: {  	_ =	strace s2  }
0x97: {  	_ =	strace $0x8FFFFFFF  }
0x98: {  	s18 =	sld [smem:$0x3FDB];
	_ =	sdelay $0x1  }
0x99: {  	s19 =	simm.s32 $_scs_section_size  }
0x9a: {  	s4 =	simm.s32 $_size__tile_overlayer_lowered;
	s5 =	simm.s32 $_tile_overlayer_lowered  }
0x9b: {  	s22 =	simm.s32 $0x1BFF;
	s21 =	sshll.u32 s5, $0x1;
	s2 =	sadd.s32 s19, s18  }
0x9c: {  	s6 =	simm.s32 $0x0;
	s20 =	sshll.u32 s4, $0x1;
	s4 =	sadd.s32 s21, s2  }
0x9d: {  	[timem:s6], [sflag:s22] =	dma.local [hbm:s4], s20  }
0x9e: {  	_ =	swait.ge [sflag:s22], s20  }
0x9f: {  	s3 =	ssub.s32 $0x0, s20;
	[sflag:s22] =	ssyncset.done $0x0  }
0xa0: {  	[sflag:s22] =	ssyncadd.s32 s3;
	_ =	sdelay $0x1  }
0xa1: {  	s23 =	simm.s32 $0x1B8B  }
0xa2: {  	_ =	swait.ge [sflag:s23], $0x1  }
0xa3: {  	[sflag:s23] =	ssyncset.done $0x0  }
0xa4: {  	s25 =	simm.s32 $0x1B8E;
	s24 =	sld [smem:$0x3FFE];
	[sflag:s23] =	ssyncadd.s32 $0xFFFFFFFF  }
0xa5: {  	s26 =	simm.s32 $execute0_lowered;
	[smem:$0x3FD2] =	sst s25  }
0xa6: {  	s4 =	sshll.u32 s26, $0x1;
	_ =	strace $0x80000049;
	[dreg:$0x1] =	wrdreg $0xFFFFFFFF  }
0xa7: {  	s28 =	simm.s32 $_size_execute0_lowered;
	s2 =	sadd.s32 s2, s4;
	[dreg:$0x0] =	wrdreg $0x0  }
0xa8: {  	s4 =	sshll.u32 s28, $0x1;
	[dreg:$0x2] =	wrdreg s2  }
0xa9: {  	[dreg:$0x3] =	wrdreg s4  }
0xaa: {  	[dreg:$0x4] =	wrdreg $0xC0  }
0xab: {  	_ =	task [dreg:s6], $0x5FFFF  }
0xac: {  	[dreg:$0x1] =	wrdreg $0xFFFFFFFF  }
0xad: {  	[dreg:$0x0] =	wrdreg $0x60  }
0xae: {  	[dreg:$0x2] =	wrdreg s24  }
0xaf: {  	[dreg:$0x3] =	wrdreg $0x0  }
0xb0: {  	[dreg:$0x4] =	wrdreg $0x9  }
0xb1: {  	_ =	task.clear_ibuf [dreg:s6], $0x5FFFF;
	_ =	strace $0x90000049  }
0xb2: {  	s29 =	simm.s32 $0x9;
	_ =	strace $0x8000004B  }
0xb3: {  	_ =	swait.ge [sflag:s29], $0x1  }
0xb4: {  	[sflag:s29] =	ssyncadd.s32 $0xFFFFFFFF  }
0xb5: {  	_ =	strace $0x9000004B  }
0xb6: {  	_ =	sfence  }
0xb7: {  	s30 =	sld [smem:$0x0];
	_ =	sdelay $0x2  }
0xb8: {  	s31 =	sshll.u32 s1, $0xD;
	s1 =	sshrl.u32 s1, $0x2  }
0xb9: {  	s3 =	sand.u32 $0x4000, s31;
	s1 =	sadd.s32 s1, s30  }
0xba: {  	s0 =	sor.u32 s3, s0;
	s1 =	sshll.u32 s1, $0x11  }
0xbb: {  	s0 =	sor.u32 s1, s0  }
0xbc: {  	s0 =	sadd.s32 $0x8F2B, s0  }
0xbd: {  	[sflag:s0] =	ssyncadd.remote.s32 $0x1  }
0xbe: {  	_ =	sfence.sel $0xFFFF  }
0xbf: {  	[dreg:$0x0] =	wrdreg $0xFFFFFFFF;
	(pc) =	sbr.abs _section_cstart, $3  }
0xc0: {  	[dreg:$0x1] =	wrdreg $0xFFFFFFFF  }
0xc1: {  	_ =	task.clear_ibuf [dreg:s6], $0x2FFFF;
	_ =	strace $0x9FFFFFFF  }
0xc2: {  	(tm) =	ssettm $0x7FFFFFFF  }
0xc3: {  	_ =	shalt  }
tec
execute0_lowered:
.L_overlay_start_1:
0x0: {  	(tag) =	ssettag $0x1  }
0x1: {  	s4 =	rddreg [dreg:$0x0]  }
0x2: {  	s2 =	rddreg [dreg:$0x1]  }
0x3: {  	s0 =	rddreg [dreg:$0x2]  }
0x4: {  	s3 =	simm.s32 $0x0;
	s1 =	stileid.u32;
	s5 =	srdreg.scid  }
0x5: {  	s12 =	simm.s32 $0x5;
	s13 =	simm.s32 $0x80;
	s14 =	simm.s32 $0x12000  }
0x6: {  	s15 =	simm.s32 $0x16000;
	s16 =	simm.s32 $0x1;
	s17 =	simm.s32 $0x1A000  }
0x7: {  	s18 =	simm.s32 $0x2;
	s19 =	simm.s32 $0x4;
	s20 =	simm.s32 $0x1A400  }
0x8: {  	s21 =	simm.s32 $0x3;
	s22 =	simm.s32 $0x0;
	[smem:$0x7FF] =	sst s3  }
0x9: {  	s5 =	sand.u32 $0x1, s5;
	s6 =	sshll.u32 s1, $0x1;
	s7 =	sshll.u32 s1, $0xD  }
0xa: {  	s30 =	sshll.u32 s1, $0x10;
	s31 =	sshll.u32 s1, $0x6;
	_ =	strace $0x8000004A  }
0xb: {  	s6 =	sor.u32 s5, s6;
	s7 =	sadd.s32 s7, s4;
	s5 =	ssub.s32 $0x2, s5  }
0xc: {  	s11 =	sadd.s32 s30, s2;
	s8 =	sshll.u32 s6, $0xA;
	s6 =	sshll.u32 s6, $0xD  }
0xd: {  	s9 =	sshrl.u32 s5, $0x1;
	s8 =	sadd.s32 s8, s4;
	s10 =	sadd.s32 s6, s4  }
0xe: {  	s9 =	ssub.s32 s5, s9;
	s5 =	sadd.s32 $0x6D200, s7;
	s6 =	sor.u32 $0x1C06, s31  }
0xf: {  	s4 =	sadd.s32 $0x5200, s8;
	s7 =	sadd.s32 $0xD200, s10;
	s8 =	smax.u32 s9, $0x1  }
0x10: {  	s9 =	simm.s32 $0x10000;
	s10 =	sshrl.u32 s11, $0x3;
	s11 =	simm.s32 $0x6  }
.LBB2_1:
0x11: {  	[tilespmem:s9], [sflag:$0x5] =	stream.linear.gather [hbm4b:s4+s3], $0x2000, $0x38;
	[tilespmem:$0x1A800] =	vst v63  }
0x12: {  	[spmem:s10], [sflag:s6] =	dma.local [hbm:s5], $0x2000  }
0x13: {  	_ =	swait.ge [sflag:s11], $0x2000  }
0x14: {  	[sflag:s11] =	ssyncset.done $0x0  }
0x15: {  	[sflag:s11] =	ssyncadd.s32 $0xFFFFE000  }
0x16: {  	[bflag:$0x0] =	sbarrier.arrive $0xFFFF  }
0x17: {  	_ =	swait.ge [sflag:s12], $0x2000  }
0x18: {  	[sflag:s12] =	ssyncset.done $0x0  }
0x19: {  	s23 =	simm.s32 $0x0;
	[sflag:s12] =	ssyncadd.s32 $0xFFFFE000  }
0x1a: {  	[tilespmem:s14], [sflag:$0x1] =	stream.indirect.gather [spmem:s2], $0x80, s9, s13, $0xb8;
	[tilespmem:$0x1A800] =	vst v63  }
.LBB2_2:
0x1b: {  	s24 =	sshllo.u32 s23, $0x1  }
0x1c: {  	s24 =	sshll.u32 s24, $0x7  }
0x1d: {  	s25 =	sand.u32 $0x3FFFFF80, s24  }
0x1e: {  	s25 =	sadd.s32 $0x10000, s25  }
0x1f: {  	[tilespmem:s15], [sflag:$0x2] =	stream.indirect.gather [spmem:s2], $0x80, s25, s13, $0xb8;
	[tilespmem:$0x1A800] =	vst v63  }
0x20: {  	_ =	swait.ge [sflag:s16], $0x4000  }
0x21: {  	p0 =	seq.s32 s23, $0x0;
	[sflag:s16] =	ssyncset.done $0x0  }
0x22: {  	s25 =	simm.s32 @!p0 $0x3;
	[sflag:s16] =	ssyncadd.s32 $0xFFFFC000  }
0x23: {  	_ =	swait.ge @!p0 [sflag:s25], $0x400  }
0x24: {  	[sflag:s25] =	ssyncset.done @!p0 $0x0  }
0x25: {  	s26 =	simm.s32 $0x12400;
	[sflag:s25] =	ssyncadd.s32 @!p0 $0xFFFFFC00;
	s25 =	simm.s32 $0x0  }
.LBB2_3:
0x26: {  	v0 =	vld [tilespmem:s26+$0xFFFFFC00]  }
0x27: {  	v1 =	vld [tilespmem:s26+$0xFFFFFC10]  }
0x28: {  	v2 =	vld [tilespmem:s26+$0xFFFFFC20]  }
0x29: {  	v3 =	vld [tilespmem:s26+$0xFFFFFC30]  }
0x2a: {  	v4 =	vld [tilespmem:s26+$0xFFFFFC40]  }
0x2b: {  	v5 =	vld [tilespmem:s26+$0xFFFFFC50]  }
0x2c: {  	v6 =	vld [tilespmem:s26+$0xFFFFFC60]  }
0x2d: {  	v7 =	vld [tilespmem:s26+$0xFFFFFC70]  }
0x2e: {  	v8 =	vld [tilespmem:s26+$0xFFFFFC80]  }
0x2f: {  	v9 =	vld [tilespmem:s26+$0xFFFFFC90]  }
0x30: {  	v10 =	vld [tilespmem:s26+$0xFFFFFCA0]  }
0x31: {  	v11 =	vld [tilespmem:s26+$0xFFFFFCB0]  }
0x32: {  	v12 =	vld [tilespmem:s26+$0xFFFFFCC0]  }
0x33: {  	v13 =	vld [tilespmem:s26+$0xFFFFFCD0]  }
0x34: {  	v14 =	vld [tilespmem:s26+$0xFFFFFCE0]  }
0x35: {  	v15 =	vld [tilespmem:s26+$0xFFFFFCF0]  }
0x36: {  	v16 =	vld [tilespmem:s26+$0xFFFFFD00]  }
0x37: {  	v17 =	vld [tilespmem:s26+$0xFFFFFD10]  }
0x38: {  	v18 =	vld [tilespmem:s26+$0xFFFFFD20]  }
0x39: {  	v19 =	vld [tilespmem:s26+$0xFFFFFD30]  }
0x3a: {  	v20 =	vld [tilespmem:s26+$0xFFFFFD40]  }
0x3b: {  	v21 =	vld [tilespmem:s26+$0xFFFFFD50]  }
0x3c: {  	v22 =	vld [tilespmem:s26+$0xFFFFFD60]  }
0x3d: {  	v23 =	vld [tilespmem:s26+$0xFFFFFD70]  }
0x3e: {  	v24 =	vld [tilespmem:s26+$0xFFFFFD80]  }
0x3f: {  	v25 =	vld [tilespmem:s26+$0xFFFFFD90]  }
0x40: {  	v26 =	vld [tilespmem:s26+$0xFFFFFDA0]  }
0x41: {  	v27 =	vld [tilespmem:s26+$0xFFFFFDB0]  }
0x42: {  	v28 =	vld [tilespmem:s26+$0xFFFFFDC0]  }
0x43: {  	v29 =	vld [tilespmem:s26+$0xFFFFFDD0]  }
0x44: {  	v30 =	vld [tilespmem:s26+$0xFFFFFDE0]  }
0x45: {  	v31 =	vld [tilespmem:s26+$0xFFFFFDF0]  }
0x46: {  	v32 =	vld [tilespmem:s26+$0xFFFFFE00]  }
0x47: {  	v33 =	vld [tilespmem:s26+$0xFFFFFE10]  }
0x48: {  	v34 =	vld [tilespmem:s26+$0xFFFFFE20]  }
0x49: {  	v35 =	vld [tilespmem:s26+$0xFFFFFE30]  }
0x4a: {  	v36 =	vld [tilespmem:s26+$0xFFFFFE40]  }
0x4b: {  	v37 =	vld [tilespmem:s26+$0xFFFFFE50]  }
0x4c: {  	v38 =	vld [tilespmem:s26+$0xFFFFFE60]  }
0x4d: {  	v39 =	vld [tilespmem:s26+$0xFFFFFE70]  }
0x4e: {  	v40 =	vld [tilespmem:s26+$0xFFFFFE80]  }
0x4f: {  	v41 =	vld [tilespmem:s26+$0xFFFFFE90]  }
0x50: {  	v42 =	vld [tilespmem:s26+$0xFFFFFEA0]  }
0x51: {  	v43 =	vld [tilespmem:s26+$0xFFFFFEB0]  }
0x52: {  	v44 =	vld [tilespmem:s26+$0xFFFFFEC0]  }
0x53: {  	v45 =	vld [tilespmem:s26+$0xFFFFFED0]  }
0x54: {  	v46 =	vld [tilespmem:s26+$0xFFFFFEE0]  }
0x55: {  	v47 =	vld [tilespmem:s26+$0xFFFFFEF0]  }
0x56: {  	v48 =	vld [tilespmem:s26+$0xFFFFFF00]  }
0x57: {  	v49 =	vld [tilespmem:s26+$0xFFFFFF10]  }
0x58: {  	v50 =	vld [tilespmem:s26+$0xFFFFFF20]  }
0x59: {  	v51 =	vld [tilespmem:s26+$0xFFFFFF30]  }
0x5a: {  	v52 =	vld [tilespmem:s26+$0xFFFFFF40]  }
0x5b: {  	v53 =	vld [tilespmem:s26+$0xFFFFFF50]  }
0x5c: {  	v54 =	vld [tilespmem:s26+$0xFFFFFF60]  }
0x5d: {  	v55 =	vld [tilespmem:s26+$0xFFFFFF70]  }
0x5e: {  	v56 =	vld [tilespmem:s26+$0xFFFFFF80]  }
0x5f: {  	v57 =	vld [tilespmem:s26+$0xFFFFFF90]  }
0x60: {  	v58 =	vld [tilespmem:s26+$0xFFFFFFA0]  }
0x61: {  	v62 =	vld [tilespmem:s26+$0xFFFFFFE0]  }
0x62: {  	v59 =	vld [tilespmem:s26+$0xFFFFFFB0]  }
0x63: {  	v60 =	vld [tilespmem:s26+$0xFFFFFFC0]  }
0x64: {  	v61 =	vld [tilespmem:s26+$0xFFFFFFD0]  }
0x65: {  	v63 =	vld [tilespmem:s26+$0xFFFFFFF0]  }
0x66: {  	[tilespmem:$0x1FF60] =	vst v62;
	v62 =	vld [tilespmem:s26+$0x0]  }
0x67: {  	v1 =	vadd.f32 v9, v1;
	v9 =	vld [tilespmem:s26+$0xA0]  }
0x68: {  	v2 =	vadd.f32 v10, v2;
	v10 =	vld [tilespmem:s26+$0xB0]  }
0x69: {  	v3 =	vadd.f32 v11, v3;
	v11 =	vld [tilespmem:s26+$0xC0]  }
0x6a: {  	v4 =	vadd.f32 v12, v4;
	v12 =	vld [tilespmem:s26+$0xD0]  }
0x6b: {  	v5 =	vadd.f32 v13, v5;
	v13 =	vld [tilespmem:s26+$0xE0]  }
0x6c: {  	v0 =	vadd.f32 v8, v0;
	v6 =	vadd.f32 v14, v6;
	v14 =	vld [tilespmem:s26+$0xF0]  }
0x6d: {  	v7 =	vadd.f32 v15, v7;
	v15 =	vld [tilespmem:s26+$0x100]  }
0x6e: {  	v0 =	vadd.f32 v16, v0;
	v16 =	vld [tilespmem:s26+$0x110]  }
0x6f: {  	v1 =	vadd.f32 v17, v1;
	v17 =	vld [tilespmem:s26+$0x120]  }
0x70: {  	v2 =	vadd.f32 v18, v2;
	v18 =	vld [tilespmem:s26+$0x130]  }
0x71: {  	v3 =	vadd.f32 v19, v3;
	v19 =	vld [tilespmem:s26+$0x140]  }
0x72: {  	v4 =	vadd.f32 v20, v4;
	v20 =	vld [tilespmem:s26+$0x150]  }
0x73: {  	v5 =	vadd.f32 v21, v5;
	v21 =	vld [tilespmem:s26+$0x160]  }
0x74: {  	v6 =	vadd.f32 v22, v6;
	v22 =	vld [tilespmem:s26+$0x170]  }
0x75: {  	v7 =	vadd.f32 v23, v7;
	v23 =	vld [tilespmem:s26+$0x180]  }
0x76: {  	v0 =	vadd.f32 v24, v0;
	v24 =	vld [tilespmem:s26+$0x190]  }
0x77: {  	[tilespmem:$0x1FF70] =	vst v62;
	v62 =	vld [tilespmem:s26+$0x10]  }
0x78: {  	v1 =	vadd.f32 v25, v1;
	v25 =	vld [tilespmem:s26+$0x1A0]  }
0x79: {  	v2 =	vadd.f32 v26, v2;
	v26 =	vld [tilespmem:s26+$0x1B0]  }
0x7a: {  	v3 =	vadd.f32 v27, v3;
	v27 =	vld [tilespmem:s26+$0x1C0]  }
0x7b: {  	v5 =	vadd.f32 v29, v5;
	v29 =	vld [tilespmem:s26+$0x1E0]  }
0x7c: {  	[tilespmem:$0x1FF80] =	vst v62;
	v62 =	vld [tilespmem:s26+$0x20]  }
0x7d: {  	v6 =	vadd.f32 v30, v6;
	v30 =	vld [tilespmem:s26+$0x1F0]  }
0x7e: {  	v7 =	vadd.f32 v31, v7;
	v31 =	vld [tilespmem:s26+$0x200]  }
0x7f: {  	v0 =	vadd.f32 v32, v0;
	v32 =	vld [tilespmem:s26+$0x210]  }
0x80: {  	v1 =	vadd.f32 v33, v1;
	v33 =	vld [tilespmem:s26+$0x220]  }
0x81: {  	[tilespmem:$0x1FF90] =	vst v62;
	v62 =	vld [tilespmem:s26+$0x30]  }
0x82: {  	v4 =	vadd.f32 v28, v4;
	v2 =	vadd.f32 v34, v2;
	v34 =	vld [tilespmem:s26+$0x230]  }
0x83: {  	v3 =	vadd.f32 v35, v3;
	v35 =	vld [tilespmem:s26+$0x240]  }
0x84: {  	v4 =	vadd.f32 v36, v4;
	v36 =	vld [tilespmem:s26+$0x250]  }
0x85: {  	v0 =	vadd.f32 v40, v0;
	v40 =	vld [tilespmem:s26+$0x2B0]  }
0x86: {  	[tilespmem:$0x1FFA0] =	vst v62;
	v62 =	vld [tilespmem:s26+$0x40]  }
0x87: {  	v5 =	vadd.f32 v37, v5;
	v1 =	vadd.f32 v41, v1;
	v41 =	vld [tilespmem:s26+$0x2C0]  }
0x88: {  	v6 =	vadd.f32 v38, v6;
	v2 =	vadd.f32 v42, v2;
	v42 =	vld [tilespmem:s26+$0x2D0]  }
0x89: {  	v7 =	vadd.f32 v39, v7;
	v3 =	vadd.f32 v43, v3;
	v43 =	vld [tilespmem:s26+$0x2E0]  }
0x8a: {  	v4 =	vadd.f32 v44, v4;
	v5 =	vadd.f32 v45, v5;
	v44 =	vld [tilespmem:s26+$0x2F0]  }
0x8b: {  	v6 =	vadd.f32 v46, v6;
	v7 =	vadd.f32 v47, v7;
	[tilespmem:$0x1FFB0] =	vst v62;
	v62 =	vld [tilespmem:s26+$0x50]  }
0x8c: {  	v0 =	vadd.f32 v48, v0;
	v4 =	vadd.f32 v52, v4;
	v52 =	vld [tilespmem:$0x1FF90]  }
0x8d: {  	v45 =	vld [tilespmem:s26+$0x300];
	v1 =	vadd.f32 v49, v1;
	v2 =	vadd.f32 v50, v2  }
0x8e: {  	v3 =	vadd.f32 v51, v3;
	v5 =	vadd.f32 v53, v5;
	v49 =	vld [tilespmem:$0x1FF60]  }
0x8f: {  	v6 =	vadd.f32 v54, v6;
	v2 =	vadd.f32 v58, v2;
	v53 =	vld [tilespmem:$0x1FFA0]  }
0x90: {  	v7 =	vadd.f32 v55, v7;
	v0 =	vadd.f32 v56, v0;
	[tilespmem:$0x1FFC0] =	vst v62;
	v62 =	vld [tilespmem:s26+$0x60]  }
0x91: {  	v1 =	vadd.f32 v57, v1;
	v2 =	vadd.f32 v52, v2;
	v55 =	vld [tilespmem:$0x1FFB0]  }
0x92: {  	v50 =	vld [tilespmem:$0x1FF70];
	v3 =	vadd.f32 v59, v3;
	v4 =	vadd.f32 v60, v4  }
0x93: {  	v51 =	vld [tilespmem:$0x1FF80];
	v5 =	vadd.f32 v61, v5;
	v2 =	vadd.f32 v9, v2  }
0x94: {  	v7 =	vadd.f32 v63, v7;
	v63 =	vld [tilespmem:s26+$0x2A0];
	v3 =	vadd.f32 v53, v3  }
0x95: {  	v6 =	vadd.f32 v49, v6;
	v2 =	vadd.f32 v17, v2;
	[tilespmem:$0x1FFD0] =	vst v62;
	v62 =	vld [tilespmem:s26+$0x70]  }
0x96: {  	v3 =	vadd.f32 v10, v3;
	v4 =	vadd.f32 v55, v4;
	v56 =	vld [tilespmem:$0x1FFC0]  }
0x97: {  	v47 =	vld [tilespmem:s26+$0x320];
	v0 =	vadd.f32 v50, v0;
	v2 =	vadd.f32 v25, v2  }
0x98: {  	v48 =	vld [tilespmem:s26+$0x1D0];
	v3 =	vadd.f32 v18, v3;
	v4 =	vadd.f32 v11, v4  }
0x99: {  	v1 =	vadd.f32 v51, v1;
	v2 =	vadd.f32 v33, v2;
	v58 =	vld [tilespmem:$0x1FFD0]  }
0x9a: {  	v3 =	vadd.f32 v26, v3;
	v4 =	vadd.f32 v19, v4;
	[tilespmem:$0x1FFE0] =	vst v62;
	v62 =	vld [tilespmem:s26+$0x80]  }
0x9b: {  	v2 =	vadd.f32 v63, v2;
	v55 =	vld [tilespmem:s26+$0x3A0];
	v5 =	vadd.f32 v56, v5  }
0x9c: {  	v49 =	vld [tilespmem:s26+$0x340];
	v3 =	vadd.f32 v34, v3;
	v4 =	vadd.f32 v27, v4  }
0x9d: {  	v2 =	vadd.f32 v47, v2;
	v5 =	vadd.f32 v12, v5;
	v59 =	vld [tilespmem:$0x1FFE0]  }
0x9e: {  	v46 =	vld [tilespmem:s26+$0x310];
	v3 =	vadd.f32 v40, v3;
	v4 =	vadd.f32 v35, v4  }
0x9f: {  	v5 =	vadd.f32 v20, v5;
	v6 =	vadd.f32 v58, v6;
	[tilespmem:$0x1FFF0] =	vst v62;
	v62 =	vld [tilespmem:s26+$0x90]  }
0xa0: {  	v2 =	vadd.f32 v55, v2;
	v4 =	vadd.f32 v41, v4;
	v61 =	vld [tilespmem:$0x1FFF0]  }
0xa1: {  	v54 =	vld [tilespmem:s26+$0x260];
	v5 =	vadd.f32 v48, v5;
	v6 =	vadd.f32 v13, v6  }
0xa2: {  	v57 =	vld [tilespmem:s26+$0x270];
	v4 =	vadd.f32 v49, v4;
	v7 =	vadd.f32 v59, v7  }
0xa3: {  	v60 =	vld [tilespmem:s26+$0x280];
	v5 =	vadd.f32 v36, v5;
	v6 =	vadd.f32 v21, v6  }
0xa4: {  	v48 =	vld [tilespmem:s26+$0x330];
	v7 =	vadd.f32 v14, v7;
	v1 =	vadd.f32 v62, v1  }
0xa5: {  	v50 =	vld [tilespmem:s26+$0x350];
	v5 =	vadd.f32 v42, v5;
	v0 =	vadd.f32 v61, v0  }
0xa6: {  	v56 =	vld [tilespmem:s26+$0x3B0];
	v7 =	vadd.f32 v22, v7;
	v1 =	vadd.f32 v16, v1  }
0xa7: {  	v6 =	vadd.f32 v29, v6;
	v62 =	vld [tilespmem:s26+$0x290];
	v0 =	vadd.f32 v15, v0  }
0xa8: {  	v51 =	vld [tilespmem:s26+$0x360];
	v7 =	vadd.f32 v30, v7;
	v1 =	vadd.f32 v24, v1  }
0xa9: {  	v52 =	vld [tilespmem:s26+$0x370];
	v3 =	vadd.f32 v48, v3;
	v0 =	vadd.f32 v23, v0  }
0xaa: {  	v7 =	vadd.f32 v57, v7;
	v57 =	vld [tilespmem:s26+$0x3C0];
	v1 =	vadd.f32 v32, v1  }
0xab: {  	v6 =	vadd.f32 v54, v6;
	v54 =	vld [tilespmem:s26+$0x390];
	v0 =	vadd.f32 v31, v0  }
0xac: {  	v53 =	vld [tilespmem:s26+$0x380];
	v3 =	vadd.f32 v56, v3;
	v1 =	vadd.f32 v62, v1  }
0xad: {  	v59 =	vld [tilespmem:s26+$0x3E0];
	v6 =	vadd.f32 v43, v6;
	v0 =	vadd.f32 v60, v0  }
0xae: {  	s28 =	sshra.s32 s25, $0x2;
	v7 =	vadd.f32 v44, v7;
	v60 =	vld [tilespmem:s26+$0x3F0];
	v1 =	vadd.f32 v46, v1  }
0xaf: {  	v58 =	vld [tilespmem:s26+$0x3D0];
	v4 =	vadd.f32 v57, v4;
	[tilespmem:s28+$0x1A020] =	vst v2;
	v0 =	vadd.f32 v45, v0  }
0xb0: {  	v62 =	vadd.f32 v51, v6;
	[tilespmem:s28+$0x1A030] =	vst v3;
	v1 =	vadd.f32 v54, v1  }
0xb1: {  	p1 =	sne.s32 s25, $0xE00;
	v63 =	vadd.f32 v52, v7;
	[tilespmem:s28+$0x1A040] =	vst v4;
	v0 =	vadd.f32 v53, v0  }
.Ltmp0:
0xb2: {  	v61 =	vadd.f32 v50, v5;
	[tilespmem:s28+$0x1A010] =	vst v1;
	v1 =	vadd.f32 v59, v62;
	(pc) =	sbr.rel @p1 .LBB2_3-.Ltmp0, $4  }
0xb3: {  	v2 =	vadd.f32 v60, v63;
	[tilespmem:s28+$0x1A000] =	vst v0  }
0xb4: {  	v0 =	vadd.f32 v58, v61;
	[tilespmem:s28+$0x1A060] =	vst v1  }
0xb5: {  	[tilespmem:s28+$0x1A070] =	vst v2  }
0xb6: {  	s25 =	sadd.s32 $0x200, s25;
	s26 =	sadd.s32 $0x800, s26;
	[tilespmem:s28+$0x1A050] =	vst v0  }
0xb7: {  	p1 =	sne.s32 s23, $0x1F  }
.Ltmp1:
0xb8: {  	_ = 	snop;
	(pc) =	sbr.rel @p1 .LBB2_6-.Ltmp1, $4  }
0xb9: {  	_ = 	snop  }
0xba: {  	s25 =	sshll.u32 s23, $0x8  }
0xbb: {  	s26 =	sadd.s32 s25, s7  }
0xbc: {  	[hbm4b:s26+s3] =	stream.linear.scatter [tilespmem:s17], [sflag:$0x3], $0x400, $0x38;
	[tilespmem:$0x1A800] =	vst v63  }
.Ltmp2:
0xbd: {  	(pc) =	sbr.rel .LBB2_7-.Ltmp2, $4  }
0xbe: {  	_ = 	snop  }
0xbf: {  	_ =	swait.ge [sflag:s18], $0x4000  }
0xc0: {  	[sflag:s18] =	ssyncset.done $0x0  }
0xc1: {  	[sflag:s18] =	ssyncadd.s32 $0xFFFFC000  }
.LBB2_6:
0xc2: {  	s25 =	sand.u32 $0x3FFFFF00, s25  }
.Ltmp3:
0xc3: {  	s25 =	sadd.s32 $0x10100, s25;
	(pc) =	sbr.rel @p0 .LBB2_8-.Ltmp3, $4  }
0xc4: {  	[tilespmem:s14], [sflag:$0x1] =	stream.indirect.gather [spmem:s2], $0x80, s25, s13, $0xb8;
	[tilespmem:$0x1A800] =	vst v63  }
0xc5: {  	_ =	swait.ge [sflag:s18], $0x4000  }
0xc6: {  	[sflag:s18] =	ssyncset.done $0x0  }
0xc7: {  	[sflag:s18] =	ssyncadd.s32 $0xFFFFC000  }
.LBB2_7:
0xc8: {  	_ =	swait.ge [sflag:s19], $0x400  }
0xc9: {  	[sflag:s19] =	ssyncset.done $0x0  }
0xca: {  	[sflag:s19] =	ssyncadd.s32 $0xFFFFFC00  }
.LBB2_8:
0xcb: {  	s25 =	simm.s32 $0x0;
	s26 =	simm.s32 $0x16400  }
.LBB2_9:
0xcc: {  	v0 =	vld [tilespmem:s26+$0xFFFFFC00]  }
0xcd: {  	v1 =	vld [tilespmem:s26+$0xFFFFFC10]  }
0xce: {  	v2 =	vld [tilespmem:s26+$0xFFFFFC20]  }
0xcf: {  	v3 =	vld [tilespmem:s26+$0xFFFFFC30]  }
0xd0: {  	v4 =	vld [tilespmem:s26+$0xFFFFFC40]  }
0xd1: {  	v5 =	vld [tilespmem:s26+$0xFFFFFC50]  }
0xd2: {  	v6 =	vld [tilespmem:s26+$0xFFFFFC60]  }
0xd3: {  	v7 =	vld [tilespmem:s26+$0xFFFFFC70]  }
0xd4: {  	v8 =	vld [tilespmem:s26+$0xFFFFFC80]  }
0xd5: {  	v9 =	vld [tilespmem:s26+$0xFFFFFC90]  }
0xd6: {  	v10 =	vld [tilespmem:s26+$0xFFFFFCA0]  }
0xd7: {  	v11 =	vld [tilespmem:s26+$0xFFFFFCB0]  }
0xd8: {  	v12 =	vld [tilespmem:s26+$0xFFFFFCC0]  }
0xd9: {  	v13 =	vld [tilespmem:s26+$0xFFFFFCD0]  }
0xda: {  	v14 =	vld [tilespmem:s26+$0xFFFFFCE0]  }
0xdb: {  	v15 =	vld [tilespmem:s26+$0xFFFFFCF0]  }
0xdc: {  	v16 =	vld [tilespmem:s26+$0xFFFFFD00]  }
0xdd: {  	v17 =	vld [tilespmem:s26+$0xFFFFFD10]  }
0xde: {  	v18 =	vld [tilespmem:s26+$0xFFFFFD20]  }
0xdf: {  	v19 =	vld [tilespmem:s26+$0xFFFFFD30]  }
0xe0: {  	v20 =	vld [tilespmem:s26+$0xFFFFFD40]  }
0xe1: {  	v21 =	vld [tilespmem:s26+$0xFFFFFD50]  }
0xe2: {  	v22 =	vld [tilespmem:s26+$0xFFFFFD60]  }
0xe3: {  	v23 =	vld [tilespmem:s26+$0xFFFFFD70]  }
0xe4: {  	v24 =	vld [tilespmem:s26+$0xFFFFFD80]  }
0xe5: {  	v25 =	vld [tilespmem:s26+$0xFFFFFD90]  }
0xe6: {  	v26 =	vld [tilespmem:s26+$0xFFFFFDA0]  }
0xe7: {  	v27 =	vld [tilespmem:s26+$0xFFFFFDB0]  }
0xe8: {  	v28 =	vld [tilespmem:s26+$0xFFFFFDC0]  }
0xe9: {  	v29 =	vld [tilespmem:s26+$0xFFFFFDD0]  }
0xea: {  	v30 =	vld [tilespmem:s26+$0xFFFFFDE0]  }
0xeb: {  	v31 =	vld [tilespmem:s26+$0xFFFFFDF0]  }
0xec: {  	v32 =	vld [tilespmem:s26+$0xFFFFFE00]  }
0xed: {  	v33 =	vld [tilespmem:s26+$0xFFFFFE10]  }
0xee: {  	v34 =	vld [tilespmem:s26+$0xFFFFFE20]  }
0xef: {  	v35 =	vld [tilespmem:s26+$0xFFFFFE30]  }
0xf0: {  	v36 =	vld [tilespmem:s26+$0xFFFFFE40]  }
0xf1: {  	v37 =	vld [tilespmem:s26+$0xFFFFFE50]  }
0xf2: {  	v38 =	vld [tilespmem:s26+$0xFFFFFE60]  }
0xf3: {  	v39 =	vld [tilespmem:s26+$0xFFFFFE70]  }
0xf4: {  	v40 =	vld [tilespmem:s26+$0xFFFFFE80]  }
0xf5: {  	v41 =	vld [tilespmem:s26+$0xFFFFFE90]  }
0xf6: {  	v42 =	vld [tilespmem:s26+$0xFFFFFEA0]  }
0xf7: {  	v43 =	vld [tilespmem:s26+$0xFFFFFEB0]  }
0xf8: {  	v44 =	vld [tilespmem:s26+$0xFFFFFEC0]  }
0xf9: {  	v45 =	vld [tilespmem:s26+$0xFFFFFED0]  }
0xfa: {  	v46 =	vld [tilespmem:s26+$0xFFFFFEE0]  }
0xfb: {  	v47 =	vld [tilespmem:s26+$0xFFFFFEF0]  }
0xfc: {  	v48 =	vld [tilespmem:s26+$0xFFFFFF00]  }
0xfd: {  	v49 =	vld [tilespmem:s26+$0xFFFFFF10]  }
0xfe: {  	v50 =	vld [tilespmem:s26+$0xFFFFFF20]  }
0xff: {  	v51 =	vld [tilespmem:s26+$0xFFFFFF30]  }
0x100: {  	v52 =	vld [tilespmem:s26+$0xFFFFFF40]  }
0x101: {  	v53 =	vld [tilespmem:s26+$0xFFFFFF50]  }
0x102: {  	v54 =	vld [tilespmem:s26+$0xFFFFFF60]  }
0x103: {  	v55 =	vld [tilespmem:s26+$0xFFFFFF70]  }
0x104: {  	v56 =	vld [tilespmem:s26+$0xFFFFFF80]  }
0x105: {  	v57 =	vld [tilespmem:s26+$0xFFFFFF90]  }
0x106: {  	v58 =	vld [tilespmem:s26+$0xFFFFFFA0]  }
0x107: {  	v62 =	vld [tilespmem:s26+$0xFFFFFFE0]  }
0x108: {  	v59 =	vld [tilespmem:s26+$0xFFFFFFB0]  }
0x109: {  	v60 =	vld [tilespmem:s26+$0xFFFFFFC0]  }
0x10a: {  	v61 =	vld [tilespmem:s26+$0xFFFFFFD0]  }
0x10b: {  	v63 =	vld [tilespmem:s26+$0xFFFFFFF0]  }
0x10c: {  	[tilespmem:$0x1FEC0] =	vst v62;
	v62 =	vld [tilespmem:s26+$0x0]  }
0x10d: {  	v1 =	vadd.f32 v9, v1;
	v9 =	vld [tilespmem:s26+$0xA0]  }
0x10e: {  	v2 =	vadd.f32 v10, v2;
	v10 =	vld [tilespmem:s26+$0xB0]  }
0x10f: {  	v3 =	vadd.f32 v11, v3;
	v11 =	vld [tilespmem:s26+$0xC0]  }
0x110: {  	v4 =	vadd.f32 v12, v4;
	v12 =	vld [tilespmem:s26+$0xD0]  }
0x111: {  	v5 =	vadd.f32 v13, v5;
	v13 =	vld [tilespmem:s26+$0xE0]  }
0x112: {  	v0 =	vadd.f32 v8, v0;
	v6 =	vadd.f32 v14, v6;
	v14 =	vld [tilespmem:s26+$0xF0]  }
0x113: {  	v7 =	vadd.f32 v15, v7;
	v15 =	vld [tilespmem:s26+$0x100]  }
0x114: {  	v0 =	vadd.f32 v16, v0;
	v16 =	vld [tilespmem:s26+$0x110]  }
0x115: {  	v1 =	vadd.f32 v17, v1;
	v17 =	vld [tilespmem:s26+$0x120]  }
0x116: {  	v2 =	vadd.f32 v18, v2;
	v18 =	vld [tilespmem:s26+$0x130]  }
0x117: {  	v3 =	vadd.f32 v19, v3;
	v19 =	vld [tilespmem:s26+$0x140]  }
0x118: {  	v4 =	vadd.f32 v20, v4;
	v20 =	vld [tilespmem:s26+$0x150]  }
0x119: {  	v5 =	vadd.f32 v21, v5;
	v21 =	vld [tilespmem:s26+$0x160]  }
0x11a: {  	v6 =	vadd.f32 v22, v6;
	v22 =	vld [tilespmem:s26+$0x170]  }
0x11b: {  	v7 =	vadd.f32 v23, v7;
	v23 =	vld [tilespmem:s26+$0x180]  }
0x11c: {  	v0 =	vadd.f32 v24, v0;
	v24 =	vld [tilespmem:s26+$0x190]  }
0x11d: {  	[tilespmem:$0x1FED0] =	vst v62;
	v62 =	vld [tilespmem:s26+$0x10]  }
0x11e: {  	v1 =	vadd.f32 v25, v1;
	v25 =	vld [tilespmem:s26+$0x1A0]  }
0x11f: {  	v2 =	vadd.f32 v26, v2;
	v26 =	vld [tilespmem:s26+$0x1B0]  }
0x120: {  	v3 =	vadd.f32 v27, v3;
	v27 =	vld [tilespmem:s26+$0x1C0]  }
0x121: {  	v5 =	vadd.f32 v29, v5;
	v29 =	vld [tilespmem:s26+$0x1E0]  }
0x122: {  	[tilespmem:$0x1FEE0] =	vst v62;
	v62 =	vld [tilespmem:s26+$0x20]  }
0x123: {  	v6 =	vadd.f32 v30, v6;
	v30 =	vld [tilespmem:s26+$0x1F0]  }
0x124: {  	v7 =	vadd.f32 v31, v7;
	v31 =	vld [tilespmem:s26+$0x200]  }
0x125: {  	v0 =	vadd.f32 v32, v0;
	v32 =	vld [tilespmem:s26+$0x210]  }
0x126: {  	v1 =	vadd.f32 v33, v1;
	v33 =	vld [tilespmem:s26+$0x220]  }
0x127: {  	[tilespmem:$0x1FEF0] =	vst v62;
	v62 =	vld [tilespmem:s26+$0x30]  }
0x128: {  	v4 =	vadd.f32 v28, v4;
	v2 =	vadd.f32 v34, v2;
	v34 =	vld [tilespmem:s26+$0x230]  }
0x129: {  	v3 =	vadd.f32 v35, v3;
	v35 =	vld [tilespmem:s26+$0x240]  }
0x12a: {  	v4 =	vadd.f32 v36, v4;
	v36 =	vld [tilespmem:s26+$0x250]  }
0x12b: {  	v0 =	vadd.f32 v40, v0;
	v40 =	vld [tilespmem:s26+$0x2B0]  }
0x12c: {  	[tilespmem:$0x1FF00] =	vst v62;
	v62 =	vld [tilespmem:s26+$0x40]  }
0x12d: {  	v5 =	vadd.f32 v37, v5;
	v1 =	vadd.f32 v41, v1;
	v41 =	vld [tilespmem:s26+$0x2C0]  }
0x12e: {  	v6 =	vadd.f32 v38, v6;
	v2 =	vadd.f32 v42, v2;
	v42 =	vld [tilespmem:s26+$0x2D0]  }
0x12f: {  	v7 =	vadd.f32 v39, v7;
	v3 =	vadd.f32 v43, v3;
	v43 =	vld [tilespmem:s26+$0x2E0]  }
0x130: {  	v4 =	vadd.f32 v44, v4;
	v5 =	vadd.f32 v45, v5;
	v44 =	vld [tilespmem:s26+$0x2F0]  }
0x131: {  	v6 =	vadd.f32 v46, v6;
	v7 =	vadd.f32 v47, v7;
	[tilespmem:$0x1FF10] =	vst v62;
	v62 =	vld [tilespmem:s26+$0x50]  }
0x132: {  	v0 =	vadd.f32 v48, v0;
	v4 =	vadd.f32 v52, v4;
	v52 =	vld [tilespmem:$0x1FEF0]  }
0x133: {  	v45 =	vld [tilespmem:s26+$0x300];
	v1 =	vadd.f32 v49, v1;
	v2 =	vadd.f32 v50, v2  }
0x134: {  	v3 =	vadd.f32 v51, v3;
	v5 =	vadd.f32 v53, v5;
	v49 =	vld [tilespmem:$0x1FEC0]  }
0x135: {  	v6 =	vadd.f32 v54, v6;
	v2 =	vadd.f32 v58, v2;
	v53 =	vld [tilespmem:$0x1FF00]  }
0x136: {  	v7 =	vadd.f32 v55, v7;
	v0 =	vadd.f32 v56, v0;
	[tilespmem:$0x1FF20] =	vst v62;
	v62 =	vld [tilespmem:s26+$0x60]  }
0x137: {  	v1 =	vadd.f32 v57, v1;
	v2 =	vadd.f32 v52, v2;
	v55 =	vld [tilespmem:$0x1FF10]  }
0x138: {  	v50 =	vld [tilespmem:$0x1FED0];
	v3 =	vadd.f32 v59, v3;
	v4 =	vadd.f32 v60, v4  }
0x139: {  	v51 =	vld [tilespmem:$0x1FEE0];
	v5 =	vadd.f32 v61, v5;
	v2 =	vadd.f32 v9, v2  }
0x13a: {  	v7 =	vadd.f32 v63, v7;
	v63 =	vld [tilespmem:s26+$0x2A0];
	v3 =	vadd.f32 v53, v3  }
0x13b: {  	v6 =	vadd.f32 v49, v6;
	v2 =	vadd.f32 v17, v2;
	[tilespmem:$0x1FF30] =	vst v62;
	v62 =	vld [tilespmem:s26+$0x70]  }
0x13c: {  	v3 =	vadd.f32 v10, v3;
	v4 =	vadd.f32 v55, v4;
	v56 =	vld [tilespmem:$0x1FF20]  }
0x13d: {  	v47 =	vld [tilespmem:s26+$0x320];
	v0 =	vadd.f32 v50, v0;
	v2 =	vadd.f32 v25, v2  }
0x13e: {  	v48 =	vld [tilespmem:s26+$0x1D0];
	v3 =	vadd.f32 v18, v3;
	v4 =	vadd.f32 v11, v4  }
0x13f: {  	v1 =	vadd.f32 v51, v1;
	v2 =	vadd.f32 v33, v2;
	v58 =	vld [tilespmem:$0x1FF30]  }
0x140: {  	v3 =	vadd.f32 v26, v3;
	v4 =	vadd.f32 v19, v4;
	[tilespmem:$0x1FF40] =	vst v62;
	v62 =	vld [tilespmem:s26+$0x80]  }
0x141: {  	v2 =	vadd.f32 v63, v2;
	v55 =	vld [tilespmem:s26+$0x3A0];
	v5 =	vadd.f32 v56, v5  }
0x142: {  	v49 =	vld [tilespmem:s26+$0x340];
	v3 =	vadd.f32 v34, v3;
	v4 =	vadd.f32 v27, v4  }
0x143: {  	v2 =	vadd.f32 v47, v2;
	v5 =	vadd.f32 v12, v5;
	v59 =	vld [tilespmem:$0x1FF40]  }
0x144: {  	v46 =	vld [tilespmem:s26+$0x310];
	v3 =	vadd.f32 v40, v3;
	v4 =	vadd.f32 v35, v4  }
0x145: {  	v5 =	vadd.f32 v20, v5;
	v6 =	vadd.f32 v58, v6;
	[tilespmem:$0x1FF50] =	vst v62;
	v62 =	vld [tilespmem:s26+$0x90]  }
0x146: {  	v2 =	vadd.f32 v55, v2;
	v4 =	vadd.f32 v41, v4;
	v61 =	vld [tilespmem:$0x1FF50]  }
0x147: {  	v54 =	vld [tilespmem:s26+$0x260];
	v5 =	vadd.f32 v48, v5;
	v6 =	vadd.f32 v13, v6  }
0x148: {  	v57 =	vld [tilespmem:s26+$0x270];
	v4 =	vadd.f32 v49, v4;
	v7 =	vadd.f32 v59, v7  }
0x149: {  	v60 =	vld [tilespmem:s26+$0x280];
	v5 =	vadd.f32 v36, v5;
	v6 =	vadd.f32 v21, v6  }
0x14a: {  	v48 =	vld [tilespmem:s26+$0x330];
	v7 =	vadd.f32 v14, v7;
	v1 =	vadd.f32 v62, v1  }
0x14b: {  	v50 =	vld [tilespmem:s26+$0x350];
	v5 =	vadd.f32 v42, v5;
	v0 =	vadd.f32 v61, v0  }
0x14c: {  	v56 =	vld [tilespmem:s26+$0x3B0];
	v7 =	vadd.f32 v22, v7;
	v1 =	vadd.f32 v16, v1  }
0x14d: {  	v6 =	vadd.f32 v29, v6;
	v62 =	vld [tilespmem:s26+$0x290];
	v0 =	vadd.f32 v15, v0  }
0x14e: {  	v51 =	vld [tilespmem:s26+$0x360];
	v7 =	vadd.f32 v30, v7;
	v1 =	vadd.f32 v24, v1  }
0x14f: {  	v52 =	vld [tilespmem:s26+$0x370];
	v3 =	vadd.f32 v48, v3;
	v0 =	vadd.f32 v23, v0  }
0x150: {  	v7 =	vadd.f32 v57, v7;
	v57 =	vld [tilespmem:s26+$0x3C0];
	v1 =	vadd.f32 v32, v1  }
0x151: {  	v6 =	vadd.f32 v54, v6;
	v54 =	vld [tilespmem:s26+$0x390];
	v0 =	vadd.f32 v31, v0  }
0x152: {  	v53 =	vld [tilespmem:s26+$0x380];
	v3 =	vadd.f32 v56, v3;
	v1 =	vadd.f32 v62, v1  }
0x153: {  	v59 =	vld [tilespmem:s26+$0x3E0];
	v6 =	vadd.f32 v43, v6;
	v0 =	vadd.f32 v60, v0  }
0x154: {  	s28 =	sshra.s32 s25, $0x2;
	v7 =	vadd.f32 v44, v7;
	v60 =	vld [tilespmem:s26+$0x3F0];
	v1 =	vadd.f32 v46, v1  }
0x155: {  	v58 =	vld [tilespmem:s26+$0x3D0];
	v4 =	vadd.f32 v57, v4;
	[tilespmem:s28+$0x1A420] =	vst v2;
	v0 =	vadd.f32 v45, v0  }
0x156: {  	v62 =	vadd.f32 v51, v6;
	[tilespmem:s28+$0x1A430] =	vst v3;
	v1 =	vadd.f32 v54, v1  }
0x157: {  	p0 =	sne.s32 s25, $0xE00;
	v63 =	vadd.f32 v52, v7;
	[tilespmem:s28+$0x1A440] =	vst v4;
	v0 =	vadd.f32 v53, v0  }
.Ltmp4:
0x158: {  	v61 =	vadd.f32 v50, v5;
	[tilespmem:s28+$0x1A410] =	vst v1;
	v1 =	vadd.f32 v59, v62;
	(pc) =	sbr.rel @p0 .LBB2_9-.Ltmp4, $4  }
0x159: {  	v2 =	vadd.f32 v60, v63;
	[tilespmem:s28+$0x1A400] =	vst v0  }
0x15a: {  	v0 =	vadd.f32 v58, v61;
	[tilespmem:s28+$0x1A460] =	vst v1  }
0x15b: {  	[tilespmem:s28+$0x1A470] =	vst v2  }
0x15c: {  	s25 =	sadd.s32 $0x200, s25;
	s26 =	sadd.s32 $0x800, s26;
	[tilespmem:s28+$0x1A450] =	vst v0  }
0x15d: {  	s23 =	sadd.s32 $0x1, s23  }
0x15e: {  	p0 =	sne.s32 s23, $0x20  }
.Ltmp5:
0x15f: {  	_ = 	snop;
	(pc) =	sbr.rel @p0 .LBB2_2-.Ltmp5, $3  }
0x160: {  	_ =	sdelay $0x1  }
0x161: {  	s24 =	sadd.s32 s24, s7  }
0x162: {  	[hbm4b:s24+s3] =	stream.linear.scatter [tilespmem:s20], [sflag:$0x4], $0x400, $0x38;
	[tilespmem:$0x1A800] =	vst v63  }
0x163: {  	s22 =	sadd.s32 $0x1, s22  }
0x164: {  	_ =	swait.ge [sflag:s21], $0x400;
	p0 =	sne.s32 s22, s8  }
.Ltmp6:
0x165: {  	[sflag:s21] =	ssyncset.done $0x0;
	(pc) =	sbr.rel @p0 .LBB2_1-.Ltmp6, $4  }
0x166: {  	[sflag:s21] =	ssyncadd.s32 $0xFFFFFC00  }
0x167: {  	_ =	swait.ge [sflag:s19], $0x400  }
0x168: {  	[sflag:s19] =	ssyncset.done $0x0  }
0x169: {  	[sflag:s19] =	ssyncadd.s32 $0xFFFFFC00  }
0x16a: {  	_ =	sfence.sel $0x180000  }
0x16b: {  	[bflag:$0x0] =	sbarrier.arrive $0xFFFF  }
0x16c: {  	p0 =	sne.s32 s1, $0x0;
	_ =	strace $0x9000004A  }
0x16d: {  	s0 =	sadd.s32 @!p0 $0x100000, s0;
	[bflag:$0x2] =	sbarrier.arrive $0xFFFF  }
0x16e: {  	[sflag:s0] =	ssyncadd.tile.s32 @!p0 $0x1;
	_ =	shalt  }
.Lfunc_end2:
_tile_overlayer_lowered:
.L_overlay_start_2:
0x16f: {  	(tag) =	ssettag $0x2  }
0x170: {  	s0 =	rddreg [dreg:$0x0];
	s2 =	stileid.u32  }
0x171: {  	s1 =	rddreg [dreg:$0x1];
	p0 =	sne.s32 s2, $0x0  }
0x172: {  	s3 =	rddreg [dreg:$0x2];
	[bflag:$0x3] =	sbarrier.arrive $0xFFFF;
	s2 =	simm.s32 @!p0 $0x1C06  }
0x173: {  	[timem:s3], [sflag:s2] =	dma.local @!p0 [hbm:s0], s1  }
0x174: {  	s0 =	simm.s32 @!p0 $0x6  }
0x175: {  	_ =	swait.ge @!p0 [sflag:s0], s1  }
0x176: {  	s1 =	ssub.s32 @!p0 $0x0, s1;
	[sflag:s0] =	ssyncset.done @!p0 $0x0  }
0x177: {  	[sflag:s0] =	ssyncadd.s32 @!p0 s1  }
0x178: {  	[bflag:$0x3] =	sbarrier.arrive $0xFFFF  }
0x179: {  	_ =	shalt  }

</sc_bundles>
